<compile_context>
chip_gen: v7x
topology: tpu7x:2x2x1
jax: 0.10.2.dev20260603
libtpu: 0.0.44.dev20260713+nightly
codegen_flags: <defaults>
</compile_context>

<pallas_src>
import functools

import jax
import jax.numpy as jnp
from jax import lax
from jax.experimental import pallas as pl
from jax.experimental.pallas import tpu as pltpu
from jax.experimental.pallas import tpu_sc as plsc

_DEPTH = 1000
_BATCH = 4096
_FIELDS = 26
_ROWS = _BATCH * _FIELDS
_TOT = _ROWS * _DEPTH
_NW = 32
_RPW = _ROWS // _NW
_L = 16
_IPD = 128
_ND = _RPW // _IPD

_FR = 832
_FC = 128000
_FBR = 8


def _fill_body(off_ref, o_ref):
    o_ref[...] = jnp.full((_FBR, _FC), off_ref[0, 0], jnp.float32)


_tc_fill = pl.pallas_call(
    _fill_body,
    grid=(_FR // _FBR,),
    in_specs=[pl.BlockSpec(memory_space=pltpu.SMEM)],
    out_specs=pl.BlockSpec((_FBR, _FC), lambda i: (i, 0)),
    out_shape=jax.ShapeDtypeStruct((_FR, _FC), jnp.float32),
)


def _scat_body(idx_hbm, on_hbm, out_hbm, idx_v, offs_v, vals_v, on_v, sem):
    wid = lax.axis_index("s") * 2 + lax.axis_index("c")
    row0 = wid * _RPW

    pltpu.sync_copy(idx_hbm.at[pl.ds(row0 * 1, _RPW)], idx_v)
    pltpu.sync_copy(on_hbm, on_v)
    on_vec = on_v[...]
    lane = lax.iota(jnp.int32, _L)

    for u in range(_IPD // _L):
        vals_v[pl.ds(u * _L, _L)] = on_vec

    for k in range(_RPW // _L):
        idx16 = idx_v[pl.ds(k * _L, _L)]
        offs = idx16 + (row0 + k * _L + lane) * _DEPTH
        offs_v[k // (_IPD // _L), pl.ds((k % (_IPD // _L)) * _L, _L)] = offs

    for j in range(_ND):
        pltpu.make_async_copy(vals_v, out_hbm.at[offs_v.at[j]], sem).start()
    for j in range(_ND):
        pltpu.make_async_copy(vals_v, out_hbm.at[offs_v.at[j]], sem).wait()


_sc_scatter = functools.partial(
    pl.kernel,
    out_type=(),
    mesh=plsc.VectorSubcoreMesh(core_axis_name="c", subcore_axis_name="s"),
    compiler_params=pltpu.CompilerParams(needs_layout_passes=False),
    scratch_types=[
        pltpu.VMEM((_RPW,), jnp.int32),
        pltpu.VMEM((_ND, _IPD), jnp.int32),
        pltpu.VMEM((_IPD,), jnp.float32),
        pltpu.VMEM((_L,), jnp.float32),
        pltpu.SemaphoreType.DMA,
    ],
)(_scat_body)


def kernel(inputs, on_value, off_value):
    idx = inputs.reshape(_ROWS)
    on16 = jnp.broadcast_to(on_value.astype(jnp.float32), (_L,))
    off11 = off_value.astype(jnp.float32).reshape(1, 1)
    filled = _tc_fill(off11).reshape(_TOT)
    ref = jax.new_ref(filled)
    _sc_scatter(idx, on16, ref)
    out = jax.freeze(ref)
    return out.reshape(_BATCH, _FIELDS, _DEPTH)

# --- scband reference (transcript-rebuilt; emitter-appended) ---
"""Pipeline reference for scband-one-hot-63522566308503 (READ-ONLY COPY).

The authoritative reference and input builder live on the scoring server;
editing this copy changes nothing except your own understanding.
"""

import jax, jax.numpy as jnp
import numpy as np

DEPTH = 1000
BATCH = 4096
FIELDS = 26


def setup_inputs(seed: int = 0) -> dict:
    key = jax.random.key(seed)
    k1, k2 = jax.random.split(key)
    indices = jax.random.randint(k1, (BATCH, FIELDS), 0, DEPTH, dtype=jnp.int32)
    # on/off values from init_kwargs, materialized as float scalars
    on_value = jnp.array(1.0, dtype=jnp.float32)
    off_value = jnp.array(0.0, dtype=jnp.float32)
    return {"inputs": indices, "on_value": on_value, "off_value": off_value}


def reference(inputs, on_value, off_value):
    # Faithful translation of tf.one_hot(inputs, depth, on_value, off_value, axis=-1)
    oh = jax.nn.one_hot(inputs, DEPTH, axis=-1, dtype=jnp.float32)
    out = oh * on_value + (1.0 - oh) * off_value
    return out

if __name__ == "__main__":
    import jax
    _d = setup_inputs()
    print(jax.jit(kernel)(*tuple(_d.values())))

</pallas_src>

<mosaic_0001>
#map = affine_map<(d0, d1) -> (0)>
module attributes {stable_mosaic.version = 14 : i64} {
  func.func @new_body(%arg0: i32, %arg1: i32, %arg2: memref<106496xi32, #tpu.memory_space<hbm>>, %arg3: memref<16xf32, #tpu.memory_space<hbm>>, %arg4: memref<106496000xf32, #tpu.memory_space<hbm>>, %arg5: memref<106496000xf32, #tpu.memory_space<hbm>>, %arg6: memref<3328xi32, #tpu.memory_space<vmem>>, %arg7: memref<26x128xi32, #tpu.memory_space<vmem>>, %arg8: memref<128xf32, #tpu.memory_space<vmem>>, %arg9: memref<16xf32, #tpu.memory_space<vmem>>, %arg10: memref<!tpu.dma_semaphore, #tpu.memory_space<semaphore_mem>>) attributes {dimension_semantics = [#tpu.dimension_semantics<core_parallel>, #tpu.dimension_semantics<subcore_parallel>], iteration_bounds = array<i64: 2, 16>, scalar_prefetch = 0 : i64, scratch_operands = 5 : i64, tpu.core_type = #tpu.core_type<sc_vector_subcore>, window_params = [{transform_indices = #map}, {transform_indices = #map}, {transform_indices = #map}, {transform_indices = #map}]} {
    %mul3A = arith.constant 2 : i32
    %mul3A_0 = arith.muli %arg1, %mul3A : i32
    %add3A = arith.addi %mul3A_0, %arg0 : i32
    %mul3A_1 = arith.constant 3328 : i32
    %mul3A_2 = arith.muli %add3A, %mul3A_1 : i32
    %mul3A_3 = arith.constant 1 : i32
    %mul3A_4 = arith.muli %mul3A_2, %mul3A_3 : i32
    "tpu.region"() ({
      %run_scoped3A = tpu.sem_alloc : memref<!tpu.dma_semaphore, #tpu.memory_space<semaphore_mem>>
      %dma_start3A_3243 = tpu.memref_slice %arg2[%mul3A_4] : memref<106496xi32, #tpu.memory_space<hbm>> -> memref<3328xi32, #tpu.memory_space<hbm>>
      %dma_start3A_3244 = tpu.memref_slice %arg2[%mul3A_4] : memref<106496xi32, #tpu.memory_space<hbm>> -> memref<3328xi32, #tpu.memory_space<hbm>>
      tpu.enqueue_dma source(%dma_start3A_3244 : memref<3328xi32, #tpu.memory_space<hbm>>) target(%arg6 : memref<3328xi32, #tpu.memory_space<vmem>>) target_semaphore(%run_scoped3A : memref<!tpu.dma_semaphore, #tpu.memory_space<semaphore_mem>>)
      %dma_wait3A_3245 = tpu.memref_slice %arg2[%mul3A_4] : memref<106496xi32, #tpu.memory_space<hbm>> -> memref<3328xi32, #tpu.memory_space<hbm>>
      %dma_wait3A_3246 = tpu.memref_slice %arg2[%mul3A_4] : memref<106496xi32, #tpu.memory_space<hbm>> -> memref<3328xi32, #tpu.memory_space<hbm>>
      tpu.wait_dma2 semaphore(%run_scoped3A : memref<!tpu.dma_semaphore, #tpu.memory_space<semaphore_mem>>) src(%dma_wait3A_3246 : memref<3328xi32, #tpu.memory_space<hbm>>) dst(%arg6 : memref<3328xi32, #tpu.memory_space<vmem>>)
      tpu.yield
    }) : () -> ()
    "tpu.region"() ({
      %run_scoped3A = tpu.sem_alloc : memref<!tpu.dma_semaphore, #tpu.memory_space<semaphore_mem>>
      tpu.enqueue_dma source(%arg3 : memref<16xf32, #tpu.memory_space<hbm>>) target(%arg9 : memref<16xf32, #tpu.memory_space<vmem>>) target_semaphore(%run_scoped3A : memref<!tpu.dma_semaphore, #tpu.memory_space<semaphore_mem>>)
      tpu.wait_dma2 semaphore(%run_scoped3A : memref<!tpu.dma_semaphore, #tpu.memory_space<semaphore_mem>>) src(%arg3 : memref<16xf32, #tpu.memory_space<hbm>>) dst(%arg9 : memref<16xf32, #tpu.memory_space<vmem>>)
      tpu.yield
    }) : () -> ()
    %get3A = arith.constant 0 : index
    %get3A_5 = tpu.vector_load %arg9[%get3A] {strides = array<i32>} : memref<16xf32, #tpu.memory_space<vmem>>, vector<16xf32>,
    %iota3A = tpu.iota {dimensions = array<i32: 0>} : vector<16xi32>
    %swap3A = arith.constant 0 : index
    %swap3A_6 = tpu.vector_load %arg8[%swap3A] {strides = array<i32>} : memref<128xf32, #tpu.memory_space<vmem>>, vector<16xf32>,
    tpu.vector_store %arg8[%swap3A], %get3A_5 {strides = array<i32>} : memref<128xf32, #tpu.memory_space<vmem>>, vector<16xf32>,
    %swap3A_7 = arith.constant 16 : index
    %swap3A_8 = tpu.vector_load %arg8[%swap3A_7] {strides = array<i32>} : memref<128xf32, #tpu.memory_space<vmem>>, vector<16xf32>,
    tpu.vector_store %arg8[%swap3A_7], %get3A_5 {strides = array<i32>} : memref<128xf32, #tpu.memory_space<vmem>>, vector<16xf32>,
    %swap3A_9 = arith.constant 32 : index
    %swap3A_10 = tpu.vector_load %arg8[%swap3A_9] {strides = array<i32>} : memref<128xf32, #tpu.memory_space<vmem>>, vector<16xf32>,
    tpu.vector_store %arg8[%swap3A_9], %get3A_5 {strides = array<i32>} : memref<128xf32, #tpu.memory_space<vmem>>, vector<16xf32>,
    %swap3A_11 = arith.constant 48 : index
    %swap3A_12 = tpu.vector_load %arg8[%swap3A_11] {strides = array<i32>} : memref<128xf32, #tpu.memory_space<vmem>>, vector<16xf32>,
    tpu.vector_store %arg8[%swap3A_11], %get3A_5 {strides = array<i32>} : memref<128xf32, #tpu.memory_space<vmem>>, vector<16xf32>,
    %swap3A_13 = arith.constant 64 : index
    %swap3A_14 = tpu.vector_load %arg8[%swap3A_13] {strides = array<i32>} : memref<128xf32, #tpu.memory_space<vmem>>, vector<16xf32>,
    tpu.vector_store %arg8[%swap3A_13], %get3A_5 {strides = array<i32>} : memref<128xf32, #tpu.memory_space<vmem>>, vector<16xf32>,
    %swap3A_15 = arith.constant 80 : index
    %swap3A_16 = tpu.vector_load %arg8[%swap3A_15] {strides = array<i32>} : memref<128xf32, #tpu.memory_space<vmem>>, vector<16xf32>,
    tpu.vector_store %arg8[%swap3A_15], %get3A_5 {strides = array<i32>} : memref<128xf32, #tpu.memory_space<vmem>>, vector<16xf32>,
    %swap3A_17 = arith.constant 96 : index
    %swap3A_18 = tpu.vector_load %arg8[%swap3A_17] {strides = array<i32>} : memref<128xf32, #tpu.memory_space<vmem>>, vector<16xf32>,
    tpu.vector_store %arg8[%swap3A_17], %get3A_5 {strides = array<i32>} : memref<128xf32, #tpu.memory_space<vmem>>, vector<16xf32>,
    %swap3A_19 = arith.constant 112 : index
    %swap3A_20 = tpu.vector_load %arg8[%swap3A_19] {strides = array<i32>} : memref<128xf32, #tpu.memory_space<vmem>>, vector<16xf32>,
    tpu.vector_store %arg8[%swap3A_19], %get3A_5 {strides = array<i32>} : memref<128xf32, #tpu.memory_space<vmem>>, vector<16xf32>,
    %get3A_21 = arith.constant 0 : index
    %get3A_22 = tpu.vector_load %arg6[%get3A_21] {strides = array<i32>} : memref<3328xi32, #tpu.memory_space<vmem>>, vector<16xi32>,
    %add3A_23 = arith.constant 0 : i32
    %add3A_24 = arith.addi %mul3A_2, %add3A_23 : i32
    %add3A_25 = vector.broadcast %add3A_24 : i32 to vector<16xi32>
    %add3A_26 = arith.addi %add3A_25, %iota3A : vector<16xi32>
    %mul3A_27 = arith.constant 1000 : i32
    %mul3A_28 = vector.broadcast %mul3A_27 : i32 to vector<16xi32>
    %mul3A_29 = arith.muli %add3A_26, %mul3A_28 : vector<16xi32>
    %add3A_30 = arith.addi %get3A_22, %mul3A_29 : vector<16xi32>
    %swap3A_31 = arith.constant 0 : i32
    %swap3A_32 = arith.index_cast %swap3A_31 : i32 to index
    %swap3A_33 = arith.constant 0 : index
    %swap3A_34 = tpu.vector_load %arg7[%swap3A_32, %swap3A_33] {strides = array<i32>} : memref<26x128xi32, #tpu.memory_space<vmem>>, vector<16xi32>,
    tpu.vector_store %arg7[%swap3A_32, %swap3A_33], %add3A_30 {strides = array<i32>} : memref<26x128xi32, #tpu.memory_space<vmem>>, vector<16xi32>,
    %get3A_35 = arith.constant 16 : index
    %get3A_36 = tpu.vector_load %arg6[%get3A_35] {strides = array<i32>} : memref<3328xi32, #tpu.memory_space<vmem>>, vector<16xi32>,
    %add3A_37 = arith.constant 16 : i32
    %add3A_38 = arith.addi %mul3A_2, %add3A_37 : i32
    %add3A_39 = vector.broadcast %add3A_38 : i32 to vector<16xi32>
    %add3A_40 = arith.addi %add3A_39, %iota3A : vector<16xi32>
    %mul3A_41 = arith.constant 1000 : i32
    %mul3A_42 = vector.broadcast %mul3A_41 : i32 to vector<16xi32>
    %mul3A_43 = arith.muli %add3A_40, %mul3A_42 : vector<16xi32>
    %add3A_44 = arith.addi %get3A_36, %mul3A_43 : vector<16xi32>
    %swap3A_45 = arith.constant 0 : i32
    %swap3A_46 = arith.index_cast %swap3A_45 : i32 to index
    %swap3A_47 = arith.constant 16 : index
    %swap3A_48 = tpu.vector_load %arg7[%swap3A_46, %swap3A_47] {strides = array<i32>} : memref<26x128xi32, #tpu.memory_space<vmem>>, vector<16xi32>,
    tpu.vector_store %arg7[%swap3A_46, %swap3A_47], %add3A_44 {strides = array<i32>} : memref<26x128xi32, #tpu.memory_space<vmem>>, vector<16xi32>,
    %get3A_49 = arith.constant 32 : index
    %get3A_50 = tpu.vector_load %arg6[%get3A_49] {strides = array<i32>} : memref<3328xi32, #tpu.memory_space<vmem>>, vector<16xi32>,
    %add3A_51 = arith.constant 32 : i32
    %add3A_52 = arith.addi %mul3A_2, %add3A_51 : i32
    %add3A_53 = vector.broadcast %add3A_52 : i32 to vector<16xi32>
    %add3A_54 = arith.addi %add3A_53, %iota3A : vector<16xi32>
    %mul3A_55 = arith.constant 1000 : i32
    %mul3A_56 = vector.broadcast %mul3A_55 : i32 to vector<16xi32>
    %mul3A_57 = arith.muli %add3A_54, %mul3A_56 : vector<16xi32>
    %add3A_58 = arith.addi %get3A_50, %mul3A_57 : vector<16xi32>
    %swap3A_59 = arith.constant 0 : i32
    %swap3A_60 = arith.index_cast %swap3A_59 : i32 to index
    %swap3A_61 = arith.constant 32 : index
    %swap3A_62 = tpu.vector_load %arg7[%swap3A_60, %swap3A_61] {strides = array<i32>} : memref<26x128xi32, #tpu.memory_space<vmem>>, vector<16xi32>,
    tpu.vector_store %arg7[%swap3A_60, %swap3A_61], %add3A_58 {strides = array<i32>} : memref<26x128xi32, #tpu.memory_space<vmem>>, vector<16xi32>,
    %get3A_63 = arith.constant 48 : index
    %get3A_64 = tpu.vector_load %arg6[%get3A_63] {strides = array<i32>} : memref<3328xi32, #tpu.memory_space<vmem>>, vector<16xi32>,
    %add3A_65 = arith.constant 48 : i32
    %add3A_66 = arith.addi %mul3A_2, %add3A_65 : i32
    %add3A_67 = vector.broadcast %add3A_66 : i32 to vector<16xi32>
    %add3A_68 = arith.addi %add3A_67, %iota3A : vector<16xi32>
    %mul3A_69 = arith.constant 1000 : i32
    %mul3A_70 = vector.broadcast %mul3A_69 : i32 to vector<16xi32>
    %mul3A_71 = arith.muli %add3A_68, %mul3A_70 : vector<16xi32>
    %add3A_72 = arith.addi %get3A_64, %mul3A_71 : vector<16xi32>
    %swap3A_73 = arith.constant 0 : i32
    %swap3A_74 = arith.index_cast %swap3A_73 : i32 to index
    %swap3A_75 = arith.constant 48 : index
    %swap3A_76 = tpu.vector_load %arg7[%swap3A_74, %swap3A_75] {strides = array<i32>} : memref<26x128xi32, #tpu.memory_space<vmem>>, vector<16xi32>,
    tpu.vector_store %arg7[%swap3A_74, %swap3A_75], %add3A_72 {strides = array<i32>} : memref<26x128xi32, #tpu.memory_space<vmem>>, vector<16xi32>,
    %get3A_77 = arith.constant 64 : index
    %get3A_78 = tpu.vector_load %arg6[%get3A_77] {strides = array<i32>} : memref<3328xi32, #tpu.memory_space<vmem>>, vector<16xi32>,
    %add3A_79 = arith.constant 64 : i32
    %add3A_80 = arith.addi %mul3A_2, %add3A_79 : i32
    %add3A_81 = vector.broadcast %add3A_80 : i32 to vector<16xi32>
    %add3A_82 = arith.addi %add3A_81, %iota3A : vector<16xi32>
    %mul3A_83 = arith.constant 1000 : i32
    %mul3A_84 = vector.broadcast %mul3A_83 : i32 to vector<16xi32>
    %mul3A_85 = arith.muli %add3A_82, %mul3A_84 : vector<16xi32>
    %add3A_86 = arith.addi %get3A_78, %mul3A_85 : vector<16xi32>
    %swap3A_87 = arith.constant 0 : i32
    %swap3A_88 = arith.index_cast %swap3A_87 : i32 to index
    %swap3A_89 = arith.constant 64 : index
    %swap3A_90 = tpu.vector_load %arg7[%swap3A_88, %swap3A_89] {strides = array<i32>} : memref<26x128xi32, #tpu.memory_space<vmem>>, vector<16xi32>,
    tpu.vector_store %arg7[%swap3A_88, %swap3A_89], %add3A_86 {strides = array<i32>} : memref<26x128xi32, #tpu.memory_space<vmem>>, vector<16xi32>,
    %get3A_91 = arith.constant 80 : index
    %get3A_92 = tpu.vector_load %arg6[%get3A_91] {strides = array<i32>} : memref<3328xi32, #tpu.memory_space<vmem>>, vector<16xi32>,
    %add3A_93 = arith.constant 80 : i32
    %add3A_94 = arith.addi %mul3A_2, %add3A_93 : i32
    %add3A_95 = vector.broadcast %add3A_94 : i32 to vector<16xi32>
    %add3A_96 = arith.addi %add3A_95, %iota3A : vector<16xi32>
    %mul3A_97 = arith.constant 1000 : i32
    %mul3A_98 = vector.broadcast %mul3A_97 : i32 to vector<16xi32>
    %mul3A_99 = arith.muli %add3A_96, %mul3A_98 : vector<16xi32>
    %add3A_100 = arith.addi %get3A_92, %mul3A_99 : vector<16xi32>
    %swap3A_101 = arith.constant 0 : i32
    %swap3A_102 = arith.index_cast %swap3A_101 : i32 to index
    %swap3A_103 = arith.constant 80 : index
    %swap3A_104 = tpu.vector_load %arg7[%swap3A_102, %swap3A_103] {strides = array<i32>} : memref<26x128xi32, #tpu.memory_space<vmem>>, vector<16xi32>,
    tpu.vector_store %arg7[%swap3A_102, %swap3A_103], %add3A_100 {strides = array<i32>} : memref<26x128xi32, #tpu.memory_space<vmem>>, vector<16xi32>,
    %get3A_105 = arith.constant 96 : index
    %get3A_106 = tpu.vector_load %arg6[%get3A_105] {strides = array<i32>} : memref<3328xi32, #tpu.memory_space<vmem>>, vector<16xi32>,
    %add3A_107 = arith.constant 96 : i32
    %add3A_108 = arith.addi %mul3A_2, %add3A_107 : i32
    %add3A_109 = vector.broadcast %add3A_108 : i32 to vector<16xi32>
    %add3A_110 = arith.addi %add3A_109, %iota3A : vector<16xi32>
    %mul3A_111 = arith.constant 1000 : i32
    %mul3A_112 = vector.broadcast %mul3A_111 : i32 to vector<16xi32>
    %mul3A_113 = arith.muli %add3A_110, %mul3A_112 : vector<16xi32>
    %add3A_114 = arith.addi %get3A_106, %mul3A_113 : vector<16xi32>
    %swap3A_115 = arith.constant 0 : i32
    %swap3A_116 = arith.index_cast %swap3A_115 : i32 to index
    %swap3A_117 = arith.constant 96 : index
    %swap3A_118 = tpu.vector_load %arg7[%swap3A_116, %swap3A_117] {strides = array<i32>} : memref<26x128xi32, #tpu.memory_space<vmem>>, vector<16xi32>,
    tpu.vector_store %arg7[%swap3A_116, %swap3A_117], %add3A_114 {strides = array<i32>} : memref<26x128xi32, #tpu.memory_space<vmem>>, vector<16xi32>,
    %get3A_119 = arith.constant 112 : index
    %get3A_120 = tpu.vector_load %arg6[%get3A_119] {strides = array<i32>} : memref<3328xi32, #tpu.memory_space<vmem>>, vector<16xi32>,
    %add3A_121 = arith.constant 112 : i32
    %add3A_122 = arith.addi %mul3A_2, %add3A_121 : i32
    %add3A_123 = vector.broadcast %add3A_122 : i32 to vector<16xi32>
    %add3A_124 = arith.addi %add3A_123, %iota3A : vector<16xi32>
    %mul3A_125 = arith.constant 1000 : i32
    %mul3A_126 = vector.broadcast %mul3A_125 : i32 to vector<16xi32>
    %mul3A_127 = arith.muli %add3A_124, %mul3A_126 : vector<16xi32>
    %add3A_128 = arith.addi %get3A_120, %mul3A_127 : vector<16xi32>
    %swap3A_129 = arith.constant 0 : i32
    %swap3A_130 = arith.index_cast %swap3A_129 : i32 to index
    %swap3A_131 = arith.constant 112 : index
    %swap3A_132 = tpu.vector_load %arg7[%swap3A_130, %swap3A_131] {strides = array<i32>} : memref<26x128xi32, #tpu.memory_space<vmem>>, vector<16xi32>,
    tpu.vector_store %arg7[%swap3A_130, %swap3A_131], %add3A_128 {strides = array<i32>} : memref<26x128xi32, #tpu.memory_space<vmem>>, vector<16xi32>,
    %get3A_133 = arith.constant 128 : index
    %get3A_134 = tpu.vector_load %arg6[%get3A_133] {strides = array<i32>} : memref<3328xi32, #tpu.memory_space<vmem>>, vector<16xi32>,
    %add3A_135 = arith.constant 128 : i32
    %add3A_136 = arith.addi %mul3A_2, %add3A_135 : i32
    %add3A_137 = vector.broadcast %add3A_136 : i32 to vector<16xi32>
    %add3A_138 = arith.addi %add3A_137, %iota3A : vector<16xi32>
    %mul3A_139 = arith.constant 1000 : i32
    %mul3A_140 = vector.broadcast %mul3A_139 : i32 to vector<16xi32>
    %mul3A_141 = arith.muli %add3A_138, %mul3A_140 : vector<16xi32>
    %add3A_142 = arith.addi %get3A_134, %mul3A_141 : vector<16xi32>
    %swap3A_143 = arith.constant 1 : i32
    %swap3A_144 = arith.index_cast %swap3A_143 : i32 to index
    %swap3A_145 = arith.constant 0 : index
    %swap3A_146 = tpu.vector_load %arg7[%swap3A_144, %swap3A_145] {strides = array<i32>} : memref<26x128xi32, #tpu.memory_space<vmem>>, vector<16xi32>,
    tpu.vector_store %arg7[%swap3A_144, %swap3A_145], %add3A_142 {strides = array<i32>} : memref<26x128xi32, #tpu.memory_space<vmem>>, vector<16xi32>,
    %get3A_147 = arith.constant 144 : index
    %get3A_148 = tpu.vector_load %arg6[%get3A_147] {strides = array<i32>} : memref<3328xi32, #tpu.memory_space<vmem>>, vector<16xi32>,
    %add3A_149 = arith.constant 144 : i32
    %add3A_150 = arith.addi %mul3A_2, %add3A_149 : i32
    %add3A_151 = vector.broadcast %add3A_150 : i32 to vector<16xi32>
    %add3A_152 = arith.addi %add3A_151, %iota3A : vector<16xi32>
    %mul3A_153 = arith.constant 1000 : i32
    %mul3A_154 = vector.broadcast %mul3A_153 : i32 to vector<16xi32>
    %mul3A_155 = arith.muli %add3A_152, %mul3A_154 : vector<16xi32>
    %add3A_156 = arith.addi %get3A_148, %mul3A_155 : vector<16xi32>
    %swap3A_157 = arith.constant 1 : i32
    %swap3A_158 = arith.index_cast %swap3A_157 : i32 to index
    %swap3A_159 = arith.constant 16 : index
    %swap3A_160 = tpu.vector_load %arg7[%swap3A_158, %swap3A_159] {strides = array<i32>} : memref<26x128xi32, #tpu.memory_space<vmem>>, vector<16xi32>,
    tpu.vector_store %arg7[%swap3A_158, %swap3A_159], %add3A_156 {strides = array<i32>} : memref<26x128xi32, #tpu.memory_space<vmem>>, vector<16xi32>,
    %get3A_161 = arith.constant 160 : index
    %get3A_162 = tpu.vector_load %arg6[%get3A_161] {strides = array<i32>} : memref<3328xi32, #tpu.memory_space<vmem>>, vector<16xi32>,
    %add3A_163 = arith.constant 160 : i32
    %add3A_164 = arith.addi %mul3A_2, %add3A_163 : i32
    %add3A_165 = vector.broadcast %add3A_164 : i32 to vector<16xi32>
    %add3A_166 = arith.addi %add3A_165, %iota3A : vector<16xi32>
    %mul3A_167 = arith.constant 1000 : i32
    %mul3A_168 = vector.broadcast %mul3A_167 : i32 to vector<16xi32>
    %mul3A_169 = arith.muli %add3A_166, %mul3A_168 : vector<16xi32>
    %add3A_170 = arith.addi %get3A_162, %mul3A_169 : vector<16xi32>
    %swap3A_171 = arith.constant 1 : i32
    %swap3A_172 = arith.index_cast %swap3A_171 : i32 to index
    %swap3A_173 = arith.constant 32 : index
    %swap3A_174 = tpu.vector_load %arg7[%swap3A_172, %swap3A_173] {strides = array<i32>} : memref<26x128xi32, #tpu.memory_space<vmem>>, vector<16xi32>,
    tpu.vector_store %arg7[%swap3A_172, %swap3A_173], %add3A_170 {strides = array<i32>} : memref<26x128xi32, #tpu.memory_space<vmem>>, vector<16xi32>,
    %get3A_175 = arith.constant 176 : index
    %get3A_176 = tpu.vector_load %arg6[%get3A_175] {strides = array<i32>} : memref<3328xi32, #tpu.memory_space<vmem>>, vector<16xi32>,
    %add3A_177 = arith.constant 176 : i32
    %add3A_178 = arith.addi %mul3A_2, %add3A_177 : i32
    %add3A_179 = vector.broadcast %add3A_178 : i32 to vector<16xi32>
    %add3A_180 = arith.addi %add3A_179, %iota3A : vector<16xi32>
    %mul3A_181 = arith.constant 1000 : i32
    %mul3A_182 = vector.broadcast %mul3A_181 : i32 to vector<16xi32>
    %mul3A_183 = arith.muli %add3A_180, %mul3A_182 : vector<16xi32>
    %add3A_184 = arith.addi %get3A_176, %mul3A_183 : vector<16xi32>
    %swap3A_185 = arith.constant 1 : i32
    %swap3A_186 = arith.index_cast %swap3A_185 : i32 to index
    %swap3A_187 = arith.constant 48 : index
    %swap3A_188 = tpu.vector_load %arg7[%swap3A_186, %swap3A_187] {strides = array<i32>} : memref<26x128xi32, #tpu.memory_space<vmem>>, vector<16xi32>,
    tpu.vector_store %arg7[%swap3A_186, %swap3A_187], %add3A_184 {strides = array<i32>} : memref<26x128xi32, #tpu.memory_space<vmem>>, vector<16xi32>,
    %get3A_189 = arith.constant 192 : index
    %get3A_190 = tpu.vector_load %arg6[%get3A_189] {strides = array<i32>} : memref<3328xi32, #tpu.memory_space<vmem>>, vector<16xi32>,
    %add3A_191 = arith.constant 192 : i32
    %add3A_192 = arith.addi %mul3A_2, %add3A_191 : i32
    %add3A_193 = vector.broadcast %add3A_192 : i32 to vector<16xi32>
    %add3A_194 = arith.addi %add3A_193, %iota3A : vector<16xi32>
    %mul3A_195 = arith.constant 1000 : i32
    %mul3A_196 = vector.broadcast %mul3A_195 : i32 to vector<16xi32>
    %mul3A_197 = arith.muli %add3A_194, %mul3A_196 : vector<16xi32>
    %add3A_198 = arith.addi %get3A_190, %mul3A_197 : vector<16xi32>
    %swap3A_199 = arith.constant 1 : i32
    %swap3A_200 = arith.index_cast %swap3A_199 : i32 to index
    %swap3A_201 = arith.constant 64 : index
    %swap3A_202 = tpu.vector_load %arg7[%swap3A_200, %swap3A_201] {strides = array<i32>} : memref<26x128xi32, #tpu.memory_space<vmem>>, vector<16xi32>,
    tpu.vector_store %arg7[%swap3A_200, %swap3A_201], %add3A_198 {strides = array<i32>} : memref<26x128xi32, #tpu.memory_space<vmem>>, vector<16xi32>,
    %get3A_203 = arith.constant 208 : index
    %get3A_204 = tpu.vector_load %arg6[%get3A_203] {strides = array<i32>} : memref<3328xi32, #tpu.memory_space<vmem>>, vector<16xi32>,
    %add3A_205 = arith.constant 208 : i32
    %add3A_206 = arith.addi %mul3A_2, %add3A_205 : i32
    %add3A_207 = vector.broadcast %add3A_206 : i32 to vector<16xi32>
    %add3A_208 = arith.addi %add3A_207, %iota3A : vector<16xi32>
    %mul3A_209 = arith.constant 1000 : i32
    %mul3A_210 = vector.broadcast %mul3A_209 : i32 to vector<16xi32>
    %mul3A_211 = arith.muli %add3A_208, %mul3A_210 : vector<16xi32>
    %add3A_212 = arith.addi %get3A_204, %mul3A_211 : vector<16xi32>
    %swap3A_213 = arith.constant 1 : i32
    %swap3A_214 = arith.index_cast %swap3A_213 : i32 to index
    %swap3A_215 = arith.constant 80 : index
    %swap3A_216 = tpu.vector_load %arg7[%swap3A_214, %swap3A_215] {strides = array<i32>} : memref<26x128xi32, #tpu.memory_space<vmem>>, vector<16xi32>,
    tpu.vector_store %arg7[%swap3A_214, %swap3A_215], %add3A_212 {strides = array<i32>} : memref<26x128xi32, #tpu.memory_space<vmem>>, vector<16xi32>,
    %get3A_217 = arith.constant 224 : index
    %get3A_218 = tpu.vector_load %arg6[%get3A_217] {strides = array<i32>} : memref<3328xi32, #tpu.memory_space<vmem>>, vector<16xi32>,
    %add3A_219 = arith.constant 224 : i32
    %add3A_220 = arith.addi %mul3A_2, %add3A_219 : i32
    %add3A_221 = vector.broadcast %add3A_220 : i32 to vector<16xi32>
    %add3A_222 = arith.addi %add3A_221, %iota3A : vector<16xi32>
    %mul3A_223 = arith.constant 1000 : i32
    %mul3A_224 = vector.broadcast %mul3A_223 : i32 to vector<16xi32>
    %mul3A_225 = arith.muli %add3A_222, %mul3A_224 : vector<16xi32>
    %add3A_226 = arith.addi %get3A_218, %mul3A_225 : vector<16xi32>
    %swap3A_227 = arith.constant 1 : i32
    %swap3A_228 = arith.index_cast %swap3A_227 : i32 to index
    %swap3A_229 = arith.constant 96 : index
    %swap3A_230 = tpu.vector_load %arg7[%swap3A_228, %swap3A_229] {strides = array<i32>} : memref<26x128xi32, #tpu.memory_space<vmem>>, vector<16xi32>,
    tpu.vector_store %arg7[%swap3A_228, %swap3A_229], %add3A_226 {strides = array<i32>} : memref<26x128xi32, #tpu.memory_space<vmem>>, vector<16xi32>,
    %get3A_231 = arith.constant 240 : index
    %get3A_232 = tpu.vector_load %arg6[%get3A_231] {strides = array<i32>} : memref<3328xi32, #tpu.memory_space<vmem>>, vector<16xi32>,
    %add3A_233 = arith.constant 240 : i32
    %add3A_234 = arith.addi %mul3A_2, %add3A_233 : i32
    %add3A_235 = vector.broadcast %add3A_234 : i32 to vector<16xi32>
    %add3A_236 = arith.addi %add3A_235, %iota3A : vector<16xi32>
    %mul3A_237 = arith.constant 1000 : i32
    %mul3A_238 = vector.broadcast %mul3A_237 : i32 to vector<16xi32>
    %mul3A_239 = arith.muli %add3A_236, %mul3A_238 : vector<16xi32>
    %add3A_240 = arith.addi %get3A_232, %mul3A_239 : vector<16xi32>
    %swap3A_241 = arith.constant 1 : i32
    %swap3A_242 = arith.index_cast %swap3A_241 : i32 to index
    %swap3A_243 = arith.constant 112 : index
    %swap3A_244 = tpu.vector_load %arg7[%swap3A_242, %swap3A_243] {strides = array<i32>} : memref<26x128xi32, #tpu.memory_space<vmem>>, vector<16xi32>,
    tpu.vector_store %arg7[%swap3A_242, %swap3A_243], %add3A_240 {strides = array<i32>} : memref<26x128xi32, #tpu.memory_space<vmem>>, vector<16xi32>,
    %get3A_245 = arith.constant 256 : index
    %get3A_246 = tpu.vector_load %arg6[%get3A_245] {strides = array<i32>} : memref<3328xi32, #tpu.memory_space<vmem>>, vector<16xi32>,
    %add3A_247 = arith.constant 256 : i32
    %add3A_248 = arith.addi %mul3A_2, %add3A_247 : i32
    %add3A_249 = vector.broadcast %add3A_248 : i32 to vector<16xi32>
    %add3A_250 = arith.addi %add3A_249, %iota3A : vector<16xi32>
    %mul3A_251 = arith.constant 1000 : i32
    %mul3A_252 = vector.broadcast %mul3A_251 : i32 to vector<16xi32>
    %mul3A_253 = arith.muli %add3A_250, %mul3A_252 : vector<16xi32>
    %add3A_254 = arith.addi %get3A_246, %mul3A_253 : vector<16xi32>
    %swap3A_255 = arith.constant 2 : i32
    %swap3A_256 = arith.index_cast %swap3A_255 : i32 to index
    %swap3A_257 = arith.constant 0 : index
    %swap3A_258 = tpu.vector_load %arg7[%swap3A_256, %swap3A_257] {strides = array<i32>} : memref<26x128xi32, #tpu.memory_space<vmem>>, vector<16xi32>,
    tpu.vector_store %arg7[%swap3A_256, %swap3A_257], %add3A_254 {strides = array<i32>} : memref<26x128xi32, #tpu.memory_space<vmem>>, vector<16xi32>,
    %get3A_259 = arith.constant 272 : index
    %get3A_260 = tpu.vector_load %arg6[%get3A_259] {strides = array<i32>} : memref<3328xi32, #tpu.memory_space<vmem>>, vector<16xi32>,
    %add3A_261 = arith.constant 272 : i32
    %add3A_262 = arith.addi %mul3A_2, %add3A_261 : i32
    %add3A_263 = vector.broadcast %add3A_262 : i32 to vector<16xi32>
    %add3A_264 = arith.addi %add3A_263, %iota3A : vector<16xi32>
    %mul3A_265 = arith.constant 1000 : i32
    %mul3A_266 = vector.broadcast %mul3A_265 : i32 to vector<16xi32>
    %mul3A_267 = arith.muli %add3A_264, %mul3A_266 : vector<16xi32>
    %add3A_268 = arith.addi %get3A_260, %mul3A_267 : vector<16xi32>
    %swap3A_269 = arith.constant 2 : i32
    %swap3A_270 = arith.index_cast %swap3A_269 : i32 to index
    %swap3A_271 = arith.constant 16 : index
    %swap3A_272 = tpu.vector_load %arg7[%swap3A_270, %swap3A_271] {strides = array<i32>} : memref<26x128xi32, #tpu.memory_space<vmem>>, vector<16xi32>,
    tpu.vector_store %arg7[%swap3A_270, %swap3A_271], %add3A_268 {strides = array<i32>} : memref<26x128xi32, #tpu.memory_space<vmem>>, vector<16xi32>,
    %get3A_273 = arith.constant 288 : index
    %get3A_274 = tpu.vector_load %arg6[%get3A_273] {strides = array<i32>} : memref<3328xi32, #tpu.memory_space<vmem>>, vector<16xi32>,
    %add3A_275 = arith.constant 288 : i32
    %add3A_276 = arith.addi %mul3A_2, %add3A_275 : i32
    %add3A_277 = vector.broadcast %add3A_276 : i32 to vector<16xi32>
    %add3A_278 = arith.addi %add3A_277, %iota3A : vector<16xi32>
    %mul3A_279 = arith.constant 1000 : i32
    %mul3A_280 = vector.broadcast %mul3A_279 : i32 to vector<16xi32>
    %mul3A_281 = arith.muli %add3A_278, %mul3A_280 : vector<16xi32>
    %add3A_282 = arith.addi %get3A_274, %mul3A_281 : vector<16xi32>
    %swap3A_283 = arith.constant 2 : i32
    %swap3A_284 = arith.index_cast %swap3A_283 : i32 to index
    %swap3A_285 = arith.constant 32 : index
    %swap3A_286 = tpu.vector_load %arg7[%swap3A_284, %swap3A_285] {strides = array<i32>} : memref<26x128xi32, #tpu.memory_space<vmem>>, vector<16xi32>,
    tpu.vector_store %arg7[%swap3A_284, %swap3A_285], %add3A_282 {strides = array<i32>} : memref<26x128xi32, #tpu.memory_space<vmem>>, vector<16xi32>,
    %get3A_287 = arith.constant 304 : index
    %get3A_288 = tpu.vector_load %arg6[%get3A_287] {strides = array<i32>} : memref<3328xi32, #tpu.memory_space<vmem>>, vector<16xi32>,
    %add3A_289 = arith.constant 304 : i32
    %add3A_290 = arith.addi %mul3A_2, %add3A_289 : i32
    %add3A_291 = vector.broadcast %add3A_290 : i32 to vector<16xi32>
    %add3A_292 = arith.addi %add3A_291, %iota3A : vector<16xi32>
    %mul3A_293 = arith.constant 1000 : i32
    %mul3A_294 = vector.broadcast %mul3A_293 : i32 to vector<16xi32>
    %mul3A_295 = arith.muli %add3A_292, %mul3A_294 : vector<16xi32>
    %add3A_296 = arith.addi %get3A_288, %mul3A_295 : vector<16xi32>
    %swap3A_297 = arith.constant 2 : i32
    %swap3A_298 = arith.index_cast %swap3A_297 : i32 to index
    %swap3A_299 = arith.constant 48 : index
    %swap3A_300 = tpu.vector_load %arg7[%swap3A_298, %swap3A_299] {strides = array<i32>} : memref<26x128xi32, #tpu.memory_space<vmem>>, vector<16xi32>,
    tpu.vector_store %arg7[%swap3A_298, %swap3A_299], %add3A_296 {strides = array<i32>} : memref<26x128xi32, #tpu.memory_space<vmem>>, vector<16xi32>,
    %get3A_301 = arith.constant 320 : index
    %get3A_302 = tpu.vector_load %arg6[%get3A_301] {strides = array<i32>} : memref<3328xi32, #tpu.memory_space<vmem>>, vector<16xi32>,
    %add3A_303 = arith.constant 320 : i32
    %add3A_304 = arith.addi %mul3A_2, %add3A_303 : i32
    %add3A_305 = vector.broadcast %add3A_304 : i32 to vector<16xi32>
    %add3A_306 = arith.addi %add3A_305, %iota3A : vector<16xi32>
    %mul3A_307 = arith.constant 1000 : i32
    %mul3A_308 = vector.broadcast %mul3A_307 : i32 to vector<16xi32>
    %mul3A_309 = arith.muli %add3A_306, %mul3A_308 : vector<16xi32>
    %add3A_310 = arith.addi %get3A_302, %mul3A_309 : vector<16xi32>
    %swap3A_311 = arith.constant 2 : i32
    %swap3A_312 = arith.index_cast %swap3A_311 : i32 to index
    %swap3A_313 = arith.constant 64 : index
    %swap3A_314 = tpu.vector_load %arg7[%swap3A_312, %swap3A_313] {strides = array<i32>} : memref<26x128xi32, #tpu.memory_space<vmem>>, vector<16xi32>,
    tpu.vector_store %arg7[%swap3A_312, %swap3A_313], %add3A_310 {strides = array<i32>} : memref<26x128xi32, #tpu.memory_space<vmem>>, vector<16xi32>,
    %get3A_315 = arith.constant 336 : index
    %get3A_316 = tpu.vector_load %arg6[%get3A_315] {strides = array<i32>} : memref<3328xi32, #tpu.memory_space<vmem>>, vector<16xi32>,
    %add3A_317 = arith.constant 336 : i32
    %add3A_318 = arith.addi %mul3A_2, %add3A_317 : i32
    %add3A_319 = vector.broadcast %add3A_318 : i32 to vector<16xi32>
    %add3A_320 = arith.addi %add3A_319, %iota3A : vector<16xi32>
    %mul3A_321 = arith.constant 1000 : i32
    %mul3A_322 = vector.broadcast %mul3A_321 : i32 to vector<16xi32>
    %mul3A_323 = arith.muli %add3A_320, %mul3A_322 : vector<16xi32>
    %add3A_324 = arith.addi %get3A_316, %mul3A_323 : vector<16xi32>
    %swap3A_325 = arith.constant 2 : i32
    %swap3A_326 = arith.index_cast %swap3A_325 : i32 to index
    %swap3A_327 = arith.constant 80 : index
    %swap3A_328 = tpu.vector_load %arg7[%swap3A_326, %swap3A_327] {strides = array<i32>} : memref<26x128xi32, #tpu.memory_space<vmem>>, vector<16xi32>,
    tpu.vector_store %arg7[%swap3A_326, %swap3A_327], %add3A_324 {strides = array<i32>} : memref<26x128xi32, #tpu.memory_space<vmem>>, vector<16xi32>,
    %get3A_329 = arith.constant 352 : index
    %get3A_330 = tpu.vector_load %arg6[%get3A_329] {strides = array<i32>} : memref<3328xi32, #tpu.memory_space<vmem>>, vector<16xi32>,
    %add3A_331 = arith.constant 352 : i32
    %add3A_332 = arith.addi %mul3A_2, %add3A_331 : i32
    %add3A_333 = vector.broadcast %add3A_332 : i32 to vector<16xi32>
    %add3A_334 = arith.addi %add3A_333, %iota3A : vector<16xi32>
    %mul3A_335 = arith.constant 1000 : i32
    %mul3A_336 = vector.broadcast %mul3A_335 : i32 to vector<16xi32>
    %mul3A_337 = arith.muli %add3A_334, %mul3A_336 : vector<16xi32>
    %add3A_338 = arith.addi %get3A_330, %mul3A_337 : vector<16xi32>
    %swap3A_339 = arith.constant 2 : i32
    %swap3A_340 = arith.index_cast %swap3A_339 : i32 to index
    %swap3A_341 = arith.constant 96 : index
    %swap3A_342 = tpu.vector_load %arg7[%swap3A_340, %swap3A_341] {strides = array<i32>} : memref<26x128xi32, #tpu.memory_space<vmem>>, vector<16xi32>,
    tpu.vector_store %arg7[%swap3A_340, %swap3A_341], %add3A_338 {strides = array<i32>} : memref<26x128xi32, #tpu.memory_space<vmem>>, vector<16xi32>,
    %get3A_343 = arith.constant 368 : index
    %get3A_344 = tpu.vector_load %arg6[%get3A_343] {strides = array<i32>} : memref<3328xi32, #tpu.memory_space<vmem>>, vector<16xi32>,
    %add3A_345 = arith.constant 368 : i32
    %add3A_346 = arith.addi %mul3A_2, %add3A_345 : i32
    %add3A_347 = vector.broadcast %add3A_346 : i32 to vector<16xi32>
    %add3A_348 = arith.addi %add3A_347, %iota3A : vector<16xi32>
    %mul3A_349 = arith.constant 1000 : i32
    %mul3A_350 = vector.broadcast %mul3A_349 : i32 to vector<16xi32>
    %mul3A_351 = arith.muli %add3A_348, %mul3A_350 : vector<16xi32>
    %add3A_352 = arith.addi %get3A_344, %mul3A_351 : vector<16xi32>
    %swap3A_353 = arith.constant 2 : i32
    %swap3A_354 = arith.index_cast %swap3A_353 : i32 to index
    %swap3A_355 = arith.constant 112 : index
    %swap3A_356 = tpu.vector_load %arg7[%swap3A_354, %swap3A_355] {strides = array<i32>} : memref<26x128xi32, #tpu.memory_space<vmem>>, vector<16xi32>,
    tpu.vector_store %arg7[%swap3A_354, %swap3A_355], %add3A_352 {strides = array<i32>} : memref<26x128xi32, #tpu.memory_space<vmem>>, vector<16xi32>,
    %get3A_357 = arith.constant 384 : index
    %get3A_358 = tpu.vector_load %arg6[%get3A_357] {strides = array<i32>} : memref<3328xi32, #tpu.memory_space<vmem>>, vector<16xi32>,
    %add3A_359 = arith.constant 384 : i32
    %add3A_360 = arith.addi %mul3A_2, %add3A_359 : i32
    %add3A_361 = vector.broadcast %add3A_360 : i32 to vector<16xi32>
    %add3A_362 = arith.addi %add3A_361, %iota3A : vector<16xi32>
    %mul3A_363 = arith.constant 1000 : i32
    %mul3A_364 = vector.broadcast %mul3A_363 : i32 to vector<16xi32>
    %mul3A_365 = arith.muli %add3A_362, %mul3A_364 : vector<16xi32>
    %add3A_366 = arith.addi %get3A_358, %mul3A_365 : vector<16xi32>
    %swap3A_367 = arith.constant 3 : i32
    %swap3A_368 = arith.index_cast %swap3A_367 : i32 to index
    %swap3A_369 = arith.constant 0 : index
    %swap3A_370 = tpu.vector_load %arg7[%swap3A_368, %swap3A_369] {strides = array<i32>} : memref<26x128xi32, #tpu.memory_space<vmem>>, vector<16xi32>,
    tpu.vector_store %arg7[%swap3A_368, %swap3A_369], %add3A_366 {strides = array<i32>} : memref<26x128xi32, #tpu.memory_space<vmem>>, vector<16xi32>,
    %get3A_371 = arith.constant 400 : index
    %get3A_372 = tpu.vector_load %arg6[%get3A_371] {strides = array<i32>} : memref<3328xi32, #tpu.memory_space<vmem>>, vector<16xi32>,
    %add3A_373 = arith.constant 400 : i32
    %add3A_374 = arith.addi %mul3A_2, %add3A_373 : i32
    %add3A_375 = vector.broadcast %add3A_374 : i32 to vector<16xi32>
    %add3A_376 = arith.addi %add3A_375, %iota3A : vector<16xi32>
    %mul3A_377 = arith.constant 1000 : i32
    %mul3A_378 = vector.broadcast %mul3A_377 : i32 to vector<16xi32>
    %mul3A_379 = arith.muli %add3A_376, %mul3A_378 : vector<16xi32>
    %add3A_380 = arith.addi %get3A_372, %mul3A_379 : vector<16xi32>
    %swap3A_381 = arith.constant 3 : i32
    %swap3A_382 = arith.index_cast %swap3A_381 : i32 to index
    %swap3A_383 = arith.constant 16 : index
    %swap3A_384 = tpu.vector_load %arg7[%swap3A_382, %swap3A_383] {strides = array<i32>} : memref<26x128xi32, #tpu.memory_space<vmem>>, vector<16xi32>,
    tpu.vector_store %arg7[%swap3A_382, %swap3A_383], %add3A_380 {strides = array<i32>} : memref<26x128xi32, #tpu.memory_space<vmem>>, vector<16xi32>,
    %get3A_385 = arith.constant 416 : index
    %get3A_386 = tpu.vector_load %arg6[%get3A_385] {strides = array<i32>} : memref<3328xi32, #tpu.memory_space<vmem>>, vector<16xi32>,
    %add3A_387 = arith.constant 416 : i32
    %add3A_388 = arith.addi %mul3A_2, %add3A_387 : i32
    %add3A_389 = vector.broadcast %add3A_388 : i32 to vector<16xi32>
    %add3A_390 = arith.addi %add3A_389, %iota3A : vector<16xi32>
    %mul3A_391 = arith.constant 1000 : i32
    %mul3A_392 = vector.broadcast %mul3A_391 : i32 to vector<16xi32>
    %mul3A_393 = arith.muli %add3A_390, %mul3A_392 : vector<16xi32>
    %add3A_394 = arith.addi %get3A_386, %mul3A_393 : vector<16xi32>
    %swap3A_395 = arith.constant 3 : i32
    %swap3A_396 = arith.index_cast %swap3A_395 : i32 to index
    %swap3A_397 = arith.constant 32 : index
    %swap3A_398 = tpu.vector_load %arg7[%swap3A_396, %swap3A_397] {strides = array<i32>} : memref<26x128xi32, #tpu.memory_space<vmem>>, vector<16xi32>,
    tpu.vector_store %arg7[%swap3A_396, %swap3A_397], %add3A_394 {strides = array<i32>} : memref<26x128xi32, #tpu.memory_space<vmem>>, vector<16xi32>,
    %get3A_399 = arith.constant 432 : index
    %get3A_400 = tpu.vector_load %arg6[%get3A_399] {strides = array<i32>} : memref<3328xi32, #tpu.memory_space<vmem>>, vector<16xi32>,
    %add3A_401 = arith.constant 432 : i32
    %add3A_402 = arith.addi %mul3A_2, %add3A_401 : i32
    %add3A_403 = vector.broadcast %add3A_402 : i32 to vector<16xi32>
    %add3A_404 = arith.addi %add3A_403, %iota3A : vector<16xi32>
    %mul3A_405 = arith.constant 1000 : i32
    %mul3A_406 = vector.broadcast %mul3A_405 : i32 to vector<16xi32>
    %mul3A_407 = arith.muli %add3A_404, %mul3A_406 : vector<16xi32>
    %add3A_408 = arith.addi %get3A_400, %mul3A_407 : vector<16xi32>
    %swap3A_409 = arith.constant 3 : i32
    %swap3A_410 = arith.index_cast %swap3A_409 : i32 to index
    %swap3A_411 = arith.constant 48 : index
    %swap3A_412 = tpu.vector_load %arg7[%swap3A_410, %swap3A_411] {strides = array<i32>} : memref<26x128xi32, #tpu.memory_space<vmem>>, vector<16xi32>,
    tpu.vector_store %arg7[%swap3A_410, %swap3A_411], %add3A_408 {strides = array<i32>} : memref<26x128xi32, #tpu.memory_space<vmem>>, vector<16xi32>,
    %get3A_413 = arith.constant 448 : index
    %get3A_414 = tpu.vector_load %arg6[%get3A_413] {strides = array<i32>} : memref<3328xi32, #tpu.memory_space<vmem>>, vector<16xi32>,
    %add3A_415 = arith.constant 448 : i32
    %add3A_416 = arith.addi %mul3A_2, %add3A_415 : i32
    %add3A_417 = vector.broadcast %add3A_416 : i32 to vector<16xi32>
    %add3A_418 = arith.addi %add3A_417, %iota3A : vector<16xi32>
    %mul3A_419 = arith.constant 1000 : i32
    %mul3A_420 = vector.broadcast %mul3A_419 : i32 to vector<16xi32>
    %mul3A_421 = arith.muli %add3A_418, %mul3A_420 : vector<16xi32>
    %add3A_422 = arith.addi %get3A_414, %mul3A_421 : vector<16xi32>
    %swap3A_423 = arith.constant 3 : i32
    %swap3A_424 = arith.index_cast %swap3A_423 : i32 to index
    %swap3A_425 = arith.constant 64 : index
    %swap3A_426 = tpu.vector_load %arg7[%swap3A_424, %swap3A_425] {strides = array<i32>} : memref<26x128xi32, #tpu.memory_space<vmem>>, vector<16xi32>,
    tpu.vector_store %arg7[%swap3A_424, %swap3A_425], %add3A_422 {strides = array<i32>} : memref<26x128xi32, #tpu.memory_space<vmem>>, vector<16xi32>,
    %get3A_427 = arith.constant 464 : index
    %get3A_428 = tpu.vector_load %arg6[%get3A_427] {strides = array<i32>} : memref<3328xi32, #tpu.memory_space<vmem>>, vector<16xi32>,
    %add3A_429 = arith.constant 464 : i32
    %add3A_430 = arith.addi %mul3A_2, %add3A_429 : i32
    %add3A_431 = vector.broadcast %add3A_430 : i32 to vector<16xi32>
    %add3A_432 = arith.addi %add3A_431, %iota3A : vector<16xi32>
    %mul3A_433 = arith.constant 1000 : i32
    %mul3A_434 = vector.broadcast %mul3A_433 : i32 to vector<16xi32>
    %mul3A_435 = arith.muli %add3A_432, %mul3A_434 : vector<16xi32>
    %add3A_436 = arith.addi %get3A_428, %mul3A_435 : vector<16xi32>
    %swap3A_437 = arith.constant 3 : i32
    %swap3A_438 = arith.index_cast %swap3A_437 : i32 to index
    %swap3A_439 = arith.constant 80 : index
    %swap3A_440 = tpu.vector_load %arg7[%swap3A_438, %swap3A_439] {strides = array<i32>} : memref<26x128xi32, #tpu.memory_space<vmem>>, vector<16xi32>,
    tpu.vector_store %arg7[%swap3A_438, %swap3A_439], %add3A_436 {strides = array<i32>} : memref<26x128xi32, #tpu.memory_space<vmem>>, vector<16xi32>,
    %get3A_441 = arith.constant 480 : index
    %get3A_442 = tpu.vector_load %arg6[%get3A_441] {strides = array<i32>} : memref<3328xi32, #tpu.memory_space<vmem>>, vector<16xi32>,
    %add3A_443 = arith.constant 480 : i32
    %add3A_444 = arith.addi %mul3A_2, %add3A_443 : i32
    %add3A_445 = vector.broadcast %add3A_444 : i32 to vector<16xi32>
    %add3A_446 = arith.addi %add3A_445, %iota3A : vector<16xi32>
    %mul3A_447 = arith.constant 1000 : i32
    %mul3A_448 = vector.broadcast %mul3A_447 : i32 to vector<16xi32>
    %mul3A_449 = arith.muli %add3A_446, %mul3A_448 : vector<16xi32>
    %add3A_450 = arith.addi %get3A_442, %mul3A_449 : vector<16xi32>
    %swap3A_451 = arith.constant 3 : i32
    %swap3A_452 = arith.index_cast %swap3A_451 : i32 to index
    %swap3A_453 = arith.constant 96 : index
    %swap3A_454 = tpu.vector_load %arg7[%swap3A_452, %swap3A_453] {strides = array<i32>} : memref<26x128xi32, #tpu.memory_space<vmem>>, vector<16xi32>,
    tpu.vector_store %arg7[%swap3A_452, %swap3A_453], %add3A_450 {strides = array<i32>} : memref<26x128xi32, #tpu.memory_space<vmem>>, vector<16xi32>,
    %get3A_455 = arith.constant 496 : index
    %get3A_456 = tpu.vector_load %arg6[%get3A_455] {strides = array<i32>} : memref<3328xi32, #tpu.memory_space<vmem>>, vector<16xi32>,
    %add3A_457 = arith.constant 496 : i32
    %add3A_458 = arith.addi %mul3A_2, %add3A_457 : i32
    %add3A_459 = vector.broadcast %add3A_458 : i32 to vector<16xi32>
    %add3A_460 = arith.addi %add3A_459, %iota3A : vector<16xi32>
    %mul3A_461 = arith.constant 1000 : i32
    %mul3A_462 = vector.broadcast %mul3A_461 : i32 to vector<16xi32>
    %mul3A_463 = arith.muli %add3A_460, %mul3A_462 : vector<16xi32>
    %add3A_464 = arith.addi %get3A_456, %mul3A_463 : vector<16xi32>
    %swap3A_465 = arith.constant 3 : i32
    %swap3A_466 = arith.index_cast %swap3A_465 : i32 to index
    %swap3A_467 = arith.constant 112 : index
    %swap3A_468 = tpu.vector_load %arg7[%swap3A_466, %swap3A_467] {strides = array<i32>} : memref<26x128xi32, #tpu.memory_space<vmem>>, vector<16xi32>,
    tpu.vector_store %arg7[%swap3A_466, %swap3A_467], %add3A_464 {strides = array<i32>} : memref<26x128xi32, #tpu.memory_space<vmem>>, vector<16xi32>,
    %get3A_469 = arith.constant 512 : index
    %get3A_470 = tpu.vector_load %arg6[%get3A_469] {strides = array<i32>} : memref<3328xi32, #tpu.memory_space<vmem>>, vector<16xi32>,
    %add3A_471 = arith.constant 512 : i32
    %add3A_472 = arith.addi %mul3A_2, %add3A_471 : i32
    %add3A_473 = vector.broadcast %add3A_472 : i32 to vector<16xi32>
    %add3A_474 = arith.addi %add3A_473, %iota3A : vector<16xi32>
    %mul3A_475 = arith.constant 1000 : i32
    %mul3A_476 = vector.broadcast %mul3A_475 : i32 to vector<16xi32>
    %mul3A_477 = arith.muli %add3A_474, %mul3A_476 : vector<16xi32>
    %add3A_478 = arith.addi %get3A_470, %mul3A_477 : vector<16xi32>
    %swap3A_479 = arith.constant 4 : i32
    %swap3A_480 = arith.index_cast %swap3A_479 : i32 to index
    %swap3A_481 = arith.constant 0 : index
    %swap3A_482 = tpu.vector_load %arg7[%swap3A_480, %swap3A_481] {strides = array<i32>} : memref<26x128xi32, #tpu.memory_space<vmem>>, vector<16xi32>,
    tpu.vector_store %arg7[%swap3A_480, %swap3A_481], %add3A_478 {strides = array<i32>} : memref<26x128xi32, #tpu.memory_space<vmem>>, vector<16xi32>,
    %get3A_483 = arith.constant 528 : index
    %get3A_484 = tpu.vector_load %arg6[%get3A_483] {strides = array<i32>} : memref<3328xi32, #tpu.memory_space<vmem>>, vector<16xi32>,
    %add3A_485 = arith.constant 528 : i32
    %add3A_486 = arith.addi %mul3A_2, %add3A_485 : i32
    %add3A_487 = vector.broadcast %add3A_486 : i32 to vector<16xi32>
    %add3A_488 = arith.addi %add3A_487, %iota3A : vector<16xi32>
    %mul3A_489 = arith.constant 1000 : i32
    %mul3A_490 = vector.broadcast %mul3A_489 : i32 to vector<16xi32>
    %mul3A_491 = arith.muli %add3A_488, %mul3A_490 : vector<16xi32>
    %add3A_492 = arith.addi %get3A_484, %mul3A_491 : vector<16xi32>
    %swap3A_493 = arith.constant 4 : i32
    %swap3A_494 = arith.index_cast %swap3A_493 : i32 to index
    %swap3A_495 = arith.constant 16 : index
    %swap3A_496 = tpu.vector_load %arg7[%swap3A_494, %swap3A_495] {strides = array<i32>} : memref<26x128xi32, #tpu.memory_space<vmem>>, vector<16xi32>,
    tpu.vector_store %arg7[%swap3A_494, %swap3A_495], %add3A_492 {strides = array<i32>} : memref<26x128xi32, #tpu.memory_space<vmem>>, vector<16xi32>,
    %get3A_497 = arith.constant 544 : index
    %get3A_498 = tpu.vector_load %arg6[%get3A_497] {strides = array<i32>} : memref<3328xi32, #tpu.memory_space<vmem>>, vector<16xi32>,
    %add3A_499 = arith.constant 544 : i32
    %add3A_500 = arith.addi %mul3A_2, %add3A_499 : i32
    %add3A_501 = vector.broadcast %add3A_500 : i32 to vector<16xi32>
    %add3A_502 = arith.addi %add3A_501, %iota3A : vector<16xi32>
    %mul3A_503 = arith.constant 1000 : i32
    %mul3A_504 = vector.broadcast %mul3A_503 : i32 to vector<16xi32>
    %mul3A_505 = arith.muli %add3A_502, %mul3A_504 : vector<16xi32>
    %add3A_506 = arith.addi %get3A_498, %mul3A_505 : vector<16xi32>
    %swap3A_507 = arith.constant 4 : i32
    %swap3A_508 = arith.index_cast %swap3A_507 : i32 to index
    %swap3A_509 = arith.constant 32 : index
    %swap3A_510 = tpu.vector_load %arg7[%swap3A_508, %swap3A_509] {strides = array<i32>} : memref<26x128xi32, #tpu.memory_space<vmem>>, vector<16xi32>,
    tpu.vector_store %arg7[%swap3A_508, %swap3A_509], %add3A_506 {strides = array<i32>} : memref<26x128xi32, #tpu.memory_space<vmem>>, vector<16xi32>,
    %get3A_511 = arith.constant 560 : index
    %get3A_512 = tpu.vector_load %arg6[%get3A_511] {strides = array<i32>} : memref<3328xi32, #tpu.memory_space<vmem>>, vector<16xi32>,
    %add3A_513 = arith.constant 560 : i32
    %add3A_514 = arith.addi %mul3A_2, %add3A_513 : i32
    %add3A_515 = vector.broadcast %add3A_514 : i32 to vector<16xi32>
    %add3A_516 = arith.addi %add3A_515, %iota3A : vector<16xi32>
    %mul3A_517 = arith.constant 1000 : i32
    %mul3A_518 = vector.broadcast %mul3A_517 : i32 to vector<16xi32>
    %mul3A_519 = arith.muli %add3A_516, %mul3A_518 : vector<16xi32>
    %add3A_520 = arith.addi %get3A_512, %mul3A_519 : vector<16xi32>
    %swap3A_521 = arith.constant 4 : i32
    %swap3A_522 = arith.index_cast %swap3A_521 : i32 to index
    %swap3A_523 = arith.constant 48 : index
    %swap3A_524 = tpu.vector_load %arg7[%swap3A_522, %swap3A_523] {strides = array<i32>} : memref<26x128xi32, #tpu.memory_space<vmem>>, vector<16xi32>,
    tpu.vector_store %arg7[%swap3A_522, %swap3A_523], %add3A_520 {strides = array<i32>} : memref<26x128xi32, #tpu.memory_space<vmem>>, vector<16xi32>,
    %get3A_525 = arith.constant 576 : index
    %get3A_526 = tpu.vector_load %arg6[%get3A_525] {strides = array<i32>} : memref<3328xi32, #tpu.memory_space<vmem>>, vector<16xi32>,
    %add3A_527 = arith.constant 576 : i32
    %add3A_528 = arith.addi %mul3A_2, %add3A_527 : i32
    %add3A_529 = vector.broadcast %add3A_528 : i32 to vector<16xi32>
    %add3A_530 = arith.addi %add3A_529, %iota3A : vector<16xi32>
    %mul3A_531 = arith.constant 1000 : i32
    %mul3A_532 = vector.broadcast %mul3A_531 : i32 to vector<16xi32>
    %mul3A_533 = arith.muli %add3A_530, %mul3A_532 : vector<16xi32>
    %add3A_534 = arith.addi %get3A_526, %mul3A_533 : vector<16xi32>
    %swap3A_535 = arith.constant 4 : i32
    %swap3A_536 = arith.index_cast %swap3A_535 : i32 to index
    %swap3A_537 = arith.constant 64 : index
    %swap3A_538 = tpu.vector_load %arg7[%swap3A_536, %swap3A_537] {strides = array<i32>} : memref<26x128xi32, #tpu.memory_space<vmem>>, vector<16xi32>,
    tpu.vector_store %arg7[%swap3A_536, %swap3A_537], %add3A_534 {strides = array<i32>} : memref<26x128xi32, #tpu.memory_space<vmem>>, vector<16xi32>,
    %get3A_539 = arith.constant 592 : index
    %get3A_540 = tpu.vector_load %arg6[%get3A_539] {strides = array<i32>} : memref<3328xi32, #tpu.memory_space<vmem>>, vector<16xi32>,
    %add3A_541 = arith.constant 592 : i32
    %add3A_542 = arith.addi %mul3A_2, %add3A_541 : i32
    %add3A_543 = vector.broadcast %add3A_542 : i32 to vector<16xi32>
    %add3A_544 = arith.addi %add3A_543, %iota3A : vector<16xi32>
    %mul3A_545 = arith.constant 1000 : i32
    %mul3A_546 = vector.broadcast %mul3A_545 : i32 to vector<16xi32>
    %mul3A_547 = arith.muli %add3A_544, %mul3A_546 : vector<16xi32>
    %add3A_548 = arith.addi %get3A_540, %mul3A_547 : vector<16xi32>
    %swap3A_549 = arith.constant 4 : i32
    %swap3A_550 = arith.index_cast %swap3A_549 : i32 to index
    %swap3A_551 = arith.constant 80 : index
    %swap3A_552 = tpu.vector_load %arg7[%swap3A_550, %swap3A_551] {strides = array<i32>} : memref<26x128xi32, #tpu.memory_space<vmem>>, vector<16xi32>,
    tpu.vector_store %arg7[%swap3A_550, %swap3A_551], %add3A_548 {strides = array<i32>} : memref<26x128xi32, #tpu.memory_space<vmem>>, vector<16xi32>,
    %get3A_553 = arith.constant 608 : index
    %get3A_554 = tpu.vector_load %arg6[%get3A_553] {strides = array<i32>} : memref<3328xi32, #tpu.memory_space<vmem>>, vector<16xi32>,
    %add3A_555 = arith.constant 608 : i32
    %add3A_556 = arith.addi %mul3A_2, %add3A_555 : i32
    %add3A_557 = vector.broadcast %add3A_556 : i32 to vector<16xi32>
    %add3A_558 = arith.addi %add3A_557, %iota3A : vector<16xi32>
    %mul3A_559 = arith.constant 1000 : i32
    %mul3A_560 = vector.broadcast %mul3A_559 : i32 to vector<16xi32>
    %mul3A_561 = arith.muli %add3A_558, %mul3A_560 : vector<16xi32>
    %add3A_562 = arith.addi %get3A_554, %mul3A_561 : vector<16xi32>
    %swap3A_563 = arith.constant 4 : i32
    %swap3A_564 = arith.index_cast %swap3A_563 : i32 to index
    %swap3A_565 = arith.constant 96 : index
    %swap3A_566 = tpu.vector_load %arg7[%swap3A_564, %swap3A_565] {strides = array<i32>} : memref<26x128xi32, #tpu.memory_space<vmem>>, vector<16xi32>,
    tpu.vector_store %arg7[%swap3A_564, %swap3A_565], %add3A_562 {strides = array<i32>} : memref<26x128xi32, #tpu.memory_space<vmem>>, vector<16xi32>,
    %get3A_567 = arith.constant 624 : index
    %get3A_568 = tpu.vector_load %arg6[%get3A_567] {strides = array<i32>} : memref<3328xi32, #tpu.memory_space<vmem>>, vector<16xi32>,
    %add3A_569 = arith.constant 624 : i32
    %add3A_570 = arith.addi %mul3A_2, %add3A_569 : i32
    %add3A_571 = vector.broadcast %add3A_570 : i32 to vector<16xi32>
    %add3A_572 = arith.addi %add3A_571, %iota3A : vector<16xi32>
    %mul3A_573 = arith.constant 1000 : i32
    %mul3A_574 = vector.broadcast %mul3A_573 : i32 to vector<16xi32>
    %mul3A_575 = arith.muli %add3A_572, %mul3A_574 : vector<16xi32>
    %add3A_576 = arith.addi %get3A_568, %mul3A_575 : vector<16xi32>
    %swap3A_577 = arith.constant 4 : i32
    %swap3A_578 = arith.index_cast %swap3A_577 : i32 to index
    %swap3A_579 = arith.constant 112 : index
    %swap3A_580 = tpu.vector_load %arg7[%swap3A_578, %swap3A_579] {strides = array<i32>} : memref<26x128xi32, #tpu.memory_space<vmem>>, vector<16xi32>,
    tpu.vector_store %arg7[%swap3A_578, %swap3A_579], %add3A_576 {strides = array<i32>} : memref<26x128xi32, #tpu.memory_space<vmem>>, vector<16xi32>,
    %get3A_581 = arith.constant 640 : index
    %get3A_582 = tpu.vector_load %arg6[%get3A_581] {strides = array<i32>} : memref<3328xi32, #tpu.memory_space<vmem>>, vector<16xi32>,
    %add3A_583 = arith.constant 640 : i32
    %add3A_584 = arith.addi %mul3A_2, %add3A_583 : i32
    %add3A_585 = vector.broadcast %add3A_584 : i32 to vector<16xi32>
    %add3A_586 = arith.addi %add3A_585, %iota3A : vector<16xi32>
    %mul3A_587 = arith.constant 1000 : i32
    %mul3A_588 = vector.broadcast %mul3A_587 : i32 to vector<16xi32>
    %mul3A_589 = arith.muli %add3A_586, %mul3A_588 : vector<16xi32>
    %add3A_590 = arith.addi %get3A_582, %mul3A_589 : vector<16xi32>
    %swap3A_591 = arith.constant 5 : i32
    %swap3A_592 = arith.index_cast %swap3A_591 : i32 to index
    %swap3A_593 = arith.constant 0 : index
    %swap3A_594 = tpu.vector_load %arg7[%swap3A_592, %swap3A_593] {strides = array<i32>} : memref<26x128xi32, #tpu.memory_space<vmem>>, vector<16xi32>,
    tpu.vector_store %arg7[%swap3A_592, %swap3A_593], %add3A_590 {strides = array<i32>} : memref<26x128xi32, #tpu.memory_space<vmem>>, vector<16xi32>,
    %get3A_595 = arith.constant 656 : index
    %get3A_596 = tpu.vector_load %arg6[%get3A_595] {strides = array<i32>} : memref<3328xi32, #tpu.memory_space<vmem>>, vector<16xi32>,
    %add3A_597 = arith.constant 656 : i32
    %add3A_598 = arith.addi %mul3A_2, %add3A_597 : i32
    %add3A_599 = vector.broadcast %add3A_598 : i32 to vector<16xi32>
    %add3A_600 = arith.addi %add3A_599, %iota3A : vector<16xi32>
    %mul3A_601 = arith.constant 1000 : i32
    %mul3A_602 = vector.broadcast %mul3A_601 : i32 to vector<16xi32>
    %mul3A_603 = arith.muli %add3A_600, %mul3A_602 : vector<16xi32>
    %add3A_604 = arith.addi %get3A_596, %mul3A_603 : vector<16xi32>
    %swap3A_605 = arith.constant 5 : i32
    %swap3A_606 = arith.index_cast %swap3A_605 : i32 to index
    %swap3A_607 = arith.constant 16 : index
    %swap3A_608 = tpu.vector_load %arg7[%swap3A_606, %swap3A_607] {strides = array<i32>} : memref<26x128xi32, #tpu.memory_space<vmem>>, vector<16xi32>,
    tpu.vector_store %arg7[%swap3A_606, %swap3A_607], %add3A_604 {strides = array<i32>} : memref<26x128xi32, #tpu.memory_space<vmem>>, vector<16xi32>,
    %get3A_609 = arith.constant 672 : index
    %get3A_610 = tpu.vector_load %arg6[%get3A_609] {strides = array<i32>} : memref<3328xi32, #tpu.memory_space<vmem>>, vector<16xi32>,
    %add3A_611 = arith.constant 672 : i32
    %add3A_612 = arith.addi %mul3A_2, %add3A_611 : i32
    %add3A_613 = vector.broadcast %add3A_612 : i32 to vector<16xi32>
    %add3A_614 = arith.addi %add3A_613, %iota3A : vector<16xi32>
    %mul3A_615 = arith.constant 1000 : i32
    %mul3A_616 = vector.broadcast %mul3A_615 : i32 to vector<16xi32>
    %mul3A_617 = arith.muli %add3A_614, %mul3A_616 : vector<16xi32>
    %add3A_618 = arith.addi %get3A_610, %mul3A_617 : vector<16xi32>
    %swap3A_619 = arith.constant 5 : i32
    %swap3A_620 = arith.index_cast %swap3A_619 : i32 to index
    %swap3A_621 = arith.constant 32 : index
    %swap3A_622 = tpu.vector_load %arg7[%swap3A_620, %swap3A_621] {strides = array<i32>} : memref<26x128xi32, #tpu.memory_space<vmem>>, vector<16xi32>,
    tpu.vector_store %arg7[%swap3A_620, %swap3A_621], %add3A_618 {strides = array<i32>} : memref<26x128xi32, #tpu.memory_space<vmem>>, vector<16xi32>,
    %get3A_623 = arith.constant 688 : index
    %get3A_624 = tpu.vector_load %arg6[%get3A_623] {strides = array<i32>} : memref<3328xi32, #tpu.memory_space<vmem>>, vector<16xi32>,
    %add3A_625 = arith.constant 688 : i32
    %add3A_626 = arith.addi %mul3A_2, %add3A_625 : i32
    %add3A_627 = vector.broadcast %add3A_626 : i32 to vector<16xi32>
    %add3A_628 = arith.addi %add3A_627, %iota3A : vector<16xi32>
    %mul3A_629 = arith.constant 1000 : i32
    %mul3A_630 = vector.broadcast %mul3A_629 : i32 to vector<16xi32>
    %mul3A_631 = arith.muli %add3A_628, %mul3A_630 : vector<16xi32>
    %add3A_632 = arith.addi %get3A_624, %mul3A_631 : vector<16xi32>
    %swap3A_633 = arith.constant 5 : i32
    %swap3A_634 = arith.index_cast %swap3A_633 : i32 to index
    %swap3A_635 = arith.constant 48 : index
    %swap3A_636 = tpu.vector_load %arg7[%swap3A_634, %swap3A_635] {strides = array<i32>} : memref<26x128xi32, #tpu.memory_space<vmem>>, vector<16xi32>,
    tpu.vector_store %arg7[%swap3A_634, %swap3A_635], %add3A_632 {strides = array<i32>} : memref<26x128xi32, #tpu.memory_space<vmem>>, vector<16xi32>,
    %get3A_637 = arith.constant 704 : index
    %get3A_638 = tpu.vector_load %arg6[%get3A_637] {strides = array<i32>} : memref<3328xi32, #tpu.memory_space<vmem>>, vector<16xi32>,
    %add3A_639 = arith.constant 704 : i32
    %add3A_640 = arith.addi %mul3A_2, %add3A_639 : i32
    %add3A_641 = vector.broadcast %add3A_640 : i32 to vector<16xi32>
    %add3A_642 = arith.addi %add3A_641, %iota3A : vector<16xi32>
    %mul3A_643 = arith.constant 1000 : i32
    %mul3A_644 = vector.broadcast %mul3A_643 : i32 to vector<16xi32>
    %mul3A_645 = arith.muli %add3A_642, %mul3A_644 : vector<16xi32>
    %add3A_646 = arith.addi %get3A_638, %mul3A_645 : vector<16xi32>
    %swap3A_647 = arith.constant 5 : i32
    %swap3A_648 = arith.index_cast %swap3A_647 : i32 to index
    %swap3A_649 = arith.constant 64 : index
    %swap3A_650 = tpu.vector_load %arg7[%swap3A_648, %swap3A_649] {strides = array<i32>} : memref<26x128xi32, #tpu.memory_space<vmem>>, vector<16xi32>,
    tpu.vector_store %arg7[%swap3A_648, %swap3A_649], %add3A_646 {strides = array<i32>} : memref<26x128xi32, #tpu.memory_space<vmem>>, vector<16xi32>,
    %get3A_651 = arith.constant 720 : index
    %get3A_652 = tpu.vector_load %arg6[%get3A_651] {strides = array<i32>} : memref<3328xi32, #tpu.memory_space<vmem>>, vector<16xi32>,
    %add3A_653 = arith.constant 720 : i32
    %add3A_654 = arith.addi %mul3A_2, %add3A_653 : i32
    %add3A_655 = vector.broadcast %add3A_654 : i32 to vector<16xi32>
    %add3A_656 = arith.addi %add3A_655, %iota3A : vector<16xi32>
    %mul3A_657 = arith.constant 1000 : i32
    %mul3A_658 = vector.broadcast %mul3A_657 : i32 to vector<16xi32>
    %mul3A_659 = arith.muli %add3A_656, %mul3A_658 : vector<16xi32>
    %add3A_660 = arith.addi %get3A_652, %mul3A_659 : vector<16xi32>
    %swap3A_661 = arith.constant 5 : i32
    %swap3A_662 = arith.index_cast %swap3A_661 : i32 to index
    %swap3A_663 = arith.constant 80 : index
    %swap3A_664 = tpu.vector_load %arg7[%swap3A_662, %swap3A_663] {strides = array<i32>} : memref<26x128xi32, #tpu.memory_space<vmem>>, vector<16xi32>,
    tpu.vector_store %arg7[%swap3A_662, %swap3A_663], %add3A_660 {strides = array<i32>} : memref<26x128xi32, #tpu.memory_space<vmem>>, vector<16xi32>,
    %get3A_665 = arith.constant 736 : index
    %get3A_666 = tpu.vector_load %arg6[%get3A_665] {strides = array<i32>} : memref<3328xi32, #tpu.memory_space<vmem>>, vector<16xi32>,
    %add3A_667 = arith.constant 736 : i32
    %add3A_668 = arith.addi %mul3A_2, %add3A_667 : i32
    %add3A_669 = vector.broadcast %add3A_668 : i32 to vector<16xi32>
    %add3A_670 = arith.addi %add3A_669, %iota3A : vector<16xi32>
    %mul3A_671 = arith.constant 1000 : i32
    %mul3A_672 = vector.broadcast %mul3A_671 : i32 to vector<16xi32>
    %mul3A_673 = arith.muli %add3A_670, %mul3A_672 : vector<16xi32>
    %add3A_674 = arith.addi %get3A_666, %mul3A_673 : vector<16xi32>
    %swap3A_675 = arith.constant 5 : i32
    %swap3A_676 = arith.index_cast %swap3A_675 : i32 to index
    %swap3A_677 = arith.constant 96 : index
    %swap3A_678 = tpu.vector_load %arg7[%swap3A_676, %swap3A_677] {strides = array<i32>} : memref<26x128xi32, #tpu.memory_space<vmem>>, vector<16xi32>,
    tpu.vector_store %arg7[%swap3A_676, %swap3A_677], %add3A_674 {strides = array<i32>} : memref<26x128xi32, #tpu.memory_space<vmem>>, vector<16xi32>,
    %get3A_679 = arith.constant 752 : index
    %get3A_680 = tpu.vector_load %arg6[%get3A_679] {strides = array<i32>} : memref<3328xi32, #tpu.memory_space<vmem>>, vector<16xi32>,
    %add3A_681 = arith.constant 752 : i32
    %add3A_682 = arith.addi %mul3A_2, %add3A_681 : i32
    %add3A_683 = vector.broadcast %add3A_682 : i32 to vector<16xi32>
    %add3A_684 = arith.addi %add3A_683, %iota3A : vector<16xi32>
    %mul3A_685 = arith.constant 1000 : i32
    %mul3A_686 = vector.broadcast %mul3A_685 : i32 to vector<16xi32>
    %mul3A_687 = arith.muli %add3A_684, %mul3A_686 : vector<16xi32>
    %add3A_688 = arith.addi %get3A_680, %mul3A_687 : vector<16xi32>
    %swap3A_689 = arith.constant 5 : i32
    %swap3A_690 = arith.index_cast %swap3A_689 : i32 to index
    %swap3A_691 = arith.constant 112 : index
    %swap3A_692 = tpu.vector_load %arg7[%swap3A_690, %swap3A_691] {strides = array<i32>} : memref<26x128xi32, #tpu.memory_space<vmem>>, vector<16xi32>,
    tpu.vector_store %arg7[%swap3A_690, %swap3A_691], %add3A_688 {strides = array<i32>} : memref<26x128xi32, #tpu.memory_space<vmem>>, vector<16xi32>,
    %get3A_693 = arith.constant 768 : index
    %get3A_694 = tpu.vector_load %arg6[%get3A_693] {strides = array<i32>} : memref<3328xi32, #tpu.memory_space<vmem>>, vector<16xi32>,
    %add3A_695 = arith.constant 768 : i32
    %add3A_696 = arith.addi %mul3A_2, %add3A_695 : i32
    %add3A_697 = vector.broadcast %add3A_696 : i32 to vector<16xi32>
    %add3A_698 = arith.addi %add3A_697, %iota3A : vector<16xi32>
    %mul3A_699 = arith.constant 1000 : i32
    %mul3A_700 = vector.broadcast %mul3A_699 : i32 to vector<16xi32>
    %mul3A_701 = arith.muli %add3A_698, %mul3A_700 : vector<16xi32>
    %add3A_702 = arith.addi %get3A_694, %mul3A_701 : vector<16xi32>
    %swap3A_703 = arith.constant 6 : i32
    %swap3A_704 = arith.index_cast %swap3A_703 : i32 to index
    %swap3A_705 = arith.constant 0 : index
    %swap3A_706 = tpu.vector_load %arg7[%swap3A_704, %swap3A_705] {strides = array<i32>} : memref<26x128xi32, #tpu.memory_space<vmem>>, vector<16xi32>,
    tpu.vector_store %arg7[%swap3A_704, %swap3A_705], %add3A_702 {strides = array<i32>} : memref<26x128xi32, #tpu.memory_space<vmem>>, vector<16xi32>,
    %get3A_707 = arith.constant 784 : index
    %get3A_708 = tpu.vector_load %arg6[%get3A_707] {strides = array<i32>} : memref<3328xi32, #tpu.memory_space<vmem>>, vector<16xi32>,
    %add3A_709 = arith.constant 784 : i32
    %add3A_710 = arith.addi %mul3A_2, %add3A_709 : i32
    %add3A_711 = vector.broadcast %add3A_710 : i32 to vector<16xi32>
    %add3A_712 = arith.addi %add3A_711, %iota3A : vector<16xi32>
    %mul3A_713 = arith.constant 1000 : i32
    %mul3A_714 = vector.broadcast %mul3A_713 : i32 to vector<16xi32>
    %mul3A_715 = arith.muli %add3A_712, %mul3A_714 : vector<16xi32>
    %add3A_716 = arith.addi %get3A_708, %mul3A_715 : vector<16xi32>
    %swap3A_717 = arith.constant 6 : i32
    %swap3A_718 = arith.index_cast %swap3A_717 : i32 to index
    %swap3A_719 = arith.constant 16 : index
    %swap3A_720 = tpu.vector_load %arg7[%swap3A_718, %swap3A_719] {strides = array<i32>} : memref<26x128xi32, #tpu.memory_space<vmem>>, vector<16xi32>,
    tpu.vector_store %arg7[%swap3A_718, %swap3A_719], %add3A_716 {strides = array<i32>} : memref<26x128xi32, #tpu.memory_space<vmem>>, vector<16xi32>,
    %get3A_721 = arith.constant 800 : index
    %get3A_722 = tpu.vector_load %arg6[%get3A_721] {strides = array<i32>} : memref<3328xi32, #tpu.memory_space<vmem>>, vector<16xi32>,
    %add3A_723 = arith.constant 800 : i32
    %add3A_724 = arith.addi %mul3A_2, %add3A_723 : i32
    %add3A_725 = vector.broadcast %add3A_724 : i32 to vector<16xi32>
    %add3A_726 = arith.addi %add3A_725, %iota3A : vector<16xi32>
    %mul3A_727 = arith.constant 1000 : i32
    %mul3A_728 = vector.broadcast %mul3A_727 : i32 to vector<16xi32>
    %mul3A_729 = arith.muli %add3A_726, %mul3A_728 : vector<16xi32>
    %add3A_730 = arith.addi %get3A_722, %mul3A_729 : vector<16xi32>
    %swap3A_731 = arith.constant 6 : i32
    %swap3A_732 = arith.index_cast %swap3A_731 : i32 to index
    %swap3A_733 = arith.constant 32 : index
    %swap3A_734 = tpu.vector_load %arg7[%swap3A_732, %swap3A_733] {strides = array<i32>} : memref<26x128xi32, #tpu.memory_space<vmem>>, vector<16xi32>,
    tpu.vector_store %arg7[%swap3A_732, %swap3A_733], %add3A_730 {strides = array<i32>} : memref<26x128xi32, #tpu.memory_space<vmem>>, vector<16xi32>,
    %get3A_735 = arith.constant 816 : index
    %get3A_736 = tpu.vector_load %arg6[%get3A_735] {strides = array<i32>} : memref<3328xi32, #tpu.memory_space<vmem>>, vector<16xi32>,
    %add3A_737 = arith.constant 816 : i32
    %add3A_738 = arith.addi %mul3A_2, %add3A_737 : i32
    %add3A_739 = vector.broadcast %add3A_738 : i32 to vector<16xi32>
    %add3A_740 = arith.addi %add3A_739, %iota3A : vector<16xi32>
    %mul3A_741 = arith.constant 1000 : i32
    %mul3A_742 = vector.broadcast %mul3A_741 : i32 to vector<16xi32>
    %mul3A_743 = arith.muli %add3A_740, %mul3A_742 : vector<16xi32>
    %add3A_744 = arith.addi %get3A_736, %mul3A_743 : vector<16xi32>
    %swap3A_745 = arith.constant 6 : i32
    %swap3A_746 = arith.index_cast %swap3A_745 : i32 to index
    %swap3A_747 = arith.constant 48 : index
    %swap3A_748 = tpu.vector_load %arg7[%swap3A_746, %swap3A_747] {strides = array<i32>} : memref<26x128xi32, #tpu.memory_space<vmem>>, vector<16xi32>,
    tpu.vector_store %arg7[%swap3A_746, %swap3A_747], %add3A_744 {strides = array<i32>} : memref<26x128xi32, #tpu.memory_space<vmem>>, vector<16xi32>,
    %get3A_749 = arith.constant 832 : index
    %get3A_750 = tpu.vector_load %arg6[%get3A_749] {strides = array<i32>} : memref<3328xi32, #tpu.memory_space<vmem>>, vector<16xi32>,
    %add3A_751 = arith.constant 832 : i32
    %add3A_752 = arith.addi %mul3A_2, %add3A_751 : i32
    %add3A_753 = vector.broadcast %add3A_752 : i32 to vector<16xi32>
    %add3A_754 = arith.addi %add3A_753, %iota3A : vector<16xi32>
    %mul3A_755 = arith.constant 1000 : i32
    %mul3A_756 = vector.broadcast %mul3A_755 : i32 to vector<16xi32>
    %mul3A_757 = arith.muli %add3A_754, %mul3A_756 : vector<16xi32>
    %add3A_758 = arith.addi %get3A_750, %mul3A_757 : vector<16xi32>
    %swap3A_759 = arith.constant 6 : i32
    %swap3A_760 = arith.index_cast %swap3A_759 : i32 to index
    %swap3A_761 = arith.constant 64 : index
    %swap3A_762 = tpu.vector_load %arg7[%swap3A_760, %swap3A_761] {strides = array<i32>} : memref<26x128xi32, #tpu.memory_space<vmem>>, vector<16xi32>,
    tpu.vector_store %arg7[%swap3A_760, %swap3A_761], %add3A_758 {strides = array<i32>} : memref<26x128xi32, #tpu.memory_space<vmem>>, vector<16xi32>,
    %get3A_763 = arith.constant 848 : index
    %get3A_764 = tpu.vector_load %arg6[%get3A_763] {strides = array<i32>} : memref<3328xi32, #tpu.memory_space<vmem>>, vector<16xi32>,
    %add3A_765 = arith.constant 848 : i32
    %add3A_766 = arith.addi %mul3A_2, %add3A_765 : i32
    %add3A_767 = vector.broadcast %add3A_766 : i32 to vector<16xi32>
    %add3A_768 = arith.addi %add3A_767, %iota3A : vector<16xi32>
    %mul3A_769 = arith.constant 1000 : i32
    %mul3A_770 = vector.broadcast %mul3A_769 : i32 to vector<16xi32>
    %mul3A_771 = arith.muli %add3A_768, %mul3A_770 : vector<16xi32>
    %add3A_772 = arith.addi %get3A_764, %mul3A_771 : vector<16xi32>
    %swap3A_773 = arith.constant 6 : i32
    %swap3A_774 = arith.index_cast %swap3A_773 : i32 to index
    %swap3A_775 = arith.constant 80 : index
    %swap3A_776 = tpu.vector_load %arg7[%swap3A_774, %swap3A_775] {strides = array<i32>} : memref<26x128xi32, #tpu.memory_space<vmem>>, vector<16xi32>,
    tpu.vector_store %arg7[%swap3A_774, %swap3A_775], %add3A_772 {strides = array<i32>} : memref<26x128xi32, #tpu.memory_space<vmem>>, vector<16xi32>,
    %get3A_777 = arith.constant 864 : index
    %get3A_778 = tpu.vector_load %arg6[%get3A_777] {strides = array<i32>} : memref<3328xi32, #tpu.memory_space<vmem>>, vector<16xi32>,
    %add3A_779 = arith.constant 864 : i32
    %add3A_780 = arith.addi %mul3A_2, %add3A_779 : i32
    %add3A_781 = vector.broadcast %add3A_780 : i32 to vector<16xi32>
    %add3A_782 = arith.addi %add3A_781, %iota3A : vector<16xi32>
    %mul3A_783 = arith.constant 1000 : i32
    %mul3A_784 = vector.broadcast %mul3A_783 : i32 to vector<16xi32>
    %mul3A_785 = arith.muli %add3A_782, %mul3A_784 : vector<16xi32>
    %add3A_786 = arith.addi %get3A_778, %mul3A_785 : vector<16xi32>
    %swap3A_787 = arith.constant 6 : i32
    %swap3A_788 = arith.index_cast %swap3A_787 : i32 to index
    %swap3A_789 = arith.constant 96 : index
    %swap3A_790 = tpu.vector_load %arg7[%swap3A_788, %swap3A_789] {strides = array<i32>} : memref<26x128xi32, #tpu.memory_space<vmem>>, vector<16xi32>,
    tpu.vector_store %arg7[%swap3A_788, %swap3A_789], %add3A_786 {strides = array<i32>} : memref<26x128xi32, #tpu.memory_space<vmem>>, vector<16xi32>,
    %get3A_791 = arith.constant 880 : index
    %get3A_792 = tpu.vector_load %arg6[%get3A_791] {strides = array<i32>} : memref<3328xi32, #tpu.memory_space<vmem>>, vector<16xi32>,
    %add3A_793 = arith.constant 880 : i32
    %add3A_794 = arith.addi %mul3A_2, %add3A_793 : i32
    %add3A_795 = vector.broadcast %add3A_794 : i32 to vector<16xi32>
    %add3A_796 = arith.addi %add3A_795, %iota3A : vector<16xi32>
    %mul3A_797 = arith.constant 1000 : i32
    %mul3A_798 = vector.broadcast %mul3A_797 : i32 to vector<16xi32>
    %mul3A_799 = arith.muli %add3A_796, %mul3A_798 : vector<16xi32>
    %add3A_800 = arith.addi %get3A_792, %mul3A_799 : vector<16xi32>
    %swap3A_801 = arith.constant 6 : i32
    %swap3A_802 = arith.index_cast %swap3A_801 : i32 to index
    %swap3A_803 = arith.constant 112 : index
    %swap3A_804 = tpu.vector_load %arg7[%swap3A_802, %swap3A_803] {strides = array<i32>} : memref<26x128xi32, #tpu.memory_space<vmem>>, vector<16xi32>,
    tpu.vector_store %arg7[%swap3A_802, %swap3A_803], %add3A_800 {strides = array<i32>} : memref<26x128xi32, #tpu.memory_space<vmem>>, vector<16xi32>,
    %get3A_805 = arith.constant 896 : index
    %get3A_806 = tpu.vector_load %arg6[%get3A_805] {strides = array<i32>} : memref<3328xi32, #tpu.memory_space<vmem>>, vector<16xi32>,
    %add3A_807 = arith.constant 896 : i32
    %add3A_808 = arith.addi %mul3A_2, %add3A_807 : i32
    %add3A_809 = vector.broadcast %add3A_808 : i32 to vector<16xi32>
    %add3A_810 = arith.addi %add3A_809, %iota3A : vector<16xi32>
    %mul3A_811 = arith.constant 1000 : i32
    %mul3A_812 = vector.broadcast %mul3A_811 : i32 to vector<16xi32>
    %mul3A_813 = arith.muli %add3A_810, %mul3A_812 : vector<16xi32>
    %add3A_814 = arith.addi %get3A_806, %mul3A_813 : vector<16xi32>
    %swap3A_815 = arith.constant 7 : i32
    %swap3A_816 = arith.index_cast %swap3A_815 : i32 to index
    %swap3A_817 = arith.constant 0 : index
    %swap3A_818 = tpu.vector_load %arg7[%swap3A_816, %swap3A_817] {strides = array<i32>} : memref<26x128xi32, #tpu.memory_space<vmem>>, vector<16xi32>,
    tpu.vector_store %arg7[%swap3A_816, %swap3A_817], %add3A_814 {strides = array<i32>} : memref<26x128xi32, #tpu.memory_space<vmem>>, vector<16xi32>,
    %get3A_819 = arith.constant 912 : index
    %get3A_820 = tpu.vector_load %arg6[%get3A_819] {strides = array<i32>} : memref<3328xi32, #tpu.memory_space<vmem>>, vector<16xi32>,
    %add3A_821 = arith.constant 912 : i32
    %add3A_822 = arith.addi %mul3A_2, %add3A_821 : i32
    %add3A_823 = vector.broadcast %add3A_822 : i32 to vector<16xi32>
    %add3A_824 = arith.addi %add3A_823, %iota3A : vector<16xi32>
    %mul3A_825 = arith.constant 1000 : i32
    %mul3A_826 = vector.broadcast %mul3A_825 : i32 to vector<16xi32>
    %mul3A_827 = arith.muli %add3A_824, %mul3A_826 : vector<16xi32>
    %add3A_828 = arith.addi %get3A_820, %mul3A_827 : vector<16xi32>
    %swap3A_829 = arith.constant 7 : i32
    %swap3A_830 = arith.index_cast %swap3A_829 : i32 to index
    %swap3A_831 = arith.constant 16 : index
    %swap3A_832 = tpu.vector_load %arg7[%swap3A_830, %swap3A_831] {strides = array<i32>} : memref<26x128xi32, #tpu.memory_space<vmem>>, vector<16xi32>,
    tpu.vector_store %arg7[%swap3A_830, %swap3A_831], %add3A_828 {strides = array<i32>} : memref<26x128xi32, #tpu.memory_space<vmem>>, vector<16xi32>,
    %get3A_833 = arith.constant 928 : index
    %get3A_834 = tpu.vector_load %arg6[%get3A_833] {strides = array<i32>} : memref<3328xi32, #tpu.memory_space<vmem>>, vector<16xi32>,
    %add3A_835 = arith.constant 928 : i32
    %add3A_836 = arith.addi %mul3A_2, %add3A_835 : i32
    %add3A_837 = vector.broadcast %add3A_836 : i32 to vector<16xi32>
    %add3A_838 = arith.addi %add3A_837, %iota3A : vector<16xi32>
    %mul3A_839 = arith.constant 1000 : i32
    %mul3A_840 = vector.broadcast %mul3A_839 : i32 to vector<16xi32>
    %mul3A_841 = arith.muli %add3A_838, %mul3A_840 : vector<16xi32>
    %add3A_842 = arith.addi %get3A_834, %mul3A_841 : vector<16xi32>
    %swap3A_843 = arith.constant 7 : i32
    %swap3A_844 = arith.index_cast %swap3A_843 : i32 to index
    %swap3A_845 = arith.constant 32 : index
    %swap3A_846 = tpu.vector_load %arg7[%swap3A_844, %swap3A_845] {strides = array<i32>} : memref<26x128xi32, #tpu.memory_space<vmem>>, vector<16xi32>,
    tpu.vector_store %arg7[%swap3A_844, %swap3A_845], %add3A_842 {strides = array<i32>} : memref<26x128xi32, #tpu.memory_space<vmem>>, vector<16xi32>,
    %get3A_847 = arith.constant 944 : index
    %get3A_848 = tpu.vector_load %arg6[%get3A_847] {strides = array<i32>} : memref<3328xi32, #tpu.memory_space<vmem>>, vector<16xi32>,
    %add3A_849 = arith.constant 944 : i32
    %add3A_850 = arith.addi %mul3A_2, %add3A_849 : i32
    %add3A_851 = vector.broadcast %add3A_850 : i32 to vector<16xi32>
    %add3A_852 = arith.addi %add3A_851, %iota3A : vector<16xi32>
    %mul3A_853 = arith.constant 1000 : i32
    %mul3A_854 = vector.broadcast %mul3A_853 : i32 to vector<16xi32>
    %mul3A_855 = arith.muli %add3A_852, %mul3A_854 : vector<16xi32>
    %add3A_856 = arith.addi %get3A_848, %mul3A_855 : vector<16xi32>
    %swap3A_857 = arith.constant 7 : i32
    %swap3A_858 = arith.index_cast %swap3A_857 : i32 to index
    %swap3A_859 = arith.constant 48 : index
    %swap3A_860 = tpu.vector_load %arg7[%swap3A_858, %swap3A_859] {strides = array<i32>} : memref<26x128xi32, #tpu.memory_space<vmem>>, vector<16xi32>,
    tpu.vector_store %arg7[%swap3A_858, %swap3A_859], %add3A_856 {strides = array<i32>} : memref<26x128xi32, #tpu.memory_space<vmem>>, vector<16xi32>,
    %get3A_861 = arith.constant 960 : index
    %get3A_862 = tpu.vector_load %arg6[%get3A_861] {strides = array<i32>} : memref<3328xi32, #tpu.memory_space<vmem>>, vector<16xi32>,
    %add3A_863 = arith.constant 960 : i32
    %add3A_864 = arith.addi %mul3A_2, %add3A_863 : i32
    %add3A_865 = vector.broadcast %add3A_864 : i32 to vector<16xi32>
    %add3A_866 = arith.addi %add3A_865, %iota3A : vector<16xi32>
    %mul3A_867 = arith.constant 1000 : i32
    %mul3A_868 = vector.broadcast %mul3A_867 : i32 to vector<16xi32>
    %mul3A_869 = arith.muli %add3A_866, %mul3A_868 : vector<16xi32>
    %add3A_870 = arith.addi %get3A_862, %mul3A_869 : vector<16xi32>
    %swap3A_871 = arith.constant 7 : i32
    %swap3A_872 = arith.index_cast %swap3A_871 : i32 to index
    %swap3A_873 = arith.constant 64 : index
    %swap3A_874 = tpu.vector_load %arg7[%swap3A_872, %swap3A_873] {strides = array<i32>} : memref<26x128xi32, #tpu.memory_space<vmem>>, vector<16xi32>,
    tpu.vector_store %arg7[%swap3A_872, %swap3A_873], %add3A_870 {strides = array<i32>} : memref<26x128xi32, #tpu.memory_space<vmem>>, vector<16xi32>,
    %get3A_875 = arith.constant 976 : index
    %get3A_876 = tpu.vector_load %arg6[%get3A_875] {strides = array<i32>} : memref<3328xi32, #tpu.memory_space<vmem>>, vector<16xi32>,
    %add3A_877 = arith.constant 976 : i32
    %add3A_878 = arith.addi %mul3A_2, %add3A_877 : i32
    %add3A_879 = vector.broadcast %add3A_878 : i32 to vector<16xi32>
    %add3A_880 = arith.addi %add3A_879, %iota3A : vector<16xi32>
    %mul3A_881 = arith.constant 1000 : i32
    %mul3A_882 = vector.broadcast %mul3A_881 : i32 to vector<16xi32>
    %mul3A_883 = arith.muli %add3A_880, %mul3A_882 : vector<16xi32>
    %add3A_884 = arith.addi %get3A_876, %mul3A_883 : vector<16xi32>
    %swap3A_885 = arith.constant 7 : i32
    %swap3A_886 = arith.index_cast %swap3A_885 : i32 to index
    %swap3A_887 = arith.constant 80 : index
    %swap3A_888 = tpu.vector_load %arg7[%swap3A_886, %swap3A_887] {strides = array<i32>} : memref<26x128xi32, #tpu.memory_space<vmem>>, vector<16xi32>,
    tpu.vector_store %arg7[%swap3A_886, %swap3A_887], %add3A_884 {strides = array<i32>} : memref<26x128xi32, #tpu.memory_space<vmem>>, vector<16xi32>,
    %get3A_889 = arith.constant 992 : index
    %get3A_890 = tpu.vector_load %arg6[%get3A_889] {strides = array<i32>} : memref<3328xi32, #tpu.memory_space<vmem>>, vector<16xi32>,
    %add3A_891 = arith.constant 992 : i32
    %add3A_892 = arith.addi %mul3A_2, %add3A_891 : i32
    %add3A_893 = vector.broadcast %add3A_892 : i32 to vector<16xi32>
    %add3A_894 = arith.addi %add3A_893, %iota3A : vector<16xi32>
    %mul3A_895 = arith.constant 1000 : i32
    %mul3A_896 = vector.broadcast %mul3A_895 : i32 to vector<16xi32>
    %mul3A_897 = arith.muli %add3A_894, %mul3A_896 : vector<16xi32>
    %add3A_898 = arith.addi %get3A_890, %mul3A_897 : vector<16xi32>
    %swap3A_899 = arith.constant 7 : i32
    %swap3A_900 = arith.index_cast %swap3A_899 : i32 to index
    %swap3A_901 = arith.constant 96 : index
    %swap3A_902 = tpu.vector_load %arg7[%swap3A_900, %swap3A_901] {strides = array<i32>} : memref<26x128xi32, #tpu.memory_space<vmem>>, vector<16xi32>,
    tpu.vector_store %arg7[%swap3A_900, %swap3A_901], %add3A_898 {strides = array<i32>} : memref<26x128xi32, #tpu.memory_space<vmem>>, vector<16xi32>,
    %get3A_903 = arith.constant 1008 : index
    %get3A_904 = tpu.vector_load %arg6[%get3A_903] {strides = array<i32>} : memref<3328xi32, #tpu.memory_space<vmem>>, vector<16xi32>,
    %add3A_905 = arith.constant 1008 : i32
    %add3A_906 = arith.addi %mul3A_2, %add3A_905 : i32
    %add3A_907 = vector.broadcast %add3A_906 : i32 to vector<16xi32>
    %add3A_908 = arith.addi %add3A_907, %iota3A : vector<16xi32>
    %mul3A_909 = arith.constant 1000 : i32
    %mul3A_910 = vector.broadcast %mul3A_909 : i32 to vector<16xi32>
    %mul3A_911 = arith.muli %add3A_908, %mul3A_910 : vector<16xi32>
    %add3A_912 = arith.addi %get3A_904, %mul3A_911 : vector<16xi32>
    %swap3A_913 = arith.constant 7 : i32
    %swap3A_914 = arith.index_cast %swap3A_913 : i32 to index
    %swap3A_915 = arith.constant 112 : index
    %swap3A_916 = tpu.vector_load %arg7[%swap3A_914, %swap3A_915] {strides = array<i32>} : memref<26x128xi32, #tpu.memory_space<vmem>>, vector<16xi32>,
    tpu.vector_store %arg7[%swap3A_914, %swap3A_915], %add3A_912 {strides = array<i32>} : memref<26x128xi32, #tpu.memory_space<vmem>>, vector<16xi32>,
    %get3A_917 = arith.constant 1024 : index
    %get3A_918 = tpu.vector_load %arg6[%get3A_917] {strides = array<i32>} : memref<3328xi32, #tpu.memory_space<vmem>>, vector<16xi32>,
    %add3A_919 = arith.constant 1024 : i32
    %add3A_920 = arith.addi %mul3A_2, %add3A_919 : i32
    %add3A_921 = vector.broadcast %add3A_920 : i32 to vector<16xi32>
    %add3A_922 = arith.addi %add3A_921, %iota3A : vector<16xi32>
    %mul3A_923 = arith.constant 1000 : i32
    %mul3A_924 = vector.broadcast %mul3A_923 : i32 to vector<16xi32>
    %mul3A_925 = arith.muli %add3A_922, %mul3A_924 : vector<16xi32>
    %add3A_926 = arith.addi %get3A_918, %mul3A_925 : vector<16xi32>
    %swap3A_927 = arith.constant 8 : i32
    %swap3A_928 = arith.index_cast %swap3A_927 : i32 to index
    %swap3A_929 = arith.constant 0 : index
    %swap3A_930 = tpu.vector_load %arg7[%swap3A_928, %swap3A_929] {strides = array<i32>} : memref<26x128xi32, #tpu.memory_space<vmem>>, vector<16xi32>,
    tpu.vector_store %arg7[%swap3A_928, %swap3A_929], %add3A_926 {strides = array<i32>} : memref<26x128xi32, #tpu.memory_space<vmem>>, vector<16xi32>,
    %get3A_931 = arith.constant 1040 : index
    %get3A_932 = tpu.vector_load %arg6[%get3A_931] {strides = array<i32>} : memref<3328xi32, #tpu.memory_space<vmem>>, vector<16xi32>,
    %add3A_933 = arith.constant 1040 : i32
    %add3A_934 = arith.addi %mul3A_2, %add3A_933 : i32
    %add3A_935 = vector.broadcast %add3A_934 : i32 to vector<16xi32>
    %add3A_936 = arith.addi %add3A_935, %iota3A : vector<16xi32>
    %mul3A_937 = arith.constant 1000 : i32
    %mul3A_938 = vector.broadcast %mul3A_937 : i32 to vector<16xi32>
    %mul3A_939 = arith.muli %add3A_936, %mul3A_938 : vector<16xi32>
    %add3A_940 = arith.addi %get3A_932, %mul3A_939 : vector<16xi32>
    %swap3A_941 = arith.constant 8 : i32
    %swap3A_942 = arith.index_cast %swap3A_941 : i32 to index
    %swap3A_943 = arith.constant 16 : index
    %swap3A_944 = tpu.vector_load %arg7[%swap3A_942, %swap3A_943] {strides = array<i32>} : memref<26x128xi32, #tpu.memory_space<vmem>>, vector<16xi32>,
    tpu.vector_store %arg7[%swap3A_942, %swap3A_943], %add3A_940 {strides = array<i32>} : memref<26x128xi32, #tpu.memory_space<vmem>>, vector<16xi32>,
    %get3A_945 = arith.constant 1056 : index
    %get3A_946 = tpu.vector_load %arg6[%get3A_945] {strides = array<i32>} : memref<3328xi32, #tpu.memory_space<vmem>>, vector<16xi32>,
    %add3A_947 = arith.constant 1056 : i32
    %add3A_948 = arith.addi %mul3A_2, %add3A_947 : i32
    %add3A_949 = vector.broadcast %add3A_948 : i32 to vector<16xi32>
    %add3A_950 = arith.addi %add3A_949, %iota3A : vector<16xi32>
    %mul3A_951 = arith.constant 1000 : i32
    %mul3A_952 = vector.broadcast %mul3A_951 : i32 to vector<16xi32>
    %mul3A_953 = arith.muli %add3A_950, %mul3A_952 : vector<16xi32>
    %add3A_954 = arith.addi %get3A_946, %mul3A_953 : vector<16xi32>
    %swap3A_955 = arith.constant 8 : i32
    %swap3A_956 = arith.index_cast %swap3A_955 : i32 to index
    %swap3A_957 = arith.constant 32 : index
    %swap3A_958 = tpu.vector_load %arg7[%swap3A_956, %swap3A_957] {strides = array<i32>} : memref<26x128xi32, #tpu.memory_space<vmem>>, vector<16xi32>,
    tpu.vector_store %arg7[%swap3A_956, %swap3A_957], %add3A_954 {strides = array<i32>} : memref<26x128xi32, #tpu.memory_space<vmem>>, vector<16xi32>,
    %get3A_959 = arith.constant 1072 : index
    %get3A_960 = tpu.vector_load %arg6[%get3A_959] {strides = array<i32>} : memref<3328xi32, #tpu.memory_space<vmem>>, vector<16xi32>,
    %add3A_961 = arith.constant 1072 : i32
    %add3A_962 = arith.addi %mul3A_2, %add3A_961 : i32
    %add3A_963 = vector.broadcast %add3A_962 : i32 to vector<16xi32>
    %add3A_964 = arith.addi %add3A_963, %iota3A : vector<16xi32>
    %mul3A_965 = arith.constant 1000 : i32
    %mul3A_966 = vector.broadcast %mul3A_965 : i32 to vector<16xi32>
    %mul3A_967 = arith.muli %add3A_964, %mul3A_966 : vector<16xi32>
    %add3A_968 = arith.addi %get3A_960, %mul3A_967 : vector<16xi32>
    %swap3A_969 = arith.constant 8 : i32
    %swap3A_970 = arith.index_cast %swap3A_969 : i32 to index
    %swap3A_971 = arith.constant 48 : index
    %swap3A_972 = tpu.vector_load %arg7[%swap3A_970, %swap3A_971] {strides = array<i32>} : memref<26x128xi32, #tpu.memory_space<vmem>>, vector<16xi32>,
    tpu.vector_store %arg7[%swap3A_970, %swap3A_971], %add3A_968 {strides = array<i32>} : memref<26x128xi32, #tpu.memory_space<vmem>>, vector<16xi32>,
    %get3A_973 = arith.constant 1088 : index
    %get3A_974 = tpu.vector_load %arg6[%get3A_973] {strides = array<i32>} : memref<3328xi32, #tpu.memory_space<vmem>>, vector<16xi32>,
    %add3A_975 = arith.constant 1088 : i32
    %add3A_976 = arith.addi %mul3A_2, %add3A_975 : i32
    %add3A_977 = vector.broadcast %add3A_976 : i32 to vector<16xi32>
    %add3A_978 = arith.addi %add3A_977, %iota3A : vector<16xi32>
    %mul3A_979 = arith.constant 1000 : i32
    %mul3A_980 = vector.broadcast %mul3A_979 : i32 to vector<16xi32>
    %mul3A_981 = arith.muli %add3A_978, %mul3A_980 : vector<16xi32>
    %add3A_982 = arith.addi %get3A_974, %mul3A_981 : vector<16xi32>
    %swap3A_983 = arith.constant 8 : i32
    %swap3A_984 = arith.index_cast %swap3A_983 : i32 to index
    %swap3A_985 = arith.constant 64 : index
    %swap3A_986 = tpu.vector_load %arg7[%swap3A_984, %swap3A_985] {strides = array<i32>} : memref<26x128xi32, #tpu.memory_space<vmem>>, vector<16xi32>,
    tpu.vector_store %arg7[%swap3A_984, %swap3A_985], %add3A_982 {strides = array<i32>} : memref<26x128xi32, #tpu.memory_space<vmem>>, vector<16xi32>,
    %get3A_987 = arith.constant 1104 : index
    %get3A_988 = tpu.vector_load %arg6[%get3A_987] {strides = array<i32>} : memref<3328xi32, #tpu.memory_space<vmem>>, vector<16xi32>,
    %add3A_989 = arith.constant 1104 : i32
    %add3A_990 = arith.addi %mul3A_2, %add3A_989 : i32
    %add3A_991 = vector.broadcast %add3A_990 : i32 to vector<16xi32>
    %add3A_992 = arith.addi %add3A_991, %iota3A : vector<16xi32>
    %mul3A_993 = arith.constant 1000 : i32
    %mul3A_994 = vector.broadcast %mul3A_993 : i32 to vector<16xi32>
    %mul3A_995 = arith.muli %add3A_992, %mul3A_994 : vector<16xi32>
    %add3A_996 = arith.addi %get3A_988, %mul3A_995 : vector<16xi32>
    %swap3A_997 = arith.constant 8 : i32
    %swap3A_998 = arith.index_cast %swap3A_997 : i32 to index
    %swap3A_999 = arith.constant 80 : index
    %swap3A_1000 = tpu.vector_load %arg7[%swap3A_998, %swap3A_999] {strides = array<i32>} : memref<26x128xi32, #tpu.memory_space<vmem>>, vector<16xi32>,
    tpu.vector_store %arg7[%swap3A_998, %swap3A_999], %add3A_996 {strides = array<i32>} : memref<26x128xi32, #tpu.memory_space<vmem>>, vector<16xi32>,
    %get3A_1001 = arith.constant 1120 : index
    %get3A_1002 = tpu.vector_load %arg6[%get3A_1001] {strides = array<i32>} : memref<3328xi32, #tpu.memory_space<vmem>>, vector<16xi32>,
    %add3A_1003 = arith.constant 1120 : i32
    %add3A_1004 = arith.addi %mul3A_2, %add3A_1003 : i32
    %add3A_1005 = vector.broadcast %add3A_1004 : i32 to vector<16xi32>
    %add3A_1006 = arith.addi %add3A_1005, %iota3A : vector<16xi32>
    %mul3A_1007 = arith.constant 1000 : i32
    %mul3A_1008 = vector.broadcast %mul3A_1007 : i32 to vector<16xi32>
    %mul3A_1009 = arith.muli %add3A_1006, %mul3A_1008 : vector<16xi32>
    %add3A_1010 = arith.addi %get3A_1002, %mul3A_1009 : vector<16xi32>
    %swap3A_1011 = arith.constant 8 : i32
    %swap3A_1012 = arith.index_cast %swap3A_1011 : i32 to index
    %swap3A_1013 = arith.constant 96 : index
    %swap3A_1014 = tpu.vector_load %arg7[%swap3A_1012, %swap3A_1013] {strides = array<i32>} : memref<26x128xi32, #tpu.memory_space<vmem>>, vector<16xi32>,
    tpu.vector_store %arg7[%swap3A_1012, %swap3A_1013], %add3A_1010 {strides = array<i32>} : memref<26x128xi32, #tpu.memory_space<vmem>>, vector<16xi32>,
    %get3A_1015 = arith.constant 1136 : index
    %get3A_1016 = tpu.vector_load %arg6[%get3A_1015] {strides = array<i32>} : memref<3328xi32, #tpu.memory_space<vmem>>, vector<16xi32>,
    %add3A_1017 = arith.constant 1136 : i32
    %add3A_1018 = arith.addi %mul3A_2, %add3A_1017 : i32
    %add3A_1019 = vector.broadcast %add3A_1018 : i32 to vector<16xi32>
    %add3A_1020 = arith.addi %add3A_1019, %iota3A : vector<16xi32>
    %mul3A_1021 = arith.constant 1000 : i32
    %mul3A_1022 = vector.broadcast %mul3A_1021 : i32 to vector<16xi32>
    %mul3A_1023 = arith.muli %add3A_1020, %mul3A_1022 : vector<16xi32>
    %add3A_1024 = arith.addi %get3A_1016, %mul3A_1023 : vector<16xi32>
    %swap3A_1025 = arith.constant 8 : i32
    %swap3A_1026 = arith.index_cast %swap3A_1025 : i32 to index
    %swap3A_1027 = arith.constant 112 : index
    %swap3A_1028 = tpu.vector_load %arg7[%swap3A_1026, %swap3A_1027] {strides = array<i32>} : memref<26x128xi32, #tpu.memory_space<vmem>>, vector<16xi32>,
    tpu.vector_store %arg7[%swap3A_1026, %swap3A_1027], %add3A_1024 {strides = array<i32>} : memref<26x128xi32, #tpu.memory_space<vmem>>, vector<16xi32>,
    %get3A_1029 = arith.constant 1152 : index
    %get3A_1030 = tpu.vector_load %arg6[%get3A_1029] {strides = array<i32>} : memref<3328xi32, #tpu.memory_space<vmem>>, vector<16xi32>,
    %add3A_1031 = arith.constant 1152 : i32
    %add3A_1032 = arith.addi %mul3A_2, %add3A_1031 : i32
    %add3A_1033 = vector.broadcast %add3A_1032 : i32 to vector<16xi32>
    %add3A_1034 = arith.addi %add3A_1033, %iota3A : vector<16xi32>
    %mul3A_1035 = arith.constant 1000 : i32
    %mul3A_1036 = vector.broadcast %mul3A_1035 : i32 to vector<16xi32>
    %mul3A_1037 = arith.muli %add3A_1034, %mul3A_1036 : vector<16xi32>
    %add3A_1038 = arith.addi %get3A_1030, %mul3A_1037 : vector<16xi32>
    %swap3A_1039 = arith.constant 9 : i32
    %swap3A_1040 = arith.index_cast %swap3A_1039 : i32 to index
    %swap3A_1041 = arith.constant 0 : index
    %swap3A_1042 = tpu.vector_load %arg7[%swap3A_1040, %swap3A_1041] {strides = array<i32>} : memref<26x128xi32, #tpu.memory_space<vmem>>, vector<16xi32>,
    tpu.vector_store %arg7[%swap3A_1040, %swap3A_1041], %add3A_1038 {strides = array<i32>} : memref<26x128xi32, #tpu.memory_space<vmem>>, vector<16xi32>,
    %get3A_1043 = arith.constant 1168 : index
    %get3A_1044 = tpu.vector_load %arg6[%get3A_1043] {strides = array<i32>} : memref<3328xi32, #tpu.memory_space<vmem>>, vector<16xi32>,
    %add3A_1045 = arith.constant 1168 : i32
    %add3A_1046 = arith.addi %mul3A_2, %add3A_1045 : i32
    %add3A_1047 = vector.broadcast %add3A_1046 : i32 to vector<16xi32>
    %add3A_1048 = arith.addi %add3A_1047, %iota3A : vector<16xi32>
    %mul3A_1049 = arith.constant 1000 : i32
    %mul3A_1050 = vector.broadcast %mul3A_1049 : i32 to vector<16xi32>
    %mul3A_1051 = arith.muli %add3A_1048, %mul3A_1050 : vector<16xi32>
    %add3A_1052 = arith.addi %get3A_1044, %mul3A_1051 : vector<16xi32>
    %swap3A_1053 = arith.constant 9 : i32
    %swap3A_1054 = arith.index_cast %swap3A_1053 : i32 to index
    %swap3A_1055 = arith.constant 16 : index
    %swap3A_1056 = tpu.vector_load %arg7[%swap3A_1054, %swap3A_1055] {strides = array<i32>} : memref<26x128xi32, #tpu.memory_space<vmem>>, vector<16xi32>,
    tpu.vector_store %arg7[%swap3A_1054, %swap3A_1055], %add3A_1052 {strides = array<i32>} : memref<26x128xi32, #tpu.memory_space<vmem>>, vector<16xi32>,
    %get3A_1057 = arith.constant 1184 : index
    %get3A_1058 = tpu.vector_load %arg6[%get3A_1057] {strides = array<i32>} : memref<3328xi32, #tpu.memory_space<vmem>>, vector<16xi32>,
    %add3A_1059 = arith.constant 1184 : i32
    %add3A_1060 = arith.addi %mul3A_2, %add3A_1059 : i32
    %add3A_1061 = vector.broadcast %add3A_1060 : i32 to vector<16xi32>
    %add3A_1062 = arith.addi %add3A_1061, %iota3A : vector<16xi32>
    %mul3A_1063 = arith.constant 1000 : i32
    %mul3A_1064 = vector.broadcast %mul3A_1063 : i32 to vector<16xi32>
    %mul3A_1065 = arith.muli %add3A_1062, %mul3A_1064 : vector<16xi32>
    %add3A_1066 = arith.addi %get3A_1058, %mul3A_1065 : vector<16xi32>
    %swap3A_1067 = arith.constant 9 : i32
    %swap3A_1068 = arith.index_cast %swap3A_1067 : i32 to index
    %swap3A_1069 = arith.constant 32 : index
    %swap3A_1070 = tpu.vector_load %arg7[%swap3A_1068, %swap3A_1069] {strides = array<i32>} : memref<26x128xi32, #tpu.memory_space<vmem>>, vector<16xi32>,
    tpu.vector_store %arg7[%swap3A_1068, %swap3A_1069], %add3A_1066 {strides = array<i32>} : memref<26x128xi32, #tpu.memory_space<vmem>>, vector<16xi32>,
    %get3A_1071 = arith.constant 1200 : index
    %get3A_1072 = tpu.vector_load %arg6[%get3A_1071] {strides = array<i32>} : memref<3328xi32, #tpu.memory_space<vmem>>, vector<16xi32>,
    %add3A_1073 = arith.constant 1200 : i32
    %add3A_1074 = arith.addi %mul3A_2, %add3A_1073 : i32
    %add3A_1075 = vector.broadcast %add3A_1074 : i32 to vector<16xi32>
    %add3A_1076 = arith.addi %add3A_1075, %iota3A : vector<16xi32>
    %mul3A_1077 = arith.constant 1000 : i32
    %mul3A_1078 = vector.broadcast %mul3A_1077 : i32 to vector<16xi32>
    %mul3A_1079 = arith.muli %add3A_1076, %mul3A_1078 : vector<16xi32>
    %add3A_1080 = arith.addi %get3A_1072, %mul3A_1079 : vector<16xi32>
    %swap3A_1081 = arith.constant 9 : i32
    %swap3A_1082 = arith.index_cast %swap3A_1081 : i32 to index
    %swap3A_1083 = arith.constant 48 : index
    %swap3A_1084 = tpu.vector_load %arg7[%swap3A_1082, %swap3A_1083] {strides = array<i32>} : memref<26x128xi32, #tpu.memory_space<vmem>>, vector<16xi32>,
    tpu.vector_store %arg7[%swap3A_1082, %swap3A_1083], %add3A_1080 {strides = array<i32>} : memref<26x128xi32, #tpu.memory_space<vmem>>, vector<16xi32>,
    %get3A_1085 = arith.constant 1216 : index
    %get3A_1086 = tpu.vector_load %arg6[%get3A_1085] {strides = array<i32>} : memref<3328xi32, #tpu.memory_space<vmem>>, vector<16xi32>,
    %add3A_1087 = arith.constant 1216 : i32
    %add3A_1088 = arith.addi %mul3A_2, %add3A_1087 : i32
    %add3A_1089 = vector.broadcast %add3A_1088 : i32 to vector<16xi32>
    %add3A_1090 = arith.addi %add3A_1089, %iota3A : vector<16xi32>
    %mul3A_1091 = arith.constant 1000 : i32
    %mul3A_1092 = vector.broadcast %mul3A_1091 : i32 to vector<16xi32>
    %mul3A_1093 = arith.muli %add3A_1090, %mul3A_1092 : vector<16xi32>
    %add3A_1094 = arith.addi %get3A_1086, %mul3A_1093 : vector<16xi32>
    %swap3A_1095 = arith.constant 9 : i32
    %swap3A_1096 = arith.index_cast %swap3A_1095 : i32 to index
    %swap3A_1097 = arith.constant 64 : index
    %swap3A_1098 = tpu.vector_load %arg7[%swap3A_1096, %swap3A_1097] {strides = array<i32>} : memref<26x128xi32, #tpu.memory_space<vmem>>, vector<16xi32>,
    tpu.vector_store %arg7[%swap3A_1096, %swap3A_1097], %add3A_1094 {strides = array<i32>} : memref<26x128xi32, #tpu.memory_space<vmem>>, vector<16xi32>,
    %get3A_1099 = arith.constant 1232 : index
    %get3A_1100 = tpu.vector_load %arg6[%get3A_1099] {strides = array<i32>} : memref<3328xi32, #tpu.memory_space<vmem>>, vector<16xi32>,
    %add3A_1101 = arith.constant 1232 : i32
    %add3A_1102 = arith.addi %mul3A_2, %add3A_1101 : i32
    %add3A_1103 = vector.broadcast %add3A_1102 : i32 to vector<16xi32>
    %add3A_1104 = arith.addi %add3A_1103, %iota3A : vector<16xi32>
    %mul3A_1105 = arith.constant 1000 : i32
    %mul3A_1106 = vector.broadcast %mul3A_1105 : i32 to vector<16xi32>
    %mul3A_1107 = arith.muli %add3A_1104, %mul3A_1106 : vector<16xi32>
    %add3A_1108 = arith.addi %get3A_1100, %mul3A_1107 : vector<16xi32>
    %swap3A_1109 = arith.constant 9 : i32
    %swap3A_1110 = arith.index_cast %swap3A_1109 : i32 to index
    %swap3A_1111 = arith.constant 80 : index
    %swap3A_1112 = tpu.vector_load %arg7[%swap3A_1110, %swap3A_1111] {strides = array<i32>} : memref<26x128xi32, #tpu.memory_space<vmem>>, vector<16xi32>,
    tpu.vector_store %arg7[%swap3A_1110, %swap3A_1111], %add3A_1108 {strides = array<i32>} : memref<26x128xi32, #tpu.memory_space<vmem>>, vector<16xi32>,
    %get3A_1113 = arith.constant 1248 : index
    %get3A_1114 = tpu.vector_load %arg6[%get3A_1113] {strides = array<i32>} : memref<3328xi32, #tpu.memory_space<vmem>>, vector<16xi32>,
    %add3A_1115 = arith.constant 1248 : i32
    %add3A_1116 = arith.addi %mul3A_2, %add3A_1115 : i32
    %add3A_1117 = vector.broadcast %add3A_1116 : i32 to vector<16xi32>
    %add3A_1118 = arith.addi %add3A_1117, %iota3A : vector<16xi32>
    %mul3A_1119 = arith.constant 1000 : i32
    %mul3A_1120 = vector.broadcast %mul3A_1119 : i32 to vector<16xi32>
    %mul3A_1121 = arith.muli %add3A_1118, %mul3A_1120 : vector<16xi32>
    %add3A_1122 = arith.addi %get3A_1114, %mul3A_1121 : vector<16xi32>
    %swap3A_1123 = arith.constant 9 : i32
    %swap3A_1124 = arith.index_cast %swap3A_1123 : i32 to index
    %swap3A_1125 = arith.constant 96 : index
    %swap3A_1126 = tpu.vector_load %arg7[%swap3A_1124, %swap3A_1125] {strides = array<i32>} : memref<26x128xi32, #tpu.memory_space<vmem>>, vector<16xi32>,
    tpu.vector_store %arg7[%swap3A_1124, %swap3A_1125], %add3A_1122 {strides = array<i32>} : memref<26x128xi32, #tpu.memory_space<vmem>>, vector<16xi32>,
    %get3A_1127 = arith.constant 1264 : index
    %get3A_1128 = tpu.vector_load %arg6[%get3A_1127] {strides = array<i32>} : memref<3328xi32, #tpu.memory_space<vmem>>, vector<16xi32>,
    %add3A_1129 = arith.constant 1264 : i32
    %add3A_1130 = arith.addi %mul3A_2, %add3A_1129 : i32
    %add3A_1131 = vector.broadcast %add3A_1130 : i32 to vector<16xi32>
    %add3A_1132 = arith.addi %add3A_1131, %iota3A : vector<16xi32>
    %mul3A_1133 = arith.constant 1000 : i32
    %mul3A_1134 = vector.broadcast %mul3A_1133 : i32 to vector<16xi32>
    %mul3A_1135 = arith.muli %add3A_1132, %mul3A_1134 : vector<16xi32>
    %add3A_1136 = arith.addi %get3A_1128, %mul3A_1135 : vector<16xi32>
    %swap3A_1137 = arith.constant 9 : i32
    %swap3A_1138 = arith.index_cast %swap3A_1137 : i32 to index
    %swap3A_1139 = arith.constant 112 : index
    %swap3A_1140 = tpu.vector_load %arg7[%swap3A_1138, %swap3A_1139] {strides = array<i32>} : memref<26x128xi32, #tpu.memory_space<vmem>>, vector<16xi32>,
    tpu.vector_store %arg7[%swap3A_1138, %swap3A_1139], %add3A_1136 {strides = array<i32>} : memref<26x128xi32, #tpu.memory_space<vmem>>, vector<16xi32>,
    %get3A_1141 = arith.constant 1280 : index
    %get3A_1142 = tpu.vector_load %arg6[%get3A_1141] {strides = array<i32>} : memref<3328xi32, #tpu.memory_space<vmem>>, vector<16xi32>,
    %add3A_1143 = arith.constant 1280 : i32
    %add3A_1144 = arith.addi %mul3A_2, %add3A_1143 : i32
    %add3A_1145 = vector.broadcast %add3A_1144 : i32 to vector<16xi32>
    %add3A_1146 = arith.addi %add3A_1145, %iota3A : vector<16xi32>
    %mul3A_1147 = arith.constant 1000 : i32
    %mul3A_1148 = vector.broadcast %mul3A_1147 : i32 to vector<16xi32>
    %mul3A_1149 = arith.muli %add3A_1146, %mul3A_1148 : vector<16xi32>
    %add3A_1150 = arith.addi %get3A_1142, %mul3A_1149 : vector<16xi32>
    %swap3A_1151 = arith.constant 10 : i32
    %swap3A_1152 = arith.index_cast %swap3A_1151 : i32 to index
    %swap3A_1153 = arith.constant 0 : index
    %swap3A_1154 = tpu.vector_load %arg7[%swap3A_1152, %swap3A_1153] {strides = array<i32>} : memref<26x128xi32, #tpu.memory_space<vmem>>, vector<16xi32>,
    tpu.vector_store %arg7[%swap3A_1152, %swap3A_1153], %add3A_1150 {strides = array<i32>} : memref<26x128xi32, #tpu.memory_space<vmem>>, vector<16xi32>,
    %get3A_1155 = arith.constant 1296 : index
    %get3A_1156 = tpu.vector_load %arg6[%get3A_1155] {strides = array<i32>} : memref<3328xi32, #tpu.memory_space<vmem>>, vector<16xi32>,
    %add3A_1157 = arith.constant 1296 : i32
    %add3A_1158 = arith.addi %mul3A_2, %add3A_1157 : i32
    %add3A_1159 = vector.broadcast %add3A_1158 : i32 to vector<16xi32>
    %add3A_1160 = arith.addi %add3A_1159, %iota3A : vector<16xi32>
    %mul3A_1161 = arith.constant 1000 : i32
    %mul3A_1162 = vector.broadcast %mul3A_1161 : i32 to vector<16xi32>
    %mul3A_1163 = arith.muli %add3A_1160, %mul3A_1162 : vector<16xi32>
    %add3A_1164 = arith.addi %get3A_1156, %mul3A_1163 : vector<16xi32>
    %swap3A_1165 = arith.constant 10 : i32
    %swap3A_1166 = arith.index_cast %swap3A_1165 : i32 to index
    %swap3A_1167 = arith.constant 16 : index
    %swap3A_1168 = tpu.vector_load %arg7[%swap3A_1166, %swap3A_1167] {strides = array<i32>} : memref<26x128xi32, #tpu.memory_space<vmem>>, vector<16xi32>,
    tpu.vector_store %arg7[%swap3A_1166, %swap3A_1167], %add3A_1164 {strides = array<i32>} : memref<26x128xi32, #tpu.memory_space<vmem>>, vector<16xi32>,
    %get3A_1169 = arith.constant 1312 : index
    %get3A_1170 = tpu.vector_load %arg6[%get3A_1169] {strides = array<i32>} : memref<3328xi32, #tpu.memory_space<vmem>>, vector<16xi32>,
    %add3A_1171 = arith.constant 1312 : i32
    %add3A_1172 = arith.addi %mul3A_2, %add3A_1171 : i32
    %add3A_1173 = vector.broadcast %add3A_1172 : i32 to vector<16xi32>
    %add3A_1174 = arith.addi %add3A_1173, %iota3A : vector<16xi32>
    %mul3A_1175 = arith.constant 1000 : i32
    %mul3A_1176 = vector.broadcast %mul3A_1175 : i32 to vector<16xi32>
    %mul3A_1177 = arith.muli %add3A_1174, %mul3A_1176 : vector<16xi32>
    %add3A_1178 = arith.addi %get3A_1170, %mul3A_1177 : vector<16xi32>
    %swap3A_1179 = arith.constant 10 : i32
    %swap3A_1180 = arith.index_cast %swap3A_1179 : i32 to index
    %swap3A_1181 = arith.constant 32 : index
    %swap3A_1182 = tpu.vector_load %arg7[%swap3A_1180, %swap3A_1181] {strides = array<i32>} : memref<26x128xi32, #tpu.memory_space<vmem>>, vector<16xi32>,
    tpu.vector_store %arg7[%swap3A_1180, %swap3A_1181], %add3A_1178 {strides = array<i32>} : memref<26x128xi32, #tpu.memory_space<vmem>>, vector<16xi32>,
    %get3A_1183 = arith.constant 1328 : index
    %get3A_1184 = tpu.vector_load %arg6[%get3A_1183] {strides = array<i32>} : memref<3328xi32, #tpu.memory_space<vmem>>, vector<16xi32>,
    %add3A_1185 = arith.constant 1328 : i32
    %add3A_1186 = arith.addi %mul3A_2, %add3A_1185 : i32
    %add3A_1187 = vector.broadcast %add3A_1186 : i32 to vector<16xi32>
    %add3A_1188 = arith.addi %add3A_1187, %iota3A : vector<16xi32>
    %mul3A_1189 = arith.constant 1000 : i32
    %mul3A_1190 = vector.broadcast %mul3A_1189 : i32 to vector<16xi32>
    %mul3A_1191 = arith.muli %add3A_1188, %mul3A_1190 : vector<16xi32>
    %add3A_1192 = arith.addi %get3A_1184, %mul3A_1191 : vector<16xi32>
    %swap3A_1193 = arith.constant 10 : i32
    %swap3A_1194 = arith.index_cast %swap3A_1193 : i32 to index
    %swap3A_1195 = arith.constant 48 : index
    %swap3A_1196 = tpu.vector_load %arg7[%swap3A_1194, %swap3A_1195] {strides = array<i32>} : memref<26x128xi32, #tpu.memory_space<vmem>>, vector<16xi32>,
    tpu.vector_store %arg7[%swap3A_1194, %swap3A_1195], %add3A_1192 {strides = array<i32>} : memref<26x128xi32, #tpu.memory_space<vmem>>, vector<16xi32>,
    %get3A_1197 = arith.constant 1344 : index
    %get3A_1198 = tpu.vector_load %arg6[%get3A_1197] {strides = array<i32>} : memref<3328xi32, #tpu.memory_space<vmem>>, vector<16xi32>,
    %add3A_1199 = arith.constant 1344 : i32
    %add3A_1200 = arith.addi %mul3A_2, %add3A_1199 : i32
    %add3A_1201 = vector.broadcast %add3A_1200 : i32 to vector<16xi32>
    %add3A_1202 = arith.addi %add3A_1201, %iota3A : vector<16xi32>
    %mul3A_1203 = arith.constant 1000 : i32
    %mul3A_1204 = vector.broadcast %mul3A_1203 : i32 to vector<16xi32>
    %mul3A_1205 = arith.muli %add3A_1202, %mul3A_1204 : vector<16xi32>
    %add3A_1206 = arith.addi %get3A_1198, %mul3A_1205 : vector<16xi32>
    %swap3A_1207 = arith.constant 10 : i32
    %swap3A_1208 = arith.index_cast %swap3A_1207 : i32 to index
    %swap3A_1209 = arith.constant 64 : index
    %swap3A_1210 = tpu.vector_load %arg7[%swap3A_1208, %swap3A_1209] {strides = array<i32>} : memref<26x128xi32, #tpu.memory_space<vmem>>, vector<16xi32>,
    tpu.vector_store %arg7[%swap3A_1208, %swap3A_1209], %add3A_1206 {strides = array<i32>} : memref<26x128xi32, #tpu.memory_space<vmem>>, vector<16xi32>,
    %get3A_1211 = arith.constant 1360 : index
    %get3A_1212 = tpu.vector_load %arg6[%get3A_1211] {strides = array<i32>} : memref<3328xi32, #tpu.memory_space<vmem>>, vector<16xi32>,
    %add3A_1213 = arith.constant 1360 : i32
    %add3A_1214 = arith.addi %mul3A_2, %add3A_1213 : i32
    %add3A_1215 = vector.broadcast %add3A_1214 : i32 to vector<16xi32>
    %add3A_1216 = arith.addi %add3A_1215, %iota3A : vector<16xi32>
    %mul3A_1217 = arith.constant 1000 : i32
    %mul3A_1218 = vector.broadcast %mul3A_1217 : i32 to vector<16xi32>
    %mul3A_1219 = arith.muli %add3A_1216, %mul3A_1218 : vector<16xi32>
    %add3A_1220 = arith.addi %get3A_1212, %mul3A_1219 : vector<16xi32>
    %swap3A_1221 = arith.constant 10 : i32
    %swap3A_1222 = arith.index_cast %swap3A_1221 : i32 to index
    %swap3A_1223 = arith.constant 80 : index
    %swap3A_1224 = tpu.vector_load %arg7[%swap3A_1222, %swap3A_1223] {strides = array<i32>} : memref<26x128xi32, #tpu.memory_space<vmem>>, vector<16xi32>,
    tpu.vector_store %arg7[%swap3A_1222, %swap3A_1223], %add3A_1220 {strides = array<i32>} : memref<26x128xi32, #tpu.memory_space<vmem>>, vector<16xi32>,
    %get3A_1225 = arith.constant 1376 : index
    %get3A_1226 = tpu.vector_load %arg6[%get3A_1225] {strides = array<i32>} : memref<3328xi32, #tpu.memory_space<vmem>>, vector<16xi32>,
    %add3A_1227 = arith.constant 1376 : i32
    %add3A_1228 = arith.addi %mul3A_2, %add3A_1227 : i32
    %add3A_1229 = vector.broadcast %add3A_1228 : i32 to vector<16xi32>
    %add3A_1230 = arith.addi %add3A_1229, %iota3A : vector<16xi32>
    %mul3A_1231 = arith.constant 1000 : i32
    %mul3A_1232 = vector.broadcast %mul3A_1231 : i32 to vector<16xi32>
    %mul3A_1233 = arith.muli %add3A_1230, %mul3A_1232 : vector<16xi32>
    %add3A_1234 = arith.addi %get3A_1226, %mul3A_1233 : vector<16xi32>
    %swap3A_1235 = arith.constant 10 : i32
    %swap3A_1236 = arith.index_cast %swap3A_1235 : i32 to index
    %swap3A_1237 = arith.constant 96 : index
    %swap3A_1238 = tpu.vector_load %arg7[%swap3A_1236, %swap3A_1237] {strides = array<i32>} : memref<26x128xi32, #tpu.memory_space<vmem>>, vector<16xi32>,
    tpu.vector_store %arg7[%swap3A_1236, %swap3A_1237], %add3A_1234 {strides = array<i32>} : memref<26x128xi32, #tpu.memory_space<vmem>>, vector<16xi32>,
    %get3A_1239 = arith.constant 1392 : index
    %get3A_1240 = tpu.vector_load %arg6[%get3A_1239] {strides = array<i32>} : memref<3328xi32, #tpu.memory_space<vmem>>, vector<16xi32>,
    %add3A_1241 = arith.constant 1392 : i32
    %add3A_1242 = arith.addi %mul3A_2, %add3A_1241 : i32
    %add3A_1243 = vector.broadcast %add3A_1242 : i32 to vector<16xi32>
    %add3A_1244 = arith.addi %add3A_1243, %iota3A : vector<16xi32>
    %mul3A_1245 = arith.constant 1000 : i32
    %mul3A_1246 = vector.broadcast %mul3A_1245 : i32 to vector<16xi32>
    %mul3A_1247 = arith.muli %add3A_1244, %mul3A_1246 : vector<16xi32>
    %add3A_1248 = arith.addi %get3A_1240, %mul3A_1247 : vector<16xi32>
    %swap3A_1249 = arith.constant 10 : i32
    %swap3A_1250 = arith.index_cast %swap3A_1249 : i32 to index
    %swap3A_1251 = arith.constant 112 : index
    %swap3A_1252 = tpu.vector_load %arg7[%swap3A_1250, %swap3A_1251] {strides = array<i32>} : memref<26x128xi32, #tpu.memory_space<vmem>>, vector<16xi32>,
    tpu.vector_store %arg7[%swap3A_1250, %swap3A_1251], %add3A_1248 {strides = array<i32>} : memref<26x128xi32, #tpu.memory_space<vmem>>, vector<16xi32>,
    %get3A_1253 = arith.constant 1408 : index
    %get3A_1254 = tpu.vector_load %arg6[%get3A_1253] {strides = array<i32>} : memref<3328xi32, #tpu.memory_space<vmem>>, vector<16xi32>,
    %add3A_1255 = arith.constant 1408 : i32
    %add3A_1256 = arith.addi %mul3A_2, %add3A_1255 : i32
    %add3A_1257 = vector.broadcast %add3A_1256 : i32 to vector<16xi32>
    %add3A_1258 = arith.addi %add3A_1257, %iota3A : vector<16xi32>
    %mul3A_1259 = arith.constant 1000 : i32
    %mul3A_1260 = vector.broadcast %mul3A_1259 : i32 to vector<16xi32>
    %mul3A_1261 = arith.muli %add3A_1258, %mul3A_1260 : vector<16xi32>
    %add3A_1262 = arith.addi %get3A_1254, %mul3A_1261 : vector<16xi32>
    %swap3A_1263 = arith.constant 11 : i32
    %swap3A_1264 = arith.index_cast %swap3A_1263 : i32 to index
    %swap3A_1265 = arith.constant 0 : index
    %swap3A_1266 = tpu.vector_load %arg7[%swap3A_1264, %swap3A_1265] {strides = array<i32>} : memref<26x128xi32, #tpu.memory_space<vmem>>, vector<16xi32>,
    tpu.vector_store %arg7[%swap3A_1264, %swap3A_1265], %add3A_1262 {strides = array<i32>} : memref<26x128xi32, #tpu.memory_space<vmem>>, vector<16xi32>,
    %get3A_1267 = arith.constant 1424 : index
    %get3A_1268 = tpu.vector_load %arg6[%get3A_1267] {strides = array<i32>} : memref<3328xi32, #tpu.memory_space<vmem>>, vector<16xi32>,
    %add3A_1269 = arith.constant 1424 : i32
    %add3A_1270 = arith.addi %mul3A_2, %add3A_1269 : i32
    %add3A_1271 = vector.broadcast %add3A_1270 : i32 to vector<16xi32>
    %add3A_1272 = arith.addi %add3A_1271, %iota3A : vector<16xi32>
    %mul3A_1273 = arith.constant 1000 : i32
    %mul3A_1274 = vector.broadcast %mul3A_1273 : i32 to vector<16xi32>
    %mul3A_1275 = arith.muli %add3A_1272, %mul3A_1274 : vector<16xi32>
    %add3A_1276 = arith.addi %get3A_1268, %mul3A_1275 : vector<16xi32>
    %swap3A_1277 = arith.constant 11 : i32
    %swap3A_1278 = arith.index_cast %swap3A_1277 : i32 to index
    %swap3A_1279 = arith.constant 16 : index
    %swap3A_1280 = tpu.vector_load %arg7[%swap3A_1278, %swap3A_1279] {strides = array<i32>} : memref<26x128xi32, #tpu.memory_space<vmem>>, vector<16xi32>,
    tpu.vector_store %arg7[%swap3A_1278, %swap3A_1279], %add3A_1276 {strides = array<i32>} : memref<26x128xi32, #tpu.memory_space<vmem>>, vector<16xi32>,
    %get3A_1281 = arith.constant 1440 : index
    %get3A_1282 = tpu.vector_load %arg6[%get3A_1281] {strides = array<i32>} : memref<3328xi32, #tpu.memory_space<vmem>>, vector<16xi32>,
    %add3A_1283 = arith.constant 1440 : i32
    %add3A_1284 = arith.addi %mul3A_2, %add3A_1283 : i32
    %add3A_1285 = vector.broadcast %add3A_1284 : i32 to vector<16xi32>
    %add3A_1286 = arith.addi %add3A_1285, %iota3A : vector<16xi32>
    %mul3A_1287 = arith.constant 1000 : i32
    %mul3A_1288 = vector.broadcast %mul3A_1287 : i32 to vector<16xi32>
    %mul3A_1289 = arith.muli %add3A_1286, %mul3A_1288 : vector<16xi32>
    %add3A_1290 = arith.addi %get3A_1282, %mul3A_1289 : vector<16xi32>
    %swap3A_1291 = arith.constant 11 : i32
    %swap3A_1292 = arith.index_cast %swap3A_1291 : i32 to index
    %swap3A_1293 = arith.constant 32 : index
    %swap3A_1294 = tpu.vector_load %arg7[%swap3A_1292, %swap3A_1293] {strides = array<i32>} : memref<26x128xi32, #tpu.memory_space<vmem>>, vector<16xi32>,
    tpu.vector_store %arg7[%swap3A_1292, %swap3A_1293], %add3A_1290 {strides = array<i32>} : memref<26x128xi32, #tpu.memory_space<vmem>>, vector<16xi32>,
    %get3A_1295 = arith.constant 1456 : index
    %get3A_1296 = tpu.vector_load %arg6[%get3A_1295] {strides = array<i32>} : memref<3328xi32, #tpu.memory_space<vmem>>, vector<16xi32>,
    %add3A_1297 = arith.constant 1456 : i32
    %add3A_1298 = arith.addi %mul3A_2, %add3A_1297 : i32
    %add3A_1299 = vector.broadcast %add3A_1298 : i32 to vector<16xi32>
    %add3A_1300 = arith.addi %add3A_1299, %iota3A : vector<16xi32>
    %mul3A_1301 = arith.constant 1000 : i32
    %mul3A_1302 = vector.broadcast %mul3A_1301 : i32 to vector<16xi32>
    %mul3A_1303 = arith.muli %add3A_1300, %mul3A_1302 : vector<16xi32>
    %add3A_1304 = arith.addi %get3A_1296, %mul3A_1303 : vector<16xi32>
    %swap3A_1305 = arith.constant 11 : i32
    %swap3A_1306 = arith.index_cast %swap3A_1305 : i32 to index
    %swap3A_1307 = arith.constant 48 : index
    %swap3A_1308 = tpu.vector_load %arg7[%swap3A_1306, %swap3A_1307] {strides = array<i32>} : memref<26x128xi32, #tpu.memory_space<vmem>>, vector<16xi32>,
    tpu.vector_store %arg7[%swap3A_1306, %swap3A_1307], %add3A_1304 {strides = array<i32>} : memref<26x128xi32, #tpu.memory_space<vmem>>, vector<16xi32>,
    %get3A_1309 = arith.constant 1472 : index
    %get3A_1310 = tpu.vector_load %arg6[%get3A_1309] {strides = array<i32>} : memref<3328xi32, #tpu.memory_space<vmem>>, vector<16xi32>,
    %add3A_1311 = arith.constant 1472 : i32
    %add3A_1312 = arith.addi %mul3A_2, %add3A_1311 : i32
    %add3A_1313 = vector.broadcast %add3A_1312 : i32 to vector<16xi32>
    %add3A_1314 = arith.addi %add3A_1313, %iota3A : vector<16xi32>
    %mul3A_1315 = arith.constant 1000 : i32
    %mul3A_1316 = vector.broadcast %mul3A_1315 : i32 to vector<16xi32>
    %mul3A_1317 = arith.muli %add3A_1314, %mul3A_1316 : vector<16xi32>
    %add3A_1318 = arith.addi %get3A_1310, %mul3A_1317 : vector<16xi32>
    %swap3A_1319 = arith.constant 11 : i32
    %swap3A_1320 = arith.index_cast %swap3A_1319 : i32 to index
    %swap3A_1321 = arith.constant 64 : index
    %swap3A_1322 = tpu.vector_load %arg7[%swap3A_1320, %swap3A_1321] {strides = array<i32>} : memref<26x128xi32, #tpu.memory_space<vmem>>, vector<16xi32>,
    tpu.vector_store %arg7[%swap3A_1320, %swap3A_1321], %add3A_1318 {strides = array<i32>} : memref<26x128xi32, #tpu.memory_space<vmem>>, vector<16xi32>,
    %get3A_1323 = arith.constant 1488 : index
    %get3A_1324 = tpu.vector_load %arg6[%get3A_1323] {strides = array<i32>} : memref<3328xi32, #tpu.memory_space<vmem>>, vector<16xi32>,
    %add3A_1325 = arith.constant 1488 : i32
    %add3A_1326 = arith.addi %mul3A_2, %add3A_1325 : i32
    %add3A_1327 = vector.broadcast %add3A_1326 : i32 to vector<16xi32>
    %add3A_1328 = arith.addi %add3A_1327, %iota3A : vector<16xi32>
    %mul3A_1329 = arith.constant 1000 : i32
    %mul3A_1330 = vector.broadcast %mul3A_1329 : i32 to vector<16xi32>
    %mul3A_1331 = arith.muli %add3A_1328, %mul3A_1330 : vector<16xi32>
    %add3A_1332 = arith.addi %get3A_1324, %mul3A_1331 : vector<16xi32>
    %swap3A_1333 = arith.constant 11 : i32
    %swap3A_1334 = arith.index_cast %swap3A_1333 : i32 to index
    %swap3A_1335 = arith.constant 80 : index
    %swap3A_1336 = tpu.vector_load %arg7[%swap3A_1334, %swap3A_1335] {strides = array<i32>} : memref<26x128xi32, #tpu.memory_space<vmem>>, vector<16xi32>,
    tpu.vector_store %arg7[%swap3A_1334, %swap3A_1335], %add3A_1332 {strides = array<i32>} : memref<26x128xi32, #tpu.memory_space<vmem>>, vector<16xi32>,
    %get3A_1337 = arith.constant 1504 : index
    %get3A_1338 = tpu.vector_load %arg6[%get3A_1337] {strides = array<i32>} : memref<3328xi32, #tpu.memory_space<vmem>>, vector<16xi32>,
    %add3A_1339 = arith.constant 1504 : i32
    %add3A_1340 = arith.addi %mul3A_2, %add3A_1339 : i32
    %add3A_1341 = vector.broadcast %add3A_1340 : i32 to vector<16xi32>
    %add3A_1342 = arith.addi %add3A_1341, %iota3A : vector<16xi32>
    %mul3A_1343 = arith.constant 1000 : i32
    %mul3A_1344 = vector.broadcast %mul3A_1343 : i32 to vector<16xi32>
    %mul3A_1345 = arith.muli %add3A_1342, %mul3A_1344 : vector<16xi32>
    %add3A_1346 = arith.addi %get3A_1338, %mul3A_1345 : vector<16xi32>
    %swap3A_1347 = arith.constant 11 : i32
    %swap3A_1348 = arith.index_cast %swap3A_1347 : i32 to index
    %swap3A_1349 = arith.constant 96 : index
    %swap3A_1350 = tpu.vector_load %arg7[%swap3A_1348, %swap3A_1349] {strides = array<i32>} : memref<26x128xi32, #tpu.memory_space<vmem>>, vector<16xi32>,
    tpu.vector_store %arg7[%swap3A_1348, %swap3A_1349], %add3A_1346 {strides = array<i32>} : memref<26x128xi32, #tpu.memory_space<vmem>>, vector<16xi32>,
    %get3A_1351 = arith.constant 1520 : index
    %get3A_1352 = tpu.vector_load %arg6[%get3A_1351] {strides = array<i32>} : memref<3328xi32, #tpu.memory_space<vmem>>, vector<16xi32>,
    %add3A_1353 = arith.constant 1520 : i32
    %add3A_1354 = arith.addi %mul3A_2, %add3A_1353 : i32
    %add3A_1355 = vector.broadcast %add3A_1354 : i32 to vector<16xi32>
    %add3A_1356 = arith.addi %add3A_1355, %iota3A : vector<16xi32>
    %mul3A_1357 = arith.constant 1000 : i32
    %mul3A_1358 = vector.broadcast %mul3A_1357 : i32 to vector<16xi32>
    %mul3A_1359 = arith.muli %add3A_1356, %mul3A_1358 : vector<16xi32>
    %add3A_1360 = arith.addi %get3A_1352, %mul3A_1359 : vector<16xi32>
    %swap3A_1361 = arith.constant 11 : i32
    %swap3A_1362 = arith.index_cast %swap3A_1361 : i32 to index
    %swap3A_1363 = arith.constant 112 : index
    %swap3A_1364 = tpu.vector_load %arg7[%swap3A_1362, %swap3A_1363] {strides = array<i32>} : memref<26x128xi32, #tpu.memory_space<vmem>>, vector<16xi32>,
    tpu.vector_store %arg7[%swap3A_1362, %swap3A_1363], %add3A_1360 {strides = array<i32>} : memref<26x128xi32, #tpu.memory_space<vmem>>, vector<16xi32>,
    %get3A_1365 = arith.constant 1536 : index
    %get3A_1366 = tpu.vector_load %arg6[%get3A_1365] {strides = array<i32>} : memref<3328xi32, #tpu.memory_space<vmem>>, vector<16xi32>,
    %add3A_1367 = arith.constant 1536 : i32
    %add3A_1368 = arith.addi %mul3A_2, %add3A_1367 : i32
    %add3A_1369 = vector.broadcast %add3A_1368 : i32 to vector<16xi32>
    %add3A_1370 = arith.addi %add3A_1369, %iota3A : vector<16xi32>
    %mul3A_1371 = arith.constant 1000 : i32
    %mul3A_1372 = vector.broadcast %mul3A_1371 : i32 to vector<16xi32>
    %mul3A_1373 = arith.muli %add3A_1370, %mul3A_1372 : vector<16xi32>
    %add3A_1374 = arith.addi %get3A_1366, %mul3A_1373 : vector<16xi32>
    %swap3A_1375 = arith.constant 12 : i32
    %swap3A_1376 = arith.index_cast %swap3A_1375 : i32 to index
    %swap3A_1377 = arith.constant 0 : index
    %swap3A_1378 = tpu.vector_load %arg7[%swap3A_1376, %swap3A_1377] {strides = array<i32>} : memref<26x128xi32, #tpu.memory_space<vmem>>, vector<16xi32>,
    tpu.vector_store %arg7[%swap3A_1376, %swap3A_1377], %add3A_1374 {strides = array<i32>} : memref<26x128xi32, #tpu.memory_space<vmem>>, vector<16xi32>,
    %get3A_1379 = arith.constant 1552 : index
    %get3A_1380 = tpu.vector_load %arg6[%get3A_1379] {strides = array<i32>} : memref<3328xi32, #tpu.memory_space<vmem>>, vector<16xi32>,
    %add3A_1381 = arith.constant 1552 : i32
    %add3A_1382 = arith.addi %mul3A_2, %add3A_1381 : i32
    %add3A_1383 = vector.broadcast %add3A_1382 : i32 to vector<16xi32>
    %add3A_1384 = arith.addi %add3A_1383, %iota3A : vector<16xi32>
    %mul3A_1385 = arith.constant 1000 : i32
    %mul3A_1386 = vector.broadcast %mul3A_1385 : i32 to vector<16xi32>
    %mul3A_1387 = arith.muli %add3A_1384, %mul3A_1386 : vector<16xi32>
    %add3A_1388 = arith.addi %get3A_1380, %mul3A_1387 : vector<16xi32>
    %swap3A_1389 = arith.constant 12 : i32
    %swap3A_1390 = arith.index_cast %swap3A_1389 : i32 to index
    %swap3A_1391 = arith.constant 16 : index
    %swap3A_1392 = tpu.vector_load %arg7[%swap3A_1390, %swap3A_1391] {strides = array<i32>} : memref<26x128xi32, #tpu.memory_space<vmem>>, vector<16xi32>,
    tpu.vector_store %arg7[%swap3A_1390, %swap3A_1391], %add3A_1388 {strides = array<i32>} : memref<26x128xi32, #tpu.memory_space<vmem>>, vector<16xi32>,
    %get3A_1393 = arith.constant 1568 : index
    %get3A_1394 = tpu.vector_load %arg6[%get3A_1393] {strides = array<i32>} : memref<3328xi32, #tpu.memory_space<vmem>>, vector<16xi32>,
    %add3A_1395 = arith.constant 1568 : i32
    %add3A_1396 = arith.addi %mul3A_2, %add3A_1395 : i32
    %add3A_1397 = vector.broadcast %add3A_1396 : i32 to vector<16xi32>
    %add3A_1398 = arith.addi %add3A_1397, %iota3A : vector<16xi32>
    %mul3A_1399 = arith.constant 1000 : i32
    %mul3A_1400 = vector.broadcast %mul3A_1399 : i32 to vector<16xi32>
    %mul3A_1401 = arith.muli %add3A_1398, %mul3A_1400 : vector<16xi32>
    %add3A_1402 = arith.addi %get3A_1394, %mul3A_1401 : vector<16xi32>
    %swap3A_1403 = arith.constant 12 : i32
    %swap3A_1404 = arith.index_cast %swap3A_1403 : i32 to index
    %swap3A_1405 = arith.constant 32 : index
    %swap3A_1406 = tpu.vector_load %arg7[%swap3A_1404, %swap3A_1405] {strides = array<i32>} : memref<26x128xi32, #tpu.memory_space<vmem>>, vector<16xi32>,
    tpu.vector_store %arg7[%swap3A_1404, %swap3A_1405], %add3A_1402 {strides = array<i32>} : memref<26x128xi32, #tpu.memory_space<vmem>>, vector<16xi32>,
    %get3A_1407 = arith.constant 1584 : index
    %get3A_1408 = tpu.vector_load %arg6[%get3A_1407] {strides = array<i32>} : memref<3328xi32, #tpu.memory_space<vmem>>, vector<16xi32>,
    %add3A_1409 = arith.constant 1584 : i32
    %add3A_1410 = arith.addi %mul3A_2, %add3A_1409 : i32
    %add3A_1411 = vector.broadcast %add3A_1410 : i32 to vector<16xi32>
    %add3A_1412 = arith.addi %add3A_1411, %iota3A : vector<16xi32>
    %mul3A_1413 = arith.constant 1000 : i32
    %mul3A_1414 = vector.broadcast %mul3A_1413 : i32 to vector<16xi32>
    %mul3A_1415 = arith.muli %add3A_1412, %mul3A_1414 : vector<16xi32>
    %add3A_1416 = arith.addi %get3A_1408, %mul3A_1415 : vector<16xi32>
    %swap3A_1417 = arith.constant 12 : i32
    %swap3A_1418 = arith.index_cast %swap3A_1417 : i32 to index
    %swap3A_1419 = arith.constant 48 : index
    %swap3A_1420 = tpu.vector_load %arg7[%swap3A_1418, %swap3A_1419] {strides = array<i32>} : memref<26x128xi32, #tpu.memory_space<vmem>>, vector<16xi32>,
    tpu.vector_store %arg7[%swap3A_1418, %swap3A_1419], %add3A_1416 {strides = array<i32>} : memref<26x128xi32, #tpu.memory_space<vmem>>, vector<16xi32>,
    %get3A_1421 = arith.constant 1600 : index
    %get3A_1422 = tpu.vector_load %arg6[%get3A_1421] {strides = array<i32>} : memref<3328xi32, #tpu.memory_space<vmem>>, vector<16xi32>,
    %add3A_1423 = arith.constant 1600 : i32
    %add3A_1424 = arith.addi %mul3A_2, %add3A_1423 : i32
    %add3A_1425 = vector.broadcast %add3A_1424 : i32 to vector<16xi32>
    %add3A_1426 = arith.addi %add3A_1425, %iota3A : vector<16xi32>
    %mul3A_1427 = arith.constant 1000 : i32
    %mul3A_1428 = vector.broadcast %mul3A_1427 : i32 to vector<16xi32>
    %mul3A_1429 = arith.muli %add3A_1426, %mul3A_1428 : vector<16xi32>
    %add3A_1430 = arith.addi %get3A_1422, %mul3A_1429 : vector<16xi32>
    %swap3A_1431 = arith.constant 12 : i32
    %swap3A_1432 = arith.index_cast %swap3A_1431 : i32 to index
    %swap3A_1433 = arith.constant 64 : index
    %swap3A_1434 = tpu.vector_load %arg7[%swap3A_1432, %swap3A_1433] {strides = array<i32>} : memref<26x128xi32, #tpu.memory_space<vmem>>, vector<16xi32>,
    tpu.vector_store %arg7[%swap3A_1432, %swap3A_1433], %add3A_1430 {strides = array<i32>} : memref<26x128xi32, #tpu.memory_space<vmem>>, vector<16xi32>,
    %get3A_1435 = arith.constant 1616 : index
    %get3A_1436 = tpu.vector_load %arg6[%get3A_1435] {strides = array<i32>} : memref<3328xi32, #tpu.memory_space<vmem>>, vector<16xi32>,
    %add3A_1437 = arith.constant 1616 : i32
    %add3A_1438 = arith.addi %mul3A_2, %add3A_1437 : i32
    %add3A_1439 = vector.broadcast %add3A_1438 : i32 to vector<16xi32>
    %add3A_1440 = arith.addi %add3A_1439, %iota3A : vector<16xi32>
    %mul3A_1441 = arith.constant 1000 : i32
    %mul3A_1442 = vector.broadcast %mul3A_1441 : i32 to vector<16xi32>
    %mul3A_1443 = arith.muli %add3A_1440, %mul3A_1442 : vector<16xi32>
    %add3A_1444 = arith.addi %get3A_1436, %mul3A_1443 : vector<16xi32>
    %swap3A_1445 = arith.constant 12 : i32
    %swap3A_1446 = arith.index_cast %swap3A_1445 : i32 to index
    %swap3A_1447 = arith.constant 80 : index
    %swap3A_1448 = tpu.vector_load %arg7[%swap3A_1446, %swap3A_1447] {strides = array<i32>} : memref<26x128xi32, #tpu.memory_space<vmem>>, vector<16xi32>,
    tpu.vector_store %arg7[%swap3A_1446, %swap3A_1447], %add3A_1444 {strides = array<i32>} : memref<26x128xi32, #tpu.memory_space<vmem>>, vector<16xi32>,
    %get3A_1449 = arith.constant 1632 : index
    %get3A_1450 = tpu.vector_load %arg6[%get3A_1449] {strides = array<i32>} : memref<3328xi32, #tpu.memory_space<vmem>>, vector<16xi32>,
    %add3A_1451 = arith.constant 1632 : i32
    %add3A_1452 = arith.addi %mul3A_2, %add3A_1451 : i32
    %add3A_1453 = vector.broadcast %add3A_1452 : i32 to vector<16xi32>
    %add3A_1454 = arith.addi %add3A_1453, %iota3A : vector<16xi32>
    %mul3A_1455 = arith.constant 1000 : i32
    %mul3A_1456 = vector.broadcast %mul3A_1455 : i32 to vector<16xi32>
    %mul3A_1457 = arith.muli %add3A_1454, %mul3A_1456 : vector<16xi32>
    %add3A_1458 = arith.addi %get3A_1450, %mul3A_1457 : vector<16xi32>
    %swap3A_1459 = arith.constant 12 : i32
    %swap3A_1460 = arith.index_cast %swap3A_1459 : i32 to index
    %swap3A_1461 = arith.constant 96 : index
    %swap3A_1462 = tpu.vector_load %arg7[%swap3A_1460, %swap3A_1461] {strides = array<i32>} : memref<26x128xi32, #tpu.memory_space<vmem>>, vector<16xi32>,
    tpu.vector_store %arg7[%swap3A_1460, %swap3A_1461], %add3A_1458 {strides = array<i32>} : memref<26x128xi32, #tpu.memory_space<vmem>>, vector<16xi32>,
    %get3A_1463 = arith.constant 1648 : index
    %get3A_1464 = tpu.vector_load %arg6[%get3A_1463] {strides = array<i32>} : memref<3328xi32, #tpu.memory_space<vmem>>, vector<16xi32>,
    %add3A_1465 = arith.constant 1648 : i32
    %add3A_1466 = arith.addi %mul3A_2, %add3A_1465 : i32
    %add3A_1467 = vector.broadcast %add3A_1466 : i32 to vector<16xi32>
    %add3A_1468 = arith.addi %add3A_1467, %iota3A : vector<16xi32>
    %mul3A_1469 = arith.constant 1000 : i32
    %mul3A_1470 = vector.broadcast %mul3A_1469 : i32 to vector<16xi32>
    %mul3A_1471 = arith.muli %add3A_1468, %mul3A_1470 : vector<16xi32>
    %add3A_1472 = arith.addi %get3A_1464, %mul3A_1471 : vector<16xi32>
    %swap3A_1473 = arith.constant 12 : i32
    %swap3A_1474 = arith.index_cast %swap3A_1473 : i32 to index
    %swap3A_1475 = arith.constant 112 : index
    %swap3A_1476 = tpu.vector_load %arg7[%swap3A_1474, %swap3A_1475] {strides = array<i32>} : memref<26x128xi32, #tpu.memory_space<vmem>>, vector<16xi32>,
    tpu.vector_store %arg7[%swap3A_1474, %swap3A_1475], %add3A_1472 {strides = array<i32>} : memref<26x128xi32, #tpu.memory_space<vmem>>, vector<16xi32>,
    %get3A_1477 = arith.constant 1664 : index
    %get3A_1478 = tpu.vector_load %arg6[%get3A_1477] {strides = array<i32>} : memref<3328xi32, #tpu.memory_space<vmem>>, vector<16xi32>,
    %add3A_1479 = arith.constant 1664 : i32
    %add3A_1480 = arith.addi %mul3A_2, %add3A_1479 : i32
    %add3A_1481 = vector.broadcast %add3A_1480 : i32 to vector<16xi32>
    %add3A_1482 = arith.addi %add3A_1481, %iota3A : vector<16xi32>
    %mul3A_1483 = arith.constant 1000 : i32
    %mul3A_1484 = vector.broadcast %mul3A_1483 : i32 to vector<16xi32>
    %mul3A_1485 = arith.muli %add3A_1482, %mul3A_1484 : vector<16xi32>
    %add3A_1486 = arith.addi %get3A_1478, %mul3A_1485 : vector<16xi32>
    %swap3A_1487 = arith.constant 13 : i32
    %swap3A_1488 = arith.index_cast %swap3A_1487 : i32 to index
    %swap3A_1489 = arith.constant 0 : index
    %swap3A_1490 = tpu.vector_load %arg7[%swap3A_1488, %swap3A_1489] {strides = array<i32>} : memref<26x128xi32, #tpu.memory_space<vmem>>, vector<16xi32>,
    tpu.vector_store %arg7[%swap3A_1488, %swap3A_1489], %add3A_1486 {strides = array<i32>} : memref<26x128xi32, #tpu.memory_space<vmem>>, vector<16xi32>,
    %get3A_1491 = arith.constant 1680 : index
    %get3A_1492 = tpu.vector_load %arg6[%get3A_1491] {strides = array<i32>} : memref<3328xi32, #tpu.memory_space<vmem>>, vector<16xi32>,
    %add3A_1493 = arith.constant 1680 : i32
    %add3A_1494 = arith.addi %mul3A_2, %add3A_1493 : i32
    %add3A_1495 = vector.broadcast %add3A_1494 : i32 to vector<16xi32>
    %add3A_1496 = arith.addi %add3A_1495, %iota3A : vector<16xi32>
    %mul3A_1497 = arith.constant 1000 : i32
    %mul3A_1498 = vector.broadcast %mul3A_1497 : i32 to vector<16xi32>
    %mul3A_1499 = arith.muli %add3A_1496, %mul3A_1498 : vector<16xi32>
    %add3A_1500 = arith.addi %get3A_1492, %mul3A_1499 : vector<16xi32>
    %swap3A_1501 = arith.constant 13 : i32
    %swap3A_1502 = arith.index_cast %swap3A_1501 : i32 to index
    %swap3A_1503 = arith.constant 16 : index
    %swap3A_1504 = tpu.vector_load %arg7[%swap3A_1502, %swap3A_1503] {strides = array<i32>} : memref<26x128xi32, #tpu.memory_space<vmem>>, vector<16xi32>,
    tpu.vector_store %arg7[%swap3A_1502, %swap3A_1503], %add3A_1500 {strides = array<i32>} : memref<26x128xi32, #tpu.memory_space<vmem>>, vector<16xi32>,
    %get3A_1505 = arith.constant 1696 : index
    %get3A_1506 = tpu.vector_load %arg6[%get3A_1505] {strides = array<i32>} : memref<3328xi32, #tpu.memory_space<vmem>>, vector<16xi32>,
    %add3A_1507 = arith.constant 1696 : i32
    %add3A_1508 = arith.addi %mul3A_2, %add3A_1507 : i32
    %add3A_1509 = vector.broadcast %add3A_1508 : i32 to vector<16xi32>
    %add3A_1510 = arith.addi %add3A_1509, %iota3A : vector<16xi32>
    %mul3A_1511 = arith.constant 1000 : i32
    %mul3A_1512 = vector.broadcast %mul3A_1511 : i32 to vector<16xi32>
    %mul3A_1513 = arith.muli %add3A_1510, %mul3A_1512 : vector<16xi32>
    %add3A_1514 = arith.addi %get3A_1506, %mul3A_1513 : vector<16xi32>
    %swap3A_1515 = arith.constant 13 : i32
    %swap3A_1516 = arith.index_cast %swap3A_1515 : i32 to index
    %swap3A_1517 = arith.constant 32 : index
    %swap3A_1518 = tpu.vector_load %arg7[%swap3A_1516, %swap3A_1517] {strides = array<i32>} : memref<26x128xi32, #tpu.memory_space<vmem>>, vector<16xi32>,
    tpu.vector_store %arg7[%swap3A_1516, %swap3A_1517], %add3A_1514 {strides = array<i32>} : memref<26x128xi32, #tpu.memory_space<vmem>>, vector<16xi32>,
    %get3A_1519 = arith.constant 1712 : index
    %get3A_1520 = tpu.vector_load %arg6[%get3A_1519] {strides = array<i32>} : memref<3328xi32, #tpu.memory_space<vmem>>, vector<16xi32>,
    %add3A_1521 = arith.constant 1712 : i32
    %add3A_1522 = arith.addi %mul3A_2, %add3A_1521 : i32
    %add3A_1523 = vector.broadcast %add3A_1522 : i32 to vector<16xi32>
    %add3A_1524 = arith.addi %add3A_1523, %iota3A : vector<16xi32>
    %mul3A_1525 = arith.constant 1000 : i32
    %mul3A_1526 = vector.broadcast %mul3A_1525 : i32 to vector<16xi32>
    %mul3A_1527 = arith.muli %add3A_1524, %mul3A_1526 : vector<16xi32>
    %add3A_1528 = arith.addi %get3A_1520, %mul3A_1527 : vector<16xi32>
    %swap3A_1529 = arith.constant 13 : i32
    %swap3A_1530 = arith.index_cast %swap3A_1529 : i32 to index
    %swap3A_1531 = arith.constant 48 : index
    %swap3A_1532 = tpu.vector_load %arg7[%swap3A_1530, %swap3A_1531] {strides = array<i32>} : memref<26x128xi32, #tpu.memory_space<vmem>>, vector<16xi32>,
    tpu.vector_store %arg7[%swap3A_1530, %swap3A_1531], %add3A_1528 {strides = array<i32>} : memref<26x128xi32, #tpu.memory_space<vmem>>, vector<16xi32>,
    %get3A_1533 = arith.constant 1728 : index
    %get3A_1534 = tpu.vector_load %arg6[%get3A_1533] {strides = array<i32>} : memref<3328xi32, #tpu.memory_space<vmem>>, vector<16xi32>,
    %add3A_1535 = arith.constant 1728 : i32
    %add3A_1536 = arith.addi %mul3A_2, %add3A_1535 : i32
    %add3A_1537 = vector.broadcast %add3A_1536 : i32 to vector<16xi32>
    %add3A_1538 = arith.addi %add3A_1537, %iota3A : vector<16xi32>
    %mul3A_1539 = arith.constant 1000 : i32
    %mul3A_1540 = vector.broadcast %mul3A_1539 : i32 to vector<16xi32>
    %mul3A_1541 = arith.muli %add3A_1538, %mul3A_1540 : vector<16xi32>
    %add3A_1542 = arith.addi %get3A_1534, %mul3A_1541 : vector<16xi32>
    %swap3A_1543 = arith.constant 13 : i32
    %swap3A_1544 = arith.index_cast %swap3A_1543 : i32 to index
    %swap3A_1545 = arith.constant 64 : index
    %swap3A_1546 = tpu.vector_load %arg7[%swap3A_1544, %swap3A_1545] {strides = array<i32>} : memref<26x128xi32, #tpu.memory_space<vmem>>, vector<16xi32>,
    tpu.vector_store %arg7[%swap3A_1544, %swap3A_1545], %add3A_1542 {strides = array<i32>} : memref<26x128xi32, #tpu.memory_space<vmem>>, vector<16xi32>,
    %get3A_1547 = arith.constant 1744 : index
    %get3A_1548 = tpu.vector_load %arg6[%get3A_1547] {strides = array<i32>} : memref<3328xi32, #tpu.memory_space<vmem>>, vector<16xi32>,
    %add3A_1549 = arith.constant 1744 : i32
    %add3A_1550 = arith.addi %mul3A_2, %add3A_1549 : i32
    %add3A_1551 = vector.broadcast %add3A_1550 : i32 to vector<16xi32>
    %add3A_1552 = arith.addi %add3A_1551, %iota3A : vector<16xi32>
    %mul3A_1553 = arith.constant 1000 : i32
    %mul3A_1554 = vector.broadcast %mul3A_1553 : i32 to vector<16xi32>
    %mul3A_1555 = arith.muli %add3A_1552, %mul3A_1554 : vector<16xi32>
    %add3A_1556 = arith.addi %get3A_1548, %mul3A_1555 : vector<16xi32>
    %swap3A_1557 = arith.constant 13 : i32
    %swap3A_1558 = arith.index_cast %swap3A_1557 : i32 to index
    %swap3A_1559 = arith.constant 80 : index
    %swap3A_1560 = tpu.vector_load %arg7[%swap3A_1558, %swap3A_1559] {strides = array<i32>} : memref<26x128xi32, #tpu.memory_space<vmem>>, vector<16xi32>,
    tpu.vector_store %arg7[%swap3A_1558, %swap3A_1559], %add3A_1556 {strides = array<i32>} : memref<26x128xi32, #tpu.memory_space<vmem>>, vector<16xi32>,
    %get3A_1561 = arith.constant 1760 : index
    %get3A_1562 = tpu.vector_load %arg6[%get3A_1561] {strides = array<i32>} : memref<3328xi32, #tpu.memory_space<vmem>>, vector<16xi32>,
    %add3A_1563 = arith.constant 1760 : i32
    %add3A_1564 = arith.addi %mul3A_2, %add3A_1563 : i32
    %add3A_1565 = vector.broadcast %add3A_1564 : i32 to vector<16xi32>
    %add3A_1566 = arith.addi %add3A_1565, %iota3A : vector<16xi32>
    %mul3A_1567 = arith.constant 1000 : i32
    %mul3A_1568 = vector.broadcast %mul3A_1567 : i32 to vector<16xi32>
    %mul3A_1569 = arith.muli %add3A_1566, %mul3A_1568 : vector<16xi32>
    %add3A_1570 = arith.addi %get3A_1562, %mul3A_1569 : vector<16xi32>
    %swap3A_1571 = arith.constant 13 : i32
    %swap3A_1572 = arith.index_cast %swap3A_1571 : i32 to index
    %swap3A_1573 = arith.constant 96 : index
    %swap3A_1574 = tpu.vector_load %arg7[%swap3A_1572, %swap3A_1573] {strides = array<i32>} : memref<26x128xi32, #tpu.memory_space<vmem>>, vector<16xi32>,
    tpu.vector_store %arg7[%swap3A_1572, %swap3A_1573], %add3A_1570 {strides = array<i32>} : memref<26x128xi32, #tpu.memory_space<vmem>>, vector<16xi32>,
    %get3A_1575 = arith.constant 1776 : index
    %get3A_1576 = tpu.vector_load %arg6[%get3A_1575] {strides = array<i32>} : memref<3328xi32, #tpu.memory_space<vmem>>, vector<16xi32>,
    %add3A_1577 = arith.constant 1776 : i32
    %add3A_1578 = arith.addi %mul3A_2, %add3A_1577 : i32
    %add3A_1579 = vector.broadcast %add3A_1578 : i32 to vector<16xi32>
    %add3A_1580 = arith.addi %add3A_1579, %iota3A : vector<16xi32>
    %mul3A_1581 = arith.constant 1000 : i32
    %mul3A_1582 = vector.broadcast %mul3A_1581 : i32 to vector<16xi32>
    %mul3A_1583 = arith.muli %add3A_1580, %mul3A_1582 : vector<16xi32>
    %add3A_1584 = arith.addi %get3A_1576, %mul3A_1583 : vector<16xi32>
    %swap3A_1585 = arith.constant 13 : i32
    %swap3A_1586 = arith.index_cast %swap3A_1585 : i32 to index
    %swap3A_1587 = arith.constant 112 : index
    %swap3A_1588 = tpu.vector_load %arg7[%swap3A_1586, %swap3A_1587] {strides = array<i32>} : memref<26x128xi32, #tpu.memory_space<vmem>>, vector<16xi32>,
    tpu.vector_store %arg7[%swap3A_1586, %swap3A_1587], %add3A_1584 {strides = array<i32>} : memref<26x128xi32, #tpu.memory_space<vmem>>, vector<16xi32>,
    %get3A_1589 = arith.constant 1792 : index
    %get3A_1590 = tpu.vector_load %arg6[%get3A_1589] {strides = array<i32>} : memref<3328xi32, #tpu.memory_space<vmem>>, vector<16xi32>,
    %add3A_1591 = arith.constant 1792 : i32
    %add3A_1592 = arith.addi %mul3A_2, %add3A_1591 : i32
    %add3A_1593 = vector.broadcast %add3A_1592 : i32 to vector<16xi32>
    %add3A_1594 = arith.addi %add3A_1593, %iota3A : vector<16xi32>
    %mul3A_1595 = arith.constant 1000 : i32
    %mul3A_1596 = vector.broadcast %mul3A_1595 : i32 to vector<16xi32>
    %mul3A_1597 = arith.muli %add3A_1594, %mul3A_1596 : vector<16xi32>
    %add3A_1598 = arith.addi %get3A_1590, %mul3A_1597 : vector<16xi32>
    %swap3A_1599 = arith.constant 14 : i32
    %swap3A_1600 = arith.index_cast %swap3A_1599 : i32 to index
    %swap3A_1601 = arith.constant 0 : index
    %swap3A_1602 = tpu.vector_load %arg7[%swap3A_1600, %swap3A_1601] {strides = array<i32>} : memref<26x128xi32, #tpu.memory_space<vmem>>, vector<16xi32>,
    tpu.vector_store %arg7[%swap3A_1600, %swap3A_1601], %add3A_1598 {strides = array<i32>} : memref<26x128xi32, #tpu.memory_space<vmem>>, vector<16xi32>,
    %get3A_1603 = arith.constant 1808 : index
    %get3A_1604 = tpu.vector_load %arg6[%get3A_1603] {strides = array<i32>} : memref<3328xi32, #tpu.memory_space<vmem>>, vector<16xi32>,
    %add3A_1605 = arith.constant 1808 : i32
    %add3A_1606 = arith.addi %mul3A_2, %add3A_1605 : i32
    %add3A_1607 = vector.broadcast %add3A_1606 : i32 to vector<16xi32>
    %add3A_1608 = arith.addi %add3A_1607, %iota3A : vector<16xi32>
    %mul3A_1609 = arith.constant 1000 : i32
    %mul3A_1610 = vector.broadcast %mul3A_1609 : i32 to vector<16xi32>
    %mul3A_1611 = arith.muli %add3A_1608, %mul3A_1610 : vector<16xi32>
    %add3A_1612 = arith.addi %get3A_1604, %mul3A_1611 : vector<16xi32>
    %swap3A_1613 = arith.constant 14 : i32
    %swap3A_1614 = arith.index_cast %swap3A_1613 : i32 to index
    %swap3A_1615 = arith.constant 16 : index
    %swap3A_1616 = tpu.vector_load %arg7[%swap3A_1614, %swap3A_1615] {strides = array<i32>} : memref<26x128xi32, #tpu.memory_space<vmem>>, vector<16xi32>,
    tpu.vector_store %arg7[%swap3A_1614, %swap3A_1615], %add3A_1612 {strides = array<i32>} : memref<26x128xi32, #tpu.memory_space<vmem>>, vector<16xi32>,
    %get3A_1617 = arith.constant 1824 : index
    %get3A_1618 = tpu.vector_load %arg6[%get3A_1617] {strides = array<i32>} : memref<3328xi32, #tpu.memory_space<vmem>>, vector<16xi32>,
    %add3A_1619 = arith.constant 1824 : i32
    %add3A_1620 = arith.addi %mul3A_2, %add3A_1619 : i32
    %add3A_1621 = vector.broadcast %add3A_1620 : i32 to vector<16xi32>
    %add3A_1622 = arith.addi %add3A_1621, %iota3A : vector<16xi32>
    %mul3A_1623 = arith.constant 1000 : i32
    %mul3A_1624 = vector.broadcast %mul3A_1623 : i32 to vector<16xi32>
    %mul3A_1625 = arith.muli %add3A_1622, %mul3A_1624 : vector<16xi32>
    %add3A_1626 = arith.addi %get3A_1618, %mul3A_1625 : vector<16xi32>
    %swap3A_1627 = arith.constant 14 : i32
    %swap3A_1628 = arith.index_cast %swap3A_1627 : i32 to index
    %swap3A_1629 = arith.constant 32 : index
    %swap3A_1630 = tpu.vector_load %arg7[%swap3A_1628, %swap3A_1629] {strides = array<i32>} : memref<26x128xi32, #tpu.memory_space<vmem>>, vector<16xi32>,
    tpu.vector_store %arg7[%swap3A_1628, %swap3A_1629], %add3A_1626 {strides = array<i32>} : memref<26x128xi32, #tpu.memory_space<vmem>>, vector<16xi32>,
    %get3A_1631 = arith.constant 1840 : index
    %get3A_1632 = tpu.vector_load %arg6[%get3A_1631] {strides = array<i32>} : memref<3328xi32, #tpu.memory_space<vmem>>, vector<16xi32>,
    %add3A_1633 = arith.constant 1840 : i32
    %add3A_1634 = arith.addi %mul3A_2, %add3A_1633 : i32
    %add3A_1635 = vector.broadcast %add3A_1634 : i32 to vector<16xi32>
    %add3A_1636 = arith.addi %add3A_1635, %iota3A : vector<16xi32>
    %mul3A_1637 = arith.constant 1000 : i32
    %mul3A_1638 = vector.broadcast %mul3A_1637 : i32 to vector<16xi32>
    %mul3A_1639 = arith.muli %add3A_1636, %mul3A_1638 : vector<16xi32>
    %add3A_1640 = arith.addi %get3A_1632, %mul3A_1639 : vector<16xi32>
    %swap3A_1641 = arith.constant 14 : i32
    %swap3A_1642 = arith.index_cast %swap3A_1641 : i32 to index
    %swap3A_1643 = arith.constant 48 : index
    %swap3A_1644 = tpu.vector_load %arg7[%swap3A_1642, %swap3A_1643] {strides = array<i32>} : memref<26x128xi32, #tpu.memory_space<vmem>>, vector<16xi32>,
    tpu.vector_store %arg7[%swap3A_1642, %swap3A_1643], %add3A_1640 {strides = array<i32>} : memref<26x128xi32, #tpu.memory_space<vmem>>, vector<16xi32>,
    %get3A_1645 = arith.constant 1856 : index
    %get3A_1646 = tpu.vector_load %arg6[%get3A_1645] {strides = array<i32>} : memref<3328xi32, #tpu.memory_space<vmem>>, vector<16xi32>,
    %add3A_1647 = arith.constant 1856 : i32
    %add3A_1648 = arith.addi %mul3A_2, %add3A_1647 : i32
    %add3A_1649 = vector.broadcast %add3A_1648 : i32 to vector<16xi32>
    %add3A_1650 = arith.addi %add3A_1649, %iota3A : vector<16xi32>
    %mul3A_1651 = arith.constant 1000 : i32
    %mul3A_1652 = vector.broadcast %mul3A_1651 : i32 to vector<16xi32>
    %mul3A_1653 = arith.muli %add3A_1650, %mul3A_1652 : vector<16xi32>
    %add3A_1654 = arith.addi %get3A_1646, %mul3A_1653 : vector<16xi32>
    %swap3A_1655 = arith.constant 14 : i32
    %swap3A_1656 = arith.index_cast %swap3A_1655 : i32 to index
    %swap3A_1657 = arith.constant 64 : index
    %swap3A_1658 = tpu.vector_load %arg7[%swap3A_1656, %swap3A_1657] {strides = array<i32>} : memref<26x128xi32, #tpu.memory_space<vmem>>, vector<16xi32>,
    tpu.vector_store %arg7[%swap3A_1656, %swap3A_1657], %add3A_1654 {strides = array<i32>} : memref<26x128xi32, #tpu.memory_space<vmem>>, vector<16xi32>,
    %get3A_1659 = arith.constant 1872 : index
    %get3A_1660 = tpu.vector_load %arg6[%get3A_1659] {strides = array<i32>} : memref<3328xi32, #tpu.memory_space<vmem>>, vector<16xi32>,
    %add3A_1661 = arith.constant 1872 : i32
    %add3A_1662 = arith.addi %mul3A_2, %add3A_1661 : i32
    %add3A_1663 = vector.broadcast %add3A_1662 : i32 to vector<16xi32>
    %add3A_1664 = arith.addi %add3A_1663, %iota3A : vector<16xi32>
    %mul3A_1665 = arith.constant 1000 : i32
    %mul3A_1666 = vector.broadcast %mul3A_1665 : i32 to vector<16xi32>
    %mul3A_1667 = arith.muli %add3A_1664, %mul3A_1666 : vector<16xi32>
    %add3A_1668 = arith.addi %get3A_1660, %mul3A_1667 : vector<16xi32>
    %swap3A_1669 = arith.constant 14 : i32
    %swap3A_1670 = arith.index_cast %swap3A_1669 : i32 to index
    %swap3A_1671 = arith.constant 80 : index
    %swap3A_1672 = tpu.vector_load %arg7[%swap3A_1670, %swap3A_1671] {strides = array<i32>} : memref<26x128xi32, #tpu.memory_space<vmem>>, vector<16xi32>,
    tpu.vector_store %arg7[%swap3A_1670, %swap3A_1671], %add3A_1668 {strides = array<i32>} : memref<26x128xi32, #tpu.memory_space<vmem>>, vector<16xi32>,
    %get3A_1673 = arith.constant 1888 : index
    %get3A_1674 = tpu.vector_load %arg6[%get3A_1673] {strides = array<i32>} : memref<3328xi32, #tpu.memory_space<vmem>>, vector<16xi32>,
    %add3A_1675 = arith.constant 1888 : i32
    %add3A_1676 = arith.addi %mul3A_2, %add3A_1675 : i32
    %add3A_1677 = vector.broadcast %add3A_1676 : i32 to vector<16xi32>
    %add3A_1678 = arith.addi %add3A_1677, %iota3A : vector<16xi32>
    %mul3A_1679 = arith.constant 1000 : i32
    %mul3A_1680 = vector.broadcast %mul3A_1679 : i32 to vector<16xi32>
    %mul3A_1681 = arith.muli %add3A_1678, %mul3A_1680 : vector<16xi32>
    %add3A_1682 = arith.addi %get3A_1674, %mul3A_1681 : vector<16xi32>
    %swap3A_1683 = arith.constant 14 : i32
    %swap3A_1684 = arith.index_cast %swap3A_1683 : i32 to index
    %swap3A_1685 = arith.constant 96 : index
    %swap3A_1686 = tpu.vector_load %arg7[%swap3A_1684, %swap3A_1685] {strides = array<i32>} : memref<26x128xi32, #tpu.memory_space<vmem>>, vector<16xi32>,
    tpu.vector_store %arg7[%swap3A_1684, %swap3A_1685], %add3A_1682 {strides = array<i32>} : memref<26x128xi32, #tpu.memory_space<vmem>>, vector<16xi32>,
    %get3A_1687 = arith.constant 1904 : index
    %get3A_1688 = tpu.vector_load %arg6[%get3A_1687] {strides = array<i32>} : memref<3328xi32, #tpu.memory_space<vmem>>, vector<16xi32>,
    %add3A_1689 = arith.constant 1904 : i32
    %add3A_1690 = arith.addi %mul3A_2, %add3A_1689 : i32
    %add3A_1691 = vector.broadcast %add3A_1690 : i32 to vector<16xi32>
    %add3A_1692 = arith.addi %add3A_1691, %iota3A : vector<16xi32>
    %mul3A_1693 = arith.constant 1000 : i32
    %mul3A_1694 = vector.broadcast %mul3A_1693 : i32 to vector<16xi32>
    %mul3A_1695 = arith.muli %add3A_1692, %mul3A_1694 : vector<16xi32>
    %add3A_1696 = arith.addi %get3A_1688, %mul3A_1695 : vector<16xi32>
    %swap3A_1697 = arith.constant 14 : i32
    %swap3A_1698 = arith.index_cast %swap3A_1697 : i32 to index
    %swap3A_1699 = arith.constant 112 : index
    %swap3A_1700 = tpu.vector_load %arg7[%swap3A_1698, %swap3A_1699] {strides = array<i32>} : memref<26x128xi32, #tpu.memory_space<vmem>>, vector<16xi32>,
    tpu.vector_store %arg7[%swap3A_1698, %swap3A_1699], %add3A_1696 {strides = array<i32>} : memref<26x128xi32, #tpu.memory_space<vmem>>, vector<16xi32>,
    %get3A_1701 = arith.constant 1920 : index
    %get3A_1702 = tpu.vector_load %arg6[%get3A_1701] {strides = array<i32>} : memref<3328xi32, #tpu.memory_space<vmem>>, vector<16xi32>,
    %add3A_1703 = arith.constant 1920 : i32
    %add3A_1704 = arith.addi %mul3A_2, %add3A_1703 : i32
    %add3A_1705 = vector.broadcast %add3A_1704 : i32 to vector<16xi32>
    %add3A_1706 = arith.addi %add3A_1705, %iota3A : vector<16xi32>
    %mul3A_1707 = arith.constant 1000 : i32
    %mul3A_1708 = vector.broadcast %mul3A_1707 : i32 to vector<16xi32>
    %mul3A_1709 = arith.muli %add3A_1706, %mul3A_1708 : vector<16xi32>
    %add3A_1710 = arith.addi %get3A_1702, %mul3A_1709 : vector<16xi32>
    %swap3A_1711 = arith.constant 15 : i32
    %swap3A_1712 = arith.index_cast %swap3A_1711 : i32 to index
    %swap3A_1713 = arith.constant 0 : index
    %swap3A_1714 = tpu.vector_load %arg7[%swap3A_1712, %swap3A_1713] {strides = array<i32>} : memref<26x128xi32, #tpu.memory_space<vmem>>, vector<16xi32>,
    tpu.vector_store %arg7[%swap3A_1712, %swap3A_1713], %add3A_1710 {strides = array<i32>} : memref<26x128xi32, #tpu.memory_space<vmem>>, vector<16xi32>,
    %get3A_1715 = arith.constant 1936 : index
    %get3A_1716 = tpu.vector_load %arg6[%get3A_1715] {strides = array<i32>} : memref<3328xi32, #tpu.memory_space<vmem>>, vector<16xi32>,
    %add3A_1717 = arith.constant 1936 : i32
    %add3A_1718 = arith.addi %mul3A_2, %add3A_1717 : i32
    %add3A_1719 = vector.broadcast %add3A_1718 : i32 to vector<16xi32>
    %add3A_1720 = arith.addi %add3A_1719, %iota3A : vector<16xi32>
    %mul3A_1721 = arith.constant 1000 : i32
    %mul3A_1722 = vector.broadcast %mul3A_1721 : i32 to vector<16xi32>
    %mul3A_1723 = arith.muli %add3A_1720, %mul3A_1722 : vector<16xi32>
    %add3A_1724 = arith.addi %get3A_1716, %mul3A_1723 : vector<16xi32>
    %swap3A_1725 = arith.constant 15 : i32
    %swap3A_1726 = arith.index_cast %swap3A_1725 : i32 to index
    %swap3A_1727 = arith.constant 16 : index
    %swap3A_1728 = tpu.vector_load %arg7[%swap3A_1726, %swap3A_1727] {strides = array<i32>} : memref<26x128xi32, #tpu.memory_space<vmem>>, vector<16xi32>,
    tpu.vector_store %arg7[%swap3A_1726, %swap3A_1727], %add3A_1724 {strides = array<i32>} : memref<26x128xi32, #tpu.memory_space<vmem>>, vector<16xi32>,
    %get3A_1729 = arith.constant 1952 : index
    %get3A_1730 = tpu.vector_load %arg6[%get3A_1729] {strides = array<i32>} : memref<3328xi32, #tpu.memory_space<vmem>>, vector<16xi32>,
    %add3A_1731 = arith.constant 1952 : i32
    %add3A_1732 = arith.addi %mul3A_2, %add3A_1731 : i32
    %add3A_1733 = vector.broadcast %add3A_1732 : i32 to vector<16xi32>
    %add3A_1734 = arith.addi %add3A_1733, %iota3A : vector<16xi32>
    %mul3A_1735 = arith.constant 1000 : i32
    %mul3A_1736 = vector.broadcast %mul3A_1735 : i32 to vector<16xi32>
    %mul3A_1737 = arith.muli %add3A_1734, %mul3A_1736 : vector<16xi32>
    %add3A_1738 = arith.addi %get3A_1730, %mul3A_1737 : vector<16xi32>
    %swap3A_1739 = arith.constant 15 : i32
    %swap3A_1740 = arith.index_cast %swap3A_1739 : i32 to index
    %swap3A_1741 = arith.constant 32 : index
    %swap3A_1742 = tpu.vector_load %arg7[%swap3A_1740, %swap3A_1741] {strides = array<i32>} : memref<26x128xi32, #tpu.memory_space<vmem>>, vector<16xi32>,
    tpu.vector_store %arg7[%swap3A_1740, %swap3A_1741], %add3A_1738 {strides = array<i32>} : memref<26x128xi32, #tpu.memory_space<vmem>>, vector<16xi32>,
    %get3A_1743 = arith.constant 1968 : index
    %get3A_1744 = tpu.vector_load %arg6[%get3A_1743] {strides = array<i32>} : memref<3328xi32, #tpu.memory_space<vmem>>, vector<16xi32>,
    %add3A_1745 = arith.constant 1968 : i32
    %add3A_1746 = arith.addi %mul3A_2, %add3A_1745 : i32
    %add3A_1747 = vector.broadcast %add3A_1746 : i32 to vector<16xi32>
    %add3A_1748 = arith.addi %add3A_1747, %iota3A : vector<16xi32>
    %mul3A_1749 = arith.constant 1000 : i32
    %mul3A_1750 = vector.broadcast %mul3A_1749 : i32 to vector<16xi32>
    %mul3A_1751 = arith.muli %add3A_1748, %mul3A_1750 : vector<16xi32>
    %add3A_1752 = arith.addi %get3A_1744, %mul3A_1751 : vector<16xi32>
    %swap3A_1753 = arith.constant 15 : i32
    %swap3A_1754 = arith.index_cast %swap3A_1753 : i32 to index
    %swap3A_1755 = arith.constant 48 : index
    %swap3A_1756 = tpu.vector_load %arg7[%swap3A_1754, %swap3A_1755] {strides = array<i32>} : memref<26x128xi32, #tpu.memory_space<vmem>>, vector<16xi32>,
    tpu.vector_store %arg7[%swap3A_1754, %swap3A_1755], %add3A_1752 {strides = array<i32>} : memref<26x128xi32, #tpu.memory_space<vmem>>, vector<16xi32>,
    %get3A_1757 = arith.constant 1984 : index
    %get3A_1758 = tpu.vector_load %arg6[%get3A_1757] {strides = array<i32>} : memref<3328xi32, #tpu.memory_space<vmem>>, vector<16xi32>,
    %add3A_1759 = arith.constant 1984 : i32
    %add3A_1760 = arith.addi %mul3A_2, %add3A_1759 : i32
    %add3A_1761 = vector.broadcast %add3A_1760 : i32 to vector<16xi32>
    %add3A_1762 = arith.addi %add3A_1761, %iota3A : vector<16xi32>
    %mul3A_1763 = arith.constant 1000 : i32
    %mul3A_1764 = vector.broadcast %mul3A_1763 : i32 to vector<16xi32>
    %mul3A_1765 = arith.muli %add3A_1762, %mul3A_1764 : vector<16xi32>
    %add3A_1766 = arith.addi %get3A_1758, %mul3A_1765 : vector<16xi32>
    %swap3A_1767 = arith.constant 15 : i32
    %swap3A_1768 = arith.index_cast %swap3A_1767 : i32 to index
    %swap3A_1769 = arith.constant 64 : index
    %swap3A_1770 = tpu.vector_load %arg7[%swap3A_1768, %swap3A_1769] {strides = array<i32>} : memref<26x128xi32, #tpu.memory_space<vmem>>, vector<16xi32>,
    tpu.vector_store %arg7[%swap3A_1768, %swap3A_1769], %add3A_1766 {strides = array<i32>} : memref<26x128xi32, #tpu.memory_space<vmem>>, vector<16xi32>,
    %get3A_1771 = arith.constant 2000 : index
    %get3A_1772 = tpu.vector_load %arg6[%get3A_1771] {strides = array<i32>} : memref<3328xi32, #tpu.memory_space<vmem>>, vector<16xi32>,
    %add3A_1773 = arith.constant 2000 : i32
    %add3A_1774 = arith.addi %mul3A_2, %add3A_1773 : i32
    %add3A_1775 = vector.broadcast %add3A_1774 : i32 to vector<16xi32>
    %add3A_1776 = arith.addi %add3A_1775, %iota3A : vector<16xi32>
    %mul3A_1777 = arith.constant 1000 : i32
    %mul3A_1778 = vector.broadcast %mul3A_1777 : i32 to vector<16xi32>
    %mul3A_1779 = arith.muli %add3A_1776, %mul3A_1778 : vector<16xi32>
    %add3A_1780 = arith.addi %get3A_1772, %mul3A_1779 : vector<16xi32>
    %swap3A_1781 = arith.constant 15 : i32
    %swap3A_1782 = arith.index_cast %swap3A_1781 : i32 to index
    %swap3A_1783 = arith.constant 80 : index
    %swap3A_1784 = tpu.vector_load %arg7[%swap3A_1782, %swap3A_1783] {strides = array<i32>} : memref<26x128xi32, #tpu.memory_space<vmem>>, vector<16xi32>,
    tpu.vector_store %arg7[%swap3A_1782, %swap3A_1783], %add3A_1780 {strides = array<i32>} : memref<26x128xi32, #tpu.memory_space<vmem>>, vector<16xi32>,
    %get3A_1785 = arith.constant 2016 : index
    %get3A_1786 = tpu.vector_load %arg6[%get3A_1785] {strides = array<i32>} : memref<3328xi32, #tpu.memory_space<vmem>>, vector<16xi32>,
    %add3A_1787 = arith.constant 2016 : i32
    %add3A_1788 = arith.addi %mul3A_2, %add3A_1787 : i32
    %add3A_1789 = vector.broadcast %add3A_1788 : i32 to vector<16xi32>
    %add3A_1790 = arith.addi %add3A_1789, %iota3A : vector<16xi32>
    %mul3A_1791 = arith.constant 1000 : i32
    %mul3A_1792 = vector.broadcast %mul3A_1791 : i32 to vector<16xi32>
    %mul3A_1793 = arith.muli %add3A_1790, %mul3A_1792 : vector<16xi32>
    %add3A_1794 = arith.addi %get3A_1786, %mul3A_1793 : vector<16xi32>
    %swap3A_1795 = arith.constant 15 : i32
    %swap3A_1796 = arith.index_cast %swap3A_1795 : i32 to index
    %swap3A_1797 = arith.constant 96 : index
    %swap3A_1798 = tpu.vector_load %arg7[%swap3A_1796, %swap3A_1797] {strides = array<i32>} : memref<26x128xi32, #tpu.memory_space<vmem>>, vector<16xi32>,
    tpu.vector_store %arg7[%swap3A_1796, %swap3A_1797], %add3A_1794 {strides = array<i32>} : memref<26x128xi32, #tpu.memory_space<vmem>>, vector<16xi32>,
    %get3A_1799 = arith.constant 2032 : index
    %get3A_1800 = tpu.vector_load %arg6[%get3A_1799] {strides = array<i32>} : memref<3328xi32, #tpu.memory_space<vmem>>, vector<16xi32>,
    %add3A_1801 = arith.constant 2032 : i32
    %add3A_1802 = arith.addi %mul3A_2, %add3A_1801 : i32
    %add3A_1803 = vector.broadcast %add3A_1802 : i32 to vector<16xi32>
    %add3A_1804 = arith.addi %add3A_1803, %iota3A : vector<16xi32>
    %mul3A_1805 = arith.constant 1000 : i32
    %mul3A_1806 = vector.broadcast %mul3A_1805 : i32 to vector<16xi32>
    %mul3A_1807 = arith.muli %add3A_1804, %mul3A_1806 : vector<16xi32>
    %add3A_1808 = arith.addi %get3A_1800, %mul3A_1807 : vector<16xi32>
    %swap3A_1809 = arith.constant 15 : i32
    %swap3A_1810 = arith.index_cast %swap3A_1809 : i32 to index
    %swap3A_1811 = arith.constant 112 : index
    %swap3A_1812 = tpu.vector_load %arg7[%swap3A_1810, %swap3A_1811] {strides = array<i32>} : memref<26x128xi32, #tpu.memory_space<vmem>>, vector<16xi32>,
    tpu.vector_store %arg7[%swap3A_1810, %swap3A_1811], %add3A_1808 {strides = array<i32>} : memref<26x128xi32, #tpu.memory_space<vmem>>, vector<16xi32>,
    %get3A_1813 = arith.constant 2048 : index
    %get3A_1814 = tpu.vector_load %arg6[%get3A_1813] {strides = array<i32>} : memref<3328xi32, #tpu.memory_space<vmem>>, vector<16xi32>,
    %add3A_1815 = arith.constant 2048 : i32
    %add3A_1816 = arith.addi %mul3A_2, %add3A_1815 : i32
    %add3A_1817 = vector.broadcast %add3A_1816 : i32 to vector<16xi32>
    %add3A_1818 = arith.addi %add3A_1817, %iota3A : vector<16xi32>
    %mul3A_1819 = arith.constant 1000 : i32
    %mul3A_1820 = vector.broadcast %mul3A_1819 : i32 to vector<16xi32>
    %mul3A_1821 = arith.muli %add3A_1818, %mul3A_1820 : vector<16xi32>
    %add3A_1822 = arith.addi %get3A_1814, %mul3A_1821 : vector<16xi32>
    %swap3A_1823 = arith.constant 16 : i32
    %swap3A_1824 = arith.index_cast %swap3A_1823 : i32 to index
    %swap3A_1825 = arith.constant 0 : index
    %swap3A_1826 = tpu.vector_load %arg7[%swap3A_1824, %swap3A_1825] {strides = array<i32>} : memref<26x128xi32, #tpu.memory_space<vmem>>, vector<16xi32>,
    tpu.vector_store %arg7[%swap3A_1824, %swap3A_1825], %add3A_1822 {strides = array<i32>} : memref<26x128xi32, #tpu.memory_space<vmem>>, vector<16xi32>,
    %get3A_1827 = arith.constant 2064 : index
    %get3A_1828 = tpu.vector_load %arg6[%get3A_1827] {strides = array<i32>} : memref<3328xi32, #tpu.memory_space<vmem>>, vector<16xi32>,
    %add3A_1829 = arith.constant 2064 : i32
    %add3A_1830 = arith.addi %mul3A_2, %add3A_1829 : i32
    %add3A_1831 = vector.broadcast %add3A_1830 : i32 to vector<16xi32>
    %add3A_1832 = arith.addi %add3A_1831, %iota3A : vector<16xi32>
    %mul3A_1833 = arith.constant 1000 : i32
    %mul3A_1834 = vector.broadcast %mul3A_1833 : i32 to vector<16xi32>
    %mul3A_1835 = arith.muli %add3A_1832, %mul3A_1834 : vector<16xi32>
    %add3A_1836 = arith.addi %get3A_1828, %mul3A_1835 : vector<16xi32>
    %swap3A_1837 = arith.constant 16 : i32
    %swap3A_1838 = arith.index_cast %swap3A_1837 : i32 to index
    %swap3A_1839 = arith.constant 16 : index
    %swap3A_1840 = tpu.vector_load %arg7[%swap3A_1838, %swap3A_1839] {strides = array<i32>} : memref<26x128xi32, #tpu.memory_space<vmem>>, vector<16xi32>,
    tpu.vector_store %arg7[%swap3A_1838, %swap3A_1839], %add3A_1836 {strides = array<i32>} : memref<26x128xi32, #tpu.memory_space<vmem>>, vector<16xi32>,
    %get3A_1841 = arith.constant 2080 : index
    %get3A_1842 = tpu.vector_load %arg6[%get3A_1841] {strides = array<i32>} : memref<3328xi32, #tpu.memory_space<vmem>>, vector<16xi32>,
    %add3A_1843 = arith.constant 2080 : i32
    %add3A_1844 = arith.addi %mul3A_2, %add3A_1843 : i32
    %add3A_1845 = vector.broadcast %add3A_1844 : i32 to vector<16xi32>
    %add3A_1846 = arith.addi %add3A_1845, %iota3A : vector<16xi32>
    %mul3A_1847 = arith.constant 1000 : i32
    %mul3A_1848 = vector.broadcast %mul3A_1847 : i32 to vector<16xi32>
    %mul3A_1849 = arith.muli %add3A_1846, %mul3A_1848 : vector<16xi32>
    %add3A_1850 = arith.addi %get3A_1842, %mul3A_1849 : vector<16xi32>
    %swap3A_1851 = arith.constant 16 : i32
    %swap3A_1852 = arith.index_cast %swap3A_1851 : i32 to index
    %swap3A_1853 = arith.constant 32 : index
    %swap3A_1854 = tpu.vector_load %arg7[%swap3A_1852, %swap3A_1853] {strides = array<i32>} : memref<26x128xi32, #tpu.memory_space<vmem>>, vector<16xi32>,
    tpu.vector_store %arg7[%swap3A_1852, %swap3A_1853], %add3A_1850 {strides = array<i32>} : memref<26x128xi32, #tpu.memory_space<vmem>>, vector<16xi32>,
    %get3A_1855 = arith.constant 2096 : index
    %get3A_1856 = tpu.vector_load %arg6[%get3A_1855] {strides = array<i32>} : memref<3328xi32, #tpu.memory_space<vmem>>, vector<16xi32>,
    %add3A_1857 = arith.constant 2096 : i32
    %add3A_1858 = arith.addi %mul3A_2, %add3A_1857 : i32
    %add3A_1859 = vector.broadcast %add3A_1858 : i32 to vector<16xi32>
    %add3A_1860 = arith.addi %add3A_1859, %iota3A : vector<16xi32>
    %mul3A_1861 = arith.constant 1000 : i32
    %mul3A_1862 = vector.broadcast %mul3A_1861 : i32 to vector<16xi32>
    %mul3A_1863 = arith.muli %add3A_1860, %mul3A_1862 : vector<16xi32>
    %add3A_1864 = arith.addi %get3A_1856, %mul3A_1863 : vector<16xi32>
    %swap3A_1865 = arith.constant 16 : i32
    %swap3A_1866 = arith.index_cast %swap3A_1865 : i32 to index
    %swap3A_1867 = arith.constant 48 : index
    %swap3A_1868 = tpu.vector_load %arg7[%swap3A_1866, %swap3A_1867] {strides = array<i32>} : memref<26x128xi32, #tpu.memory_space<vmem>>, vector<16xi32>,
    tpu.vector_store %arg7[%swap3A_1866, %swap3A_1867], %add3A_1864 {strides = array<i32>} : memref<26x128xi32, #tpu.memory_space<vmem>>, vector<16xi32>,
    %get3A_1869 = arith.constant 2112 : index
    %get3A_1870 = tpu.vector_load %arg6[%get3A_1869] {strides = array<i32>} : memref<3328xi32, #tpu.memory_space<vmem>>, vector<16xi32>,
    %add3A_1871 = arith.constant 2112 : i32
    %add3A_1872 = arith.addi %mul3A_2, %add3A_1871 : i32
    %add3A_1873 = vector.broadcast %add3A_1872 : i32 to vector<16xi32>
    %add3A_1874 = arith.addi %add3A_1873, %iota3A : vector<16xi32>
    %mul3A_1875 = arith.constant 1000 : i32
    %mul3A_1876 = vector.broadcast %mul3A_1875 : i32 to vector<16xi32>
    %mul3A_1877 = arith.muli %add3A_1874, %mul3A_1876 : vector<16xi32>
    %add3A_1878 = arith.addi %get3A_1870, %mul3A_1877 : vector<16xi32>
    %swap3A_1879 = arith.constant 16 : i32
    %swap3A_1880 = arith.index_cast %swap3A_1879 : i32 to index
    %swap3A_1881 = arith.constant 64 : index
    %swap3A_1882 = tpu.vector_load %arg7[%swap3A_1880, %swap3A_1881] {strides = array<i32>} : memref<26x128xi32, #tpu.memory_space<vmem>>, vector<16xi32>,
    tpu.vector_store %arg7[%swap3A_1880, %swap3A_1881], %add3A_1878 {strides = array<i32>} : memref<26x128xi32, #tpu.memory_space<vmem>>, vector<16xi32>,
    %get3A_1883 = arith.constant 2128 : index
    %get3A_1884 = tpu.vector_load %arg6[%get3A_1883] {strides = array<i32>} : memref<3328xi32, #tpu.memory_space<vmem>>, vector<16xi32>,
    %add3A_1885 = arith.constant 2128 : i32
    %add3A_1886 = arith.addi %mul3A_2, %add3A_1885 : i32
    %add3A_1887 = vector.broadcast %add3A_1886 : i32 to vector<16xi32>
    %add3A_1888 = arith.addi %add3A_1887, %iota3A : vector<16xi32>
    %mul3A_1889 = arith.constant 1000 : i32
    %mul3A_1890 = vector.broadcast %mul3A_1889 : i32 to vector<16xi32>
    %mul3A_1891 = arith.muli %add3A_1888, %mul3A_1890 : vector<16xi32>
    %add3A_1892 = arith.addi %get3A_1884, %mul3A_1891 : vector<16xi32>
    %swap3A_1893 = arith.constant 16 : i32
    %swap3A_1894 = arith.index_cast %swap3A_1893 : i32 to index
    %swap3A_1895 = arith.constant 80 : index
    %swap3A_1896 = tpu.vector_load %arg7[%swap3A_1894, %swap3A_1895] {strides = array<i32>} : memref<26x128xi32, #tpu.memory_space<vmem>>, vector<16xi32>,
    tpu.vector_store %arg7[%swap3A_1894, %swap3A_1895], %add3A_1892 {strides = array<i32>} : memref<26x128xi32, #tpu.memory_space<vmem>>, vector<16xi32>,
    %get3A_1897 = arith.constant 2144 : index
    %get3A_1898 = tpu.vector_load %arg6[%get3A_1897] {strides = array<i32>} : memref<3328xi32, #tpu.memory_space<vmem>>, vector<16xi32>,
    %add3A_1899 = arith.constant 2144 : i32
    %add3A_1900 = arith.addi %mul3A_2, %add3A_1899 : i32
    %add3A_1901 = vector.broadcast %add3A_1900 : i32 to vector<16xi32>
    %add3A_1902 = arith.addi %add3A_1901, %iota3A : vector<16xi32>
    %mul3A_1903 = arith.constant 1000 : i32
    %mul3A_1904 = vector.broadcast %mul3A_1903 : i32 to vector<16xi32>
    %mul3A_1905 = arith.muli %add3A_1902, %mul3A_1904 : vector<16xi32>
    %add3A_1906 = arith.addi %get3A_1898, %mul3A_1905 : vector<16xi32>
    %swap3A_1907 = arith.constant 16 : i32
    %swap3A_1908 = arith.index_cast %swap3A_1907 : i32 to index
    %swap3A_1909 = arith.constant 96 : index
    %swap3A_1910 = tpu.vector_load %arg7[%swap3A_1908, %swap3A_1909] {strides = array<i32>} : memref<26x128xi32, #tpu.memory_space<vmem>>, vector<16xi32>,
    tpu.vector_store %arg7[%swap3A_1908, %swap3A_1909], %add3A_1906 {strides = array<i32>} : memref<26x128xi32, #tpu.memory_space<vmem>>, vector<16xi32>,
    %get3A_1911 = arith.constant 2160 : index
    %get3A_1912 = tpu.vector_load %arg6[%get3A_1911] {strides = array<i32>} : memref<3328xi32, #tpu.memory_space<vmem>>, vector<16xi32>,
    %add3A_1913 = arith.constant 2160 : i32
    %add3A_1914 = arith.addi %mul3A_2, %add3A_1913 : i32
    %add3A_1915 = vector.broadcast %add3A_1914 : i32 to vector<16xi32>
    %add3A_1916 = arith.addi %add3A_1915, %iota3A : vector<16xi32>
    %mul3A_1917 = arith.constant 1000 : i32
    %mul3A_1918 = vector.broadcast %mul3A_1917 : i32 to vector<16xi32>
    %mul3A_1919 = arith.muli %add3A_1916, %mul3A_1918 : vector<16xi32>
    %add3A_1920 = arith.addi %get3A_1912, %mul3A_1919 : vector<16xi32>
    %swap3A_1921 = arith.constant 16 : i32
    %swap3A_1922 = arith.index_cast %swap3A_1921 : i32 to index
    %swap3A_1923 = arith.constant 112 : index
    %swap3A_1924 = tpu.vector_load %arg7[%swap3A_1922, %swap3A_1923] {strides = array<i32>} : memref<26x128xi32, #tpu.memory_space<vmem>>, vector<16xi32>,
    tpu.vector_store %arg7[%swap3A_1922, %swap3A_1923], %add3A_1920 {strides = array<i32>} : memref<26x128xi32, #tpu.memory_space<vmem>>, vector<16xi32>,
    %get3A_1925 = arith.constant 2176 : index
    %get3A_1926 = tpu.vector_load %arg6[%get3A_1925] {strides = array<i32>} : memref<3328xi32, #tpu.memory_space<vmem>>, vector<16xi32>,
    %add3A_1927 = arith.constant 2176 : i32
    %add3A_1928 = arith.addi %mul3A_2, %add3A_1927 : i32
    %add3A_1929 = vector.broadcast %add3A_1928 : i32 to vector<16xi32>
    %add3A_1930 = arith.addi %add3A_1929, %iota3A : vector<16xi32>
    %mul3A_1931 = arith.constant 1000 : i32
    %mul3A_1932 = vector.broadcast %mul3A_1931 : i32 to vector<16xi32>
    %mul3A_1933 = arith.muli %add3A_1930, %mul3A_1932 : vector<16xi32>
    %add3A_1934 = arith.addi %get3A_1926, %mul3A_1933 : vector<16xi32>
    %swap3A_1935 = arith.constant 17 : i32
    %swap3A_1936 = arith.index_cast %swap3A_1935 : i32 to index
    %swap3A_1937 = arith.constant 0 : index
    %swap3A_1938 = tpu.vector_load %arg7[%swap3A_1936, %swap3A_1937] {strides = array<i32>} : memref<26x128xi32, #tpu.memory_space<vmem>>, vector<16xi32>,
    tpu.vector_store %arg7[%swap3A_1936, %swap3A_1937], %add3A_1934 {strides = array<i32>} : memref<26x128xi32, #tpu.memory_space<vmem>>, vector<16xi32>,
    %get3A_1939 = arith.constant 2192 : index
    %get3A_1940 = tpu.vector_load %arg6[%get3A_1939] {strides = array<i32>} : memref<3328xi32, #tpu.memory_space<vmem>>, vector<16xi32>,
    %add3A_1941 = arith.constant 2192 : i32
    %add3A_1942 = arith.addi %mul3A_2, %add3A_1941 : i32
    %add3A_1943 = vector.broadcast %add3A_1942 : i32 to vector<16xi32>
    %add3A_1944 = arith.addi %add3A_1943, %iota3A : vector<16xi32>
    %mul3A_1945 = arith.constant 1000 : i32
    %mul3A_1946 = vector.broadcast %mul3A_1945 : i32 to vector<16xi32>
    %mul3A_1947 = arith.muli %add3A_1944, %mul3A_1946 : vector<16xi32>
    %add3A_1948 = arith.addi %get3A_1940, %mul3A_1947 : vector<16xi32>
    %swap3A_1949 = arith.constant 17 : i32
    %swap3A_1950 = arith.index_cast %swap3A_1949 : i32 to index
    %swap3A_1951 = arith.constant 16 : index
    %swap3A_1952 = tpu.vector_load %arg7[%swap3A_1950, %swap3A_1951] {strides = array<i32>} : memref<26x128xi32, #tpu.memory_space<vmem>>, vector<16xi32>,
    tpu.vector_store %arg7[%swap3A_1950, %swap3A_1951], %add3A_1948 {strides = array<i32>} : memref<26x128xi32, #tpu.memory_space<vmem>>, vector<16xi32>,
    %get3A_1953 = arith.constant 2208 : index
    %get3A_1954 = tpu.vector_load %arg6[%get3A_1953] {strides = array<i32>} : memref<3328xi32, #tpu.memory_space<vmem>>, vector<16xi32>,
    %add3A_1955 = arith.constant 2208 : i32
    %add3A_1956 = arith.addi %mul3A_2, %add3A_1955 : i32
    %add3A_1957 = vector.broadcast %add3A_1956 : i32 to vector<16xi32>
    %add3A_1958 = arith.addi %add3A_1957, %iota3A : vector<16xi32>
    %mul3A_1959 = arith.constant 1000 : i32
    %mul3A_1960 = vector.broadcast %mul3A_1959 : i32 to vector<16xi32>
    %mul3A_1961 = arith.muli %add3A_1958, %mul3A_1960 : vector<16xi32>
    %add3A_1962 = arith.addi %get3A_1954, %mul3A_1961 : vector<16xi32>
    %swap3A_1963 = arith.constant 17 : i32
    %swap3A_1964 = arith.index_cast %swap3A_1963 : i32 to index
    %swap3A_1965 = arith.constant 32 : index
    %swap3A_1966 = tpu.vector_load %arg7[%swap3A_1964, %swap3A_1965] {strides = array<i32>} : memref<26x128xi32, #tpu.memory_space<vmem>>, vector<16xi32>,
    tpu.vector_store %arg7[%swap3A_1964, %swap3A_1965], %add3A_1962 {strides = array<i32>} : memref<26x128xi32, #tpu.memory_space<vmem>>, vector<16xi32>,
    %get3A_1967 = arith.constant 2224 : index
    %get3A_1968 = tpu.vector_load %arg6[%get3A_1967] {strides = array<i32>} : memref<3328xi32, #tpu.memory_space<vmem>>, vector<16xi32>,
    %add3A_1969 = arith.constant 2224 : i32
    %add3A_1970 = arith.addi %mul3A_2, %add3A_1969 : i32
    %add3A_1971 = vector.broadcast %add3A_1970 : i32 to vector<16xi32>
    %add3A_1972 = arith.addi %add3A_1971, %iota3A : vector<16xi32>
    %mul3A_1973 = arith.constant 1000 : i32
    %mul3A_1974 = vector.broadcast %mul3A_1973 : i32 to vector<16xi32>
    %mul3A_1975 = arith.muli %add3A_1972, %mul3A_1974 : vector<16xi32>
    %add3A_1976 = arith.addi %get3A_1968, %mul3A_1975 : vector<16xi32>
    %swap3A_1977 = arith.constant 17 : i32
    %swap3A_1978 = arith.index_cast %swap3A_1977 : i32 to index
    %swap3A_1979 = arith.constant 48 : index
    %swap3A_1980 = tpu.vector_load %arg7[%swap3A_1978, %swap3A_1979] {strides = array<i32>} : memref<26x128xi32, #tpu.memory_space<vmem>>, vector<16xi32>,
    tpu.vector_store %arg7[%swap3A_1978, %swap3A_1979], %add3A_1976 {strides = array<i32>} : memref<26x128xi32, #tpu.memory_space<vmem>>, vector<16xi32>,
    %get3A_1981 = arith.constant 2240 : index
    %get3A_1982 = tpu.vector_load %arg6[%get3A_1981] {strides = array<i32>} : memref<3328xi32, #tpu.memory_space<vmem>>, vector<16xi32>,
    %add3A_1983 = arith.constant 2240 : i32
    %add3A_1984 = arith.addi %mul3A_2, %add3A_1983 : i32
    %add3A_1985 = vector.broadcast %add3A_1984 : i32 to vector<16xi32>
    %add3A_1986 = arith.addi %add3A_1985, %iota3A : vector<16xi32>
    %mul3A_1987 = arith.constant 1000 : i32
    %mul3A_1988 = vector.broadcast %mul3A_1987 : i32 to vector<16xi32>
    %mul3A_1989 = arith.muli %add3A_1986, %mul3A_1988 : vector<16xi32>
    %add3A_1990 = arith.addi %get3A_1982, %mul3A_1989 : vector<16xi32>
    %swap3A_1991 = arith.constant 17 : i32
    %swap3A_1992 = arith.index_cast %swap3A_1991 : i32 to index
    %swap3A_1993 = arith.constant 64 : index
    %swap3A_1994 = tpu.vector_load %arg7[%swap3A_1992, %swap3A_1993] {strides = array<i32>} : memref<26x128xi32, #tpu.memory_space<vmem>>, vector<16xi32>,
    tpu.vector_store %arg7[%swap3A_1992, %swap3A_1993], %add3A_1990 {strides = array<i32>} : memref<26x128xi32, #tpu.memory_space<vmem>>, vector<16xi32>,
    %get3A_1995 = arith.constant 2256 : index
    %get3A_1996 = tpu.vector_load %arg6[%get3A_1995] {strides = array<i32>} : memref<3328xi32, #tpu.memory_space<vmem>>, vector<16xi32>,
    %add3A_1997 = arith.constant 2256 : i32
    %add3A_1998 = arith.addi %mul3A_2, %add3A_1997 : i32
    %add3A_1999 = vector.broadcast %add3A_1998 : i32 to vector<16xi32>
    %add3A_2000 = arith.addi %add3A_1999, %iota3A : vector<16xi32>
    %mul3A_2001 = arith.constant 1000 : i32
    %mul3A_2002 = vector.broadcast %mul3A_2001 : i32 to vector<16xi32>
    %mul3A_2003 = arith.muli %add3A_2000, %mul3A_2002 : vector<16xi32>
    %add3A_2004 = arith.addi %get3A_1996, %mul3A_2003 : vector<16xi32>
    %swap3A_2005 = arith.constant 17 : i32
    %swap3A_2006 = arith.index_cast %swap3A_2005 : i32 to index
    %swap3A_2007 = arith.constant 80 : index
    %swap3A_2008 = tpu.vector_load %arg7[%swap3A_2006, %swap3A_2007] {strides = array<i32>} : memref<26x128xi32, #tpu.memory_space<vmem>>, vector<16xi32>,
    tpu.vector_store %arg7[%swap3A_2006, %swap3A_2007], %add3A_2004 {strides = array<i32>} : memref<26x128xi32, #tpu.memory_space<vmem>>, vector<16xi32>,
    %get3A_2009 = arith.constant 2272 : index
    %get3A_2010 = tpu.vector_load %arg6[%get3A_2009] {strides = array<i32>} : memref<3328xi32, #tpu.memory_space<vmem>>, vector<16xi32>,
    %add3A_2011 = arith.constant 2272 : i32
    %add3A_2012 = arith.addi %mul3A_2, %add3A_2011 : i32
    %add3A_2013 = vector.broadcast %add3A_2012 : i32 to vector<16xi32>
    %add3A_2014 = arith.addi %add3A_2013, %iota3A : vector<16xi32>
    %mul3A_2015 = arith.constant 1000 : i32
    %mul3A_2016 = vector.broadcast %mul3A_2015 : i32 to vector<16xi32>
    %mul3A_2017 = arith.muli %add3A_2014, %mul3A_2016 : vector<16xi32>
    %add3A_2018 = arith.addi %get3A_2010, %mul3A_2017 : vector<16xi32>
    %swap3A_2019 = arith.constant 17 : i32
    %swap3A_2020 = arith.index_cast %swap3A_2019 : i32 to index
    %swap3A_2021 = arith.constant 96 : index
    %swap3A_2022 = tpu.vector_load %arg7[%swap3A_2020, %swap3A_2021] {strides = array<i32>} : memref<26x128xi32, #tpu.memory_space<vmem>>, vector<16xi32>,
    tpu.vector_store %arg7[%swap3A_2020, %swap3A_2021], %add3A_2018 {strides = array<i32>} : memref<26x128xi32, #tpu.memory_space<vmem>>, vector<16xi32>,
    %get3A_2023 = arith.constant 2288 : index
    %get3A_2024 = tpu.vector_load %arg6[%get3A_2023] {strides = array<i32>} : memref<3328xi32, #tpu.memory_space<vmem>>, vector<16xi32>,
    %add3A_2025 = arith.constant 2288 : i32
    %add3A_2026 = arith.addi %mul3A_2, %add3A_2025 : i32
    %add3A_2027 = vector.broadcast %add3A_2026 : i32 to vector<16xi32>
    %add3A_2028 = arith.addi %add3A_2027, %iota3A : vector<16xi32>
    %mul3A_2029 = arith.constant 1000 : i32
    %mul3A_2030 = vector.broadcast %mul3A_2029 : i32 to vector<16xi32>
    %mul3A_2031 = arith.muli %add3A_2028, %mul3A_2030 : vector<16xi32>
    %add3A_2032 = arith.addi %get3A_2024, %mul3A_2031 : vector<16xi32>
    %swap3A_2033 = arith.constant 17 : i32
    %swap3A_2034 = arith.index_cast %swap3A_2033 : i32 to index
    %swap3A_2035 = arith.constant 112 : index
    %swap3A_2036 = tpu.vector_load %arg7[%swap3A_2034, %swap3A_2035] {strides = array<i32>} : memref<26x128xi32, #tpu.memory_space<vmem>>, vector<16xi32>,
    tpu.vector_store %arg7[%swap3A_2034, %swap3A_2035], %add3A_2032 {strides = array<i32>} : memref<26x128xi32, #tpu.memory_space<vmem>>, vector<16xi32>,
    %get3A_2037 = arith.constant 2304 : index
    %get3A_2038 = tpu.vector_load %arg6[%get3A_2037] {strides = array<i32>} : memref<3328xi32, #tpu.memory_space<vmem>>, vector<16xi32>,
    %add3A_2039 = arith.constant 2304 : i32
    %add3A_2040 = arith.addi %mul3A_2, %add3A_2039 : i32
    %add3A_2041 = vector.broadcast %add3A_2040 : i32 to vector<16xi32>
    %add3A_2042 = arith.addi %add3A_2041, %iota3A : vector<16xi32>
    %mul3A_2043 = arith.constant 1000 : i32
    %mul3A_2044 = vector.broadcast %mul3A_2043 : i32 to vector<16xi32>
    %mul3A_2045 = arith.muli %add3A_2042, %mul3A_2044 : vector<16xi32>
    %add3A_2046 = arith.addi %get3A_2038, %mul3A_2045 : vector<16xi32>
    %swap3A_2047 = arith.constant 18 : i32
    %swap3A_2048 = arith.index_cast %swap3A_2047 : i32 to index
    %swap3A_2049 = arith.constant 0 : index
    %swap3A_2050 = tpu.vector_load %arg7[%swap3A_2048, %swap3A_2049] {strides = array<i32>} : memref<26x128xi32, #tpu.memory_space<vmem>>, vector<16xi32>,
    tpu.vector_store %arg7[%swap3A_2048, %swap3A_2049], %add3A_2046 {strides = array<i32>} : memref<26x128xi32, #tpu.memory_space<vmem>>, vector<16xi32>,
    %get3A_2051 = arith.constant 2320 : index
    %get3A_2052 = tpu.vector_load %arg6[%get3A_2051] {strides = array<i32>} : memref<3328xi32, #tpu.memory_space<vmem>>, vector<16xi32>,
    %add3A_2053 = arith.constant 2320 : i32
    %add3A_2054 = arith.addi %mul3A_2, %add3A_2053 : i32
    %add3A_2055 = vector.broadcast %add3A_2054 : i32 to vector<16xi32>
    %add3A_2056 = arith.addi %add3A_2055, %iota3A : vector<16xi32>
    %mul3A_2057 = arith.constant 1000 : i32
    %mul3A_2058 = vector.broadcast %mul3A_2057 : i32 to vector<16xi32>
    %mul3A_2059 = arith.muli %add3A_2056, %mul3A_2058 : vector<16xi32>
    %add3A_2060 = arith.addi %get3A_2052, %mul3A_2059 : vector<16xi32>
    %swap3A_2061 = arith.constant 18 : i32
    %swap3A_2062 = arith.index_cast %swap3A_2061 : i32 to index
    %swap3A_2063 = arith.constant 16 : index
    %swap3A_2064 = tpu.vector_load %arg7[%swap3A_2062, %swap3A_2063] {strides = array<i32>} : memref<26x128xi32, #tpu.memory_space<vmem>>, vector<16xi32>,
    tpu.vector_store %arg7[%swap3A_2062, %swap3A_2063], %add3A_2060 {strides = array<i32>} : memref<26x128xi32, #tpu.memory_space<vmem>>, vector<16xi32>,
    %get3A_2065 = arith.constant 2336 : index
    %get3A_2066 = tpu.vector_load %arg6[%get3A_2065] {strides = array<i32>} : memref<3328xi32, #tpu.memory_space<vmem>>, vector<16xi32>,
    %add3A_2067 = arith.constant 2336 : i32
    %add3A_2068 = arith.addi %mul3A_2, %add3A_2067 : i32
    %add3A_2069 = vector.broadcast %add3A_2068 : i32 to vector<16xi32>
    %add3A_2070 = arith.addi %add3A_2069, %iota3A : vector<16xi32>
    %mul3A_2071 = arith.constant 1000 : i32
    %mul3A_2072 = vector.broadcast %mul3A_2071 : i32 to vector<16xi32>
    %mul3A_2073 = arith.muli %add3A_2070, %mul3A_2072 : vector<16xi32>
    %add3A_2074 = arith.addi %get3A_2066, %mul3A_2073 : vector<16xi32>
    %swap3A_2075 = arith.constant 18 : i32
    %swap3A_2076 = arith.index_cast %swap3A_2075 : i32 to index
    %swap3A_2077 = arith.constant 32 : index
    %swap3A_2078 = tpu.vector_load %arg7[%swap3A_2076, %swap3A_2077] {strides = array<i32>} : memref<26x128xi32, #tpu.memory_space<vmem>>, vector<16xi32>,
    tpu.vector_store %arg7[%swap3A_2076, %swap3A_2077], %add3A_2074 {strides = array<i32>} : memref<26x128xi32, #tpu.memory_space<vmem>>, vector<16xi32>,
    %get3A_2079 = arith.constant 2352 : index
    %get3A_2080 = tpu.vector_load %arg6[%get3A_2079] {strides = array<i32>} : memref<3328xi32, #tpu.memory_space<vmem>>, vector<16xi32>,
    %add3A_2081 = arith.constant 2352 : i32
    %add3A_2082 = arith.addi %mul3A_2, %add3A_2081 : i32
    %add3A_2083 = vector.broadcast %add3A_2082 : i32 to vector<16xi32>
    %add3A_2084 = arith.addi %add3A_2083, %iota3A : vector<16xi32>
    %mul3A_2085 = arith.constant 1000 : i32
    %mul3A_2086 = vector.broadcast %mul3A_2085 : i32 to vector<16xi32>
    %mul3A_2087 = arith.muli %add3A_2084, %mul3A_2086 : vector<16xi32>
    %add3A_2088 = arith.addi %get3A_2080, %mul3A_2087 : vector<16xi32>
    %swap3A_2089 = arith.constant 18 : i32
    %swap3A_2090 = arith.index_cast %swap3A_2089 : i32 to index
    %swap3A_2091 = arith.constant 48 : index
    %swap3A_2092 = tpu.vector_load %arg7[%swap3A_2090, %swap3A_2091] {strides = array<i32>} : memref<26x128xi32, #tpu.memory_space<vmem>>, vector<16xi32>,
    tpu.vector_store %arg7[%swap3A_2090, %swap3A_2091], %add3A_2088 {strides = array<i32>} : memref<26x128xi32, #tpu.memory_space<vmem>>, vector<16xi32>,
    %get3A_2093 = arith.constant 2368 : index
    %get3A_2094 = tpu.vector_load %arg6[%get3A_2093] {strides = array<i32>} : memref<3328xi32, #tpu.memory_space<vmem>>, vector<16xi32>,
    %add3A_2095 = arith.constant 2368 : i32
    %add3A_2096 = arith.addi %mul3A_2, %add3A_2095 : i32
    %add3A_2097 = vector.broadcast %add3A_2096 : i32 to vector<16xi32>
    %add3A_2098 = arith.addi %add3A_2097, %iota3A : vector<16xi32>
    %mul3A_2099 = arith.constant 1000 : i32
    %mul3A_2100 = vector.broadcast %mul3A_2099 : i32 to vector<16xi32>
    %mul3A_2101 = arith.muli %add3A_2098, %mul3A_2100 : vector<16xi32>
    %add3A_2102 = arith.addi %get3A_2094, %mul3A_2101 : vector<16xi32>
    %swap3A_2103 = arith.constant 18 : i32
    %swap3A_2104 = arith.index_cast %swap3A_2103 : i32 to index
    %swap3A_2105 = arith.constant 64 : index
    %swap3A_2106 = tpu.vector_load %arg7[%swap3A_2104, %swap3A_2105] {strides = array<i32>} : memref<26x128xi32, #tpu.memory_space<vmem>>, vector<16xi32>,
    tpu.vector_store %arg7[%swap3A_2104, %swap3A_2105], %add3A_2102 {strides = array<i32>} : memref<26x128xi32, #tpu.memory_space<vmem>>, vector<16xi32>,
    %get3A_2107 = arith.constant 2384 : index
    %get3A_2108 = tpu.vector_load %arg6[%get3A_2107] {strides = array<i32>} : memref<3328xi32, #tpu.memory_space<vmem>>, vector<16xi32>,
    %add3A_2109 = arith.constant 2384 : i32
    %add3A_2110 = arith.addi %mul3A_2, %add3A_2109 : i32
    %add3A_2111 = vector.broadcast %add3A_2110 : i32 to vector<16xi32>
    %add3A_2112 = arith.addi %add3A_2111, %iota3A : vector<16xi32>
    %mul3A_2113 = arith.constant 1000 : i32
    %mul3A_2114 = vector.broadcast %mul3A_2113 : i32 to vector<16xi32>
    %mul3A_2115 = arith.muli %add3A_2112, %mul3A_2114 : vector<16xi32>
    %add3A_2116 = arith.addi %get3A_2108, %mul3A_2115 : vector<16xi32>
    %swap3A_2117 = arith.constant 18 : i32
    %swap3A_2118 = arith.index_cast %swap3A_2117 : i32 to index
    %swap3A_2119 = arith.constant 80 : index
    %swap3A_2120 = tpu.vector_load %arg7[%swap3A_2118, %swap3A_2119] {strides = array<i32>} : memref<26x128xi32, #tpu.memory_space<vmem>>, vector<16xi32>,
    tpu.vector_store %arg7[%swap3A_2118, %swap3A_2119], %add3A_2116 {strides = array<i32>} : memref<26x128xi32, #tpu.memory_space<vmem>>, vector<16xi32>,
    %get3A_2121 = arith.constant 2400 : index
    %get3A_2122 = tpu.vector_load %arg6[%get3A_2121] {strides = array<i32>} : memref<3328xi32, #tpu.memory_space<vmem>>, vector<16xi32>,
    %add3A_2123 = arith.constant 2400 : i32
    %add3A_2124 = arith.addi %mul3A_2, %add3A_2123 : i32
    %add3A_2125 = vector.broadcast %add3A_2124 : i32 to vector<16xi32>
    %add3A_2126 = arith.addi %add3A_2125, %iota3A : vector<16xi32>
    %mul3A_2127 = arith.constant 1000 : i32
    %mul3A_2128 = vector.broadcast %mul3A_2127 : i32 to vector<16xi32>
    %mul3A_2129 = arith.muli %add3A_2126, %mul3A_2128 : vector<16xi32>
    %add3A_2130 = arith.addi %get3A_2122, %mul3A_2129 : vector<16xi32>
    %swap3A_2131 = arith.constant 18 : i32
    %swap3A_2132 = arith.index_cast %swap3A_2131 : i32 to index
    %swap3A_2133 = arith.constant 96 : index
    %swap3A_2134 = tpu.vector_load %arg7[%swap3A_2132, %swap3A_2133] {strides = array<i32>} : memref<26x128xi32, #tpu.memory_space<vmem>>, vector<16xi32>,
    tpu.vector_store %arg7[%swap3A_2132, %swap3A_2133], %add3A_2130 {strides = array<i32>} : memref<26x128xi32, #tpu.memory_space<vmem>>, vector<16xi32>,
    %get3A_2135 = arith.constant 2416 : index
    %get3A_2136 = tpu.vector_load %arg6[%get3A_2135] {strides = array<i32>} : memref<3328xi32, #tpu.memory_space<vmem>>, vector<16xi32>,
    %add3A_2137 = arith.constant 2416 : i32
    %add3A_2138 = arith.addi %mul3A_2, %add3A_2137 : i32
    %add3A_2139 = vector.broadcast %add3A_2138 : i32 to vector<16xi32>
    %add3A_2140 = arith.addi %add3A_2139, %iota3A : vector<16xi32>
    %mul3A_2141 = arith.constant 1000 : i32
    %mul3A_2142 = vector.broadcast %mul3A_2141 : i32 to vector<16xi32>
    %mul3A_2143 = arith.muli %add3A_2140, %mul3A_2142 : vector<16xi32>
    %add3A_2144 = arith.addi %get3A_2136, %mul3A_2143 : vector<16xi32>
    %swap3A_2145 = arith.constant 18 : i32
    %swap3A_2146 = arith.index_cast %swap3A_2145 : i32 to index
    %swap3A_2147 = arith.constant 112 : index
    %swap3A_2148 = tpu.vector_load %arg7[%swap3A_2146, %swap3A_2147] {strides = array<i32>} : memref<26x128xi32, #tpu.memory_space<vmem>>, vector<16xi32>,
    tpu.vector_store %arg7[%swap3A_2146, %swap3A_2147], %add3A_2144 {strides = array<i32>} : memref<26x128xi32, #tpu.memory_space<vmem>>, vector<16xi32>,
    %get3A_2149 = arith.constant 2432 : index
    %get3A_2150 = tpu.vector_load %arg6[%get3A_2149] {strides = array<i32>} : memref<3328xi32, #tpu.memory_space<vmem>>, vector<16xi32>,
    %add3A_2151 = arith.constant 2432 : i32
    %add3A_2152 = arith.addi %mul3A_2, %add3A_2151 : i32
    %add3A_2153 = vector.broadcast %add3A_2152 : i32 to vector<16xi32>
    %add3A_2154 = arith.addi %add3A_2153, %iota3A : vector<16xi32>
    %mul3A_2155 = arith.constant 1000 : i32
    %mul3A_2156 = vector.broadcast %mul3A_2155 : i32 to vector<16xi32>
    %mul3A_2157 = arith.muli %add3A_2154, %mul3A_2156 : vector<16xi32>
    %add3A_2158 = arith.addi %get3A_2150, %mul3A_2157 : vector<16xi32>
    %swap3A_2159 = arith.constant 19 : i32
    %swap3A_2160 = arith.index_cast %swap3A_2159 : i32 to index
    %swap3A_2161 = arith.constant 0 : index
    %swap3A_2162 = tpu.vector_load %arg7[%swap3A_2160, %swap3A_2161] {strides = array<i32>} : memref<26x128xi32, #tpu.memory_space<vmem>>, vector<16xi32>,
    tpu.vector_store %arg7[%swap3A_2160, %swap3A_2161], %add3A_2158 {strides = array<i32>} : memref<26x128xi32, #tpu.memory_space<vmem>>, vector<16xi32>,
    %get3A_2163 = arith.constant 2448 : index
    %get3A_2164 = tpu.vector_load %arg6[%get3A_2163] {strides = array<i32>} : memref<3328xi32, #tpu.memory_space<vmem>>, vector<16xi32>,
    %add3A_2165 = arith.constant 2448 : i32
    %add3A_2166 = arith.addi %mul3A_2, %add3A_2165 : i32
    %add3A_2167 = vector.broadcast %add3A_2166 : i32 to vector<16xi32>
    %add3A_2168 = arith.addi %add3A_2167, %iota3A : vector<16xi32>
    %mul3A_2169 = arith.constant 1000 : i32
    %mul3A_2170 = vector.broadcast %mul3A_2169 : i32 to vector<16xi32>
    %mul3A_2171 = arith.muli %add3A_2168, %mul3A_2170 : vector<16xi32>
    %add3A_2172 = arith.addi %get3A_2164, %mul3A_2171 : vector<16xi32>
    %swap3A_2173 = arith.constant 19 : i32
    %swap3A_2174 = arith.index_cast %swap3A_2173 : i32 to index
    %swap3A_2175 = arith.constant 16 : index
    %swap3A_2176 = tpu.vector_load %arg7[%swap3A_2174, %swap3A_2175] {strides = array<i32>} : memref<26x128xi32, #tpu.memory_space<vmem>>, vector<16xi32>,
    tpu.vector_store %arg7[%swap3A_2174, %swap3A_2175], %add3A_2172 {strides = array<i32>} : memref<26x128xi32, #tpu.memory_space<vmem>>, vector<16xi32>,
    %get3A_2177 = arith.constant 2464 : index
    %get3A_2178 = tpu.vector_load %arg6[%get3A_2177] {strides = array<i32>} : memref<3328xi32, #tpu.memory_space<vmem>>, vector<16xi32>,
    %add3A_2179 = arith.constant 2464 : i32
    %add3A_2180 = arith.addi %mul3A_2, %add3A_2179 : i32
    %add3A_2181 = vector.broadcast %add3A_2180 : i32 to vector<16xi32>
    %add3A_2182 = arith.addi %add3A_2181, %iota3A : vector<16xi32>
    %mul3A_2183 = arith.constant 1000 : i32
    %mul3A_2184 = vector.broadcast %mul3A_2183 : i32 to vector<16xi32>
    %mul3A_2185 = arith.muli %add3A_2182, %mul3A_2184 : vector<16xi32>
    %add3A_2186 = arith.addi %get3A_2178, %mul3A_2185 : vector<16xi32>
    %swap3A_2187 = arith.constant 19 : i32
    %swap3A_2188 = arith.index_cast %swap3A_2187 : i32 to index
    %swap3A_2189 = arith.constant 32 : index
    %swap3A_2190 = tpu.vector_load %arg7[%swap3A_2188, %swap3A_2189] {strides = array<i32>} : memref<26x128xi32, #tpu.memory_space<vmem>>, vector<16xi32>,
    tpu.vector_store %arg7[%swap3A_2188, %swap3A_2189], %add3A_2186 {strides = array<i32>} : memref<26x128xi32, #tpu.memory_space<vmem>>, vector<16xi32>,
    %get3A_2191 = arith.constant 2480 : index
    %get3A_2192 = tpu.vector_load %arg6[%get3A_2191] {strides = array<i32>} : memref<3328xi32, #tpu.memory_space<vmem>>, vector<16xi32>,
    %add3A_2193 = arith.constant 2480 : i32
    %add3A_2194 = arith.addi %mul3A_2, %add3A_2193 : i32
    %add3A_2195 = vector.broadcast %add3A_2194 : i32 to vector<16xi32>
    %add3A_2196 = arith.addi %add3A_2195, %iota3A : vector<16xi32>
    %mul3A_2197 = arith.constant 1000 : i32
    %mul3A_2198 = vector.broadcast %mul3A_2197 : i32 to vector<16xi32>
    %mul3A_2199 = arith.muli %add3A_2196, %mul3A_2198 : vector<16xi32>
    %add3A_2200 = arith.addi %get3A_2192, %mul3A_2199 : vector<16xi32>
    %swap3A_2201 = arith.constant 19 : i32
    %swap3A_2202 = arith.index_cast %swap3A_2201 : i32 to index
    %swap3A_2203 = arith.constant 48 : index
    %swap3A_2204 = tpu.vector_load %arg7[%swap3A_2202, %swap3A_2203] {strides = array<i32>} : memref<26x128xi32, #tpu.memory_space<vmem>>, vector<16xi32>,
    tpu.vector_store %arg7[%swap3A_2202, %swap3A_2203], %add3A_2200 {strides = array<i32>} : memref<26x128xi32, #tpu.memory_space<vmem>>, vector<16xi32>,
    %get3A_2205 = arith.constant 2496 : index
    %get3A_2206 = tpu.vector_load %arg6[%get3A_2205] {strides = array<i32>} : memref<3328xi32, #tpu.memory_space<vmem>>, vector<16xi32>,
    %add3A_2207 = arith.constant 2496 : i32
    %add3A_2208 = arith.addi %mul3A_2, %add3A_2207 : i32
    %add3A_2209 = vector.broadcast %add3A_2208 : i32 to vector<16xi32>
    %add3A_2210 = arith.addi %add3A_2209, %iota3A : vector<16xi32>
    %mul3A_2211 = arith.constant 1000 : i32
    %mul3A_2212 = vector.broadcast %mul3A_2211 : i32 to vector<16xi32>
    %mul3A_2213 = arith.muli %add3A_2210, %mul3A_2212 : vector<16xi32>
    %add3A_2214 = arith.addi %get3A_2206, %mul3A_2213 : vector<16xi32>
    %swap3A_2215 = arith.constant 19 : i32
    %swap3A_2216 = arith.index_cast %swap3A_2215 : i32 to index
    %swap3A_2217 = arith.constant 64 : index
    %swap3A_2218 = tpu.vector_load %arg7[%swap3A_2216, %swap3A_2217] {strides = array<i32>} : memref<26x128xi32, #tpu.memory_space<vmem>>, vector<16xi32>,
    tpu.vector_store %arg7[%swap3A_2216, %swap3A_2217], %add3A_2214 {strides = array<i32>} : memref<26x128xi32, #tpu.memory_space<vmem>>, vector<16xi32>,
    %get3A_2219 = arith.constant 2512 : index
    %get3A_2220 = tpu.vector_load %arg6[%get3A_2219] {strides = array<i32>} : memref<3328xi32, #tpu.memory_space<vmem>>, vector<16xi32>,
    %add3A_2221 = arith.constant 2512 : i32
    %add3A_2222 = arith.addi %mul3A_2, %add3A_2221 : i32
    %add3A_2223 = vector.broadcast %add3A_2222 : i32 to vector<16xi32>
    %add3A_2224 = arith.addi %add3A_2223, %iota3A : vector<16xi32>
    %mul3A_2225 = arith.constant 1000 : i32
    %mul3A_2226 = vector.broadcast %mul3A_2225 : i32 to vector<16xi32>
    %mul3A_2227 = arith.muli %add3A_2224, %mul3A_2226 : vector<16xi32>
    %add3A_2228 = arith.addi %get3A_2220, %mul3A_2227 : vector<16xi32>
    %swap3A_2229 = arith.constant 19 : i32
    %swap3A_2230 = arith.index_cast %swap3A_2229 : i32 to index
    %swap3A_2231 = arith.constant 80 : index
    %swap3A_2232 = tpu.vector_load %arg7[%swap3A_2230, %swap3A_2231] {strides = array<i32>} : memref<26x128xi32, #tpu.memory_space<vmem>>, vector<16xi32>,
    tpu.vector_store %arg7[%swap3A_2230, %swap3A_2231], %add3A_2228 {strides = array<i32>} : memref<26x128xi32, #tpu.memory_space<vmem>>, vector<16xi32>,
    %get3A_2233 = arith.constant 2528 : index
    %get3A_2234 = tpu.vector_load %arg6[%get3A_2233] {strides = array<i32>} : memref<3328xi32, #tpu.memory_space<vmem>>, vector<16xi32>,
    %add3A_2235 = arith.constant 2528 : i32
    %add3A_2236 = arith.addi %mul3A_2, %add3A_2235 : i32
    %add3A_2237 = vector.broadcast %add3A_2236 : i32 to vector<16xi32>
    %add3A_2238 = arith.addi %add3A_2237, %iota3A : vector<16xi32>
    %mul3A_2239 = arith.constant 1000 : i32
    %mul3A_2240 = vector.broadcast %mul3A_2239 : i32 to vector<16xi32>
    %mul3A_2241 = arith.muli %add3A_2238, %mul3A_2240 : vector<16xi32>
    %add3A_2242 = arith.addi %get3A_2234, %mul3A_2241 : vector<16xi32>
    %swap3A_2243 = arith.constant 19 : i32
    %swap3A_2244 = arith.index_cast %swap3A_2243 : i32 to index
    %swap3A_2245 = arith.constant 96 : index
    %swap3A_2246 = tpu.vector_load %arg7[%swap3A_2244, %swap3A_2245] {strides = array<i32>} : memref<26x128xi32, #tpu.memory_space<vmem>>, vector<16xi32>,
    tpu.vector_store %arg7[%swap3A_2244, %swap3A_2245], %add3A_2242 {strides = array<i32>} : memref<26x128xi32, #tpu.memory_space<vmem>>, vector<16xi32>,
    %get3A_2247 = arith.constant 2544 : index
    %get3A_2248 = tpu.vector_load %arg6[%get3A_2247] {strides = array<i32>} : memref<3328xi32, #tpu.memory_space<vmem>>, vector<16xi32>,
    %add3A_2249 = arith.constant 2544 : i32
    %add3A_2250 = arith.addi %mul3A_2, %add3A_2249 : i32
    %add3A_2251 = vector.broadcast %add3A_2250 : i32 to vector<16xi32>
    %add3A_2252 = arith.addi %add3A_2251, %iota3A : vector<16xi32>
    %mul3A_2253 = arith.constant 1000 : i32
    %mul3A_2254 = vector.broadcast %mul3A_2253 : i32 to vector<16xi32>
    %mul3A_2255 = arith.muli %add3A_2252, %mul3A_2254 : vector<16xi32>
    %add3A_2256 = arith.addi %get3A_2248, %mul3A_2255 : vector<16xi32>
    %swap3A_2257 = arith.constant 19 : i32
    %swap3A_2258 = arith.index_cast %swap3A_2257 : i32 to index
    %swap3A_2259 = arith.constant 112 : index
    %swap3A_2260 = tpu.vector_load %arg7[%swap3A_2258, %swap3A_2259] {strides = array<i32>} : memref<26x128xi32, #tpu.memory_space<vmem>>, vector<16xi32>,
    tpu.vector_store %arg7[%swap3A_2258, %swap3A_2259], %add3A_2256 {strides = array<i32>} : memref<26x128xi32, #tpu.memory_space<vmem>>, vector<16xi32>,
    %get3A_2261 = arith.constant 2560 : index
    %get3A_2262 = tpu.vector_load %arg6[%get3A_2261] {strides = array<i32>} : memref<3328xi32, #tpu.memory_space<vmem>>, vector<16xi32>,
    %add3A_2263 = arith.constant 2560 : i32
    %add3A_2264 = arith.addi %mul3A_2, %add3A_2263 : i32
    %add3A_2265 = vector.broadcast %add3A_2264 : i32 to vector<16xi32>
    %add3A_2266 = arith.addi %add3A_2265, %iota3A : vector<16xi32>
    %mul3A_2267 = arith.constant 1000 : i32
    %mul3A_2268 = vector.broadcast %mul3A_2267 : i32 to vector<16xi32>
    %mul3A_2269 = arith.muli %add3A_2266, %mul3A_2268 : vector<16xi32>
    %add3A_2270 = arith.addi %get3A_2262, %mul3A_2269 : vector<16xi32>
    %swap3A_2271 = arith.constant 20 : i32
    %swap3A_2272 = arith.index_cast %swap3A_2271 : i32 to index
    %swap3A_2273 = arith.constant 0 : index
    %swap3A_2274 = tpu.vector_load %arg7[%swap3A_2272, %swap3A_2273] {strides = array<i32>} : memref<26x128xi32, #tpu.memory_space<vmem>>, vector<16xi32>,
    tpu.vector_store %arg7[%swap3A_2272, %swap3A_2273], %add3A_2270 {strides = array<i32>} : memref<26x128xi32, #tpu.memory_space<vmem>>, vector<16xi32>,
    %get3A_2275 = arith.constant 2576 : index
    %get3A_2276 = tpu.vector_load %arg6[%get3A_2275] {strides = array<i32>} : memref<3328xi32, #tpu.memory_space<vmem>>, vector<16xi32>,
    %add3A_2277 = arith.constant 2576 : i32
    %add3A_2278 = arith.addi %mul3A_2, %add3A_2277 : i32
    %add3A_2279 = vector.broadcast %add3A_2278 : i32 to vector<16xi32>
    %add3A_2280 = arith.addi %add3A_2279, %iota3A : vector<16xi32>
    %mul3A_2281 = arith.constant 1000 : i32
    %mul3A_2282 = vector.broadcast %mul3A_2281 : i32 to vector<16xi32>
    %mul3A_2283 = arith.muli %add3A_2280, %mul3A_2282 : vector<16xi32>
    %add3A_2284 = arith.addi %get3A_2276, %mul3A_2283 : vector<16xi32>
    %swap3A_2285 = arith.constant 20 : i32
    %swap3A_2286 = arith.index_cast %swap3A_2285 : i32 to index
    %swap3A_2287 = arith.constant 16 : index
    %swap3A_2288 = tpu.vector_load %arg7[%swap3A_2286, %swap3A_2287] {strides = array<i32>} : memref<26x128xi32, #tpu.memory_space<vmem>>, vector<16xi32>,
    tpu.vector_store %arg7[%swap3A_2286, %swap3A_2287], %add3A_2284 {strides = array<i32>} : memref<26x128xi32, #tpu.memory_space<vmem>>, vector<16xi32>,
    %get3A_2289 = arith.constant 2592 : index
    %get3A_2290 = tpu.vector_load %arg6[%get3A_2289] {strides = array<i32>} : memref<3328xi32, #tpu.memory_space<vmem>>, vector<16xi32>,
    %add3A_2291 = arith.constant 2592 : i32
    %add3A_2292 = arith.addi %mul3A_2, %add3A_2291 : i32
    %add3A_2293 = vector.broadcast %add3A_2292 : i32 to vector<16xi32>
    %add3A_2294 = arith.addi %add3A_2293, %iota3A : vector<16xi32>
    %mul3A_2295 = arith.constant 1000 : i32
    %mul3A_2296 = vector.broadcast %mul3A_2295 : i32 to vector<16xi32>
    %mul3A_2297 = arith.muli %add3A_2294, %mul3A_2296 : vector<16xi32>
    %add3A_2298 = arith.addi %get3A_2290, %mul3A_2297 : vector<16xi32>
    %swap3A_2299 = arith.constant 20 : i32
    %swap3A_2300 = arith.index_cast %swap3A_2299 : i32 to index
    %swap3A_2301 = arith.constant 32 : index
    %swap3A_2302 = tpu.vector_load %arg7[%swap3A_2300, %swap3A_2301] {strides = array<i32>} : memref<26x128xi32, #tpu.memory_space<vmem>>, vector<16xi32>,
    tpu.vector_store %arg7[%swap3A_2300, %swap3A_2301], %add3A_2298 {strides = array<i32>} : memref<26x128xi32, #tpu.memory_space<vmem>>, vector<16xi32>,
    %get3A_2303 = arith.constant 2608 : index
    %get3A_2304 = tpu.vector_load %arg6[%get3A_2303] {strides = array<i32>} : memref<3328xi32, #tpu.memory_space<vmem>>, vector<16xi32>,
    %add3A_2305 = arith.constant 2608 : i32
    %add3A_2306 = arith.addi %mul3A_2, %add3A_2305 : i32
    %add3A_2307 = vector.broadcast %add3A_2306 : i32 to vector<16xi32>
    %add3A_2308 = arith.addi %add3A_2307, %iota3A : vector<16xi32>
    %mul3A_2309 = arith.constant 1000 : i32
    %mul3A_2310 = vector.broadcast %mul3A_2309 : i32 to vector<16xi32>
    %mul3A_2311 = arith.muli %add3A_2308, %mul3A_2310 : vector<16xi32>
    %add3A_2312 = arith.addi %get3A_2304, %mul3A_2311 : vector<16xi32>
    %swap3A_2313 = arith.constant 20 : i32
    %swap3A_2314 = arith.index_cast %swap3A_2313 : i32 to index
    %swap3A_2315 = arith.constant 48 : index
    %swap3A_2316 = tpu.vector_load %arg7[%swap3A_2314, %swap3A_2315] {strides = array<i32>} : memref<26x128xi32, #tpu.memory_space<vmem>>, vector<16xi32>,
    tpu.vector_store %arg7[%swap3A_2314, %swap3A_2315], %add3A_2312 {strides = array<i32>} : memref<26x128xi32, #tpu.memory_space<vmem>>, vector<16xi32>,
    %get3A_2317 = arith.constant 2624 : index
    %get3A_2318 = tpu.vector_load %arg6[%get3A_2317] {strides = array<i32>} : memref<3328xi32, #tpu.memory_space<vmem>>, vector<16xi32>,
    %add3A_2319 = arith.constant 2624 : i32
    %add3A_2320 = arith.addi %mul3A_2, %add3A_2319 : i32
    %add3A_2321 = vector.broadcast %add3A_2320 : i32 to vector<16xi32>
    %add3A_2322 = arith.addi %add3A_2321, %iota3A : vector<16xi32>
    %mul3A_2323 = arith.constant 1000 : i32
    %mul3A_2324 = vector.broadcast %mul3A_2323 : i32 to vector<16xi32>
    %mul3A_2325 = arith.muli %add3A_2322, %mul3A_2324 : vector<16xi32>
    %add3A_2326 = arith.addi %get3A_2318, %mul3A_2325 : vector<16xi32>
    %swap3A_2327 = arith.constant 20 : i32
    %swap3A_2328 = arith.index_cast %swap3A_2327 : i32 to index
    %swap3A_2329 = arith.constant 64 : index
    %swap3A_2330 = tpu.vector_load %arg7[%swap3A_2328, %swap3A_2329] {strides = array<i32>} : memref<26x128xi32, #tpu.memory_space<vmem>>, vector<16xi32>,
    tpu.vector_store %arg7[%swap3A_2328, %swap3A_2329], %add3A_2326 {strides = array<i32>} : memref<26x128xi32, #tpu.memory_space<vmem>>, vector<16xi32>,
    %get3A_2331 = arith.constant 2640 : index
    %get3A_2332 = tpu.vector_load %arg6[%get3A_2331] {strides = array<i32>} : memref<3328xi32, #tpu.memory_space<vmem>>, vector<16xi32>,
    %add3A_2333 = arith.constant 2640 : i32
    %add3A_2334 = arith.addi %mul3A_2, %add3A_2333 : i32
    %add3A_2335 = vector.broadcast %add3A_2334 : i32 to vector<16xi32>
    %add3A_2336 = arith.addi %add3A_2335, %iota3A : vector<16xi32>
    %mul3A_2337 = arith.constant 1000 : i32
    %mul3A_2338 = vector.broadcast %mul3A_2337 : i32 to vector<16xi32>
    %mul3A_2339 = arith.muli %add3A_2336, %mul3A_2338 : vector<16xi32>
    %add3A_2340 = arith.addi %get3A_2332, %mul3A_2339 : vector<16xi32>
    %swap3A_2341 = arith.constant 20 : i32
    %swap3A_2342 = arith.index_cast %swap3A_2341 : i32 to index
    %swap3A_2343 = arith.constant 80 : index
    %swap3A_2344 = tpu.vector_load %arg7[%swap3A_2342, %swap3A_2343] {strides = array<i32>} : memref<26x128xi32, #tpu.memory_space<vmem>>, vector<16xi32>,
    tpu.vector_store %arg7[%swap3A_2342, %swap3A_2343], %add3A_2340 {strides = array<i32>} : memref<26x128xi32, #tpu.memory_space<vmem>>, vector<16xi32>,
    %get3A_2345 = arith.constant 2656 : index
    %get3A_2346 = tpu.vector_load %arg6[%get3A_2345] {strides = array<i32>} : memref<3328xi32, #tpu.memory_space<vmem>>, vector<16xi32>,
    %add3A_2347 = arith.constant 2656 : i32
    %add3A_2348 = arith.addi %mul3A_2, %add3A_2347 : i32
    %add3A_2349 = vector.broadcast %add3A_2348 : i32 to vector<16xi32>
    %add3A_2350 = arith.addi %add3A_2349, %iota3A : vector<16xi32>
    %mul3A_2351 = arith.constant 1000 : i32
    %mul3A_2352 = vector.broadcast %mul3A_2351 : i32 to vector<16xi32>
    %mul3A_2353 = arith.muli %add3A_2350, %mul3A_2352 : vector<16xi32>
    %add3A_2354 = arith.addi %get3A_2346, %mul3A_2353 : vector<16xi32>
    %swap3A_2355 = arith.constant 20 : i32
    %swap3A_2356 = arith.index_cast %swap3A_2355 : i32 to index
    %swap3A_2357 = arith.constant 96 : index
    %swap3A_2358 = tpu.vector_load %arg7[%swap3A_2356, %swap3A_2357] {strides = array<i32>} : memref<26x128xi32, #tpu.memory_space<vmem>>, vector<16xi32>,
    tpu.vector_store %arg7[%swap3A_2356, %swap3A_2357], %add3A_2354 {strides = array<i32>} : memref<26x128xi32, #tpu.memory_space<vmem>>, vector<16xi32>,
    %get3A_2359 = arith.constant 2672 : index
    %get3A_2360 = tpu.vector_load %arg6[%get3A_2359] {strides = array<i32>} : memref<3328xi32, #tpu.memory_space<vmem>>, vector<16xi32>,
    %add3A_2361 = arith.constant 2672 : i32
    %add3A_2362 = arith.addi %mul3A_2, %add3A_2361 : i32
    %add3A_2363 = vector.broadcast %add3A_2362 : i32 to vector<16xi32>
    %add3A_2364 = arith.addi %add3A_2363, %iota3A : vector<16xi32>
    %mul3A_2365 = arith.constant 1000 : i32
    %mul3A_2366 = vector.broadcast %mul3A_2365 : i32 to vector<16xi32>
    %mul3A_2367 = arith.muli %add3A_2364, %mul3A_2366 : vector<16xi32>
    %add3A_2368 = arith.addi %get3A_2360, %mul3A_2367 : vector<16xi32>
    %swap3A_2369 = arith.constant 20 : i32
    %swap3A_2370 = arith.index_cast %swap3A_2369 : i32 to index
    %swap3A_2371 = arith.constant 112 : index
    %swap3A_2372 = tpu.vector_load %arg7[%swap3A_2370, %swap3A_2371] {strides = array<i32>} : memref<26x128xi32, #tpu.memory_space<vmem>>, vector<16xi32>,
    tpu.vector_store %arg7[%swap3A_2370, %swap3A_2371], %add3A_2368 {strides = array<i32>} : memref<26x128xi32, #tpu.memory_space<vmem>>, vector<16xi32>,
    %get3A_2373 = arith.constant 2688 : index
    %get3A_2374 = tpu.vector_load %arg6[%get3A_2373] {strides = array<i32>} : memref<3328xi32, #tpu.memory_space<vmem>>, vector<16xi32>,
    %add3A_2375 = arith.constant 2688 : i32
    %add3A_2376 = arith.addi %mul3A_2, %add3A_2375 : i32
    %add3A_2377 = vector.broadcast %add3A_2376 : i32 to vector<16xi32>
    %add3A_2378 = arith.addi %add3A_2377, %iota3A : vector<16xi32>
    %mul3A_2379 = arith.constant 1000 : i32
    %mul3A_2380 = vector.broadcast %mul3A_2379 : i32 to vector<16xi32>
    %mul3A_2381 = arith.muli %add3A_2378, %mul3A_2380 : vector<16xi32>
    %add3A_2382 = arith.addi %get3A_2374, %mul3A_2381 : vector<16xi32>
    %swap3A_2383 = arith.constant 21 : i32
    %swap3A_2384 = arith.index_cast %swap3A_2383 : i32 to index
    %swap3A_2385 = arith.constant 0 : index
    %swap3A_2386 = tpu.vector_load %arg7[%swap3A_2384, %swap3A_2385] {strides = array<i32>} : memref<26x128xi32, #tpu.memory_space<vmem>>, vector<16xi32>,
    tpu.vector_store %arg7[%swap3A_2384, %swap3A_2385], %add3A_2382 {strides = array<i32>} : memref<26x128xi32, #tpu.memory_space<vmem>>, vector<16xi32>,
    %get3A_2387 = arith.constant 2704 : index
    %get3A_2388 = tpu.vector_load %arg6[%get3A_2387] {strides = array<i32>} : memref<3328xi32, #tpu.memory_space<vmem>>, vector<16xi32>,
    %add3A_2389 = arith.constant 2704 : i32
    %add3A_2390 = arith.addi %mul3A_2, %add3A_2389 : i32
    %add3A_2391 = vector.broadcast %add3A_2390 : i32 to vector<16xi32>
    %add3A_2392 = arith.addi %add3A_2391, %iota3A : vector<16xi32>
    %mul3A_2393 = arith.constant 1000 : i32
    %mul3A_2394 = vector.broadcast %mul3A_2393 : i32 to vector<16xi32>
    %mul3A_2395 = arith.muli %add3A_2392, %mul3A_2394 : vector<16xi32>
    %add3A_2396 = arith.addi %get3A_2388, %mul3A_2395 : vector<16xi32>
    %swap3A_2397 = arith.constant 21 : i32
    %swap3A_2398 = arith.index_cast %swap3A_2397 : i32 to index
    %swap3A_2399 = arith.constant 16 : index
    %swap3A_2400 = tpu.vector_load %arg7[%swap3A_2398, %swap3A_2399] {strides = array<i32>} : memref<26x128xi32, #tpu.memory_space<vmem>>, vector<16xi32>,
    tpu.vector_store %arg7[%swap3A_2398, %swap3A_2399], %add3A_2396 {strides = array<i32>} : memref<26x128xi32, #tpu.memory_space<vmem>>, vector<16xi32>,
    %get3A_2401 = arith.constant 2720 : index
    %get3A_2402 = tpu.vector_load %arg6[%get3A_2401] {strides = array<i32>} : memref<3328xi32, #tpu.memory_space<vmem>>, vector<16xi32>,
    %add3A_2403 = arith.constant 2720 : i32
    %add3A_2404 = arith.addi %mul3A_2, %add3A_2403 : i32
    %add3A_2405 = vector.broadcast %add3A_2404 : i32 to vector<16xi32>
    %add3A_2406 = arith.addi %add3A_2405, %iota3A : vector<16xi32>
    %mul3A_2407 = arith.constant 1000 : i32
    %mul3A_2408 = vector.broadcast %mul3A_2407 : i32 to vector<16xi32>
    %mul3A_2409 = arith.muli %add3A_2406, %mul3A_2408 : vector<16xi32>
    %add3A_2410 = arith.addi %get3A_2402, %mul3A_2409 : vector<16xi32>
    %swap3A_2411 = arith.constant 21 : i32
    %swap3A_2412 = arith.index_cast %swap3A_2411 : i32 to index
    %swap3A_2413 = arith.constant 32 : index
    %swap3A_2414 = tpu.vector_load %arg7[%swap3A_2412, %swap3A_2413] {strides = array<i32>} : memref<26x128xi32, #tpu.memory_space<vmem>>, vector<16xi32>,
    tpu.vector_store %arg7[%swap3A_2412, %swap3A_2413], %add3A_2410 {strides = array<i32>} : memref<26x128xi32, #tpu.memory_space<vmem>>, vector<16xi32>,
    %get3A_2415 = arith.constant 2736 : index
    %get3A_2416 = tpu.vector_load %arg6[%get3A_2415] {strides = array<i32>} : memref<3328xi32, #tpu.memory_space<vmem>>, vector<16xi32>,
    %add3A_2417 = arith.constant 2736 : i32
    %add3A_2418 = arith.addi %mul3A_2, %add3A_2417 : i32
    %add3A_2419 = vector.broadcast %add3A_2418 : i32 to vector<16xi32>
    %add3A_2420 = arith.addi %add3A_2419, %iota3A : vector<16xi32>
    %mul3A_2421 = arith.constant 1000 : i32
    %mul3A_2422 = vector.broadcast %mul3A_2421 : i32 to vector<16xi32>
    %mul3A_2423 = arith.muli %add3A_2420, %mul3A_2422 : vector<16xi32>
    %add3A_2424 = arith.addi %get3A_2416, %mul3A_2423 : vector<16xi32>
    %swap3A_2425 = arith.constant 21 : i32
    %swap3A_2426 = arith.index_cast %swap3A_2425 : i32 to index
    %swap3A_2427 = arith.constant 48 : index
    %swap3A_2428 = tpu.vector_load %arg7[%swap3A_2426, %swap3A_2427] {strides = array<i32>} : memref<26x128xi32, #tpu.memory_space<vmem>>, vector<16xi32>,
    tpu.vector_store %arg7[%swap3A_2426, %swap3A_2427], %add3A_2424 {strides = array<i32>} : memref<26x128xi32, #tpu.memory_space<vmem>>, vector<16xi32>,
    %get3A_2429 = arith.constant 2752 : index
    %get3A_2430 = tpu.vector_load %arg6[%get3A_2429] {strides = array<i32>} : memref<3328xi32, #tpu.memory_space<vmem>>, vector<16xi32>,
    %add3A_2431 = arith.constant 2752 : i32
    %add3A_2432 = arith.addi %mul3A_2, %add3A_2431 : i32
    %add3A_2433 = vector.broadcast %add3A_2432 : i32 to vector<16xi32>
    %add3A_2434 = arith.addi %add3A_2433, %iota3A : vector<16xi32>
    %mul3A_2435 = arith.constant 1000 : i32
    %mul3A_2436 = vector.broadcast %mul3A_2435 : i32 to vector<16xi32>
    %mul3A_2437 = arith.muli %add3A_2434, %mul3A_2436 : vector<16xi32>
    %add3A_2438 = arith.addi %get3A_2430, %mul3A_2437 : vector<16xi32>
    %swap3A_2439 = arith.constant 21 : i32
    %swap3A_2440 = arith.index_cast %swap3A_2439 : i32 to index
    %swap3A_2441 = arith.constant 64 : index
    %swap3A_2442 = tpu.vector_load %arg7[%swap3A_2440, %swap3A_2441] {strides = array<i32>} : memref<26x128xi32, #tpu.memory_space<vmem>>, vector<16xi32>,
    tpu.vector_store %arg7[%swap3A_2440, %swap3A_2441], %add3A_2438 {strides = array<i32>} : memref<26x128xi32, #tpu.memory_space<vmem>>, vector<16xi32>,
    %get3A_2443 = arith.constant 2768 : index
    %get3A_2444 = tpu.vector_load %arg6[%get3A_2443] {strides = array<i32>} : memref<3328xi32, #tpu.memory_space<vmem>>, vector<16xi32>,
    %add3A_2445 = arith.constant 2768 : i32
    %add3A_2446 = arith.addi %mul3A_2, %add3A_2445 : i32
    %add3A_2447 = vector.broadcast %add3A_2446 : i32 to vector<16xi32>
    %add3A_2448 = arith.addi %add3A_2447, %iota3A : vector<16xi32>
    %mul3A_2449 = arith.constant 1000 : i32
    %mul3A_2450 = vector.broadcast %mul3A_2449 : i32 to vector<16xi32>
    %mul3A_2451 = arith.muli %add3A_2448, %mul3A_2450 : vector<16xi32>
    %add3A_2452 = arith.addi %get3A_2444, %mul3A_2451 : vector<16xi32>
    %swap3A_2453 = arith.constant 21 : i32
    %swap3A_2454 = arith.index_cast %swap3A_2453 : i32 to index
    %swap3A_2455 = arith.constant 80 : index
    %swap3A_2456 = tpu.vector_load %arg7[%swap3A_2454, %swap3A_2455] {strides = array<i32>} : memref<26x128xi32, #tpu.memory_space<vmem>>, vector<16xi32>,
    tpu.vector_store %arg7[%swap3A_2454, %swap3A_2455], %add3A_2452 {strides = array<i32>} : memref<26x128xi32, #tpu.memory_space<vmem>>, vector<16xi32>,
    %get3A_2457 = arith.constant 2784 : index
    %get3A_2458 = tpu.vector_load %arg6[%get3A_2457] {strides = array<i32>} : memref<3328xi32, #tpu.memory_space<vmem>>, vector<16xi32>,
    %add3A_2459 = arith.constant 2784 : i32
    %add3A_2460 = arith.addi %mul3A_2, %add3A_2459 : i32
    %add3A_2461 = vector.broadcast %add3A_2460 : i32 to vector<16xi32>
    %add3A_2462 = arith.addi %add3A_2461, %iota3A : vector<16xi32>
    %mul3A_2463 = arith.constant 1000 : i32
    %mul3A_2464 = vector.broadcast %mul3A_2463 : i32 to vector<16xi32>
    %mul3A_2465 = arith.muli %add3A_2462, %mul3A_2464 : vector<16xi32>
    %add3A_2466 = arith.addi %get3A_2458, %mul3A_2465 : vector<16xi32>
    %swap3A_2467 = arith.constant 21 : i32
    %swap3A_2468 = arith.index_cast %swap3A_2467 : i32 to index
    %swap3A_2469 = arith.constant 96 : index
    %swap3A_2470 = tpu.vector_load %arg7[%swap3A_2468, %swap3A_2469] {strides = array<i32>} : memref<26x128xi32, #tpu.memory_space<vmem>>, vector<16xi32>,
    tpu.vector_store %arg7[%swap3A_2468, %swap3A_2469], %add3A_2466 {strides = array<i32>} : memref<26x128xi32, #tpu.memory_space<vmem>>, vector<16xi32>,
    %get3A_2471 = arith.constant 2800 : index
    %get3A_2472 = tpu.vector_load %arg6[%get3A_2471] {strides = array<i32>} : memref<3328xi32, #tpu.memory_space<vmem>>, vector<16xi32>,
    %add3A_2473 = arith.constant 2800 : i32
    %add3A_2474 = arith.addi %mul3A_2, %add3A_2473 : i32
    %add3A_2475 = vector.broadcast %add3A_2474 : i32 to vector<16xi32>
    %add3A_2476 = arith.addi %add3A_2475, %iota3A : vector<16xi32>
    %mul3A_2477 = arith.constant 1000 : i32
    %mul3A_2478 = vector.broadcast %mul3A_2477 : i32 to vector<16xi32>
    %mul3A_2479 = arith.muli %add3A_2476, %mul3A_2478 : vector<16xi32>
    %add3A_2480 = arith.addi %get3A_2472, %mul3A_2479 : vector<16xi32>
    %swap3A_2481 = arith.constant 21 : i32
    %swap3A_2482 = arith.index_cast %swap3A_2481 : i32 to index
    %swap3A_2483 = arith.constant 112 : index
    %swap3A_2484 = tpu.vector_load %arg7[%swap3A_2482, %swap3A_2483] {strides = array<i32>} : memref<26x128xi32, #tpu.memory_space<vmem>>, vector<16xi32>,
    tpu.vector_store %arg7[%swap3A_2482, %swap3A_2483], %add3A_2480 {strides = array<i32>} : memref<26x128xi32, #tpu.memory_space<vmem>>, vector<16xi32>,
    %get3A_2485 = arith.constant 2816 : index
    %get3A_2486 = tpu.vector_load %arg6[%get3A_2485] {strides = array<i32>} : memref<3328xi32, #tpu.memory_space<vmem>>, vector<16xi32>,
    %add3A_2487 = arith.constant 2816 : i32
    %add3A_2488 = arith.addi %mul3A_2, %add3A_2487 : i32
    %add3A_2489 = vector.broadcast %add3A_2488 : i32 to vector<16xi32>
    %add3A_2490 = arith.addi %add3A_2489, %iota3A : vector<16xi32>
    %mul3A_2491 = arith.constant 1000 : i32
    %mul3A_2492 = vector.broadcast %mul3A_2491 : i32 to vector<16xi32>
    %mul3A_2493 = arith.muli %add3A_2490, %mul3A_2492 : vector<16xi32>
    %add3A_2494 = arith.addi %get3A_2486, %mul3A_2493 : vector<16xi32>
    %swap3A_2495 = arith.constant 22 : i32
    %swap3A_2496 = arith.index_cast %swap3A_2495 : i32 to index
    %swap3A_2497 = arith.constant 0 : index
    %swap3A_2498 = tpu.vector_load %arg7[%swap3A_2496, %swap3A_2497] {strides = array<i32>} : memref<26x128xi32, #tpu.memory_space<vmem>>, vector<16xi32>,
    tpu.vector_store %arg7[%swap3A_2496, %swap3A_2497], %add3A_2494 {strides = array<i32>} : memref<26x128xi32, #tpu.memory_space<vmem>>, vector<16xi32>,
    %get3A_2499 = arith.constant 2832 : index
    %get3A_2500 = tpu.vector_load %arg6[%get3A_2499] {strides = array<i32>} : memref<3328xi32, #tpu.memory_space<vmem>>, vector<16xi32>,
    %add3A_2501 = arith.constant 2832 : i32
    %add3A_2502 = arith.addi %mul3A_2, %add3A_2501 : i32
    %add3A_2503 = vector.broadcast %add3A_2502 : i32 to vector<16xi32>
    %add3A_2504 = arith.addi %add3A_2503, %iota3A : vector<16xi32>
    %mul3A_2505 = arith.constant 1000 : i32
    %mul3A_2506 = vector.broadcast %mul3A_2505 : i32 to vector<16xi32>
    %mul3A_2507 = arith.muli %add3A_2504, %mul3A_2506 : vector<16xi32>
    %add3A_2508 = arith.addi %get3A_2500, %mul3A_2507 : vector<16xi32>
    %swap3A_2509 = arith.constant 22 : i32
    %swap3A_2510 = arith.index_cast %swap3A_2509 : i32 to index
    %swap3A_2511 = arith.constant 16 : index
    %swap3A_2512 = tpu.vector_load %arg7[%swap3A_2510, %swap3A_2511] {strides = array<i32>} : memref<26x128xi32, #tpu.memory_space<vmem>>, vector<16xi32>,
    tpu.vector_store %arg7[%swap3A_2510, %swap3A_2511], %add3A_2508 {strides = array<i32>} : memref<26x128xi32, #tpu.memory_space<vmem>>, vector<16xi32>,
    %get3A_2513 = arith.constant 2848 : index
    %get3A_2514 = tpu.vector_load %arg6[%get3A_2513] {strides = array<i32>} : memref<3328xi32, #tpu.memory_space<vmem>>, vector<16xi32>,
    %add3A_2515 = arith.constant 2848 : i32
    %add3A_2516 = arith.addi %mul3A_2, %add3A_2515 : i32
    %add3A_2517 = vector.broadcast %add3A_2516 : i32 to vector<16xi32>
    %add3A_2518 = arith.addi %add3A_2517, %iota3A : vector<16xi32>
    %mul3A_2519 = arith.constant 1000 : i32
    %mul3A_2520 = vector.broadcast %mul3A_2519 : i32 to vector<16xi32>
    %mul3A_2521 = arith.muli %add3A_2518, %mul3A_2520 : vector<16xi32>
    %add3A_2522 = arith.addi %get3A_2514, %mul3A_2521 : vector<16xi32>
    %swap3A_2523 = arith.constant 22 : i32
    %swap3A_2524 = arith.index_cast %swap3A_2523 : i32 to index
    %swap3A_2525 = arith.constant 32 : index
    %swap3A_2526 = tpu.vector_load %arg7[%swap3A_2524, %swap3A_2525] {strides = array<i32>} : memref<26x128xi32, #tpu.memory_space<vmem>>, vector<16xi32>,
    tpu.vector_store %arg7[%swap3A_2524, %swap3A_2525], %add3A_2522 {strides = array<i32>} : memref<26x128xi32, #tpu.memory_space<vmem>>, vector<16xi32>,
    %get3A_2527 = arith.constant 2864 : index
    %get3A_2528 = tpu.vector_load %arg6[%get3A_2527] {strides = array<i32>} : memref<3328xi32, #tpu.memory_space<vmem>>, vector<16xi32>,
    %add3A_2529 = arith.constant 2864 : i32
    %add3A_2530 = arith.addi %mul3A_2, %add3A_2529 : i32
    %add3A_2531 = vector.broadcast %add3A_2530 : i32 to vector<16xi32>
    %add3A_2532 = arith.addi %add3A_2531, %iota3A : vector<16xi32>
    %mul3A_2533 = arith.constant 1000 : i32
    %mul3A_2534 = vector.broadcast %mul3A_2533 : i32 to vector<16xi32>
    %mul3A_2535 = arith.muli %add3A_2532, %mul3A_2534 : vector<16xi32>
    %add3A_2536 = arith.addi %get3A_2528, %mul3A_2535 : vector<16xi32>
    %swap3A_2537 = arith.constant 22 : i32
    %swap3A_2538 = arith.index_cast %swap3A_2537 : i32 to index
    %swap3A_2539 = arith.constant 48 : index
    %swap3A_2540 = tpu.vector_load %arg7[%swap3A_2538, %swap3A_2539] {strides = array<i32>} : memref<26x128xi32, #tpu.memory_space<vmem>>, vector<16xi32>,
    tpu.vector_store %arg7[%swap3A_2538, %swap3A_2539], %add3A_2536 {strides = array<i32>} : memref<26x128xi32, #tpu.memory_space<vmem>>, vector<16xi32>,
    %get3A_2541 = arith.constant 2880 : index
    %get3A_2542 = tpu.vector_load %arg6[%get3A_2541] {strides = array<i32>} : memref<3328xi32, #tpu.memory_space<vmem>>, vector<16xi32>,
    %add3A_2543 = arith.constant 2880 : i32
    %add3A_2544 = arith.addi %mul3A_2, %add3A_2543 : i32
    %add3A_2545 = vector.broadcast %add3A_2544 : i32 to vector<16xi32>
    %add3A_2546 = arith.addi %add3A_2545, %iota3A : vector<16xi32>
    %mul3A_2547 = arith.constant 1000 : i32
    %mul3A_2548 = vector.broadcast %mul3A_2547 : i32 to vector<16xi32>
    %mul3A_2549 = arith.muli %add3A_2546, %mul3A_2548 : vector<16xi32>
    %add3A_2550 = arith.addi %get3A_2542, %mul3A_2549 : vector<16xi32>
    %swap3A_2551 = arith.constant 22 : i32
    %swap3A_2552 = arith.index_cast %swap3A_2551 : i32 to index
    %swap3A_2553 = arith.constant 64 : index
    %swap3A_2554 = tpu.vector_load %arg7[%swap3A_2552, %swap3A_2553] {strides = array<i32>} : memref<26x128xi32, #tpu.memory_space<vmem>>, vector<16xi32>,
    tpu.vector_store %arg7[%swap3A_2552, %swap3A_2553], %add3A_2550 {strides = array<i32>} : memref<26x128xi32, #tpu.memory_space<vmem>>, vector<16xi32>,
    %get3A_2555 = arith.constant 2896 : index
    %get3A_2556 = tpu.vector_load %arg6[%get3A_2555] {strides = array<i32>} : memref<3328xi32, #tpu.memory_space<vmem>>, vector<16xi32>,
    %add3A_2557 = arith.constant 2896 : i32
    %add3A_2558 = arith.addi %mul3A_2, %add3A_2557 : i32
    %add3A_2559 = vector.broadcast %add3A_2558 : i32 to vector<16xi32>
    %add3A_2560 = arith.addi %add3A_2559, %iota3A : vector<16xi32>
    %mul3A_2561 = arith.constant 1000 : i32
    %mul3A_2562 = vector.broadcast %mul3A_2561 : i32 to vector<16xi32>
    %mul3A_2563 = arith.muli %add3A_2560, %mul3A_2562 : vector<16xi32>
    %add3A_2564 = arith.addi %get3A_2556, %mul3A_2563 : vector<16xi32>
    %swap3A_2565 = arith.constant 22 : i32
    %swap3A_2566 = arith.index_cast %swap3A_2565 : i32 to index
    %swap3A_2567 = arith.constant 80 : index
    %swap3A_2568 = tpu.vector_load %arg7[%swap3A_2566, %swap3A_2567] {strides = array<i32>} : memref<26x128xi32, #tpu.memory_space<vmem>>, vector<16xi32>,
    tpu.vector_store %arg7[%swap3A_2566, %swap3A_2567], %add3A_2564 {strides = array<i32>} : memref<26x128xi32, #tpu.memory_space<vmem>>, vector<16xi32>,
    %get3A_2569 = arith.constant 2912 : index
    %get3A_2570 = tpu.vector_load %arg6[%get3A_2569] {strides = array<i32>} : memref<3328xi32, #tpu.memory_space<vmem>>, vector<16xi32>,
    %add3A_2571 = arith.constant 2912 : i32
    %add3A_2572 = arith.addi %mul3A_2, %add3A_2571 : i32
    %add3A_2573 = vector.broadcast %add3A_2572 : i32 to vector<16xi32>
    %add3A_2574 = arith.addi %add3A_2573, %iota3A : vector<16xi32>
    %mul3A_2575 = arith.constant 1000 : i32
    %mul3A_2576 = vector.broadcast %mul3A_2575 : i32 to vector<16xi32>
    %mul3A_2577 = arith.muli %add3A_2574, %mul3A_2576 : vector<16xi32>
    %add3A_2578 = arith.addi %get3A_2570, %mul3A_2577 : vector<16xi32>
    %swap3A_2579 = arith.constant 22 : i32
    %swap3A_2580 = arith.index_cast %swap3A_2579 : i32 to index
    %swap3A_2581 = arith.constant 96 : index
    %swap3A_2582 = tpu.vector_load %arg7[%swap3A_2580, %swap3A_2581] {strides = array<i32>} : memref<26x128xi32, #tpu.memory_space<vmem>>, vector<16xi32>,
    tpu.vector_store %arg7[%swap3A_2580, %swap3A_2581], %add3A_2578 {strides = array<i32>} : memref<26x128xi32, #tpu.memory_space<vmem>>, vector<16xi32>,
    %get3A_2583 = arith.constant 2928 : index
    %get3A_2584 = tpu.vector_load %arg6[%get3A_2583] {strides = array<i32>} : memref<3328xi32, #tpu.memory_space<vmem>>, vector<16xi32>,
    %add3A_2585 = arith.constant 2928 : i32
    %add3A_2586 = arith.addi %mul3A_2, %add3A_2585 : i32
    %add3A_2587 = vector.broadcast %add3A_2586 : i32 to vector<16xi32>
    %add3A_2588 = arith.addi %add3A_2587, %iota3A : vector<16xi32>
    %mul3A_2589 = arith.constant 1000 : i32
    %mul3A_2590 = vector.broadcast %mul3A_2589 : i32 to vector<16xi32>
    %mul3A_2591 = arith.muli %add3A_2588, %mul3A_2590 : vector<16xi32>
    %add3A_2592 = arith.addi %get3A_2584, %mul3A_2591 : vector<16xi32>
    %swap3A_2593 = arith.constant 22 : i32
    %swap3A_2594 = arith.index_cast %swap3A_2593 : i32 to index
    %swap3A_2595 = arith.constant 112 : index
    %swap3A_2596 = tpu.vector_load %arg7[%swap3A_2594, %swap3A_2595] {strides = array<i32>} : memref<26x128xi32, #tpu.memory_space<vmem>>, vector<16xi32>,
    tpu.vector_store %arg7[%swap3A_2594, %swap3A_2595], %add3A_2592 {strides = array<i32>} : memref<26x128xi32, #tpu.memory_space<vmem>>, vector<16xi32>,
    %get3A_2597 = arith.constant 2944 : index
    %get3A_2598 = tpu.vector_load %arg6[%get3A_2597] {strides = array<i32>} : memref<3328xi32, #tpu.memory_space<vmem>>, vector<16xi32>,
    %add3A_2599 = arith.constant 2944 : i32
    %add3A_2600 = arith.addi %mul3A_2, %add3A_2599 : i32
    %add3A_2601 = vector.broadcast %add3A_2600 : i32 to vector<16xi32>
    %add3A_2602 = arith.addi %add3A_2601, %iota3A : vector<16xi32>
    %mul3A_2603 = arith.constant 1000 : i32
    %mul3A_2604 = vector.broadcast %mul3A_2603 : i32 to vector<16xi32>
    %mul3A_2605 = arith.muli %add3A_2602, %mul3A_2604 : vector<16xi32>
    %add3A_2606 = arith.addi %get3A_2598, %mul3A_2605 : vector<16xi32>
    %swap3A_2607 = arith.constant 23 : i32
    %swap3A_2608 = arith.index_cast %swap3A_2607 : i32 to index
    %swap3A_2609 = arith.constant 0 : index
    %swap3A_2610 = tpu.vector_load %arg7[%swap3A_2608, %swap3A_2609] {strides = array<i32>} : memref<26x128xi32, #tpu.memory_space<vmem>>, vector<16xi32>,
    tpu.vector_store %arg7[%swap3A_2608, %swap3A_2609], %add3A_2606 {strides = array<i32>} : memref<26x128xi32, #tpu.memory_space<vmem>>, vector<16xi32>,
    %get3A_2611 = arith.constant 2960 : index
    %get3A_2612 = tpu.vector_load %arg6[%get3A_2611] {strides = array<i32>} : memref<3328xi32, #tpu.memory_space<vmem>>, vector<16xi32>,
    %add3A_2613 = arith.constant 2960 : i32
    %add3A_2614 = arith.addi %mul3A_2, %add3A_2613 : i32
    %add3A_2615 = vector.broadcast %add3A_2614 : i32 to vector<16xi32>
    %add3A_2616 = arith.addi %add3A_2615, %iota3A : vector<16xi32>
    %mul3A_2617 = arith.constant 1000 : i32
    %mul3A_2618 = vector.broadcast %mul3A_2617 : i32 to vector<16xi32>
    %mul3A_2619 = arith.muli %add3A_2616, %mul3A_2618 : vector<16xi32>
    %add3A_2620 = arith.addi %get3A_2612, %mul3A_2619 : vector<16xi32>
    %swap3A_2621 = arith.constant 23 : i32
    %swap3A_2622 = arith.index_cast %swap3A_2621 : i32 to index
    %swap3A_2623 = arith.constant 16 : index
    %swap3A_2624 = tpu.vector_load %arg7[%swap3A_2622, %swap3A_2623] {strides = array<i32>} : memref<26x128xi32, #tpu.memory_space<vmem>>, vector<16xi32>,
    tpu.vector_store %arg7[%swap3A_2622, %swap3A_2623], %add3A_2620 {strides = array<i32>} : memref<26x128xi32, #tpu.memory_space<vmem>>, vector<16xi32>,
    %get3A_2625 = arith.constant 2976 : index
    %get3A_2626 = tpu.vector_load %arg6[%get3A_2625] {strides = array<i32>} : memref<3328xi32, #tpu.memory_space<vmem>>, vector<16xi32>,
    %add3A_2627 = arith.constant 2976 : i32
    %add3A_2628 = arith.addi %mul3A_2, %add3A_2627 : i32
    %add3A_2629 = vector.broadcast %add3A_2628 : i32 to vector<16xi32>
    %add3A_2630 = arith.addi %add3A_2629, %iota3A : vector<16xi32>
    %mul3A_2631 = arith.constant 1000 : i32
    %mul3A_2632 = vector.broadcast %mul3A_2631 : i32 to vector<16xi32>
    %mul3A_2633 = arith.muli %add3A_2630, %mul3A_2632 : vector<16xi32>
    %add3A_2634 = arith.addi %get3A_2626, %mul3A_2633 : vector<16xi32>
    %swap3A_2635 = arith.constant 23 : i32
    %swap3A_2636 = arith.index_cast %swap3A_2635 : i32 to index
    %swap3A_2637 = arith.constant 32 : index
    %swap3A_2638 = tpu.vector_load %arg7[%swap3A_2636, %swap3A_2637] {strides = array<i32>} : memref<26x128xi32, #tpu.memory_space<vmem>>, vector<16xi32>,
    tpu.vector_store %arg7[%swap3A_2636, %swap3A_2637], %add3A_2634 {strides = array<i32>} : memref<26x128xi32, #tpu.memory_space<vmem>>, vector<16xi32>,
    %get3A_2639 = arith.constant 2992 : index
    %get3A_2640 = tpu.vector_load %arg6[%get3A_2639] {strides = array<i32>} : memref<3328xi32, #tpu.memory_space<vmem>>, vector<16xi32>,
    %add3A_2641 = arith.constant 2992 : i32
    %add3A_2642 = arith.addi %mul3A_2, %add3A_2641 : i32
    %add3A_2643 = vector.broadcast %add3A_2642 : i32 to vector<16xi32>
    %add3A_2644 = arith.addi %add3A_2643, %iota3A : vector<16xi32>
    %mul3A_2645 = arith.constant 1000 : i32
    %mul3A_2646 = vector.broadcast %mul3A_2645 : i32 to vector<16xi32>
    %mul3A_2647 = arith.muli %add3A_2644, %mul3A_2646 : vector<16xi32>
    %add3A_2648 = arith.addi %get3A_2640, %mul3A_2647 : vector<16xi32>
    %swap3A_2649 = arith.constant 23 : i32
    %swap3A_2650 = arith.index_cast %swap3A_2649 : i32 to index
    %swap3A_2651 = arith.constant 48 : index
    %swap3A_2652 = tpu.vector_load %arg7[%swap3A_2650, %swap3A_2651] {strides = array<i32>} : memref<26x128xi32, #tpu.memory_space<vmem>>, vector<16xi32>,
    tpu.vector_store %arg7[%swap3A_2650, %swap3A_2651], %add3A_2648 {strides = array<i32>} : memref<26x128xi32, #tpu.memory_space<vmem>>, vector<16xi32>,
    %get3A_2653 = arith.constant 3008 : index
    %get3A_2654 = tpu.vector_load %arg6[%get3A_2653] {strides = array<i32>} : memref<3328xi32, #tpu.memory_space<vmem>>, vector<16xi32>,
    %add3A_2655 = arith.constant 3008 : i32
    %add3A_2656 = arith.addi %mul3A_2, %add3A_2655 : i32
    %add3A_2657 = vector.broadcast %add3A_2656 : i32 to vector<16xi32>
    %add3A_2658 = arith.addi %add3A_2657, %iota3A : vector<16xi32>
    %mul3A_2659 = arith.constant 1000 : i32
    %mul3A_2660 = vector.broadcast %mul3A_2659 : i32 to vector<16xi32>
    %mul3A_2661 = arith.muli %add3A_2658, %mul3A_2660 : vector<16xi32>
    %add3A_2662 = arith.addi %get3A_2654, %mul3A_2661 : vector<16xi32>
    %swap3A_2663 = arith.constant 23 : i32
    %swap3A_2664 = arith.index_cast %swap3A_2663 : i32 to index
    %swap3A_2665 = arith.constant 64 : index
    %swap3A_2666 = tpu.vector_load %arg7[%swap3A_2664, %swap3A_2665] {strides = array<i32>} : memref<26x128xi32, #tpu.memory_space<vmem>>, vector<16xi32>,
    tpu.vector_store %arg7[%swap3A_2664, %swap3A_2665], %add3A_2662 {strides = array<i32>} : memref<26x128xi32, #tpu.memory_space<vmem>>, vector<16xi32>,
    %get3A_2667 = arith.constant 3024 : index
    %get3A_2668 = tpu.vector_load %arg6[%get3A_2667] {strides = array<i32>} : memref<3328xi32, #tpu.memory_space<vmem>>, vector<16xi32>,
    %add3A_2669 = arith.constant 3024 : i32
    %add3A_2670 = arith.addi %mul3A_2, %add3A_2669 : i32
    %add3A_2671 = vector.broadcast %add3A_2670 : i32 to vector<16xi32>
    %add3A_2672 = arith.addi %add3A_2671, %iota3A : vector<16xi32>
    %mul3A_2673 = arith.constant 1000 : i32
    %mul3A_2674 = vector.broadcast %mul3A_2673 : i32 to vector<16xi32>
    %mul3A_2675 = arith.muli %add3A_2672, %mul3A_2674 : vector<16xi32>
    %add3A_2676 = arith.addi %get3A_2668, %mul3A_2675 : vector<16xi32>
    %swap3A_2677 = arith.constant 23 : i32
    %swap3A_2678 = arith.index_cast %swap3A_2677 : i32 to index
    %swap3A_2679 = arith.constant 80 : index
    %swap3A_2680 = tpu.vector_load %arg7[%swap3A_2678, %swap3A_2679] {strides = array<i32>} : memref<26x128xi32, #tpu.memory_space<vmem>>, vector<16xi32>,
    tpu.vector_store %arg7[%swap3A_2678, %swap3A_2679], %add3A_2676 {strides = array<i32>} : memref<26x128xi32, #tpu.memory_space<vmem>>, vector<16xi32>,
    %get3A_2681 = arith.constant 3040 : index
    %get3A_2682 = tpu.vector_load %arg6[%get3A_2681] {strides = array<i32>} : memref<3328xi32, #tpu.memory_space<vmem>>, vector<16xi32>,
    %add3A_2683 = arith.constant 3040 : i32
    %add3A_2684 = arith.addi %mul3A_2, %add3A_2683 : i32
    %add3A_2685 = vector.broadcast %add3A_2684 : i32 to vector<16xi32>
    %add3A_2686 = arith.addi %add3A_2685, %iota3A : vector<16xi32>
    %mul3A_2687 = arith.constant 1000 : i32
    %mul3A_2688 = vector.broadcast %mul3A_2687 : i32 to vector<16xi32>
    %mul3A_2689 = arith.muli %add3A_2686, %mul3A_2688 : vector<16xi32>
    %add3A_2690 = arith.addi %get3A_2682, %mul3A_2689 : vector<16xi32>
    %swap3A_2691 = arith.constant 23 : i32
    %swap3A_2692 = arith.index_cast %swap3A_2691 : i32 to index
    %swap3A_2693 = arith.constant 96 : index
    %swap3A_2694 = tpu.vector_load %arg7[%swap3A_2692, %swap3A_2693] {strides = array<i32>} : memref<26x128xi32, #tpu.memory_space<vmem>>, vector<16xi32>,
    tpu.vector_store %arg7[%swap3A_2692, %swap3A_2693], %add3A_2690 {strides = array<i32>} : memref<26x128xi32, #tpu.memory_space<vmem>>, vector<16xi32>,
    %get3A_2695 = arith.constant 3056 : index
    %get3A_2696 = tpu.vector_load %arg6[%get3A_2695] {strides = array<i32>} : memref<3328xi32, #tpu.memory_space<vmem>>, vector<16xi32>,
    %add3A_2697 = arith.constant 3056 : i32
    %add3A_2698 = arith.addi %mul3A_2, %add3A_2697 : i32
    %add3A_2699 = vector.broadcast %add3A_2698 : i32 to vector<16xi32>
    %add3A_2700 = arith.addi %add3A_2699, %iota3A : vector<16xi32>
    %mul3A_2701 = arith.constant 1000 : i32
    %mul3A_2702 = vector.broadcast %mul3A_2701 : i32 to vector<16xi32>
    %mul3A_2703 = arith.muli %add3A_2700, %mul3A_2702 : vector<16xi32>
    %add3A_2704 = arith.addi %get3A_2696, %mul3A_2703 : vector<16xi32>
    %swap3A_2705 = arith.constant 23 : i32
    %swap3A_2706 = arith.index_cast %swap3A_2705 : i32 to index
    %swap3A_2707 = arith.constant 112 : index
    %swap3A_2708 = tpu.vector_load %arg7[%swap3A_2706, %swap3A_2707] {strides = array<i32>} : memref<26x128xi32, #tpu.memory_space<vmem>>, vector<16xi32>,
    tpu.vector_store %arg7[%swap3A_2706, %swap3A_2707], %add3A_2704 {strides = array<i32>} : memref<26x128xi32, #tpu.memory_space<vmem>>, vector<16xi32>,
    %get3A_2709 = arith.constant 3072 : index
    %get3A_2710 = tpu.vector_load %arg6[%get3A_2709] {strides = array<i32>} : memref<3328xi32, #tpu.memory_space<vmem>>, vector<16xi32>,
    %add3A_2711 = arith.constant 3072 : i32
    %add3A_2712 = arith.addi %mul3A_2, %add3A_2711 : i32
    %add3A_2713 = vector.broadcast %add3A_2712 : i32 to vector<16xi32>
    %add3A_2714 = arith.addi %add3A_2713, %iota3A : vector<16xi32>
    %mul3A_2715 = arith.constant 1000 : i32
    %mul3A_2716 = vector.broadcast %mul3A_2715 : i32 to vector<16xi32>
    %mul3A_2717 = arith.muli %add3A_2714, %mul3A_2716 : vector<16xi32>
    %add3A_2718 = arith.addi %get3A_2710, %mul3A_2717 : vector<16xi32>
    %swap3A_2719 = arith.constant 24 : i32
    %swap3A_2720 = arith.index_cast %swap3A_2719 : i32 to index
    %swap3A_2721 = arith.constant 0 : index
    %swap3A_2722 = tpu.vector_load %arg7[%swap3A_2720, %swap3A_2721] {strides = array<i32>} : memref<26x128xi32, #tpu.memory_space<vmem>>, vector<16xi32>,
    tpu.vector_store %arg7[%swap3A_2720, %swap3A_2721], %add3A_2718 {strides = array<i32>} : memref<26x128xi32, #tpu.memory_space<vmem>>, vector<16xi32>,
    %get3A_2723 = arith.constant 3088 : index
    %get3A_2724 = tpu.vector_load %arg6[%get3A_2723] {strides = array<i32>} : memref<3328xi32, #tpu.memory_space<vmem>>, vector<16xi32>,
    %add3A_2725 = arith.constant 3088 : i32
    %add3A_2726 = arith.addi %mul3A_2, %add3A_2725 : i32
    %add3A_2727 = vector.broadcast %add3A_2726 : i32 to vector<16xi32>
    %add3A_2728 = arith.addi %add3A_2727, %iota3A : vector<16xi32>
    %mul3A_2729 = arith.constant 1000 : i32
    %mul3A_2730 = vector.broadcast %mul3A_2729 : i32 to vector<16xi32>
    %mul3A_2731 = arith.muli %add3A_2728, %mul3A_2730 : vector<16xi32>
    %add3A_2732 = arith.addi %get3A_2724, %mul3A_2731 : vector<16xi32>
    %swap3A_2733 = arith.constant 24 : i32
    %swap3A_2734 = arith.index_cast %swap3A_2733 : i32 to index
    %swap3A_2735 = arith.constant 16 : index
    %swap3A_2736 = tpu.vector_load %arg7[%swap3A_2734, %swap3A_2735] {strides = array<i32>} : memref<26x128xi32, #tpu.memory_space<vmem>>, vector<16xi32>,
    tpu.vector_store %arg7[%swap3A_2734, %swap3A_2735], %add3A_2732 {strides = array<i32>} : memref<26x128xi32, #tpu.memory_space<vmem>>, vector<16xi32>,
    %get3A_2737 = arith.constant 3104 : index
    %get3A_2738 = tpu.vector_load %arg6[%get3A_2737] {strides = array<i32>} : memref<3328xi32, #tpu.memory_space<vmem>>, vector<16xi32>,
    %add3A_2739 = arith.constant 3104 : i32
    %add3A_2740 = arith.addi %mul3A_2, %add3A_2739 : i32
    %add3A_2741 = vector.broadcast %add3A_2740 : i32 to vector<16xi32>
    %add3A_2742 = arith.addi %add3A_2741, %iota3A : vector<16xi32>
    %mul3A_2743 = arith.constant 1000 : i32
    %mul3A_2744 = vector.broadcast %mul3A_2743 : i32 to vector<16xi32>
    %mul3A_2745 = arith.muli %add3A_2742, %mul3A_2744 : vector<16xi32>
    %add3A_2746 = arith.addi %get3A_2738, %mul3A_2745 : vector<16xi32>
    %swap3A_2747 = arith.constant 24 : i32
    %swap3A_2748 = arith.index_cast %swap3A_2747 : i32 to index
    %swap3A_2749 = arith.constant 32 : index
    %swap3A_2750 = tpu.vector_load %arg7[%swap3A_2748, %swap3A_2749] {strides = array<i32>} : memref<26x128xi32, #tpu.memory_space<vmem>>, vector<16xi32>,
    tpu.vector_store %arg7[%swap3A_2748, %swap3A_2749], %add3A_2746 {strides = array<i32>} : memref<26x128xi32, #tpu.memory_space<vmem>>, vector<16xi32>,
    %get3A_2751 = arith.constant 3120 : index
    %get3A_2752 = tpu.vector_load %arg6[%get3A_2751] {strides = array<i32>} : memref<3328xi32, #tpu.memory_space<vmem>>, vector<16xi32>,
    %add3A_2753 = arith.constant 3120 : i32
    %add3A_2754 = arith.addi %mul3A_2, %add3A_2753 : i32
    %add3A_2755 = vector.broadcast %add3A_2754 : i32 to vector<16xi32>
    %add3A_2756 = arith.addi %add3A_2755, %iota3A : vector<16xi32>
    %mul3A_2757 = arith.constant 1000 : i32
    %mul3A_2758 = vector.broadcast %mul3A_2757 : i32 to vector<16xi32>
    %mul3A_2759 = arith.muli %add3A_2756, %mul3A_2758 : vector<16xi32>
    %add3A_2760 = arith.addi %get3A_2752, %mul3A_2759 : vector<16xi32>
    %swap3A_2761 = arith.constant 24 : i32
    %swap3A_2762 = arith.index_cast %swap3A_2761 : i32 to index
    %swap3A_2763 = arith.constant 48 : index
    %swap3A_2764 = tpu.vector_load %arg7[%swap3A_2762, %swap3A_2763] {strides = array<i32>} : memref<26x128xi32, #tpu.memory_space<vmem>>, vector<16xi32>,
    tpu.vector_store %arg7[%swap3A_2762, %swap3A_2763], %add3A_2760 {strides = array<i32>} : memref<26x128xi32, #tpu.memory_space<vmem>>, vector<16xi32>,
    %get3A_2765 = arith.constant 3136 : index
    %get3A_2766 = tpu.vector_load %arg6[%get3A_2765] {strides = array<i32>} : memref<3328xi32, #tpu.memory_space<vmem>>, vector<16xi32>,
    %add3A_2767 = arith.constant 3136 : i32
    %add3A_2768 = arith.addi %mul3A_2, %add3A_2767 : i32
    %add3A_2769 = vector.broadcast %add3A_2768 : i32 to vector<16xi32>
    %add3A_2770 = arith.addi %add3A_2769, %iota3A : vector<16xi32>
    %mul3A_2771 = arith.constant 1000 : i32
    %mul3A_2772 = vector.broadcast %mul3A_2771 : i32 to vector<16xi32>
    %mul3A_2773 = arith.muli %add3A_2770, %mul3A_2772 : vector<16xi32>
    %add3A_2774 = arith.addi %get3A_2766, %mul3A_2773 : vector<16xi32>
    %swap3A_2775 = arith.constant 24 : i32
    %swap3A_2776 = arith.index_cast %swap3A_2775 : i32 to index
    %swap3A_2777 = arith.constant 64 : index
    %swap3A_2778 = tpu.vector_load %arg7[%swap3A_2776, %swap3A_2777] {strides = array<i32>} : memref<26x128xi32, #tpu.memory_space<vmem>>, vector<16xi32>,
    tpu.vector_store %arg7[%swap3A_2776, %swap3A_2777], %add3A_2774 {strides = array<i32>} : memref<26x128xi32, #tpu.memory_space<vmem>>, vector<16xi32>,
    %get3A_2779 = arith.constant 3152 : index
    %get3A_2780 = tpu.vector_load %arg6[%get3A_2779] {strides = array<i32>} : memref<3328xi32, #tpu.memory_space<vmem>>, vector<16xi32>,
    %add3A_2781 = arith.constant 3152 : i32
    %add3A_2782 = arith.addi %mul3A_2, %add3A_2781 : i32
    %add3A_2783 = vector.broadcast %add3A_2782 : i32 to vector<16xi32>
    %add3A_2784 = arith.addi %add3A_2783, %iota3A : vector<16xi32>
    %mul3A_2785 = arith.constant 1000 : i32
    %mul3A_2786 = vector.broadcast %mul3A_2785 : i32 to vector<16xi32>
    %mul3A_2787 = arith.muli %add3A_2784, %mul3A_2786 : vector<16xi32>
    %add3A_2788 = arith.addi %get3A_2780, %mul3A_2787 : vector<16xi32>
    %swap3A_2789 = arith.constant 24 : i32
    %swap3A_2790 = arith.index_cast %swap3A_2789 : i32 to index
    %swap3A_2791 = arith.constant 80 : index
    %swap3A_2792 = tpu.vector_load %arg7[%swap3A_2790, %swap3A_2791] {strides = array<i32>} : memref<26x128xi32, #tpu.memory_space<vmem>>, vector<16xi32>,
    tpu.vector_store %arg7[%swap3A_2790, %swap3A_2791], %add3A_2788 {strides = array<i32>} : memref<26x128xi32, #tpu.memory_space<vmem>>, vector<16xi32>,
    %get3A_2793 = arith.constant 3168 : index
    %get3A_2794 = tpu.vector_load %arg6[%get3A_2793] {strides = array<i32>} : memref<3328xi32, #tpu.memory_space<vmem>>, vector<16xi32>,
    %add3A_2795 = arith.constant 3168 : i32
    %add3A_2796 = arith.addi %mul3A_2, %add3A_2795 : i32
    %add3A_2797 = vector.broadcast %add3A_2796 : i32 to vector<16xi32>
    %add3A_2798 = arith.addi %add3A_2797, %iota3A : vector<16xi32>
    %mul3A_2799 = arith.constant 1000 : i32
    %mul3A_2800 = vector.broadcast %mul3A_2799 : i32 to vector<16xi32>
    %mul3A_2801 = arith.muli %add3A_2798, %mul3A_2800 : vector<16xi32>
    %add3A_2802 = arith.addi %get3A_2794, %mul3A_2801 : vector<16xi32>
    %swap3A_2803 = arith.constant 24 : i32
    %swap3A_2804 = arith.index_cast %swap3A_2803 : i32 to index
    %swap3A_2805 = arith.constant 96 : index
    %swap3A_2806 = tpu.vector_load %arg7[%swap3A_2804, %swap3A_2805] {strides = array<i32>} : memref<26x128xi32, #tpu.memory_space<vmem>>, vector<16xi32>,
    tpu.vector_store %arg7[%swap3A_2804, %swap3A_2805], %add3A_2802 {strides = array<i32>} : memref<26x128xi32, #tpu.memory_space<vmem>>, vector<16xi32>,
    %get3A_2807 = arith.constant 3184 : index
    %get3A_2808 = tpu.vector_load %arg6[%get3A_2807] {strides = array<i32>} : memref<3328xi32, #tpu.memory_space<vmem>>, vector<16xi32>,
    %add3A_2809 = arith.constant 3184 : i32
    %add3A_2810 = arith.addi %mul3A_2, %add3A_2809 : i32
    %add3A_2811 = vector.broadcast %add3A_2810 : i32 to vector<16xi32>
    %add3A_2812 = arith.addi %add3A_2811, %iota3A : vector<16xi32>
    %mul3A_2813 = arith.constant 1000 : i32
    %mul3A_2814 = vector.broadcast %mul3A_2813 : i32 to vector<16xi32>
    %mul3A_2815 = arith.muli %add3A_2812, %mul3A_2814 : vector<16xi32>
    %add3A_2816 = arith.addi %get3A_2808, %mul3A_2815 : vector<16xi32>
    %swap3A_2817 = arith.constant 24 : i32
    %swap3A_2818 = arith.index_cast %swap3A_2817 : i32 to index
    %swap3A_2819 = arith.constant 112 : index
    %swap3A_2820 = tpu.vector_load %arg7[%swap3A_2818, %swap3A_2819] {strides = array<i32>} : memref<26x128xi32, #tpu.memory_space<vmem>>, vector<16xi32>,
    tpu.vector_store %arg7[%swap3A_2818, %swap3A_2819], %add3A_2816 {strides = array<i32>} : memref<26x128xi32, #tpu.memory_space<vmem>>, vector<16xi32>,
    %get3A_2821 = arith.constant 3200 : index
    %get3A_2822 = tpu.vector_load %arg6[%get3A_2821] {strides = array<i32>} : memref<3328xi32, #tpu.memory_space<vmem>>, vector<16xi32>,
    %add3A_2823 = arith.constant 3200 : i32
    %add3A_2824 = arith.addi %mul3A_2, %add3A_2823 : i32
    %add3A_2825 = vector.broadcast %add3A_2824 : i32 to vector<16xi32>
    %add3A_2826 = arith.addi %add3A_2825, %iota3A : vector<16xi32>
    %mul3A_2827 = arith.constant 1000 : i32
    %mul3A_2828 = vector.broadcast %mul3A_2827 : i32 to vector<16xi32>
    %mul3A_2829 = arith.muli %add3A_2826, %mul3A_2828 : vector<16xi32>
    %add3A_2830 = arith.addi %get3A_2822, %mul3A_2829 : vector<16xi32>
    %swap3A_2831 = arith.constant 25 : i32
    %swap3A_2832 = arith.index_cast %swap3A_2831 : i32 to index
    %swap3A_2833 = arith.constant 0 : index
    %swap3A_2834 = tpu.vector_load %arg7[%swap3A_2832, %swap3A_2833] {strides = array<i32>} : memref<26x128xi32, #tpu.memory_space<vmem>>, vector<16xi32>,
    tpu.vector_store %arg7[%swap3A_2832, %swap3A_2833], %add3A_2830 {strides = array<i32>} : memref<26x128xi32, #tpu.memory_space<vmem>>, vector<16xi32>,
    %get3A_2835 = arith.constant 3216 : index
    %get3A_2836 = tpu.vector_load %arg6[%get3A_2835] {strides = array<i32>} : memref<3328xi32, #tpu.memory_space<vmem>>, vector<16xi32>,
    %add3A_2837 = arith.constant 3216 : i32
    %add3A_2838 = arith.addi %mul3A_2, %add3A_2837 : i32
    %add3A_2839 = vector.broadcast %add3A_2838 : i32 to vector<16xi32>
    %add3A_2840 = arith.addi %add3A_2839, %iota3A : vector<16xi32>
    %mul3A_2841 = arith.constant 1000 : i32
    %mul3A_2842 = vector.broadcast %mul3A_2841 : i32 to vector<16xi32>
    %mul3A_2843 = arith.muli %add3A_2840, %mul3A_2842 : vector<16xi32>
    %add3A_2844 = arith.addi %get3A_2836, %mul3A_2843 : vector<16xi32>
    %swap3A_2845 = arith.constant 25 : i32
    %swap3A_2846 = arith.index_cast %swap3A_2845 : i32 to index
    %swap3A_2847 = arith.constant 16 : index
    %swap3A_2848 = tpu.vector_load %arg7[%swap3A_2846, %swap3A_2847] {strides = array<i32>} : memref<26x128xi32, #tpu.memory_space<vmem>>, vector<16xi32>,
    tpu.vector_store %arg7[%swap3A_2846, %swap3A_2847], %add3A_2844 {strides = array<i32>} : memref<26x128xi32, #tpu.memory_space<vmem>>, vector<16xi32>,
    %get3A_2849 = arith.constant 3232 : index
    %get3A_2850 = tpu.vector_load %arg6[%get3A_2849] {strides = array<i32>} : memref<3328xi32, #tpu.memory_space<vmem>>, vector<16xi32>,
    %add3A_2851 = arith.constant 3232 : i32
    %add3A_2852 = arith.addi %mul3A_2, %add3A_2851 : i32
    %add3A_2853 = vector.broadcast %add3A_2852 : i32 to vector<16xi32>
    %add3A_2854 = arith.addi %add3A_2853, %iota3A : vector<16xi32>
    %mul3A_2855 = arith.constant 1000 : i32
    %mul3A_2856 = vector.broadcast %mul3A_2855 : i32 to vector<16xi32>
    %mul3A_2857 = arith.muli %add3A_2854, %mul3A_2856 : vector<16xi32>
    %add3A_2858 = arith.addi %get3A_2850, %mul3A_2857 : vector<16xi32>
    %swap3A_2859 = arith.constant 25 : i32
    %swap3A_2860 = arith.index_cast %swap3A_2859 : i32 to index
    %swap3A_2861 = arith.constant 32 : index
    %swap3A_2862 = tpu.vector_load %arg7[%swap3A_2860, %swap3A_2861] {strides = array<i32>} : memref<26x128xi32, #tpu.memory_space<vmem>>, vector<16xi32>,
    tpu.vector_store %arg7[%swap3A_2860, %swap3A_2861], %add3A_2858 {strides = array<i32>} : memref<26x128xi32, #tpu.memory_space<vmem>>, vector<16xi32>,
    %get3A_2863 = arith.constant 3248 : index
    %get3A_2864 = tpu.vector_load %arg6[%get3A_2863] {strides = array<i32>} : memref<3328xi32, #tpu.memory_space<vmem>>, vector<16xi32>,
    %add3A_2865 = arith.constant 3248 : i32
    %add3A_2866 = arith.addi %mul3A_2, %add3A_2865 : i32
    %add3A_2867 = vector.broadcast %add3A_2866 : i32 to vector<16xi32>
    %add3A_2868 = arith.addi %add3A_2867, %iota3A : vector<16xi32>
    %mul3A_2869 = arith.constant 1000 : i32
    %mul3A_2870 = vector.broadcast %mul3A_2869 : i32 to vector<16xi32>
    %mul3A_2871 = arith.muli %add3A_2868, %mul3A_2870 : vector<16xi32>
    %add3A_2872 = arith.addi %get3A_2864, %mul3A_2871 : vector<16xi32>
    %swap3A_2873 = arith.constant 25 : i32
    %swap3A_2874 = arith.index_cast %swap3A_2873 : i32 to index
    %swap3A_2875 = arith.constant 48 : index
    %swap3A_2876 = tpu.vector_load %arg7[%swap3A_2874, %swap3A_2875] {strides = array<i32>} : memref<26x128xi32, #tpu.memory_space<vmem>>, vector<16xi32>,
    tpu.vector_store %arg7[%swap3A_2874, %swap3A_2875], %add3A_2872 {strides = array<i32>} : memref<26x128xi32, #tpu.memory_space<vmem>>, vector<16xi32>,
    %get3A_2877 = arith.constant 3264 : index
    %get3A_2878 = tpu.vector_load %arg6[%get3A_2877] {strides = array<i32>} : memref<3328xi32, #tpu.memory_space<vmem>>, vector<16xi32>,
    %add3A_2879 = arith.constant 3264 : i32
    %add3A_2880 = arith.addi %mul3A_2, %add3A_2879 : i32
    %add3A_2881 = vector.broadcast %add3A_2880 : i32 to vector<16xi32>
    %add3A_2882 = arith.addi %add3A_2881, %iota3A : vector<16xi32>
    %mul3A_2883 = arith.constant 1000 : i32
    %mul3A_2884 = vector.broadcast %mul3A_2883 : i32 to vector<16xi32>
    %mul3A_2885 = arith.muli %add3A_2882, %mul3A_2884 : vector<16xi32>
    %add3A_2886 = arith.addi %get3A_2878, %mul3A_2885 : vector<16xi32>
    %swap3A_2887 = arith.constant 25 : i32
    %swap3A_2888 = arith.index_cast %swap3A_2887 : i32 to index
    %swap3A_2889 = arith.constant 64 : index
    %swap3A_2890 = tpu.vector_load %arg7[%swap3A_2888, %swap3A_2889] {strides = array<i32>} : memref<26x128xi32, #tpu.memory_space<vmem>>, vector<16xi32>,
    tpu.vector_store %arg7[%swap3A_2888, %swap3A_2889], %add3A_2886 {strides = array<i32>} : memref<26x128xi32, #tpu.memory_space<vmem>>, vector<16xi32>,
    %get3A_2891 = arith.constant 3280 : index
    %get3A_2892 = tpu.vector_load %arg6[%get3A_2891] {strides = array<i32>} : memref<3328xi32, #tpu.memory_space<vmem>>, vector<16xi32>,
    %add3A_2893 = arith.constant 3280 : i32
    %add3A_2894 = arith.addi %mul3A_2, %add3A_2893 : i32
    %add3A_2895 = vector.broadcast %add3A_2894 : i32 to vector<16xi32>
    %add3A_2896 = arith.addi %add3A_2895, %iota3A : vector<16xi32>
    %mul3A_2897 = arith.constant 1000 : i32
    %mul3A_2898 = vector.broadcast %mul3A_2897 : i32 to vector<16xi32>
    %mul3A_2899 = arith.muli %add3A_2896, %mul3A_2898 : vector<16xi32>
    %add3A_2900 = arith.addi %get3A_2892, %mul3A_2899 : vector<16xi32>
    %swap3A_2901 = arith.constant 25 : i32
    %swap3A_2902 = arith.index_cast %swap3A_2901 : i32 to index
    %swap3A_2903 = arith.constant 80 : index
    %swap3A_2904 = tpu.vector_load %arg7[%swap3A_2902, %swap3A_2903] {strides = array<i32>} : memref<26x128xi32, #tpu.memory_space<vmem>>, vector<16xi32>,
    tpu.vector_store %arg7[%swap3A_2902, %swap3A_2903], %add3A_2900 {strides = array<i32>} : memref<26x128xi32, #tpu.memory_space<vmem>>, vector<16xi32>,
    %get3A_2905 = arith.constant 3296 : index
    %get3A_2906 = tpu.vector_load %arg6[%get3A_2905] {strides = array<i32>} : memref<3328xi32, #tpu.memory_space<vmem>>, vector<16xi32>,
    %add3A_2907 = arith.constant 3296 : i32
    %add3A_2908 = arith.addi %mul3A_2, %add3A_2907 : i32
    %add3A_2909 = vector.broadcast %add3A_2908 : i32 to vector<16xi32>
    %add3A_2910 = arith.addi %add3A_2909, %iota3A : vector<16xi32>
    %mul3A_2911 = arith.constant 1000 : i32
    %mul3A_2912 = vector.broadcast %mul3A_2911 : i32 to vector<16xi32>
    %mul3A_2913 = arith.muli %add3A_2910, %mul3A_2912 : vector<16xi32>
    %add3A_2914 = arith.addi %get3A_2906, %mul3A_2913 : vector<16xi32>
    %swap3A_2915 = arith.constant 25 : i32
    %swap3A_2916 = arith.index_cast %swap3A_2915 : i32 to index
    %swap3A_2917 = arith.constant 96 : index
    %swap3A_2918 = tpu.vector_load %arg7[%swap3A_2916, %swap3A_2917] {strides = array<i32>} : memref<26x128xi32, #tpu.memory_space<vmem>>, vector<16xi32>,
    tpu.vector_store %arg7[%swap3A_2916, %swap3A_2917], %add3A_2914 {strides = array<i32>} : memref<26x128xi32, #tpu.memory_space<vmem>>, vector<16xi32>,
    %get3A_2919 = arith.constant 3312 : index
    %get3A_2920 = tpu.vector_load %arg6[%get3A_2919] {strides = array<i32>} : memref<3328xi32, #tpu.memory_space<vmem>>, vector<16xi32>,
    %add3A_2921 = arith.constant 3312 : i32
    %add3A_2922 = arith.addi %mul3A_2, %add3A_2921 : i32
    %add3A_2923 = vector.broadcast %add3A_2922 : i32 to vector<16xi32>
    %add3A_2924 = arith.addi %add3A_2923, %iota3A : vector<16xi32>
    %mul3A_2925 = arith.constant 1000 : i32
    %mul3A_2926 = vector.broadcast %mul3A_2925 : i32 to vector<16xi32>
    %mul3A_2927 = arith.muli %add3A_2924, %mul3A_2926 : vector<16xi32>
    %add3A_2928 = arith.addi %get3A_2920, %mul3A_2927 : vector<16xi32>
    %swap3A_2929 = arith.constant 25 : i32
    %swap3A_2930 = arith.index_cast %swap3A_2929 : i32 to index
    %swap3A_2931 = arith.constant 112 : index
    %swap3A_2932 = tpu.vector_load %arg7[%swap3A_2930, %swap3A_2931] {strides = array<i32>} : memref<26x128xi32, #tpu.memory_space<vmem>>, vector<16xi32>,
    tpu.vector_store %arg7[%swap3A_2930, %swap3A_2931], %add3A_2928 {strides = array<i32>} : memref<26x128xi32, #tpu.memory_space<vmem>>, vector<16xi32>,
    %dma_start3A = arith.constant 0 : i32
    %dma_start3A_2933 = arith.constant 0 : i32
    %dma_start3A_2934 = tpu.memref_slice %arg7[%dma_start3A, %dma_start3A_2933] : memref<26x128xi32, #tpu.memory_space<vmem>> -> memref<1x128xi32, #tpu.memory_space<vmem>>
    %dma_start3A_2935 = tpu.memref_squeeze %dma_start3A_2934 : memref<1x128xi32, #tpu.memory_space<vmem>> -> memref<128xi32, #tpu.memory_space<vmem>>
    %dma_start3A_2936 = arith.constant 0 : i32
    %dma_start3A_2937 = tpu.memref_slice %arg4[%dma_start3A_2936] : memref<106496000xf32, #tpu.memory_space<hbm>> -> memref<106496000xf32, #tpu.memory_space<hbm>>
    tpu.enqueue_indirect_dma source(%arg8 : memref<128xf32, #tpu.memory_space<vmem>>) target(%dma_start3A_2937 : memref<106496000xf32, #tpu.memory_space<hbm>>) offsets(%dma_start3A_2935 : memref<128xi32, #tpu.memory_space<vmem>>) semaphore(%arg10 : memref<!tpu.dma_semaphore, #tpu.memory_space<semaphore_mem>>)
    %dma_start3A_2938 = arith.constant 1 : i32
    %dma_start3A_2939 = arith.constant 0 : i32
    %dma_start3A_2940 = tpu.memref_slice %arg7[%dma_start3A_2938, %dma_start3A_2939] : memref<26x128xi32, #tpu.memory_space<vmem>> -> memref<1x128xi32, #tpu.memory_space<vmem>>
    %dma_start3A_2941 = tpu.memref_squeeze %dma_start3A_2940 : memref<1x128xi32, #tpu.memory_space<vmem>> -> memref<128xi32, #tpu.memory_space<vmem>>
    %dma_start3A_2942 = arith.constant 0 : i32
    %dma_start3A_2943 = tpu.memref_slice %arg4[%dma_start3A_2942] : memref<106496000xf32, #tpu.memory_space<hbm>> -> memref<106496000xf32, #tpu.memory_space<hbm>>
    tpu.enqueue_indirect_dma source(%arg8 : memref<128xf32, #tpu.memory_space<vmem>>) target(%dma_start3A_2943 : memref<106496000xf32, #tpu.memory_space<hbm>>) offsets(%dma_start3A_2941 : memref<128xi32, #tpu.memory_space<vmem>>) semaphore(%arg10 : memref<!tpu.dma_semaphore, #tpu.memory_space<semaphore_mem>>)
    %dma_start3A_2944 = arith.constant 2 : i32
    %dma_start3A_2945 = arith.constant 0 : i32
    %dma_start3A_2946 = tpu.memref_slice %arg7[%dma_start3A_2944, %dma_start3A_2945] : memref<26x128xi32, #tpu.memory_space<vmem>> -> memref<1x128xi32, #tpu.memory_space<vmem>>
    %dma_start3A_2947 = tpu.memref_squeeze %dma_start3A_2946 : memref<1x128xi32, #tpu.memory_space<vmem>> -> memref<128xi32, #tpu.memory_space<vmem>>
    %dma_start3A_2948 = arith.constant 0 : i32
    %dma_start3A_2949 = tpu.memref_slice %arg4[%dma_start3A_2948] : memref<106496000xf32, #tpu.memory_space<hbm>> -> memref<106496000xf32, #tpu.memory_space<hbm>>
    tpu.enqueue_indirect_dma source(%arg8 : memref<128xf32, #tpu.memory_space<vmem>>) target(%dma_start3A_2949 : memref<106496000xf32, #tpu.memory_space<hbm>>) offsets(%dma_start3A_2947 : memref<128xi32, #tpu.memory_space<vmem>>) semaphore(%arg10 : memref<!tpu.dma_semaphore, #tpu.memory_space<semaphore_mem>>)
    %dma_start3A_2950 = arith.constant 3 : i32
    %dma_start3A_2951 = arith.constant 0 : i32
    %dma_start3A_2952 = tpu.memref_slice %arg7[%dma_start3A_2950, %dma_start3A_2951] : memref<26x128xi32, #tpu.memory_space<vmem>> -> memref<1x128xi32, #tpu.memory_space<vmem>>
    %dma_start3A_2953 = tpu.memref_squeeze %dma_start3A_2952 : memref<1x128xi32, #tpu.memory_space<vmem>> -> memref<128xi32, #tpu.memory_space<vmem>>
    %dma_start3A_2954 = arith.constant 0 : i32
    %dma_start3A_2955 = tpu.memref_slice %arg4[%dma_start3A_2954] : memref<106496000xf32, #tpu.memory_space<hbm>> -> memref<106496000xf32, #tpu.memory_space<hbm>>
    tpu.enqueue_indirect_dma source(%arg8 : memref<128xf32, #tpu.memory_space<vmem>>) target(%dma_start3A_2955 : memref<106496000xf32, #tpu.memory_space<hbm>>) offsets(%dma_start3A_2953 : memref<128xi32, #tpu.memory_space<vmem>>) semaphore(%arg10 : memref<!tpu.dma_semaphore, #tpu.memory_space<semaphore_mem>>)
    %dma_start3A_2956 = arith.constant 4 : i32
    %dma_start3A_2957 = arith.constant 0 : i32
    %dma_start3A_2958 = tpu.memref_slice %arg7[%dma_start3A_2956, %dma_start3A_2957] : memref<26x128xi32, #tpu.memory_space<vmem>> -> memref<1x128xi32, #tpu.memory_space<vmem>>
    %dma_start3A_2959 = tpu.memref_squeeze %dma_start3A_2958 : memref<1x128xi32, #tpu.memory_space<vmem>> -> memref<128xi32, #tpu.memory_space<vmem>>
    %dma_start3A_2960 = arith.constant 0 : i32
    %dma_start3A_2961 = tpu.memref_slice %arg4[%dma_start3A_2960] : memref<106496000xf32, #tpu.memory_space<hbm>> -> memref<106496000xf32, #tpu.memory_space<hbm>>
    tpu.enqueue_indirect_dma source(%arg8 : memref<128xf32, #tpu.memory_space<vmem>>) target(%dma_start3A_2961 : memref<106496000xf32, #tpu.memory_space<hbm>>) offsets(%dma_start3A_2959 : memref<128xi32, #tpu.memory_space<vmem>>) semaphore(%arg10 : memref<!tpu.dma_semaphore, #tpu.memory_space<semaphore_mem>>)
    %dma_start3A_2962 = arith.constant 5 : i32
    %dma_start3A_2963 = arith.constant 0 : i32
    %dma_start3A_2964 = tpu.memref_slice %arg7[%dma_start3A_2962, %dma_start3A_2963] : memref<26x128xi32, #tpu.memory_space<vmem>> -> memref<1x128xi32, #tpu.memory_space<vmem>>
    %dma_start3A_2965 = tpu.memref_squeeze %dma_start3A_2964 : memref<1x128xi32, #tpu.memory_space<vmem>> -> memref<128xi32, #tpu.memory_space<vmem>>
    %dma_start3A_2966 = arith.constant 0 : i32
    %dma_start3A_2967 = tpu.memref_slice %arg4[%dma_start3A_2966] : memref<106496000xf32, #tpu.memory_space<hbm>> -> memref<106496000xf32, #tpu.memory_space<hbm>>
    tpu.enqueue_indirect_dma source(%arg8 : memref<128xf32, #tpu.memory_space<vmem>>) target(%dma_start3A_2967 : memref<106496000xf32, #tpu.memory_space<hbm>>) offsets(%dma_start3A_2965 : memref<128xi32, #tpu.memory_space<vmem>>) semaphore(%arg10 : memref<!tpu.dma_semaphore, #tpu.memory_space<semaphore_mem>>)
    %dma_start3A_2968 = arith.constant 6 : i32
    %dma_start3A_2969 = arith.constant 0 : i32
    %dma_start3A_2970 = tpu.memref_slice %arg7[%dma_start3A_2968, %dma_start3A_2969] : memref<26x128xi32, #tpu.memory_space<vmem>> -> memref<1x128xi32, #tpu.memory_space<vmem>>
    %dma_start3A_2971 = tpu.memref_squeeze %dma_start3A_2970 : memref<1x128xi32, #tpu.memory_space<vmem>> -> memref<128xi32, #tpu.memory_space<vmem>>
    %dma_start3A_2972 = arith.constant 0 : i32
    %dma_start3A_2973 = tpu.memref_slice %arg4[%dma_start3A_2972] : memref<106496000xf32, #tpu.memory_space<hbm>> -> memref<106496000xf32, #tpu.memory_space<hbm>>
    tpu.enqueue_indirect_dma source(%arg8 : memref<128xf32, #tpu.memory_space<vmem>>) target(%dma_start3A_2973 : memref<106496000xf32, #tpu.memory_space<hbm>>) offsets(%dma_start3A_2971 : memref<128xi32, #tpu.memory_space<vmem>>) semaphore(%arg10 : memref<!tpu.dma_semaphore, #tpu.memory_space<semaphore_mem>>)
    %dma_start3A_2974 = arith.constant 7 : i32
    %dma_start3A_2975 = arith.constant 0 : i32
    %dma_start3A_2976 = tpu.memref_slice %arg7[%dma_start3A_2974, %dma_start3A_2975] : memref<26x128xi32, #tpu.memory_space<vmem>> -> memref<1x128xi32, #tpu.memory_space<vmem>>
    %dma_start3A_2977 = tpu.memref_squeeze %dma_start3A_2976 : memref<1x128xi32, #tpu.memory_space<vmem>> -> memref<128xi32, #tpu.memory_space<vmem>>
    %dma_start3A_2978 = arith.constant 0 : i32
    %dma_start3A_2979 = tpu.memref_slice %arg4[%dma_start3A_2978] : memref<106496000xf32, #tpu.memory_space<hbm>> -> memref<106496000xf32, #tpu.memory_space<hbm>>
    tpu.enqueue_indirect_dma source(%arg8 : memref<128xf32, #tpu.memory_space<vmem>>) target(%dma_start3A_2979 : memref<106496000xf32, #tpu.memory_space<hbm>>) offsets(%dma_start3A_2977 : memref<128xi32, #tpu.memory_space<vmem>>) semaphore(%arg10 : memref<!tpu.dma_semaphore, #tpu.memory_space<semaphore_mem>>)
    %dma_start3A_2980 = arith.constant 8 : i32
    %dma_start3A_2981 = arith.constant 0 : i32
    %dma_start3A_2982 = tpu.memref_slice %arg7[%dma_start3A_2980, %dma_start3A_2981] : memref<26x128xi32, #tpu.memory_space<vmem>> -> memref<1x128xi32, #tpu.memory_space<vmem>>
    %dma_start3A_2983 = tpu.memref_squeeze %dma_start3A_2982 : memref<1x128xi32, #tpu.memory_space<vmem>> -> memref<128xi32, #tpu.memory_space<vmem>>
    %dma_start3A_2984 = arith.constant 0 : i32
    %dma_start3A_2985 = tpu.memref_slice %arg4[%dma_start3A_2984] : memref<106496000xf32, #tpu.memory_space<hbm>> -> memref<106496000xf32, #tpu.memory_space<hbm>>
    tpu.enqueue_indirect_dma source(%arg8 : memref<128xf32, #tpu.memory_space<vmem>>) target(%dma_start3A_2985 : memref<106496000xf32, #tpu.memory_space<hbm>>) offsets(%dma_start3A_2983 : memref<128xi32, #tpu.memory_space<vmem>>) semaphore(%arg10 : memref<!tpu.dma_semaphore, #tpu.memory_space<semaphore_mem>>)
    %dma_start3A_2986 = arith.constant 9 : i32
    %dma_start3A_2987 = arith.constant 0 : i32
    %dma_start3A_2988 = tpu.memref_slice %arg7[%dma_start3A_2986, %dma_start3A_2987] : memref<26x128xi32, #tpu.memory_space<vmem>> -> memref<1x128xi32, #tpu.memory_space<vmem>>
    %dma_start3A_2989 = tpu.memref_squeeze %dma_start3A_2988 : memref<1x128xi32, #tpu.memory_space<vmem>> -> memref<128xi32, #tpu.memory_space<vmem>>
    %dma_start3A_2990 = arith.constant 0 : i32
    %dma_start3A_2991 = tpu.memref_slice %arg4[%dma_start3A_2990] : memref<106496000xf32, #tpu.memory_space<hbm>> -> memref<106496000xf32, #tpu.memory_space<hbm>>
    tpu.enqueue_indirect_dma source(%arg8 : memref<128xf32, #tpu.memory_space<vmem>>) target(%dma_start3A_2991 : memref<106496000xf32, #tpu.memory_space<hbm>>) offsets(%dma_start3A_2989 : memref<128xi32, #tpu.memory_space<vmem>>) semaphore(%arg10 : memref<!tpu.dma_semaphore, #tpu.memory_space<semaphore_mem>>)
    %dma_start3A_2992 = arith.constant 10 : i32
    %dma_start3A_2993 = arith.constant 0 : i32
    %dma_start3A_2994 = tpu.memref_slice %arg7[%dma_start3A_2992, %dma_start3A_2993] : memref<26x128xi32, #tpu.memory_space<vmem>> -> memref<1x128xi32, #tpu.memory_space<vmem>>
    %dma_start3A_2995 = tpu.memref_squeeze %dma_start3A_2994 : memref<1x128xi32, #tpu.memory_space<vmem>> -> memref<128xi32, #tpu.memory_space<vmem>>
    %dma_start3A_2996 = arith.constant 0 : i32
    %dma_start3A_2997 = tpu.memref_slice %arg4[%dma_start3A_2996] : memref<106496000xf32, #tpu.memory_space<hbm>> -> memref<106496000xf32, #tpu.memory_space<hbm>>
    tpu.enqueue_indirect_dma source(%arg8 : memref<128xf32, #tpu.memory_space<vmem>>) target(%dma_start3A_2997 : memref<106496000xf32, #tpu.memory_space<hbm>>) offsets(%dma_start3A_2995 : memref<128xi32, #tpu.memory_space<vmem>>) semaphore(%arg10 : memref<!tpu.dma_semaphore, #tpu.memory_space<semaphore_mem>>)
    %dma_start3A_2998 = arith.constant 11 : i32
    %dma_start3A_2999 = arith.constant 0 : i32
    %dma_start3A_3000 = tpu.memref_slice %arg7[%dma_start3A_2998, %dma_start3A_2999] : memref<26x128xi32, #tpu.memory_space<vmem>> -> memref<1x128xi32, #tpu.memory_space<vmem>>
    %dma_start3A_3001 = tpu.memref_squeeze %dma_start3A_3000 : memref<1x128xi32, #tpu.memory_space<vmem>> -> memref<128xi32, #tpu.memory_space<vmem>>
    %dma_start3A_3002 = arith.constant 0 : i32
    %dma_start3A_3003 = tpu.memref_slice %arg4[%dma_start3A_3002] : memref<106496000xf32, #tpu.memory_space<hbm>> -> memref<106496000xf32, #tpu.memory_space<hbm>>
    tpu.enqueue_indirect_dma source(%arg8 : memref<128xf32, #tpu.memory_space<vmem>>) target(%dma_start3A_3003 : memref<106496000xf32, #tpu.memory_space<hbm>>) offsets(%dma_start3A_3001 : memref<128xi32, #tpu.memory_space<vmem>>) semaphore(%arg10 : memref<!tpu.dma_semaphore, #tpu.memory_space<semaphore_mem>>)
    %dma_start3A_3004 = arith.constant 12 : i32
    %dma_start3A_3005 = arith.constant 0 : i32
    %dma_start3A_3006 = tpu.memref_slice %arg7[%dma_start3A_3004, %dma_start3A_3005] : memref<26x128xi32, #tpu.memory_space<vmem>> -> memref<1x128xi32, #tpu.memory_space<vmem>>
    %dma_start3A_3007 = tpu.memref_squeeze %dma_start3A_3006 : memref<1x128xi32, #tpu.memory_space<vmem>> -> memref<128xi32, #tpu.memory_space<vmem>>
    %dma_start3A_3008 = arith.constant 0 : i32
    %dma_start3A_3009 = tpu.memref_slice %arg4[%dma_start3A_3008] : memref<106496000xf32, #tpu.memory_space<hbm>> -> memref<106496000xf32, #tpu.memory_space<hbm>>
    tpu.enqueue_indirect_dma source(%arg8 : memref<128xf32, #tpu.memory_space<vmem>>) target(%dma_start3A_3009 : memref<106496000xf32, #tpu.memory_space<hbm>>) offsets(%dma_start3A_3007 : memref<128xi32, #tpu.memory_space<vmem>>) semaphore(%arg10 : memref<!tpu.dma_semaphore, #tpu.memory_space<semaphore_mem>>)
    %dma_start3A_3010 = arith.constant 13 : i32
    %dma_start3A_3011 = arith.constant 0 : i32
    %dma_start3A_3012 = tpu.memref_slice %arg7[%dma_start3A_3010, %dma_start3A_3011] : memref<26x128xi32, #tpu.memory_space<vmem>> -> memref<1x128xi32, #tpu.memory_space<vmem>>
    %dma_start3A_3013 = tpu.memref_squeeze %dma_start3A_3012 : memref<1x128xi32, #tpu.memory_space<vmem>> -> memref<128xi32, #tpu.memory_space<vmem>>
    %dma_start3A_3014 = arith.constant 0 : i32
    %dma_start3A_3015 = tpu.memref_slice %arg4[%dma_start3A_3014] : memref<106496000xf32, #tpu.memory_space<hbm>> -> memref<106496000xf32, #tpu.memory_space<hbm>>
    tpu.enqueue_indirect_dma source(%arg8 : memref<128xf32, #tpu.memory_space<vmem>>) target(%dma_start3A_3015 : memref<106496000xf32, #tpu.memory_space<hbm>>) offsets(%dma_start3A_3013 : memref<128xi32, #tpu.memory_space<vmem>>) semaphore(%arg10 : memref<!tpu.dma_semaphore, #tpu.memory_space<semaphore_mem>>)
    %dma_start3A_3016 = arith.constant 14 : i32
    %dma_start3A_3017 = arith.constant 0 : i32
    %dma_start3A_3018 = tpu.memref_slice %arg7[%dma_start3A_3016, %dma_start3A_3017] : memref<26x128xi32, #tpu.memory_space<vmem>> -> memref<1x128xi32, #tpu.memory_space<vmem>>
    %dma_start3A_3019 = tpu.memref_squeeze %dma_start3A_3018 : memref<1x128xi32, #tpu.memory_space<vmem>> -> memref<128xi32, #tpu.memory_space<vmem>>
    %dma_start3A_3020 = arith.constant 0 : i32
    %dma_start3A_3021 = tpu.memref_slice %arg4[%dma_start3A_3020] : memref<106496000xf32, #tpu.memory_space<hbm>> -> memref<106496000xf32, #tpu.memory_space<hbm>>
    tpu.enqueue_indirect_dma source(%arg8 : memref<128xf32, #tpu.memory_space<vmem>>) target(%dma_start3A_3021 : memref<106496000xf32, #tpu.memory_space<hbm>>) offsets(%dma_start3A_3019 : memref<128xi32, #tpu.memory_space<vmem>>) semaphore(%arg10 : memref<!tpu.dma_semaphore, #tpu.memory_space<semaphore_mem>>)
    %dma_start3A_3022 = arith.constant 15 : i32
    %dma_start3A_3023 = arith.constant 0 : i32
    %dma_start3A_3024 = tpu.memref_slice %arg7[%dma_start3A_3022, %dma_start3A_3023] : memref<26x128xi32, #tpu.memory_space<vmem>> -> memref<1x128xi32, #tpu.memory_space<vmem>>
    %dma_start3A_3025 = tpu.memref_squeeze %dma_start3A_3024 : memref<1x128xi32, #tpu.memory_space<vmem>> -> memref<128xi32, #tpu.memory_space<vmem>>
    %dma_start3A_3026 = arith.constant 0 : i32
    %dma_start3A_3027 = tpu.memref_slice %arg4[%dma_start3A_3026] : memref<106496000xf32, #tpu.memory_space<hbm>> -> memref<106496000xf32, #tpu.memory_space<hbm>>
    tpu.enqueue_indirect_dma source(%arg8 : memref<128xf32, #tpu.memory_space<vmem>>) target(%dma_start3A_3027 : memref<106496000xf32, #tpu.memory_space<hbm>>) offsets(%dma_start3A_3025 : memref<128xi32, #tpu.memory_space<vmem>>) semaphore(%arg10 : memref<!tpu.dma_semaphore, #tpu.memory_space<semaphore_mem>>)
    %dma_start3A_3028 = arith.constant 16 : i32
    %dma_start3A_3029 = arith.constant 0 : i32
    %dma_start3A_3030 = tpu.memref_slice %arg7[%dma_start3A_3028, %dma_start3A_3029] : memref<26x128xi32, #tpu.memory_space<vmem>> -> memref<1x128xi32, #tpu.memory_space<vmem>>
    %dma_start3A_3031 = tpu.memref_squeeze %dma_start3A_3030 : memref<1x128xi32, #tpu.memory_space<vmem>> -> memref<128xi32, #tpu.memory_space<vmem>>
    %dma_start3A_3032 = arith.constant 0 : i32
    %dma_start3A_3033 = tpu.memref_slice %arg4[%dma_start3A_3032] : memref<106496000xf32, #tpu.memory_space<hbm>> -> memref<106496000xf32, #tpu.memory_space<hbm>>
    tpu.enqueue_indirect_dma source(%arg8 : memref<128xf32, #tpu.memory_space<vmem>>) target(%dma_start3A_3033 : memref<106496000xf32, #tpu.memory_space<hbm>>) offsets(%dma_start3A_3031 : memref<128xi32, #tpu.memory_space<vmem>>) semaphore(%arg10 : memref<!tpu.dma_semaphore, #tpu.memory_space<semaphore_mem>>)
    %dma_start3A_3034 = arith.constant 17 : i32
    %dma_start3A_3035 = arith.constant 0 : i32
    %dma_start3A_3036 = tpu.memref_slice %arg7[%dma_start3A_3034, %dma_start3A_3035] : memref<26x128xi32, #tpu.memory_space<vmem>> -> memref<1x128xi32, #tpu.memory_space<vmem>>
    %dma_start3A_3037 = tpu.memref_squeeze %dma_start3A_3036 : memref<1x128xi32, #tpu.memory_space<vmem>> -> memref<128xi32, #tpu.memory_space<vmem>>
    %dma_start3A_3038 = arith.constant 0 : i32
    %dma_start3A_3039 = tpu.memref_slice %arg4[%dma_start3A_3038] : memref<106496000xf32, #tpu.memory_space<hbm>> -> memref<106496000xf32, #tpu.memory_space<hbm>>
    tpu.enqueue_indirect_dma source(%arg8 : memref<128xf32, #tpu.memory_space<vmem>>) target(%dma_start3A_3039 : memref<106496000xf32, #tpu.memory_space<hbm>>) offsets(%dma_start3A_3037 : memref<128xi32, #tpu.memory_space<vmem>>) semaphore(%arg10 : memref<!tpu.dma_semaphore, #tpu.memory_space<semaphore_mem>>)
    %dma_start3A_3040 = arith.constant 18 : i32
    %dma_start3A_3041 = arith.constant 0 : i32
    %dma_start3A_3042 = tpu.memref_slice %arg7[%dma_start3A_3040, %dma_start3A_3041] : memref<26x128xi32, #tpu.memory_space<vmem>> -> memref<1x128xi32, #tpu.memory_space<vmem>>
    %dma_start3A_3043 = tpu.memref_squeeze %dma_start3A_3042 : memref<1x128xi32, #tpu.memory_space<vmem>> -> memref<128xi32, #tpu.memory_space<vmem>>
    %dma_start3A_3044 = arith.constant 0 : i32
    %dma_start3A_3045 = tpu.memref_slice %arg4[%dma_start3A_3044] : memref<106496000xf32, #tpu.memory_space<hbm>> -> memref<106496000xf32, #tpu.memory_space<hbm>>
    tpu.enqueue_indirect_dma source(%arg8 : memref<128xf32, #tpu.memory_space<vmem>>) target(%dma_start3A_3045 : memref<106496000xf32, #tpu.memory_space<hbm>>) offsets(%dma_start3A_3043 : memref<128xi32, #tpu.memory_space<vmem>>) semaphore(%arg10 : memref<!tpu.dma_semaphore, #tpu.memory_space<semaphore_mem>>)
    %dma_start3A_3046 = arith.constant 19 : i32
    %dma_start3A_3047 = arith.constant 0 : i32
    %dma_start3A_3048 = tpu.memref_slice %arg7[%dma_start3A_3046, %dma_start3A_3047] : memref<26x128xi32, #tpu.memory_space<vmem>> -> memref<1x128xi32, #tpu.memory_space<vmem>>
    %dma_start3A_3049 = tpu.memref_squeeze %dma_start3A_3048 : memref<1x128xi32, #tpu.memory_space<vmem>> -> memref<128xi32, #tpu.memory_space<vmem>>
    %dma_start3A_3050 = arith.constant 0 : i32
    %dma_start3A_3051 = tpu.memref_slice %arg4[%dma_start3A_3050] : memref<106496000xf32, #tpu.memory_space<hbm>> -> memref<106496000xf32, #tpu.memory_space<hbm>>
    tpu.enqueue_indirect_dma source(%arg8 : memref<128xf32, #tpu.memory_space<vmem>>) target(%dma_start3A_3051 : memref<106496000xf32, #tpu.memory_space<hbm>>) offsets(%dma_start3A_3049 : memref<128xi32, #tpu.memory_space<vmem>>) semaphore(%arg10 : memref<!tpu.dma_semaphore, #tpu.memory_space<semaphore_mem>>)
    %dma_start3A_3052 = arith.constant 20 : i32
    %dma_start3A_3053 = arith.constant 0 : i32
    %dma_start3A_3054 = tpu.memref_slice %arg7[%dma_start3A_3052, %dma_start3A_3053] : memref<26x128xi32, #tpu.memory_space<vmem>> -> memref<1x128xi32, #tpu.memory_space<vmem>>
    %dma_start3A_3055 = tpu.memref_squeeze %dma_start3A_3054 : memref<1x128xi32, #tpu.memory_space<vmem>> -> memref<128xi32, #tpu.memory_space<vmem>>
    %dma_start3A_3056 = arith.constant 0 : i32
    %dma_start3A_3057 = tpu.memref_slice %arg4[%dma_start3A_3056] : memref<106496000xf32, #tpu.memory_space<hbm>> -> memref<106496000xf32, #tpu.memory_space<hbm>>
    tpu.enqueue_indirect_dma source(%arg8 : memref<128xf32, #tpu.memory_space<vmem>>) target(%dma_start3A_3057 : memref<106496000xf32, #tpu.memory_space<hbm>>) offsets(%dma_start3A_3055 : memref<128xi32, #tpu.memory_space<vmem>>) semaphore(%arg10 : memref<!tpu.dma_semaphore, #tpu.memory_space<semaphore_mem>>)
    %dma_start3A_3058 = arith.constant 21 : i32
    %dma_start3A_3059 = arith.constant 0 : i32
    %dma_start3A_3060 = tpu.memref_slice %arg7[%dma_start3A_3058, %dma_start3A_3059] : memref<26x128xi32, #tpu.memory_space<vmem>> -> memref<1x128xi32, #tpu.memory_space<vmem>>
    %dma_start3A_3061 = tpu.memref_squeeze %dma_start3A_3060 : memref<1x128xi32, #tpu.memory_space<vmem>> -> memref<128xi32, #tpu.memory_space<vmem>>
    %dma_start3A_3062 = arith.constant 0 : i32
    %dma_start3A_3063 = tpu.memref_slice %arg4[%dma_start3A_3062] : memref<106496000xf32, #tpu.memory_space<hbm>> -> memref<106496000xf32, #tpu.memory_space<hbm>>
    tpu.enqueue_indirect_dma source(%arg8 : memref<128xf32, #tpu.memory_space<vmem>>) target(%dma_start3A_3063 : memref<106496000xf32, #tpu.memory_space<hbm>>) offsets(%dma_start3A_3061 : memref<128xi32, #tpu.memory_space<vmem>>) semaphore(%arg10 : memref<!tpu.dma_semaphore, #tpu.memory_space<semaphore_mem>>)
    %dma_start3A_3064 = arith.constant 22 : i32
    %dma_start3A_3065 = arith.constant 0 : i32
    %dma_start3A_3066 = tpu.memref_slice %arg7[%dma_start3A_3064, %dma_start3A_3065] : memref<26x128xi32, #tpu.memory_space<vmem>> -> memref<1x128xi32, #tpu.memory_space<vmem>>
    %dma_start3A_3067 = tpu.memref_squeeze %dma_start3A_3066 : memref<1x128xi32, #tpu.memory_space<vmem>> -> memref<128xi32, #tpu.memory_space<vmem>>
    %dma_start3A_3068 = arith.constant 0 : i32
    %dma_start3A_3069 = tpu.memref_slice %arg4[%dma_start3A_3068] : memref<106496000xf32, #tpu.memory_space<hbm>> -> memref<106496000xf32, #tpu.memory_space<hbm>>
    tpu.enqueue_indirect_dma source(%arg8 : memref<128xf32, #tpu.memory_space<vmem>>) target(%dma_start3A_3069 : memref<106496000xf32, #tpu.memory_space<hbm>>) offsets(%dma_start3A_3067 : memref<128xi32, #tpu.memory_space<vmem>>) semaphore(%arg10 : memref<!tpu.dma_semaphore, #tpu.memory_space<semaphore_mem>>)
    %dma_start3A_3070 = arith.constant 23 : i32
    %dma_start3A_3071 = arith.constant 0 : i32
    %dma_start3A_3072 = tpu.memref_slice %arg7[%dma_start3A_3070, %dma_start3A_3071] : memref<26x128xi32, #tpu.memory_space<vmem>> -> memref<1x128xi32, #tpu.memory_space<vmem>>
    %dma_start3A_3073 = tpu.memref_squeeze %dma_start3A_3072 : memref<1x128xi32, #tpu.memory_space<vmem>> -> memref<128xi32, #tpu.memory_space<vmem>>
    %dma_start3A_3074 = arith.constant 0 : i32
    %dma_start3A_3075 = tpu.memref_slice %arg4[%dma_start3A_3074] : memref<106496000xf32, #tpu.memory_space<hbm>> -> memref<106496000xf32, #tpu.memory_space<hbm>>
    tpu.enqueue_indirect_dma source(%arg8 : memref<128xf32, #tpu.memory_space<vmem>>) target(%dma_start3A_3075 : memref<106496000xf32, #tpu.memory_space<hbm>>) offsets(%dma_start3A_3073 : memref<128xi32, #tpu.memory_space<vmem>>) semaphore(%arg10 : memref<!tpu.dma_semaphore, #tpu.memory_space<semaphore_mem>>)
    %dma_start3A_3076 = arith.constant 24 : i32
    %dma_start3A_3077 = arith.constant 0 : i32
    %dma_start3A_3078 = tpu.memref_slice %arg7[%dma_start3A_3076, %dma_start3A_3077] : memref<26x128xi32, #tpu.memory_space<vmem>> -> memref<1x128xi32, #tpu.memory_space<vmem>>
    %dma_start3A_3079 = tpu.memref_squeeze %dma_start3A_3078 : memref<1x128xi32, #tpu.memory_space<vmem>> -> memref<128xi32, #tpu.memory_space<vmem>>
    %dma_start3A_3080 = arith.constant 0 : i32
    %dma_start3A_3081 = tpu.memref_slice %arg4[%dma_start3A_3080] : memref<106496000xf32, #tpu.memory_space<hbm>> -> memref<106496000xf32, #tpu.memory_space<hbm>>
    tpu.enqueue_indirect_dma source(%arg8 : memref<128xf32, #tpu.memory_space<vmem>>) target(%dma_start3A_3081 : memref<106496000xf32, #tpu.memory_space<hbm>>) offsets(%dma_start3A_3079 : memref<128xi32, #tpu.memory_space<vmem>>) semaphore(%arg10 : memref<!tpu.dma_semaphore, #tpu.memory_space<semaphore_mem>>)
    %dma_start3A_3082 = arith.constant 25 : i32
    %dma_start3A_3083 = arith.constant 0 : i32
    %dma_start3A_3084 = tpu.memref_slice %arg7[%dma_start3A_3082, %dma_start3A_3083] : memref<26x128xi32, #tpu.memory_space<vmem>> -> memref<1x128xi32, #tpu.memory_space<vmem>>
    %dma_start3A_3085 = tpu.memref_squeeze %dma_start3A_3084 : memref<1x128xi32, #tpu.memory_space<vmem>> -> memref<128xi32, #tpu.memory_space<vmem>>
    %dma_start3A_3086 = arith.constant 0 : i32
    %dma_start3A_3087 = tpu.memref_slice %arg4[%dma_start3A_3086] : memref<106496000xf32, #tpu.memory_space<hbm>> -> memref<106496000xf32, #tpu.memory_space<hbm>>
    tpu.enqueue_indirect_dma source(%arg8 : memref<128xf32, #tpu.memory_space<vmem>>) target(%dma_start3A_3087 : memref<106496000xf32, #tpu.memory_space<hbm>>) offsets(%dma_start3A_3085 : memref<128xi32, #tpu.memory_space<vmem>>) semaphore(%arg10 : memref<!tpu.dma_semaphore, #tpu.memory_space<semaphore_mem>>)
    %dma_wait3A = arith.constant 0 : i32
    %dma_wait3A_3088 = arith.constant 0 : i32
    %dma_wait3A_3089 = tpu.memref_slice %arg7[%dma_wait3A, %dma_wait3A_3088] : memref<26x128xi32, #tpu.memory_space<vmem>> -> memref<1x128xi32, #tpu.memory_space<vmem>>
    %dma_wait3A_3090 = tpu.memref_squeeze %dma_wait3A_3089 : memref<1x128xi32, #tpu.memory_space<vmem>> -> memref<128xi32, #tpu.memory_space<vmem>>
    %dma_wait3A_3091 = arith.constant 0 : i32
    %dma_wait3A_3092 = tpu.memref_slice %arg4[%dma_wait3A_3091] : memref<106496000xf32, #tpu.memory_space<hbm>> -> memref<106496000xf32, #tpu.memory_space<hbm>>
    tpu.wait_indirect_dma semaphore(%arg10 : memref<!tpu.dma_semaphore, #tpu.memory_space<semaphore_mem>>) src(%arg8 : memref<128xf32, #tpu.memory_space<vmem>>) dst(%dma_wait3A_3092 : memref<106496000xf32, #tpu.memory_space<hbm>>)
    %dma_wait3A_3093 = arith.constant 1 : i32
    %dma_wait3A_3094 = arith.constant 0 : i32
    %dma_wait3A_3095 = tpu.memref_slice %arg7[%dma_wait3A_3093, %dma_wait3A_3094] : memref<26x128xi32, #tpu.memory_space<vmem>> -> memref<1x128xi32, #tpu.memory_space<vmem>>
    %dma_wait3A_3096 = tpu.memref_squeeze %dma_wait3A_3095 : memref<1x128xi32, #tpu.memory_space<vmem>> -> memref<128xi32, #tpu.memory_space<vmem>>
    %dma_wait3A_3097 = arith.constant 0 : i32
    %dma_wait3A_3098 = tpu.memref_slice %arg4[%dma_wait3A_3097] : memref<106496000xf32, #tpu.memory_space<hbm>> -> memref<106496000xf32, #tpu.memory_space<hbm>>
    tpu.wait_indirect_dma semaphore(%arg10 : memref<!tpu.dma_semaphore, #tpu.memory_space<semaphore_mem>>) src(%arg8 : memref<128xf32, #tpu.memory_space<vmem>>) dst(%dma_wait3A_3098 : memref<106496000xf32, #tpu.memory_space<hbm>>)
    %dma_wait3A_3099 = arith.constant 2 : i32
    %dma_wait3A_3100 = arith.constant 0 : i32
    %dma_wait3A_3101 = tpu.memref_slice %arg7[%dma_wait3A_3099, %dma_wait3A_3100] : memref<26x128xi32, #tpu.memory_space<vmem>> -> memref<1x128xi32, #tpu.memory_space<vmem>>
    %dma_wait3A_3102 = tpu.memref_squeeze %dma_wait3A_3101 : memref<1x128xi32, #tpu.memory_space<vmem>> -> memref<128xi32, #tpu.memory_space<vmem>>
    %dma_wait3A_3103 = arith.constant 0 : i32
    %dma_wait3A_3104 = tpu.memref_slice %arg4[%dma_wait3A_3103] : memref<106496000xf32, #tpu.memory_space<hbm>> -> memref<106496000xf32, #tpu.memory_space<hbm>>
    tpu.wait_indirect_dma semaphore(%arg10 : memref<!tpu.dma_semaphore, #tpu.memory_space<semaphore_mem>>) src(%arg8 : memref<128xf32, #tpu.memory_space<vmem>>) dst(%dma_wait3A_3104 : memref<106496000xf32, #tpu.memory_space<hbm>>)
    %dma_wait3A_3105 = arith.constant 3 : i32
    %dma_wait3A_3106 = arith.constant 0 : i32
    %dma_wait3A_3107 = tpu.memref_slice %arg7[%dma_wait3A_3105, %dma_wait3A_3106] : memref<26x128xi32, #tpu.memory_space<vmem>> -> memref<1x128xi32, #tpu.memory_space<vmem>>
    %dma_wait3A_3108 = tpu.memref_squeeze %dma_wait3A_3107 : memref<1x128xi32, #tpu.memory_space<vmem>> -> memref<128xi32, #tpu.memory_space<vmem>>
    %dma_wait3A_3109 = arith.constant 0 : i32
    %dma_wait3A_3110 = tpu.memref_slice %arg4[%dma_wait3A_3109] : memref<106496000xf32, #tpu.memory_space<hbm>> -> memref<106496000xf32, #tpu.memory_space<hbm>>
    tpu.wait_indirect_dma semaphore(%arg10 : memref<!tpu.dma_semaphore, #tpu.memory_space<semaphore_mem>>) src(%arg8 : memref<128xf32, #tpu.memory_space<vmem>>) dst(%dma_wait3A_3110 : memref<106496000xf32, #tpu.memory_space<hbm>>)
    %dma_wait3A_3111 = arith.constant 4 : i32
    %dma_wait3A_3112 = arith.constant 0 : i32
    %dma_wait3A_3113 = tpu.memref_slice %arg7[%dma_wait3A_3111, %dma_wait3A_3112] : memref<26x128xi32, #tpu.memory_space<vmem>> -> memref<1x128xi32, #tpu.memory_space<vmem>>
    %dma_wait3A_3114 = tpu.memref_squeeze %dma_wait3A_3113 : memref<1x128xi32, #tpu.memory_space<vmem>> -> memref<128xi32, #tpu.memory_space<vmem>>
    %dma_wait3A_3115 = arith.constant 0 : i32
    %dma_wait3A_3116 = tpu.memref_slice %arg4[%dma_wait3A_3115] : memref<106496000xf32, #tpu.memory_space<hbm>> -> memref<106496000xf32, #tpu.memory_space<hbm>>
    tpu.wait_indirect_dma semaphore(%arg10 : memref<!tpu.dma_semaphore, #tpu.memory_space<semaphore_mem>>) src(%arg8 : memref<128xf32, #tpu.memory_space<vmem>>) dst(%dma_wait3A_3116 : memref<106496000xf32, #tpu.memory_space<hbm>>)
    %dma_wait3A_3117 = arith.constant 5 : i32
    %dma_wait3A_3118 = arith.constant 0 : i32
    %dma_wait3A_3119 = tpu.memref_slice %arg7[%dma_wait3A_3117, %dma_wait3A_3118] : memref<26x128xi32, #tpu.memory_space<vmem>> -> memref<1x128xi32, #tpu.memory_space<vmem>>
    %dma_wait3A_3120 = tpu.memref_squeeze %dma_wait3A_3119 : memref<1x128xi32, #tpu.memory_space<vmem>> -> memref<128xi32, #tpu.memory_space<vmem>>
    %dma_wait3A_3121 = arith.constant 0 : i32
    %dma_wait3A_3122 = tpu.memref_slice %arg4[%dma_wait3A_3121] : memref<106496000xf32, #tpu.memory_space<hbm>> -> memref<106496000xf32, #tpu.memory_space<hbm>>
    tpu.wait_indirect_dma semaphore(%arg10 : memref<!tpu.dma_semaphore, #tpu.memory_space<semaphore_mem>>) src(%arg8 : memref<128xf32, #tpu.memory_space<vmem>>) dst(%dma_wait3A_3122 : memref<106496000xf32, #tpu.memory_space<hbm>>)
    %dma_wait3A_3123 = arith.constant 6 : i32
    %dma_wait3A_3124 = arith.constant 0 : i32
    %dma_wait3A_3125 = tpu.memref_slice %arg7[%dma_wait3A_3123, %dma_wait3A_3124] : memref<26x128xi32, #tpu.memory_space<vmem>> -> memref<1x128xi32, #tpu.memory_space<vmem>>
    %dma_wait3A_3126 = tpu.memref_squeeze %dma_wait3A_3125 : memref<1x128xi32, #tpu.memory_space<vmem>> -> memref<128xi32, #tpu.memory_space<vmem>>
    %dma_wait3A_3127 = arith.constant 0 : i32
    %dma_wait3A_3128 = tpu.memref_slice %arg4[%dma_wait3A_3127] : memref<106496000xf32, #tpu.memory_space<hbm>> -> memref<106496000xf32, #tpu.memory_space<hbm>>
    tpu.wait_indirect_dma semaphore(%arg10 : memref<!tpu.dma_semaphore, #tpu.memory_space<semaphore_mem>>) src(%arg8 : memref<128xf32, #tpu.memory_space<vmem>>) dst(%dma_wait3A_3128 : memref<106496000xf32, #tpu.memory_space<hbm>>)
    %dma_wait3A_3129 = arith.constant 7 : i32
    %dma_wait3A_3130 = arith.constant 0 : i32
    %dma_wait3A_3131 = tpu.memref_slice %arg7[%dma_wait3A_3129, %dma_wait3A_3130] : memref<26x128xi32, #tpu.memory_space<vmem>> -> memref<1x128xi32, #tpu.memory_space<vmem>>
    %dma_wait3A_3132 = tpu.memref_squeeze %dma_wait3A_3131 : memref<1x128xi32, #tpu.memory_space<vmem>> -> memref<128xi32, #tpu.memory_space<vmem>>
    %dma_wait3A_3133 = arith.constant 0 : i32
    %dma_wait3A_3134 = tpu.memref_slice %arg4[%dma_wait3A_3133] : memref<106496000xf32, #tpu.memory_space<hbm>> -> memref<106496000xf32, #tpu.memory_space<hbm>>
    tpu.wait_indirect_dma semaphore(%arg10 : memref<!tpu.dma_semaphore, #tpu.memory_space<semaphore_mem>>) src(%arg8 : memref<128xf32, #tpu.memory_space<vmem>>) dst(%dma_wait3A_3134 : memref<106496000xf32, #tpu.memory_space<hbm>>)
    %dma_wait3A_3135 = arith.constant 8 : i32
    %dma_wait3A_3136 = arith.constant 0 : i32
    %dma_wait3A_3137 = tpu.memref_slice %arg7[%dma_wait3A_3135, %dma_wait3A_3136] : memref<26x128xi32, #tpu.memory_space<vmem>> -> memref<1x128xi32, #tpu.memory_space<vmem>>
    %dma_wait3A_3138 = tpu.memref_squeeze %dma_wait3A_3137 : memref<1x128xi32, #tpu.memory_space<vmem>> -> memref<128xi32, #tpu.memory_space<vmem>>
    %dma_wait3A_3139 = arith.constant 0 : i32
    %dma_wait3A_3140 = tpu.memref_slice %arg4[%dma_wait3A_3139] : memref<106496000xf32, #tpu.memory_space<hbm>> -> memref<106496000xf32, #tpu.memory_space<hbm>>
    tpu.wait_indirect_dma semaphore(%arg10 : memref<!tpu.dma_semaphore, #tpu.memory_space<semaphore_mem>>) src(%arg8 : memref<128xf32, #tpu.memory_space<vmem>>) dst(%dma_wait3A_3140 : memref<106496000xf32, #tpu.memory_space<hbm>>)
    %dma_wait3A_3141 = arith.constant 9 : i32
    %dma_wait3A_3142 = arith.constant 0 : i32
    %dma_wait3A_3143 = tpu.memref_slice %arg7[%dma_wait3A_3141, %dma_wait3A_3142] : memref<26x128xi32, #tpu.memory_space<vmem>> -> memref<1x128xi32, #tpu.memory_space<vmem>>
    %dma_wait3A_3144 = tpu.memref_squeeze %dma_wait3A_3143 : memref<1x128xi32, #tpu.memory_space<vmem>> -> memref<128xi32, #tpu.memory_space<vmem>>
    %dma_wait3A_3145 = arith.constant 0 : i32
    %dma_wait3A_3146 = tpu.memref_slice %arg4[%dma_wait3A_3145] : memref<106496000xf32, #tpu.memory_space<hbm>> -> memref<106496000xf32, #tpu.memory_space<hbm>>
    tpu.wait_indirect_dma semaphore(%arg10 : memref<!tpu.dma_semaphore, #tpu.memory_space<semaphore_mem>>) src(%arg8 : memref<128xf32, #tpu.memory_space<vmem>>) dst(%dma_wait3A_3146 : memref<106496000xf32, #tpu.memory_space<hbm>>)
    %dma_wait3A_3147 = arith.constant 10 : i32
    %dma_wait3A_3148 = arith.constant 0 : i32
    %dma_wait3A_3149 = tpu.memref_slice %arg7[%dma_wait3A_3147, %dma_wait3A_3148] : memref<26x128xi32, #tpu.memory_space<vmem>> -> memref<1x128xi32, #tpu.memory_space<vmem>>
    %dma_wait3A_3150 = tpu.memref_squeeze %dma_wait3A_3149 : memref<1x128xi32, #tpu.memory_space<vmem>> -> memref<128xi32, #tpu.memory_space<vmem>>
    %dma_wait3A_3151 = arith.constant 0 : i32
    %dma_wait3A_3152 = tpu.memref_slice %arg4[%dma_wait3A_3151] : memref<106496000xf32, #tpu.memory_space<hbm>> -> memref<106496000xf32, #tpu.memory_space<hbm>>
    tpu.wait_indirect_dma semaphore(%arg10 : memref<!tpu.dma_semaphore, #tpu.memory_space<semaphore_mem>>) src(%arg8 : memref<128xf32, #tpu.memory_space<vmem>>) dst(%dma_wait3A_3152 : memref<106496000xf32, #tpu.memory_space<hbm>>)
    %dma_wait3A_3153 = arith.constant 11 : i32
    %dma_wait3A_3154 = arith.constant 0 : i32
    %dma_wait3A_3155 = tpu.memref_slice %arg7[%dma_wait3A_3153, %dma_wait3A_3154] : memref<26x128xi32, #tpu.memory_space<vmem>> -> memref<1x128xi32, #tpu.memory_space<vmem>>
    %dma_wait3A_3156 = tpu.memref_squeeze %dma_wait3A_3155 : memref<1x128xi32, #tpu.memory_space<vmem>> -> memref<128xi32, #tpu.memory_space<vmem>>
    %dma_wait3A_3157 = arith.constant 0 : i32
    %dma_wait3A_3158 = tpu.memref_slice %arg4[%dma_wait3A_3157] : memref<106496000xf32, #tpu.memory_space<hbm>> -> memref<106496000xf32, #tpu.memory_space<hbm>>
    tpu.wait_indirect_dma semaphore(%arg10 : memref<!tpu.dma_semaphore, #tpu.memory_space<semaphore_mem>>) src(%arg8 : memref<128xf32, #tpu.memory_space<vmem>>) dst(%dma_wait3A_3158 : memref<106496000xf32, #tpu.memory_space<hbm>>)
    %dma_wait3A_3159 = arith.constant 12 : i32
    %dma_wait3A_3160 = arith.constant 0 : i32
    %dma_wait3A_3161 = tpu.memref_slice %arg7[%dma_wait3A_3159, %dma_wait3A_3160] : memref<26x128xi32, #tpu.memory_space<vmem>> -> memref<1x128xi32, #tpu.memory_space<vmem>>
    %dma_wait3A_3162 = tpu.memref_squeeze %dma_wait3A_3161 : memref<1x128xi32, #tpu.memory_space<vmem>> -> memref<128xi32, #tpu.memory_space<vmem>>
    %dma_wait3A_3163 = arith.constant 0 : i32
    %dma_wait3A_3164 = tpu.memref_slice %arg4[%dma_wait3A_3163] : memref<106496000xf32, #tpu.memory_space<hbm>> -> memref<106496000xf32, #tpu.memory_space<hbm>>
    tpu.wait_indirect_dma semaphore(%arg10 : memref<!tpu.dma_semaphore, #tpu.memory_space<semaphore_mem>>) src(%arg8 : memref<128xf32, #tpu.memory_space<vmem>>) dst(%dma_wait3A_3164 : memref<106496000xf32, #tpu.memory_space<hbm>>)
    %dma_wait3A_3165 = arith.constant 13 : i32
    %dma_wait3A_3166 = arith.constant 0 : i32
    %dma_wait3A_3167 = tpu.memref_slice %arg7[%dma_wait3A_3165, %dma_wait3A_3166] : memref<26x128xi32, #tpu.memory_space<vmem>> -> memref<1x128xi32, #tpu.memory_space<vmem>>
    %dma_wait3A_3168 = tpu.memref_squeeze %dma_wait3A_3167 : memref<1x128xi32, #tpu.memory_space<vmem>> -> memref<128xi32, #tpu.memory_space<vmem>>
    %dma_wait3A_3169 = arith.constant 0 : i32
    %dma_wait3A_3170 = tpu.memref_slice %arg4[%dma_wait3A_3169] : memref<106496000xf32, #tpu.memory_space<hbm>> -> memref<106496000xf32, #tpu.memory_space<hbm>>
    tpu.wait_indirect_dma semaphore(%arg10 : memref<!tpu.dma_semaphore, #tpu.memory_space<semaphore_mem>>) src(%arg8 : memref<128xf32, #tpu.memory_space<vmem>>) dst(%dma_wait3A_3170 : memref<106496000xf32, #tpu.memory_space<hbm>>)
    %dma_wait3A_3171 = arith.constant 14 : i32
    %dma_wait3A_3172 = arith.constant 0 : i32
    %dma_wait3A_3173 = tpu.memref_slice %arg7[%dma_wait3A_3171, %dma_wait3A_3172] : memref<26x128xi32, #tpu.memory_space<vmem>> -> memref<1x128xi32, #tpu.memory_space<vmem>>
    %dma_wait3A_3174 = tpu.memref_squeeze %dma_wait3A_3173 : memref<1x128xi32, #tpu.memory_space<vmem>> -> memref<128xi32, #tpu.memory_space<vmem>>
    %dma_wait3A_3175 = arith.constant 0 : i32
    %dma_wait3A_3176 = tpu.memref_slice %arg4[%dma_wait3A_3175] : memref<106496000xf32, #tpu.memory_space<hbm>> -> memref<106496000xf32, #tpu.memory_space<hbm>>
    tpu.wait_indirect_dma semaphore(%arg10 : memref<!tpu.dma_semaphore, #tpu.memory_space<semaphore_mem>>) src(%arg8 : memref<128xf32, #tpu.memory_space<vmem>>) dst(%dma_wait3A_3176 : memref<106496000xf32, #tpu.memory_space<hbm>>)
    %dma_wait3A_3177 = arith.constant 15 : i32
    %dma_wait3A_3178 = arith.constant 0 : i32
    %dma_wait3A_3179 = tpu.memref_slice %arg7[%dma_wait3A_3177, %dma_wait3A_3178] : memref<26x128xi32, #tpu.memory_space<vmem>> -> memref<1x128xi32, #tpu.memory_space<vmem>>
    %dma_wait3A_3180 = tpu.memref_squeeze %dma_wait3A_3179 : memref<1x128xi32, #tpu.memory_space<vmem>> -> memref<128xi32, #tpu.memory_space<vmem>>
    %dma_wait3A_3181 = arith.constant 0 : i32
    %dma_wait3A_3182 = tpu.memref_slice %arg4[%dma_wait3A_3181] : memref<106496000xf32, #tpu.memory_space<hbm>> -> memref<106496000xf32, #tpu.memory_space<hbm>>
    tpu.wait_indirect_dma semaphore(%arg10 : memref<!tpu.dma_semaphore, #tpu.memory_space<semaphore_mem>>) src(%arg8 : memref<128xf32, #tpu.memory_space<vmem>>) dst(%dma_wait3A_3182 : memref<106496000xf32, #tpu.memory_space<hbm>>)
    %dma_wait3A_3183 = arith.constant 16 : i32
    %dma_wait3A_3184 = arith.constant 0 : i32
    %dma_wait3A_3185 = tpu.memref_slice %arg7[%dma_wait3A_3183, %dma_wait3A_3184] : memref<26x128xi32, #tpu.memory_space<vmem>> -> memref<1x128xi32, #tpu.memory_space<vmem>>
    %dma_wait3A_3186 = tpu.memref_squeeze %dma_wait3A_3185 : memref<1x128xi32, #tpu.memory_space<vmem>> -> memref<128xi32, #tpu.memory_space<vmem>>
    %dma_wait3A_3187 = arith.constant 0 : i32
    %dma_wait3A_3188 = tpu.memref_slice %arg4[%dma_wait3A_3187] : memref<106496000xf32, #tpu.memory_space<hbm>> -> memref<106496000xf32, #tpu.memory_space<hbm>>
    tpu.wait_indirect_dma semaphore(%arg10 : memref<!tpu.dma_semaphore, #tpu.memory_space<semaphore_mem>>) src(%arg8 : memref<128xf32, #tpu.memory_space<vmem>>) dst(%dma_wait3A_3188 : memref<106496000xf32, #tpu.memory_space<hbm>>)
    %dma_wait3A_3189 = arith.constant 17 : i32
    %dma_wait3A_3190 = arith.constant 0 : i32
    %dma_wait3A_3191 = tpu.memref_slice %arg7[%dma_wait3A_3189, %dma_wait3A_3190] : memref<26x128xi32, #tpu.memory_space<vmem>> -> memref<1x128xi32, #tpu.memory_space<vmem>>
    %dma_wait3A_3192 = tpu.memref_squeeze %dma_wait3A_3191 : memref<1x128xi32, #tpu.memory_space<vmem>> -> memref<128xi32, #tpu.memory_space<vmem>>
    %dma_wait3A_3193 = arith.constant 0 : i32
    %dma_wait3A_3194 = tpu.memref_slice %arg4[%dma_wait3A_3193] : memref<106496000xf32, #tpu.memory_space<hbm>> -> memref<106496000xf32, #tpu.memory_space<hbm>>
    tpu.wait_indirect_dma semaphore(%arg10 : memref<!tpu.dma_semaphore, #tpu.memory_space<semaphore_mem>>) src(%arg8 : memref<128xf32, #tpu.memory_space<vmem>>) dst(%dma_wait3A_3194 : memref<106496000xf32, #tpu.memory_space<hbm>>)
    %dma_wait3A_3195 = arith.constant 18 : i32
    %dma_wait3A_3196 = arith.constant 0 : i32
    %dma_wait3A_3197 = tpu.memref_slice %arg7[%dma_wait3A_3195, %dma_wait3A_3196] : memref<26x128xi32, #tpu.memory_space<vmem>> -> memref<1x128xi32, #tpu.memory_space<vmem>>
    %dma_wait3A_3198 = tpu.memref_squeeze %dma_wait3A_3197 : memref<1x128xi32, #tpu.memory_space<vmem>> -> memref<128xi32, #tpu.memory_space<vmem>>
    %dma_wait3A_3199 = arith.constant 0 : i32
    %dma_wait3A_3200 = tpu.memref_slice %arg4[%dma_wait3A_3199] : memref<106496000xf32, #tpu.memory_space<hbm>> -> memref<106496000xf32, #tpu.memory_space<hbm>>
    tpu.wait_indirect_dma semaphore(%arg10 : memref<!tpu.dma_semaphore, #tpu.memory_space<semaphore_mem>>) src(%arg8 : memref<128xf32, #tpu.memory_space<vmem>>) dst(%dma_wait3A_3200 : memref<106496000xf32, #tpu.memory_space<hbm>>)
    %dma_wait3A_3201 = arith.constant 19 : i32
    %dma_wait3A_3202 = arith.constant 0 : i32
    %dma_wait3A_3203 = tpu.memref_slice %arg7[%dma_wait3A_3201, %dma_wait3A_3202] : memref<26x128xi32, #tpu.memory_space<vmem>> -> memref<1x128xi32, #tpu.memory_space<vmem>>
    %dma_wait3A_3204 = tpu.memref_squeeze %dma_wait3A_3203 : memref<1x128xi32, #tpu.memory_space<vmem>> -> memref<128xi32, #tpu.memory_space<vmem>>
    %dma_wait3A_3205 = arith.constant 0 : i32
    %dma_wait3A_3206 = tpu.memref_slice %arg4[%dma_wait3A_3205] : memref<106496000xf32, #tpu.memory_space<hbm>> -> memref<106496000xf32, #tpu.memory_space<hbm>>
    tpu.wait_indirect_dma semaphore(%arg10 : memref<!tpu.dma_semaphore, #tpu.memory_space<semaphore_mem>>) src(%arg8 : memref<128xf32, #tpu.memory_space<vmem>>) dst(%dma_wait3A_3206 : memref<106496000xf32, #tpu.memory_space<hbm>>)
    %dma_wait3A_3207 = arith.constant 20 : i32
    %dma_wait3A_3208 = arith.constant 0 : i32
    %dma_wait3A_3209 = tpu.memref_slice %arg7[%dma_wait3A_3207, %dma_wait3A_3208] : memref<26x128xi32, #tpu.memory_space<vmem>> -> memref<1x128xi32, #tpu.memory_space<vmem>>
    %dma_wait3A_3210 = tpu.memref_squeeze %dma_wait3A_3209 : memref<1x128xi32, #tpu.memory_space<vmem>> -> memref<128xi32, #tpu.memory_space<vmem>>
    %dma_wait3A_3211 = arith.constant 0 : i32
    %dma_wait3A_3212 = tpu.memref_slice %arg4[%dma_wait3A_3211] : memref<106496000xf32, #tpu.memory_space<hbm>> -> memref<106496000xf32, #tpu.memory_space<hbm>>
    tpu.wait_indirect_dma semaphore(%arg10 : memref<!tpu.dma_semaphore, #tpu.memory_space<semaphore_mem>>) src(%arg8 : memref<128xf32, #tpu.memory_space<vmem>>) dst(%dma_wait3A_3212 : memref<106496000xf32, #tpu.memory_space<hbm>>)
    %dma_wait3A_3213 = arith.constant 21 : i32
    %dma_wait3A_3214 = arith.constant 0 : i32
    %dma_wait3A_3215 = tpu.memref_slice %arg7[%dma_wait3A_3213, %dma_wait3A_3214] : memref<26x128xi32, #tpu.memory_space<vmem>> -> memref<1x128xi32, #tpu.memory_space<vmem>>
    %dma_wait3A_3216 = tpu.memref_squeeze %dma_wait3A_3215 : memref<1x128xi32, #tpu.memory_space<vmem>> -> memref<128xi32, #tpu.memory_space<vmem>>
    %dma_wait3A_3217 = arith.constant 0 : i32
    %dma_wait3A_3218 = tpu.memref_slice %arg4[%dma_wait3A_3217] : memref<106496000xf32, #tpu.memory_space<hbm>> -> memref<106496000xf32, #tpu.memory_space<hbm>>
    tpu.wait_indirect_dma semaphore(%arg10 : memref<!tpu.dma_semaphore, #tpu.memory_space<semaphore_mem>>) src(%arg8 : memref<128xf32, #tpu.memory_space<vmem>>) dst(%dma_wait3A_3218 : memref<106496000xf32, #tpu.memory_space<hbm>>)
    %dma_wait3A_3219 = arith.constant 22 : i32
    %dma_wait3A_3220 = arith.constant 0 : i32
    %dma_wait3A_3221 = tpu.memref_slice %arg7[%dma_wait3A_3219, %dma_wait3A_3220] : memref<26x128xi32, #tpu.memory_space<vmem>> -> memref<1x128xi32, #tpu.memory_space<vmem>>
    %dma_wait3A_3222 = tpu.memref_squeeze %dma_wait3A_3221 : memref<1x128xi32, #tpu.memory_space<vmem>> -> memref<128xi32, #tpu.memory_space<vmem>>
    %dma_wait3A_3223 = arith.constant 0 : i32
    %dma_wait3A_3224 = tpu.memref_slice %arg4[%dma_wait3A_3223] : memref<106496000xf32, #tpu.memory_space<hbm>> -> memref<106496000xf32, #tpu.memory_space<hbm>>
    tpu.wait_indirect_dma semaphore(%arg10 : memref<!tpu.dma_semaphore, #tpu.memory_space<semaphore_mem>>) src(%arg8 : memref<128xf32, #tpu.memory_space<vmem>>) dst(%dma_wait3A_3224 : memref<106496000xf32, #tpu.memory_space<hbm>>)
    %dma_wait3A_3225 = arith.constant 23 : i32
    %dma_wait3A_3226 = arith.constant 0 : i32
    %dma_wait3A_3227 = tpu.memref_slice %arg7[%dma_wait3A_3225, %dma_wait3A_3226] : memref<26x128xi32, #tpu.memory_space<vmem>> -> memref<1x128xi32, #tpu.memory_space<vmem>>
    %dma_wait3A_3228 = tpu.memref_squeeze %dma_wait3A_3227 : memref<1x128xi32, #tpu.memory_space<vmem>> -> memref<128xi32, #tpu.memory_space<vmem>>
    %dma_wait3A_3229 = arith.constant 0 : i32
    %dma_wait3A_3230 = tpu.memref_slice %arg4[%dma_wait3A_3229] : memref<106496000xf32, #tpu.memory_space<hbm>> -> memref<106496000xf32, #tpu.memory_space<hbm>>
    tpu.wait_indirect_dma semaphore(%arg10 : memref<!tpu.dma_semaphore, #tpu.memory_space<semaphore_mem>>) src(%arg8 : memref<128xf32, #tpu.memory_space<vmem>>) dst(%dma_wait3A_3230 : memref<106496000xf32, #tpu.memory_space<hbm>>)
    %dma_wait3A_3231 = arith.constant 24 : i32
    %dma_wait3A_3232 = arith.constant 0 : i32
    %dma_wait3A_3233 = tpu.memref_slice %arg7[%dma_wait3A_3231, %dma_wait3A_3232] : memref<26x128xi32, #tpu.memory_space<vmem>> -> memref<1x128xi32, #tpu.memory_space<vmem>>
    %dma_wait3A_3234 = tpu.memref_squeeze %dma_wait3A_3233 : memref<1x128xi32, #tpu.memory_space<vmem>> -> memref<128xi32, #tpu.memory_space<vmem>>
    %dma_wait3A_3235 = arith.constant 0 : i32
    %dma_wait3A_3236 = tpu.memref_slice %arg4[%dma_wait3A_3235] : memref<106496000xf32, #tpu.memory_space<hbm>> -> memref<106496000xf32, #tpu.memory_space<hbm>>
    tpu.wait_indirect_dma semaphore(%arg10 : memref<!tpu.dma_semaphore, #tpu.memory_space<semaphore_mem>>) src(%arg8 : memref<128xf32, #tpu.memory_space<vmem>>) dst(%dma_wait3A_3236 : memref<106496000xf32, #tpu.memory_space<hbm>>)
    %dma_wait3A_3237 = arith.constant 25 : i32
    %dma_wait3A_3238 = arith.constant 0 : i32
    %dma_wait3A_3239 = tpu.memref_slice %arg7[%dma_wait3A_3237, %dma_wait3A_3238] : memref<26x128xi32, #tpu.memory_space<vmem>> -> memref<1x128xi32, #tpu.memory_space<vmem>>
    %dma_wait3A_3240 = tpu.memref_squeeze %dma_wait3A_3239 : memref<1x128xi32, #tpu.memory_space<vmem>> -> memref<128xi32, #tpu.memory_space<vmem>>
    %dma_wait3A_3241 = arith.constant 0 : i32
    %dma_wait3A_3242 = tpu.memref_slice %arg4[%dma_wait3A_3241] : memref<106496000xf32, #tpu.memory_space<hbm>> -> memref<106496000xf32, #tpu.memory_space<hbm>>
    tpu.wait_indirect_dma semaphore(%arg10 : memref<!tpu.dma_semaphore, #tpu.memory_space<semaphore_mem>>) src(%arg8 : memref<128xf32, #tpu.memory_space<vmem>>) dst(%dma_wait3A_3242 : memref<106496000xf32, #tpu.memory_space<hbm>>)
    return
  }
}

module attributes {stable_mosaic.version = 14 : i64} {
  func.func @_fill_body(%arg0: i32, %arg1: memref<1x1xf32, #tpu.memory_space<smem>>, %arg2: memref<8x128000xf32, #tpu.memory_space<vmem>>) attributes {dimension_semantics = [#tpu.dimension_semantics<arbitrary>], iteration_bounds = array<i64: 104>, scalar_prefetch = 0 : i64, scratch_operands = 0 : i64, tpu.core_type = #tpu.core_type<tc>, window_params = [{transform_indices = @transform_0, window_bounds = array<i64: 1, 1>}, {transform_indices = @transform_1, window_bounds = array<i64: 8, 128000>}]} {
    %get3A = arith.constant 0 : index
    %get3A_0 = arith.constant 0 : index
    %get3A_1 = memref.load %arg1[%get3A, %get3A_0] : memref<1x1xf32, #tpu.memory_space<smem>>
    %broadcast_in_dim3A = vector.broadcast %get3A_1 : f32 to vector<8x128000xf32>
    %swap3A = arith.constant 0 : index
    %swap3A_2 = arith.constant 0 : index
    %swap3A_3 = vector.load %arg2[%swap3A, %swap3A_2] : memref<8x128000xf32, #tpu.memory_space<vmem>>, vector<8x128000xf32>
    tpu.vector_store %arg2[%swap3A, %swap3A_2], %broadcast_in_dim3A {strides = array<i32>} : memref<8x128000xf32, #tpu.memory_space<vmem>>, vector<8x128000xf32>,
    return
  }
  func.func @transform_0(%arg0: i32) -> (i32, i32) {
    %c0_i32 = arith.constant 0 : i32
    %c0_i32_0 = arith.constant 0 : i32
    %c0_i32_1 = arith.constant 0 : i32
    return %c0_i32, %c0_i32_0 : i32, i32
  }
  func.func @transform_1(%arg0: i32) -> (i32, i32) {
    %c0_i32 = arith.constant 0 : i32
    %c0_i32_0 = arith.constant 0 : i32
    return %arg0, %c0_i32 : i32, i32
  }
}

</mosaic_0001>

<sc_bundles>
// kernel: kernel.4.cloned.1.call-start
scs
__scs_entry_jumppad:
0x0: {  	(pc) =	sbr.rel $0x88, $3  }
0x1: {  	(tag) =	ssettag $0x0;
	lr =	simm.s32 $0x1  }
0x2: {  	[smem:$0x3F9E] =	sst lr;
	_ =	strace $0xD0000000  }
0x3: {  	_ = 	snop  }
0x4: {  	_ = 	snop  }
0x5: {  	_ = 	snop  }
0x6: {  	_ = 	snop  }
0x7: {  	_ = 	snop  }
__scs_overlays_trampoline_lowered:
0x8: {  	[smem:$0x3FAD] =	sst s0  }
0x9: {  	[smem:$0x3FAE] =	sst s1  }
0xa: {  	[smem:$0x3FAF] =	sst s2  }
0xb: {  	[smem:$0x3FB0] =	sst s3  }
0xc: {  	[smem:$0x3FB1] =	sst s4  }
0xd: {  	[smem:$0x3FB2] =	sst s5  }
0xe: {  	[smem:$0x3FB3] =	sst s6  }
0xf: {  	[smem:$0x3FB4] =	sst s7  }
0x10: {  	[smem:$0x3FB5] =	sst s8  }
0x11: {  	[smem:$0x3FB6] =	sst s9;
	s0 =	simm.s32 @!p0 $0x0  }
0x12: {  	s1 =	sld [smem:$0x3F9C];
	s0 =	simm.s32 @p0 $0x1  }
0x13: {  	[smem:$0x3FB7] =	sst s0;
	s0 =	simm.s32 @!p1 $0x0  }
0x14: {  	s2 =	sld [smem:$0x3F9B];
	s0 =	simm.s32 @p1 $0x1  }
0x15: {  	[smem:$0x3FB8] =	sst s0;
	s0 =	simm.s32 @!p2 $0x0  }
0x16: {  	s3 =	sld [smem:$0x3FDB];
	s0 =	simm.s32 @p2 $0x1  }
0x17: {  	s4 =	simm.s32 $0x1BF5;
	[smem:$0x3FBA] =	sst s0  }
0x18: {  	s0 =	sld [smem:$0x3F9D];
	_ =	swait.ge [sflag:s4], $0x0  }
0x19: {  	s7 =	sld [smem:$0x3F9E]  }
0x1a: {  	s8 =	sadd.s32 $0xFFFFE003, lr  }
0x1b: {  	s9 =	sadd.s32 $0xFFFFFEF7, lr;
	s5 =	simm.s32 $0xFFFFFFFF;
	p2 =	slt.u32 s8, $0xFFFFF086  }
0x1c: {  	p1 =	slt.u32 s9, $0xF7A;
	s5 =	simm.s32 @!p2 $0x0  }
0x1d: {  	s5 =	simm.s32 @p1 $0x1;
	p0 =	seq.s32 s7, s2  }
0x1e: {  	s7 =	smul.u32 @!p0 $0xF7A, s2;
	p2 =	seq.s32 @!p0 s5, $0x0  }
0x1f: {  	s9 =	smul.u32 $0xF7A, s1;
	s8 =	simm.s32 @!p0 $0x1BF5;
	p2 =	por !p2, p0  }
0x20: {  	[sflag:s8] =	ssyncset.s32 @!p0 $0xFFFFF086;
	s6 =	sadd.s32 @!p0 s3, s7;
	s7 =	simm.s32 @!p0 $0x108  }
0x21: {  	s3 =	sadd.s32 s3, s9;
	s6 =	sadd.s32 @!p0 $0x88, s6;
	s7 =	simm.s32 @p2 $0x1082  }
0x22: {  	[simem:s7], [sflag:s8] =	dma.local @!p0 [hbm:s6], $0xF7A  }
0x23: {  	s9 =	sor.u32 $0xD0000000, s2;
	s6 =	simm.s32 $0x108;
	_ =	swait.ge @!p0 [sflag:s8], $0x0  }
0x24: {  	s3 =	sadd.s32 $0x88, s3;
	s6 =	simm.s32 @!p1 $0x1082;
	[sflag:s4] =	ssyncset.s32 $0xFFFFF086  }
0x25: {  	[simem:s6], [sflag:s4] =	dma.local [hbm:s3], $0xF7A  }
0x26: {  	[smem:$0x3F9E] =	sst s1;
	(tag) =	ssettag s2;
	_ =	strace s9  }
0x27: {  	s1 =	sld [smem:$0x3FAE]  }
0x28: {  	s2 =	sld [smem:$0x3FAF]  }
0x29: {  	s4 =	sld [smem:$0x3FB1]  }
0x2a: {  	p0 =	seq.s32 s5, $0x0;
	s5 =	sld [smem:$0x3FB2]  }
0x2b: {  	s6 =	sld [smem:$0x3FB3]  }
0x2c: {  	s7 =	sld [smem:$0x3FB4]  }
0x2d: {  	s3 =	simm.s32 $0x108;
	s8 =	sld [smem:$0x3FB5]  }
0x2e: {  	s3 =	simm.s32 @!p0 $0x1082;
	s9 =	sld [smem:$0x3FB6]  }
0x2f: {  	lr =	sadd.s32 s0, s3;
	s0 =	sld [smem:$0x3FAD]  }
0x30: {  	s3 =	sld [smem:$0x3FB0]  }
0x31: {  	[smem:$0x3FB9] =	sst s10  }
0x32: {  	s10 =	sld [smem:$0x3FB7];
	_ =	sdelay $0x3  }
0x33: {  	p0 =	seq.s32 s10, $0x1;
	s10 =	sld [smem:$0x3FB9];
	_ =	sdelay $0x3  }
0x34: {  	[smem:$0x3FB9] =	sst s10  }
0x35: {  	s10 =	sld [smem:$0x3FB8];
	_ =	sdelay $0x3  }
0x36: {  	p1 =	seq.s32 s10, $0x1;
	s10 =	sld [smem:$0x3FB9];
	_ =	sdelay $0x3  }
0x37: {  	[smem:$0x3FB9] =	sst s10  }
0x38: {  	s10 =	sld [smem:$0x3FBA]  }
0x39: {  	_ = 	snop;
	(pc) =	sbr.ind lr, $3  }
0x3a: {  	_ = 	snop  }
0x3b: {  	_ = 	snop  }
0x3c: {  	p2 =	seq.s32 s10, $0x1;
	s10 =	sld [smem:$0x3FB9]  }
0x3d: {  	_ =	shalt  }
0x3e: {  	_ =	shalt  }
0x3f: {  	_ =	shalt  }
0x40: {  	_ =	shalt  }
0x41: {  	_ =	shalt  }
0x42: {  	_ =	shalt  }
0x43: {  	_ =	shalt  }
0x44: {  	_ =	shalt  }
0x45: {  	_ =	shalt  }
0x46: {  	_ =	shalt  }
0x47: {  	_ =	shalt  }
0x48: {  	_ =	shalt  }
0x49: {  	_ =	shalt  }
0x4a: {  	_ =	shalt  }
0x4b: {  	_ =	shalt  }
0x4c: {  	_ =	shalt  }
0x4d: {  	_ =	shalt  }
0x4e: {  	_ =	shalt  }
0x4f: {  	_ =	shalt  }
0x50: {  	_ =	shalt  }
0x51: {  	_ =	shalt  }
0x52: {  	_ =	shalt  }
0x53: {  	_ =	shalt  }
0x54: {  	_ =	shalt  }
0x55: {  	_ =	shalt  }
0x56: {  	_ =	shalt  }
0x57: {  	_ =	shalt  }
0x58: {  	_ =	shalt  }
0x59: {  	_ =	shalt  }
0x5a: {  	_ =	shalt  }
0x5b: {  	_ =	shalt  }
0x5c: {  	_ =	shalt  }
0x5d: {  	_ =	shalt  }
0x5e: {  	_ =	shalt  }
0x5f: {  	_ =	shalt  }
0x60: {  	_ =	shalt  }
0x61: {  	_ =	shalt  }
0x62: {  	_ =	shalt  }
0x63: {  	_ =	shalt  }
0x64: {  	_ =	shalt  }
0x65: {  	_ =	shalt  }
0x66: {  	_ =	shalt  }
0x67: {  	_ =	shalt  }
0x68: {  	_ =	shalt  }
0x69: {  	_ =	shalt  }
0x6a: {  	_ =	shalt  }
0x6b: {  	_ =	shalt  }
0x6c: {  	_ =	shalt  }
0x6d: {  	_ =	shalt  }
0x6e: {  	_ =	shalt  }
0x6f: {  	_ =	shalt  }
0x70: {  	_ =	shalt  }
0x71: {  	_ =	shalt  }
0x72: {  	_ =	shalt  }
0x73: {  	_ =	shalt  }
0x74: {  	_ =	shalt  }
0x75: {  	_ =	shalt  }
0x76: {  	_ =	shalt  }
0x77: {  	_ =	shalt  }
0x78: {  	_ =	shalt  }
0x79: {  	_ =	shalt  }
0x7a: {  	_ =	shalt  }
0x7b: {  	_ =	shalt  }
0x7c: {  	_ =	shalt  }
0x7d: {  	_ =	shalt  }
0x7e: {  	_ =	shalt  }
0x7f: {  	_ =	shalt  }
0x80: {  	_ =	shalt  }
0x81: {  	_ =	shalt  }
0x82: {  	_ =	shalt  }
0x83: {  	_ =	shalt  }
0x84: {  	_ =	shalt  }
0x85: {  	_ =	shalt  }
0x86: {  	_ =	shalt  }
0x87: {  	_ =	shalt  }
.Lfunc_end0:
.L_simem_size_0:
called_computation.2_lowered:
.L_overlay_start_0:
0x88: {  	s2 =	sld [smem:$0x3FD9]  }
0x89: {  	s3 =	sld [smem:$0x3FFE];
	_ =	sdelay $0x1  }
0x8a: {  	s1 =	srdreg.scid  }
0x8b: {  	s0 =	sand.u32 $0x1, s1  }
0x8c: {  	s17 =	sshll.u32 s0, $0xA;
	s2 =	sadd.s32 s3, s2  }
0x8d: {  	s2 =	sadd.s32 s2, s17  }
0x8e: {  	[smem:$0x3FC5] =	sst s2  }
0x8f: {  	_ = 	snop  }
0x90: {  	s2 =	sld [smem:$0x3FD0];
	(tm) =	ssettm $0x1  }
0x91: {  	s18 =	sld [smem:$0x3FFB];
	_ =	sdelay $0x3  }
0x92: {  	_ =	strace s18  }
0x93: {  	s3 =	sld [smem:$0x3FFC];
	_ =	sdelay $0x3  }
0x94: {  	_ =	strace s3  }
0x95: {  	s3 =	sld [smem:$0x3FFD];
	_ =	sdelay $0x3  }
0x96: {  	_ =	strace s3  }
0x97: {  	_ =	strace $0x8FFFFFFF  }
0x98: {  	s19 =	sld [smem:$0x3FDB];
	_ =	sdelay $0x1  }
0x99: {  	s4 =	simm.s32 $_scs_section_size  }
0x9a: {  	s5 =	simm.s32 $_size__tile_overlayer_lowered;
	s6 =	simm.s32 $_tile_overlayer_lowered  }
0x9b: {  	s22 =	simm.s32 $0x1BFF;
	s21 =	sshll.u32 s6, $0x1;
	s3 =	sadd.s32 s4, s19  }
0x9c: {  	s7 =	simm.s32 $0x0;
	s20 =	sshll.u32 s5, $0x1;
	s5 =	sadd.s32 s21, s3  }
0x9d: {  	[timem:s7], [sflag:s22] =	dma.local [hbm:s5], s20  }
0x9e: {  	_ =	swait.ge [sflag:s22], s20  }
0x9f: {  	s4 =	ssub.s32 $0x0, s20;
	[sflag:s22] =	ssyncset.done $0x0  }
0xa0: {  	[sflag:s22] =	ssyncadd.s32 s4;
	_ =	sdelay $0x1  }
0xa1: {  	s23 =	simm.s32 $0x1B8B  }
0xa2: {  	_ =	swait.ge [sflag:s23], $0x1  }
0xa3: {  	[sflag:s23] =	ssyncset.done $0x0  }
0xa4: {  	s25 =	simm.s32 $0x1B8E;
	s24 =	sld [smem:$0x3FFE];
	[sflag:s23] =	ssyncadd.s32 $0xFFFFFFFF  }
0xa5: {  	s26 =	simm.s32 $execute0_lowered;
	[smem:$0x3FD2] =	sst s25  }
0xa6: {  	s5 =	sshll.u32 s26, $0x1;
	_ =	strace $0x80000049;
	[dreg:$0x1] =	wrdreg $0xFFFFFFFF  }
0xa7: {  	s28 =	simm.s32 $_size_execute0_lowered;
	s3 =	sadd.s32 s3, s5;
	[dreg:$0x0] =	wrdreg $0x0  }
0xa8: {  	s5 =	sshll.u32 s28, $0x1;
	[dreg:$0x2] =	wrdreg s3  }
0xa9: {  	[dreg:$0x3] =	wrdreg s5  }
0xaa: {  	[dreg:$0x4] =	wrdreg $0xC0  }
0xab: {  	_ =	task [dreg:s7], $0x5FFFF  }
0xac: {  	[dreg:$0x1] =	wrdreg $0xFFFFFFFF  }
0xad: {  	[dreg:$0x0] =	wrdreg $0x60  }
0xae: {  	[dreg:$0x2] =	wrdreg s24  }
0xaf: {  	[dreg:$0x3] =	wrdreg s2  }
0xb0: {  	[dreg:$0x4] =	wrdreg $0x9  }
0xb1: {  	_ =	task.clear_ibuf [dreg:s7], $0x5FFFF;
	_ =	strace $0x90000049  }
0xb2: {  	s29 =	simm.s32 $0x9;
	_ =	strace $0x8000004B  }
0xb3: {  	_ =	swait.ge [sflag:s29], $0x1  }
0xb4: {  	[sflag:s29] =	ssyncadd.s32 $0xFFFFFFFF  }
0xb5: {  	_ =	strace $0x9000004B  }
0xb6: {  	_ =	sfence  }
0xb7: {  	s30 =	sld [smem:$0x0];
	_ =	sdelay $0x2  }
0xb8: {  	s31 =	sshll.u32 s1, $0xD;
	s1 =	sshrl.u32 s1, $0x2  }
0xb9: {  	s3 =	sand.u32 $0x4000, s31;
	s1 =	sadd.s32 s1, s30  }
0xba: {  	s0 =	sor.u32 s3, s0;
	s1 =	sshll.u32 s1, $0x11  }
0xbb: {  	s0 =	sor.u32 s1, s0  }
0xbc: {  	s0 =	sadd.s32 $0x8F2B, s0  }
0xbd: {  	[sflag:s0] =	ssyncadd.remote.s32 $0x1  }
0xbe: {  	_ =	sfence.sel $0xFFFF  }
0xbf: {  	[dreg:$0x0] =	wrdreg $0xFFFFFFFF;
	(pc) =	sbr.abs _section_cstart, $3  }
0xc0: {  	[dreg:$0x1] =	wrdreg $0xFFFFFFFF  }
0xc1: {  	_ =	task.clear_ibuf [dreg:s7], $0x2FFFF;
	_ =	strace $0x9FFFFFFF  }
0xc2: {  	(tm) =	ssettm $0x7FFFFFFF  }
0xc3: {  	_ =	shalt  }
tec
execute0_lowered:
.L_overlay_start_1:
0x0: {  	(tag) =	ssettag $0x1  }
0x1: {  	s0 =	srdreg.scid;
	s1 =	stileid.u32  }
0x2: {  	s2 =	sand.u32 $0x1, s0;
	s12 =	sshll.u32 s1, $0x1  }
0x3: {  	s0 =	sor.u32 s2, s12  }
0x4: {  	s1 =	smul.u32 $0xD00, s0;
	_ =	sdelay $0x1  }
0x5: {  	v0 =	vmov s1;
	s0 =	sor.u32 $0x10, s1  }
0x6: {  	v0 =	vmul.u32 $0x3E8, v0;
	v1 =	vmov s0  }
0x7: {  	v2 =	vlaneseq.u32;
	v1 =	vmul.u32 $0x3E8, v1  }
0x8: {  	v22 =	vmul.u32 $0x3E8, v2;
	s13 =	sor.u32 $0x20, s1;
	v0 =	vbroadcast v0, $0x0  }
0x9: {  	s3 =	sor.u32 $0x30, s1;
	v2 =	vmov s13;
	v1 =	vbroadcast v1, $0x0  }
0xa: {  	s14 =	sor.u32 $0x40, s1;
	v3 =	vmov s3;
	v2 =	vmul.u32 $0x3E8, v2;
	v0 =	vadd.s32 v22, v0  }
0xb: {  	v4 =	vmov s14;
	v3 =	vmul.u32 $0x3E8, v3;
	[tilespmem:$0x1F6A0] =	vst v0;
	v1 =	vadd.s32 v22, v1  }
0xc: {  	v0 =	vmul.u32 $0x3E8, v4;
	[tilespmem:$0x1F6B0] =	vst v1;
	v1 =	vbroadcast v2, $0x0  }
0xd: {  	s15 =	sor.u32 $0x50, s1;
	v2 =	vbroadcast v3, $0x0  }
0xe: {  	s16 =	sor.u32 $0x60, s1;
	v3 =	vmov s15;
	v0 =	vbroadcast v0, $0x0;
	v1 =	vadd.s32 v22, v1  }
0xf: {  	s17 =	sor.u32 $0x70, s1;
	v4 =	vmov s16;
	v3 =	vmul.u32 $0x3E8, v3;
	[tilespmem:$0x1F6C0] =	vst v1;
	v1 =	vadd.s32 v22, v2  }
0x10: {  	v5 =	vmov s17;
	v4 =	vmul.u32 $0x3E8, v4;
	v0 =	vadd.s32 v22, v0;
	[tilespmem:$0x1F6D0] =	vst v1  }
0x11: {  	v1 =	vmul.u32 $0x3E8, v5;
	[tilespmem:$0x1F6E0] =	vst v0;
	v0 =	vbroadcast v3, $0x0  }
0x12: {  	s18 =	sor.u32 $0x80, s1;
	v2 =	vbroadcast v4, $0x0  }
0x13: {  	s19 =	sor.u32 $0x90, s1;
	v3 =	vmov s18;
	v1 =	vbroadcast v1, $0x0;
	v0 =	vadd.s32 v22, v0  }
0x14: {  	s20 =	sor.u32 $0xA0, s1;
	v4 =	vmov s19;
	v3 =	vmul.u32 $0x3E8, v3;
	[tilespmem:$0x1F6F0] =	vst v0;
	v0 =	vadd.s32 v22, v2  }
0x15: {  	v4 =	vmul.u32 $0x3E8, v4;
	v5 =	vmov s20;
	[tilespmem:$0x1F700] =	vst v0;
	v1 =	vadd.s32 v22, v1  }
0x16: {  	v0 =	vmul.u32 $0x3E8, v5;
	[tilespmem:$0x1F710] =	vst v1;
	v1 =	vbroadcast v3, $0x0  }
0x17: {  	s21 =	sor.u32 $0xB0, s1;
	v2 =	vbroadcast v4, $0x0  }
0x18: {  	s22 =	sor.u32 $0xC0, s1;
	v3 =	vmov s21;
	v0 =	vbroadcast v0, $0x0;
	v1 =	vadd.s32 v22, v1  }
0x19: {  	s23 =	sor.u32 $0xD0, s1;
	v4 =	vmov s22;
	v3 =	vmul.u32 $0x3E8, v3;
	[tilespmem:$0x1F720] =	vst v1;
	v1 =	vadd.s32 v22, v2  }
0x1a: {  	v4 =	vmul.u32 $0x3E8, v4;
	v5 =	vmov s23;
	v0 =	vadd.s32 v22, v0;
	[tilespmem:$0x1F730] =	vst v1  }
0x1b: {  	v1 =	vmul.u32 $0x3E8, v5;
	[tilespmem:$0x1F740] =	vst v0;
	v0 =	vbroadcast v3, $0x0  }
0x1c: {  	s24 =	sor.u32 $0xE0, s1;
	v2 =	vbroadcast v4, $0x0  }
0x1d: {  	s25 =	sor.u32 $0xF0, s1;
	v3 =	vmov s24;
	v1 =	vbroadcast v1, $0x0;
	v0 =	vadd.s32 v22, v0  }
0x1e: {  	s26 =	sadd.s32 $0x100, s1;
	v4 =	vmov s25;
	v3 =	vmul.u32 $0x3E8, v3;
	[tilespmem:$0x1F750] =	vst v0;
	v0 =	vadd.s32 v22, v2  }
0x1f: {  	v4 =	vmul.u32 $0x3E8, v4;
	v5 =	vmov s26;
	[tilespmem:$0x1F760] =	vst v0;
	v1 =	vadd.s32 v22, v1  }
0x20: {  	v0 =	vmul.u32 $0x3E8, v5;
	[tilespmem:$0x1F770] =	vst v1;
	v1 =	vbroadcast v3, $0x0  }
0x21: {  	s3 =	sadd.s32 $0x110, s1;
	v2 =	vbroadcast v4, $0x0  }
0x22: {  	s4 =	sadd.s32 $0x120, s1;
	v3 =	vmov s3;
	v0 =	vbroadcast v0, $0x0;
	v1 =	vadd.s32 v22, v1  }
0x23: {  	s5 =	sadd.s32 $0x130, s1;
	v4 =	vmov s4;
	v3 =	vmul.u32 $0x3E8, v3;
	[tilespmem:$0x1F780] =	vst v1;
	v1 =	vadd.s32 v22, v2  }
0x24: {  	v4 =	vmul.u32 $0x3E8, v4;
	v5 =	vmov s5;
	v0 =	vadd.s32 v22, v0;
	[tilespmem:$0x1F790] =	vst v1  }
0x25: {  	v1 =	vmul.u32 $0x3E8, v5;
	[tilespmem:$0x1F7A0] =	vst v0;
	v0 =	vbroadcast v3, $0x0  }
0x26: {  	s6 =	sadd.s32 $0x140, s1;
	v2 =	vbroadcast v4, $0x0  }
0x27: {  	s7 =	sadd.s32 $0x150, s1;
	v3 =	vmov s6;
	v1 =	vbroadcast v1, $0x0;
	v0 =	vadd.s32 v22, v0  }
0x28: {  	s8 =	sadd.s32 $0x160, s1;
	v4 =	vmov s7;
	v3 =	vmul.u32 $0x3E8, v3;
	[tilespmem:$0x1F7B0] =	vst v0;
	v0 =	vadd.s32 v22, v2  }
0x29: {  	v4 =	vmul.u32 $0x3E8, v4;
	v5 =	vmov s8;
	[tilespmem:$0x1F7C0] =	vst v0;
	v1 =	vadd.s32 v22, v1  }
0x2a: {  	v0 =	vmul.u32 $0x3E8, v5;
	[tilespmem:$0x1F7D0] =	vst v1;
	v1 =	vbroadcast v3, $0x0  }
0x2b: {  	s9 =	sadd.s32 $0x170, s1;
	v2 =	vbroadcast v4, $0x0  }
0x2c: {  	s10 =	sadd.s32 $0x180, s1;
	v3 =	vmov s9;
	v0 =	vbroadcast v0, $0x0;
	v1 =	vadd.s32 v22, v1  }
0x2d: {  	s11 =	sadd.s32 $0x190, s1;
	v4 =	vmov s10;
	v3 =	vmul.u32 $0x3E8, v3;
	[tilespmem:$0x1F7E0] =	vst v1;
	v1 =	vadd.s32 v22, v2  }
0x2e: {  	v4 =	vmul.u32 $0x3E8, v4;
	v5 =	vmov s11;
	v0 =	vadd.s32 v22, v0;
	[tilespmem:$0x1F7F0] =	vst v1  }
0x2f: {  	v1 =	vmul.u32 $0x3E8, v5;
	[tilespmem:$0x1F800] =	vst v0;
	v0 =	vbroadcast v3, $0x0  }
0x30: {  	s12 =	sadd.s32 $0x1A0, s1;
	v2 =	vbroadcast v4, $0x0  }
0x31: {  	s13 =	sadd.s32 $0x1B0, s1;
	v3 =	vmov s12;
	v1 =	vbroadcast v1, $0x0;
	v0 =	vadd.s32 v22, v0  }
0x32: {  	s14 =	sadd.s32 $0x1C0, s1;
	v4 =	vmov s13;
	v3 =	vmul.u32 $0x3E8, v3;
	[tilespmem:$0x1F810] =	vst v0;
	v0 =	vadd.s32 v22, v2  }
0x33: {  	v4 =	vmul.u32 $0x3E8, v4;
	v5 =	vmov s14;
	[tilespmem:$0x1F820] =	vst v0;
	v1 =	vadd.s32 v22, v1  }
0x34: {  	v0 =	vmul.u32 $0x3E8, v5;
	[tilespmem:$0x1F830] =	vst v1;
	v1 =	vbroadcast v3, $0x0  }
0x35: {  	s15 =	sadd.s32 $0x1D0, s1;
	v2 =	vbroadcast v4, $0x0  }
0x36: {  	s16 =	sadd.s32 $0x1E0, s1;
	v3 =	vmov s15;
	v0 =	vbroadcast v0, $0x0;
	v1 =	vadd.s32 v22, v1  }
0x37: {  	s17 =	sadd.s32 $0x1F0, s1;
	v4 =	vmov s16;
	v3 =	vmul.u32 $0x3E8, v3;
	[tilespmem:$0x1F840] =	vst v1;
	v1 =	vadd.s32 v22, v2  }
0x38: {  	v4 =	vmul.u32 $0x3E8, v4;
	v5 =	vmov s17;
	v0 =	vadd.s32 v22, v0;
	[tilespmem:$0x1F850] =	vst v1  }
0x39: {  	v1 =	vmul.u32 $0x3E8, v5;
	[tilespmem:$0x1F860] =	vst v0;
	v0 =	vbroadcast v3, $0x0  }
0x3a: {  	s18 =	sadd.s32 $0x200, s1;
	v2 =	vbroadcast v4, $0x0  }
0x3b: {  	s19 =	sadd.s32 $0x210, s1;
	v3 =	vmov s18;
	v1 =	vbroadcast v1, $0x0;
	v0 =	vadd.s32 v22, v0  }
0x3c: {  	s20 =	sadd.s32 $0x220, s1;
	v4 =	vmov s19;
	v3 =	vmul.u32 $0x3E8, v3;
	[tilespmem:$0x1F870] =	vst v0;
	v0 =	vadd.s32 v22, v2  }
0x3d: {  	v4 =	vmul.u32 $0x3E8, v4;
	v5 =	vmov s20;
	[tilespmem:$0x1F880] =	vst v0;
	v1 =	vadd.s32 v22, v1  }
0x3e: {  	v0 =	vmul.u32 $0x3E8, v5;
	[tilespmem:$0x1F890] =	vst v1;
	v1 =	vbroadcast v3, $0x0  }
0x3f: {  	s21 =	sadd.s32 $0x230, s1;
	v2 =	vbroadcast v4, $0x0  }
0x40: {  	s22 =	sadd.s32 $0x240, s1;
	v3 =	vmov s21;
	v0 =	vbroadcast v0, $0x0;
	v1 =	vadd.s32 v22, v1  }
0x41: {  	s23 =	sadd.s32 $0x250, s1;
	v4 =	vmov s22;
	v3 =	vmul.u32 $0x3E8, v3;
	[tilespmem:$0x1F8A0] =	vst v1;
	v1 =	vadd.s32 v22, v2  }
0x42: {  	v4 =	vmul.u32 $0x3E8, v4;
	v5 =	vmov s23;
	v0 =	vadd.s32 v22, v0;
	[tilespmem:$0x1F8B0] =	vst v1  }
0x43: {  	v1 =	vmul.u32 $0x3E8, v5;
	[tilespmem:$0x1F8C0] =	vst v0;
	v0 =	vbroadcast v3, $0x0  }
0x44: {  	s24 =	sadd.s32 $0x260, s1;
	v2 =	vbroadcast v4, $0x0  }
0x45: {  	s25 =	sadd.s32 $0x270, s1;
	v3 =	vmov s24;
	v1 =	vbroadcast v1, $0x0;
	v0 =	vadd.s32 v22, v0  }
0x46: {  	s26 =	sadd.s32 $0x280, s1;
	v4 =	vmov s25;
	v3 =	vmul.u32 $0x3E8, v3;
	[tilespmem:$0x1F8D0] =	vst v0;
	v0 =	vadd.s32 v22, v2  }
0x47: {  	v4 =	vmul.u32 $0x3E8, v4;
	v5 =	vmov s26;
	[tilespmem:$0x1F8E0] =	vst v0;
	v1 =	vadd.s32 v22, v1  }
0x48: {  	v0 =	vmul.u32 $0x3E8, v5;
	[tilespmem:$0x1F8F0] =	vst v1;
	v1 =	vbroadcast v3, $0x0  }
0x49: {  	s3 =	sadd.s32 $0x290, s1;
	v2 =	vbroadcast v4, $0x0  }
0x4a: {  	s4 =	sadd.s32 $0x2A0, s1;
	v3 =	vmov s3;
	v0 =	vbroadcast v0, $0x0;
	v1 =	vadd.s32 v22, v1  }
0x4b: {  	s5 =	sadd.s32 $0x2B0, s1;
	v4 =	vmov s4;
	v3 =	vmul.u32 $0x3E8, v3;
	[tilespmem:$0x1F900] =	vst v1;
	v1 =	vadd.s32 v22, v2  }
0x4c: {  	v4 =	vmul.u32 $0x3E8, v4;
	v5 =	vmov s5;
	v0 =	vadd.s32 v22, v0;
	[tilespmem:$0x1F910] =	vst v1  }
0x4d: {  	v1 =	vmul.u32 $0x3E8, v5;
	[tilespmem:$0x1F920] =	vst v0;
	v0 =	vbroadcast v3, $0x0  }
0x4e: {  	s6 =	sadd.s32 $0x2C0, s1;
	v2 =	vbroadcast v4, $0x0  }
0x4f: {  	s7 =	sadd.s32 $0x2D0, s1;
	v3 =	vmov s6;
	v1 =	vbroadcast v1, $0x0;
	v0 =	vadd.s32 v22, v0  }
0x50: {  	s8 =	sadd.s32 $0x2E0, s1;
	v4 =	vmov s7;
	v3 =	vmul.u32 $0x3E8, v3;
	[tilespmem:$0x1F930] =	vst v0;
	v0 =	vadd.s32 v22, v2  }
0x51: {  	v4 =	vmul.u32 $0x3E8, v4;
	v5 =	vmov s8;
	[tilespmem:$0x1F940] =	vst v0;
	v1 =	vadd.s32 v22, v1  }
0x52: {  	v0 =	vmul.u32 $0x3E8, v5;
	[tilespmem:$0x1F950] =	vst v1;
	v1 =	vbroadcast v3, $0x0  }
0x53: {  	s9 =	sadd.s32 $0x2F0, s1;
	v2 =	vbroadcast v4, $0x0  }
0x54: {  	s10 =	sadd.s32 $0x300, s1;
	v3 =	vmov s9;
	v0 =	vbroadcast v0, $0x0;
	v1 =	vadd.s32 v22, v1  }
0x55: {  	s11 =	sadd.s32 $0x310, s1;
	v4 =	vmov s10;
	v3 =	vmul.u32 $0x3E8, v3;
	[tilespmem:$0x1F960] =	vst v1;
	v1 =	vadd.s32 v22, v2  }
0x56: {  	v4 =	vmul.u32 $0x3E8, v4;
	v5 =	vmov s11;
	v0 =	vadd.s32 v22, v0;
	[tilespmem:$0x1F970] =	vst v1  }
0x57: {  	v1 =	vmul.u32 $0x3E8, v5;
	[tilespmem:$0x1F980] =	vst v0;
	v0 =	vbroadcast v3, $0x0  }
0x58: {  	s12 =	sadd.s32 $0x320, s1;
	v2 =	vbroadcast v4, $0x0  }
0x59: {  	s13 =	sadd.s32 $0x330, s1;
	v3 =	vmov s12;
	v1 =	vbroadcast v1, $0x0;
	v0 =	vadd.s32 v22, v0  }
0x5a: {  	s14 =	sadd.s32 $0x340, s1;
	v4 =	vmov s13;
	v3 =	vmul.u32 $0x3E8, v3;
	[tilespmem:$0x1F990] =	vst v0;
	v0 =	vadd.s32 v22, v2  }
0x5b: {  	v4 =	vmul.u32 $0x3E8, v4;
	v5 =	vmov s14;
	[tilespmem:$0x1F9A0] =	vst v0;
	v1 =	vadd.s32 v22, v1  }
0x5c: {  	v0 =	vmul.u32 $0x3E8, v5;
	[tilespmem:$0x1F9B0] =	vst v1;
	v1 =	vbroadcast v3, $0x0  }
0x5d: {  	s15 =	sadd.s32 $0x350, s1;
	v2 =	vbroadcast v4, $0x0  }
0x5e: {  	s16 =	sadd.s32 $0x360, s1;
	v3 =	vmov s15;
	v0 =	vbroadcast v0, $0x0;
	v1 =	vadd.s32 v22, v1  }
0x5f: {  	s17 =	sadd.s32 $0x370, s1;
	v4 =	vmov s16;
	v3 =	vmul.u32 $0x3E8, v3;
	[tilespmem:$0x1F9C0] =	vst v1;
	v1 =	vadd.s32 v22, v2  }
0x60: {  	v4 =	vmul.u32 $0x3E8, v4;
	v5 =	vmov s17;
	v0 =	vadd.s32 v22, v0;
	[tilespmem:$0x1F9D0] =	vst v1  }
0x61: {  	v1 =	vmul.u32 $0x3E8, v5;
	[tilespmem:$0x1F9E0] =	vst v0;
	v0 =	vbroadcast v3, $0x0  }
0x62: {  	s18 =	sadd.s32 $0x380, s1;
	v2 =	vbroadcast v4, $0x0  }
0x63: {  	s19 =	sadd.s32 $0x390, s1;
	v3 =	vmov s18;
	v1 =	vbroadcast v1, $0x0;
	v0 =	vadd.s32 v22, v0  }
0x64: {  	s20 =	sadd.s32 $0x3A0, s1;
	v4 =	vmov s19;
	v3 =	vmul.u32 $0x3E8, v3;
	[tilespmem:$0x1F9F0] =	vst v0;
	v0 =	vadd.s32 v22, v2  }
0x65: {  	v4 =	vmul.u32 $0x3E8, v4;
	v5 =	vmov s20;
	[tilespmem:$0x1FA00] =	vst v0;
	v1 =	vadd.s32 v22, v1  }
0x66: {  	v0 =	vmul.u32 $0x3E8, v5;
	[tilespmem:$0x1FA10] =	vst v1;
	v1 =	vbroadcast v3, $0x0  }
0x67: {  	s21 =	sadd.s32 $0x3B0, s1;
	v2 =	vbroadcast v4, $0x0  }
0x68: {  	s22 =	sadd.s32 $0x3C0, s1;
	v3 =	vmov s21;
	v0 =	vbroadcast v0, $0x0;
	v1 =	vadd.s32 v22, v1  }
0x69: {  	s23 =	sadd.s32 $0x3D0, s1;
	v4 =	vmov s22;
	v3 =	vmul.u32 $0x3E8, v3;
	[tilespmem:$0x1FA20] =	vst v1;
	v1 =	vadd.s32 v22, v2  }
0x6a: {  	v4 =	vmul.u32 $0x3E8, v4;
	v5 =	vmov s23;
	v0 =	vadd.s32 v22, v0;
	[tilespmem:$0x1FA30] =	vst v1  }
0x6b: {  	v1 =	vmul.u32 $0x3E8, v5;
	[tilespmem:$0x1FA40] =	vst v0;
	v0 =	vbroadcast v3, $0x0  }
0x6c: {  	s24 =	sadd.s32 $0x3E0, s1;
	v2 =	vbroadcast v4, $0x0  }
0x6d: {  	s25 =	sadd.s32 $0x3F0, s1;
	v3 =	vmov s24;
	v1 =	vbroadcast v1, $0x0;
	v0 =	vadd.s32 v22, v0  }
0x6e: {  	s26 =	sadd.s32 $0x400, s1;
	v4 =	vmov s25;
	v3 =	vmul.u32 $0x3E8, v3;
	[tilespmem:$0x1FA50] =	vst v0;
	v0 =	vadd.s32 v22, v2  }
0x6f: {  	v4 =	vmul.u32 $0x3E8, v4;
	v5 =	vmov s26;
	[tilespmem:$0x1FA60] =	vst v0;
	v1 =	vadd.s32 v22, v1  }
0x70: {  	v0 =	vmul.u32 $0x3E8, v5;
	[tilespmem:$0x1FA70] =	vst v1;
	v1 =	vbroadcast v3, $0x0  }
0x71: {  	s3 =	sadd.s32 $0x410, s1;
	v2 =	vbroadcast v4, $0x0  }
0x72: {  	s5 =	sadd.s32 $0x420, s1;
	v3 =	vmov s3;
	v0 =	vbroadcast v0, $0x0;
	v1 =	vadd.s32 v22, v1  }
0x73: {  	s4 =	sadd.s32 $0x430, s1;
	v4 =	vmov s5;
	v3 =	vmul.u32 $0x3E8, v3;
	[tilespmem:$0x1FA80] =	vst v1;
	v1 =	vadd.s32 v22, v2  }
0x74: {  	v4 =	vmul.u32 $0x3E8, v4;
	v5 =	vmov s4;
	v0 =	vadd.s32 v22, v0;
	[tilespmem:$0x1FA90] =	vst v1  }
0x75: {  	v1 =	vmul.u32 $0x3E8, v5;
	[tilespmem:$0x1FAA0] =	vst v0;
	v0 =	vbroadcast v3, $0x0  }
0x76: {  	s6 =	sadd.s32 $0x440, s1;
	v2 =	vbroadcast v4, $0x0  }
0x77: {  	s7 =	sadd.s32 $0x450, s1;
	v3 =	vmov s6;
	v1 =	vbroadcast v1, $0x0;
	v0 =	vadd.s32 v22, v0  }
0x78: {  	s8 =	sadd.s32 $0x460, s1;
	v4 =	vmov s7;
	v3 =	vmul.u32 $0x3E8, v3;
	[tilespmem:$0x1FAB0] =	vst v0;
	v0 =	vadd.s32 v22, v2  }
0x79: {  	v4 =	vmul.u32 $0x3E8, v4;
	v5 =	vmov s8;
	[tilespmem:$0x1FAC0] =	vst v0;
	v1 =	vadd.s32 v22, v1  }
0x7a: {  	v0 =	vmul.u32 $0x3E8, v5;
	[tilespmem:$0x1FAD0] =	vst v1;
	v1 =	vbroadcast v3, $0x0  }
0x7b: {  	s9 =	sadd.s32 $0x470, s1;
	v2 =	vbroadcast v4, $0x0  }
0x7c: {  	s10 =	sadd.s32 $0x480, s1;
	v3 =	vmov s9;
	v0 =	vbroadcast v0, $0x0;
	v1 =	vadd.s32 v22, v1  }
0x7d: {  	s11 =	sadd.s32 $0x490, s1;
	v4 =	vmov s10;
	v3 =	vmul.u32 $0x3E8, v3;
	[tilespmem:$0x1FAE0] =	vst v1;
	v1 =	vadd.s32 v22, v2  }
0x7e: {  	v4 =	vmul.u32 $0x3E8, v4;
	v5 =	vmov s11;
	v0 =	vadd.s32 v22, v0;
	[tilespmem:$0x1FAF0] =	vst v1  }
0x7f: {  	v1 =	vmul.u32 $0x3E8, v5;
	[tilespmem:$0x1FB00] =	vst v0;
	v0 =	vbroadcast v3, $0x0  }
0x80: {  	s12 =	sadd.s32 $0x4A0, s1;
	v2 =	vbroadcast v4, $0x0  }
0x81: {  	s13 =	sadd.s32 $0x4B0, s1;
	v3 =	vmov s12;
	v1 =	vbroadcast v1, $0x0;
	v0 =	vadd.s32 v22, v0  }
0x82: {  	s14 =	sadd.s32 $0x4C0, s1;
	v4 =	vmov s13;
	v3 =	vmul.u32 $0x3E8, v3;
	[tilespmem:$0x1FB10] =	vst v0;
	v0 =	vadd.s32 v22, v2  }
0x83: {  	v4 =	vmul.u32 $0x3E8, v4;
	v5 =	vmov s14;
	[tilespmem:$0x1FB20] =	vst v0;
	v1 =	vadd.s32 v22, v1  }
0x84: {  	v0 =	vmul.u32 $0x3E8, v5;
	[tilespmem:$0x1FB30] =	vst v1;
	v1 =	vbroadcast v3, $0x0  }
0x85: {  	s15 =	sadd.s32 $0x4D0, s1;
	v2 =	vbroadcast v4, $0x0  }
0x86: {  	s16 =	sadd.s32 $0x4E0, s1;
	v3 =	vmov s15;
	v0 =	vbroadcast v0, $0x0;
	v1 =	vadd.s32 v22, v1  }
0x87: {  	s17 =	sadd.s32 $0x4F0, s1;
	v4 =	vmov s16;
	v3 =	vmul.u32 $0x3E8, v3;
	[tilespmem:$0x1FB40] =	vst v1;
	v1 =	vadd.s32 v22, v2  }
0x88: {  	v4 =	vmul.u32 $0x3E8, v4;
	v5 =	vmov s17;
	v0 =	vadd.s32 v22, v0;
	[tilespmem:$0x1FB50] =	vst v1  }
0x89: {  	v1 =	vmul.u32 $0x3E8, v5;
	[tilespmem:$0x1FB60] =	vst v0;
	v0 =	vbroadcast v3, $0x0  }
0x8a: {  	s18 =	sadd.s32 $0x500, s1;
	v2 =	vbroadcast v4, $0x0  }
0x8b: {  	s19 =	sadd.s32 $0x510, s1;
	v3 =	vmov s18;
	v1 =	vbroadcast v1, $0x0;
	v0 =	vadd.s32 v22, v0  }
0x8c: {  	s20 =	sadd.s32 $0x520, s1;
	v4 =	vmov s19;
	v3 =	vmul.u32 $0x3E8, v3;
	[tilespmem:$0x1FB70] =	vst v0;
	v0 =	vadd.s32 v22, v2  }
0x8d: {  	v4 =	vmul.u32 $0x3E8, v4;
	v5 =	vmov s20;
	[tilespmem:$0x1FB80] =	vst v0;
	v1 =	vadd.s32 v22, v1  }
0x8e: {  	v0 =	vmul.u32 $0x3E8, v5;
	[tilespmem:$0x1FB90] =	vst v1;
	v1 =	vbroadcast v3, $0x0  }
0x8f: {  	s21 =	sadd.s32 $0x530, s1;
	v2 =	vbroadcast v4, $0x0  }
0x90: {  	s22 =	sadd.s32 $0x540, s1;
	v3 =	vmov s21;
	v0 =	vbroadcast v0, $0x0;
	v1 =	vadd.s32 v22, v1  }
0x91: {  	s23 =	sadd.s32 $0x550, s1;
	v4 =	vmov s22;
	v3 =	vmul.u32 $0x3E8, v3;
	[tilespmem:$0x1FBA0] =	vst v1;
	v1 =	vadd.s32 v22, v2  }
0x92: {  	v4 =	vmul.u32 $0x3E8, v4;
	v5 =	vmov s23;
	v0 =	vadd.s32 v22, v0;
	[tilespmem:$0x1FBB0] =	vst v1  }
0x93: {  	v1 =	vmul.u32 $0x3E8, v5;
	[tilespmem:$0x1FBC0] =	vst v0;
	v0 =	vbroadcast v3, $0x0  }
0x94: {  	s24 =	sadd.s32 $0x560, s1;
	v2 =	vbroadcast v4, $0x0  }
0x95: {  	s25 =	sadd.s32 $0x570, s1;
	v3 =	vmov s24;
	v1 =	vbroadcast v1, $0x0;
	v0 =	vadd.s32 v22, v0  }
0x96: {  	s26 =	sadd.s32 $0x580, s1;
	v4 =	vmov s25;
	v3 =	vmul.u32 $0x3E8, v3;
	[tilespmem:$0x1FBD0] =	vst v0;
	v0 =	vadd.s32 v22, v2  }
0x97: {  	v4 =	vmul.u32 $0x3E8, v4;
	v5 =	vmov s26;
	[tilespmem:$0x1FBE0] =	vst v0;
	v1 =	vadd.s32 v22, v1  }
0x98: {  	v0 =	vmul.u32 $0x3E8, v5;
	[tilespmem:$0x1FBF0] =	vst v1;
	v1 =	vbroadcast v3, $0x0  }
0x99: {  	s3 =	sadd.s32 $0x590, s1;
	v2 =	vbroadcast v4, $0x0  }
0x9a: {  	s4 =	sadd.s32 $0x5A0, s1;
	v3 =	vmov s3;
	v0 =	vbroadcast v0, $0x0;
	v1 =	vadd.s32 v22, v1  }
0x9b: {  	s5 =	sadd.s32 $0x5B0, s1;
	v4 =	vmov s4;
	v3 =	vmul.u32 $0x3E8, v3;
	[tilespmem:$0x1FC00] =	vst v1;
	v1 =	vadd.s32 v22, v2  }
0x9c: {  	v4 =	vmul.u32 $0x3E8, v4;
	v5 =	vmov s5;
	v0 =	vadd.s32 v22, v0;
	[tilespmem:$0x1FC10] =	vst v1  }
0x9d: {  	v1 =	vmul.u32 $0x3E8, v5;
	[tilespmem:$0x1FC20] =	vst v0;
	v0 =	vbroadcast v3, $0x0  }
0x9e: {  	s6 =	sadd.s32 $0x5C0, s1;
	v2 =	vbroadcast v4, $0x0  }
0x9f: {  	s7 =	sadd.s32 $0x5D0, s1;
	v3 =	vmov s6;
	v1 =	vbroadcast v1, $0x0;
	v0 =	vadd.s32 v22, v0  }
0xa0: {  	s8 =	sadd.s32 $0x5E0, s1;
	v4 =	vmov s7;
	v3 =	vmul.u32 $0x3E8, v3;
	[tilespmem:$0x1FC30] =	vst v0;
	v0 =	vadd.s32 v22, v2  }
0xa1: {  	v4 =	vmul.u32 $0x3E8, v4;
	v5 =	vmov s8;
	[tilespmem:$0x1FC40] =	vst v0;
	v1 =	vadd.s32 v22, v1  }
0xa2: {  	v0 =	vmul.u32 $0x3E8, v5;
	[tilespmem:$0x1FC50] =	vst v1;
	v1 =	vbroadcast v3, $0x0  }
0xa3: {  	s9 =	sadd.s32 $0x5F0, s1;
	v2 =	vbroadcast v4, $0x0  }
0xa4: {  	s10 =	sadd.s32 $0x600, s1;
	v3 =	vmov s9;
	v0 =	vbroadcast v0, $0x0;
	v1 =	vadd.s32 v22, v1  }
0xa5: {  	s11 =	sadd.s32 $0x610, s1;
	v4 =	vmov s10;
	v3 =	vmul.u32 $0x3E8, v3;
	[tilespmem:$0x1FC60] =	vst v1;
	v1 =	vadd.s32 v22, v2  }
0xa6: {  	v4 =	vmul.u32 $0x3E8, v4;
	v5 =	vmov s11;
	v0 =	vadd.s32 v22, v0;
	[tilespmem:$0x1FC70] =	vst v1  }
0xa7: {  	v1 =	vmul.u32 $0x3E8, v5;
	[tilespmem:$0x1FC80] =	vst v0;
	v0 =	vbroadcast v3, $0x0  }
0xa8: {  	s12 =	sadd.s32 $0x620, s1;
	v2 =	vbroadcast v4, $0x0  }
0xa9: {  	s13 =	sadd.s32 $0x630, s1;
	v3 =	vmov s12;
	v1 =	vbroadcast v1, $0x0;
	v0 =	vadd.s32 v22, v0  }
0xaa: {  	s14 =	sadd.s32 $0x640, s1;
	v4 =	vmov s13;
	v3 =	vmul.u32 $0x3E8, v3;
	[tilespmem:$0x1FC90] =	vst v0;
	v0 =	vadd.s32 v22, v2  }
0xab: {  	v4 =	vmul.u32 $0x3E8, v4;
	v5 =	vmov s14;
	[tilespmem:$0x1FCA0] =	vst v0;
	v1 =	vadd.s32 v22, v1  }
0xac: {  	v0 =	vmul.u32 $0x3E8, v5;
	[tilespmem:$0x1FCB0] =	vst v1;
	v1 =	vbroadcast v3, $0x0  }
0xad: {  	s15 =	sadd.s32 $0x650, s1;
	v2 =	vbroadcast v4, $0x0  }
0xae: {  	s16 =	sadd.s32 $0x660, s1;
	v3 =	vmov s15;
	v0 =	vbroadcast v0, $0x0;
	v1 =	vadd.s32 v22, v1  }
0xaf: {  	s17 =	sadd.s32 $0x670, s1;
	v4 =	vmov s16;
	v3 =	vmul.u32 $0x3E8, v3;
	[tilespmem:$0x1FCC0] =	vst v1;
	v1 =	vadd.s32 v22, v2  }
0xb0: {  	v4 =	vmul.u32 $0x3E8, v4;
	v5 =	vmov s17;
	v0 =	vadd.s32 v22, v0;
	[tilespmem:$0x1FCD0] =	vst v1  }
0xb1: {  	v1 =	vmul.u32 $0x3E8, v5;
	[tilespmem:$0x1FCE0] =	vst v0;
	v0 =	vbroadcast v3, $0x0  }
0xb2: {  	s18 =	sadd.s32 $0x680, s1;
	v2 =	vbroadcast v4, $0x0  }
0xb3: {  	s19 =	sadd.s32 $0x690, s1;
	v3 =	vmov s18;
	v1 =	vbroadcast v1, $0x0;
	v0 =	vadd.s32 v22, v0  }
0xb4: {  	s20 =	sadd.s32 $0x6A0, s1;
	v4 =	vmov s19;
	v3 =	vmul.u32 $0x3E8, v3;
	[tilespmem:$0x1FCF0] =	vst v0;
	v0 =	vadd.s32 v22, v2  }
0xb5: {  	v4 =	vmul.u32 $0x3E8, v4;
	v5 =	vmov s20;
	[tilespmem:$0x1FD00] =	vst v0;
	v1 =	vadd.s32 v22, v1  }
0xb6: {  	v0 =	vmul.u32 $0x3E8, v5;
	[tilespmem:$0x1FD10] =	vst v1;
	v1 =	vbroadcast v3, $0x0  }
0xb7: {  	s21 =	sadd.s32 $0x6B0, s1;
	v2 =	vbroadcast v4, $0x0  }
0xb8: {  	s22 =	sadd.s32 $0x6C0, s1;
	v3 =	vmov s21;
	v0 =	vbroadcast v0, $0x0;
	v1 =	vadd.s32 v22, v1  }
0xb9: {  	s23 =	sadd.s32 $0x6D0, s1;
	v4 =	vmov s22;
	v3 =	vmul.u32 $0x3E8, v3;
	[tilespmem:$0x1FD20] =	vst v1;
	v1 =	vadd.s32 v22, v2  }
0xba: {  	v4 =	vmul.u32 $0x3E8, v4;
	v5 =	vmov s23;
	v0 =	vadd.s32 v22, v0;
	[tilespmem:$0x1FD30] =	vst v1  }
0xbb: {  	v1 =	vmul.u32 $0x3E8, v5;
	[tilespmem:$0x1FD40] =	vst v0;
	v0 =	vbroadcast v3, $0x0  }
0xbc: {  	s24 =	sadd.s32 $0x6E0, s1;
	v2 =	vbroadcast v4, $0x0  }
0xbd: {  	s25 =	sadd.s32 $0x6F0, s1;
	v3 =	vmov s24;
	v1 =	vbroadcast v1, $0x0;
	v0 =	vadd.s32 v22, v0  }
0xbe: {  	s26 =	sadd.s32 $0x700, s1;
	v4 =	vmov s25;
	v3 =	vmul.u32 $0x3E8, v3;
	[tilespmem:$0x1FD50] =	vst v0;
	v0 =	vadd.s32 v22, v2  }
0xbf: {  	v4 =	vmul.u32 $0x3E8, v4;
	v5 =	vmov s26;
	[tilespmem:$0x1FD60] =	vst v0;
	v1 =	vadd.s32 v22, v1  }
0xc0: {  	v0 =	vmul.u32 $0x3E8, v5;
	[tilespmem:$0x1FD70] =	vst v1;
	v1 =	vbroadcast v3, $0x0  }
0xc1: {  	s3 =	sadd.s32 $0x710, s1;
	v2 =	vbroadcast v4, $0x0  }
0xc2: {  	s4 =	sadd.s32 $0x720, s1;
	v3 =	vmov s3;
	v0 =	vbroadcast v0, $0x0;
	v1 =	vadd.s32 v22, v1  }
0xc3: {  	s5 =	sadd.s32 $0x730, s1;
	v4 =	vmov s4;
	v3 =	vmul.u32 $0x3E8, v3;
	[tilespmem:$0x1FD80] =	vst v1;
	v1 =	vadd.s32 v22, v2  }
0xc4: {  	v4 =	vmul.u32 $0x3E8, v4;
	v5 =	vmov s5;
	v0 =	vadd.s32 v22, v0;
	[tilespmem:$0x1FD90] =	vst v1  }
0xc5: {  	v1 =	vmul.u32 $0x3E8, v5;
	[tilespmem:$0x1FDA0] =	vst v0;
	v0 =	vbroadcast v3, $0x0  }
0xc6: {  	s6 =	sadd.s32 $0x740, s1;
	v2 =	vbroadcast v4, $0x0  }
0xc7: {  	s7 =	sadd.s32 $0x750, s1;
	v3 =	vmov s6;
	v1 =	vbroadcast v1, $0x0;
	v0 =	vadd.s32 v22, v0  }
0xc8: {  	s8 =	sadd.s32 $0x760, s1;
	v4 =	vmov s7;
	v3 =	vmul.u32 $0x3E8, v3;
	[tilespmem:$0x1FDB0] =	vst v0;
	v0 =	vadd.s32 v22, v2  }
0xc9: {  	v4 =	vmul.u32 $0x3E8, v4;
	v5 =	vmov s8;
	[tilespmem:$0x1FDC0] =	vst v0;
	v1 =	vadd.s32 v22, v1  }
0xca: {  	v0 =	vmul.u32 $0x3E8, v5;
	[tilespmem:$0x1FDD0] =	vst v1;
	v1 =	vbroadcast v3, $0x0  }
0xcb: {  	s9 =	sadd.s32 $0x770, s1;
	v2 =	vbroadcast v4, $0x0  }
0xcc: {  	s10 =	sadd.s32 $0x780, s1;
	v3 =	vmov s9;
	v0 =	vbroadcast v0, $0x0;
	v1 =	vadd.s32 v22, v1  }
0xcd: {  	s11 =	sadd.s32 $0x790, s1;
	v4 =	vmov s10;
	v3 =	vmul.u32 $0x3E8, v3;
	[tilespmem:$0x1FDE0] =	vst v1;
	v1 =	vadd.s32 v22, v2  }
0xce: {  	v4 =	vmul.u32 $0x3E8, v4;
	v5 =	vmov s11;
	v0 =	vadd.s32 v22, v0;
	[tilespmem:$0x1FDF0] =	vst v1  }
0xcf: {  	v1 =	vmul.u32 $0x3E8, v5;
	[tilespmem:$0x1FE00] =	vst v0;
	v0 =	vbroadcast v3, $0x0  }
0xd0: {  	s12 =	sadd.s32 $0x7A0, s1;
	v2 =	vbroadcast v4, $0x0  }
0xd1: {  	s13 =	sadd.s32 $0x7B0, s1;
	v3 =	vmov s12;
	v1 =	vbroadcast v1, $0x0;
	v0 =	vadd.s32 v22, v0  }
0xd2: {  	s14 =	sadd.s32 $0x7C0, s1;
	v4 =	vmov s13;
	v3 =	vmul.u32 $0x3E8, v3;
	[tilespmem:$0x1FE10] =	vst v0;
	v0 =	vadd.s32 v22, v2  }
0xd3: {  	v4 =	vmul.u32 $0x3E8, v4;
	v5 =	vmov s14;
	[tilespmem:$0x1FE20] =	vst v0;
	v1 =	vadd.s32 v22, v1  }
0xd4: {  	v0 =	vmul.u32 $0x3E8, v5;
	[tilespmem:$0x1FE30] =	vst v1;
	v1 =	vbroadcast v3, $0x0  }
0xd5: {  	s15 =	sadd.s32 $0x7D0, s1;
	v2 =	vbroadcast v4, $0x0  }
0xd6: {  	s16 =	sadd.s32 $0x7E0, s1;
	v3 =	vmov s15;
	v0 =	vbroadcast v0, $0x0;
	v1 =	vadd.s32 v22, v1  }
0xd7: {  	s17 =	sadd.s32 $0x7F0, s1;
	v4 =	vmov s16;
	v3 =	vmul.u32 $0x3E8, v3;
	[tilespmem:$0x1FE40] =	vst v1;
	v1 =	vadd.s32 v22, v2  }
0xd8: {  	v4 =	vmul.u32 $0x3E8, v4;
	v5 =	vmov s17;
	v0 =	vadd.s32 v22, v0;
	[tilespmem:$0x1FE50] =	vst v1  }
0xd9: {  	v1 =	vmul.u32 $0x3E8, v5;
	[tilespmem:$0x1FE60] =	vst v0;
	v0 =	vbroadcast v3, $0x0  }
0xda: {  	s18 =	sadd.s32 $0x800, s1;
	v2 =	vbroadcast v4, $0x0  }
0xdb: {  	s19 =	sadd.s32 $0x810, s1;
	v3 =	vmov s18;
	v1 =	vbroadcast v1, $0x0;
	v0 =	vadd.s32 v22, v0  }
0xdc: {  	s20 =	sadd.s32 $0x820, s1;
	v4 =	vmov s19;
	v3 =	vmul.u32 $0x3E8, v3;
	[tilespmem:$0x1FE70] =	vst v0;
	v0 =	vadd.s32 v22, v2  }
0xdd: {  	v4 =	vmul.u32 $0x3E8, v4;
	v5 =	vmov s20;
	[tilespmem:$0x1FE80] =	vst v0;
	v1 =	vadd.s32 v22, v1  }
0xde: {  	v0 =	vmul.u32 $0x3E8, v5;
	[tilespmem:$0x1FE90] =	vst v1;
	v1 =	vbroadcast v3, $0x0  }
0xdf: {  	s21 =	sadd.s32 $0x830, s1;
	v2 =	vbroadcast v4, $0x0  }
0xe0: {  	s22 =	sadd.s32 $0x840, s1;
	v3 =	vmov s21;
	v0 =	vbroadcast v0, $0x0;
	v1 =	vadd.s32 v22, v1  }
0xe1: {  	s23 =	sadd.s32 $0x850, s1;
	v4 =	vmov s22;
	v3 =	vmul.u32 $0x3E8, v3;
	[tilespmem:$0x1FEA0] =	vst v1;
	v1 =	vadd.s32 v22, v2  }
0xe2: {  	v4 =	vmul.u32 $0x3E8, v4;
	v5 =	vmov s23;
	v0 =	vadd.s32 v22, v0;
	[tilespmem:$0x1FEB0] =	vst v1  }
0xe3: {  	v1 =	vmul.u32 $0x3E8, v5;
	[tilespmem:$0x1FEC0] =	vst v0;
	v0 =	vbroadcast v3, $0x0  }
0xe4: {  	s24 =	sadd.s32 $0x860, s1;
	v2 =	vbroadcast v4, $0x0  }
0xe5: {  	s25 =	sadd.s32 $0x870, s1;
	v3 =	vmov s24;
	v1 =	vbroadcast v1, $0x0;
	v0 =	vadd.s32 v22, v0  }
0xe6: {  	s26 =	sadd.s32 $0x880, s1;
	v4 =	vmov s25;
	v3 =	vmul.u32 $0x3E8, v3;
	[tilespmem:$0x1FED0] =	vst v0;
	v0 =	vadd.s32 v22, v2  }
0xe7: {  	v4 =	vmul.u32 $0x3E8, v4;
	v5 =	vmov s26;
	[tilespmem:$0x1FEE0] =	vst v0;
	v1 =	vadd.s32 v22, v1  }
0xe8: {  	v0 =	vmul.u32 $0x3E8, v5;
	[tilespmem:$0x1FEF0] =	vst v1;
	v1 =	vbroadcast v3, $0x0  }
0xe9: {  	s3 =	sadd.s32 $0x890, s1;
	v2 =	vbroadcast v4, $0x0  }
0xea: {  	s4 =	sadd.s32 $0x8A0, s1;
	v3 =	vmov s3;
	v0 =	vbroadcast v0, $0x0;
	v1 =	vadd.s32 v22, v1  }
0xeb: {  	s5 =	sadd.s32 $0x8B0, s1;
	v4 =	vmov s4;
	v3 =	vmul.u32 $0x3E8, v3;
	[tilespmem:$0x1FF00] =	vst v1;
	v1 =	vadd.s32 v22, v2  }
0xec: {  	v4 =	vmul.u32 $0x3E8, v4;
	v5 =	vmov s5;
	v0 =	vadd.s32 v22, v0;
	[tilespmem:$0x1FF10] =	vst v1  }
0xed: {  	v1 =	vmul.u32 $0x3E8, v5;
	[tilespmem:$0x1FF20] =	vst v0;
	v0 =	vbroadcast v3, $0x0  }
0xee: {  	s6 =	sadd.s32 $0x8C0, s1;
	v2 =	vbroadcast v4, $0x0  }
0xef: {  	s7 =	sadd.s32 $0x8D0, s1;
	v3 =	vmov s6;
	v1 =	vbroadcast v1, $0x0;
	v0 =	vadd.s32 v22, v0  }
0xf0: {  	s8 =	sadd.s32 $0x8E0, s1;
	v4 =	vmov s7;
	v3 =	vmul.u32 $0x3E8, v3;
	[tilespmem:$0x1FF30] =	vst v0;
	v0 =	vadd.s32 v22, v2  }
0xf1: {  	v4 =	vmul.u32 $0x3E8, v4;
	v5 =	vmov s8;
	[tilespmem:$0x1FF40] =	vst v0;
	v1 =	vadd.s32 v22, v1  }
0xf2: {  	v0 =	vmul.u32 $0x3E8, v5;
	[tilespmem:$0x1FF50] =	vst v1;
	v1 =	vbroadcast v3, $0x0  }
0xf3: {  	s9 =	sadd.s32 $0x8F0, s1;
	v2 =	vbroadcast v4, $0x0  }
0xf4: {  	s10 =	sadd.s32 $0x900, s1;
	v3 =	vmov s9;
	v0 =	vbroadcast v0, $0x0;
	v1 =	vadd.s32 v22, v1  }
0xf5: {  	s11 =	sadd.s32 $0x910, s1;
	v4 =	vmov s10;
	v3 =	vmul.u32 $0x3E8, v3;
	[tilespmem:$0x1FF60] =	vst v1;
	v1 =	vadd.s32 v22, v2  }
0xf6: {  	v4 =	vmul.u32 $0x3E8, v4;
	v5 =	vmov s11;
	v0 =	vadd.s32 v22, v0;
	[tilespmem:$0x1FF70] =	vst v1  }
0xf7: {  	s13 =	sadd.s32 $0x930, s1;
	s12 =	sadd.s32 $0x920, s1;
	v1 =	vmul.u32 $0x3E8, v5;
	[tilespmem:$0x1FF80] =	vst v0;
	v0 =	vbroadcast v3, $0x0  }
0xf8: {  	v2 =	vbroadcast v4, $0x0;
	v4 =	vmov s13;
	v3 =	vmov s12  }
0xf9: {  	v4 =	vmul.u32 $0x3E8, v4;
	v1 =	vbroadcast v1, $0x0;
	v0 =	vadd.s32 v22, v0  }
0xfa: {  	s14 =	sadd.s32 $0x940, s1;
	v3 =	vmul.u32 $0x3E8, v3;
	[tilespmem:$0x1FF90] =	vst v0;
	v0 =	vadd.s32 v22, v2  }
0xfb: {  	s16 =	sadd.s32 $0x960, s1;
	v5 =	vmov s14;
	v2 =	vbroadcast v4, $0x0;
	[tilespmem:$0x1FFA0] =	vst v0;
	v1 =	vadd.s32 v22, v1  }
0xfc: {  	v4 =	vmov s16;
	v0 =	vmul.u32 $0x3E8, v5;
	[tilespmem:$0x1FFB0] =	vst v1;
	v1 =	vbroadcast v3, $0x0  }
0xfd: {  	s15 =	sadd.s32 $0x950, s1;
	v4 =	vmul.u32 $0x3E8, v4  }
0xfe: {  	v3 =	vmov s15;
	v0 =	vbroadcast v0, $0x0;
	v1 =	vadd.s32 v22, v1  }
0xff: {  	s17 =	sadd.s32 $0x970, s1;
	v3 =	vmul.u32 $0x3E8, v3;
	[tilespmem:$0x1FFC0] =	vst v1;
	v1 =	vadd.s32 v22, v2  }
0x100: {  	s19 =	sadd.s32 $0x990, s1;
	v5 =	vmov s17;
	v0 =	vadd.s32 v22, v0;
	v2 =	vbroadcast v4, $0x0;
	[tilespmem:$0x1FFD0] =	vst v1  }
0x101: {  	s18 =	sadd.s32 $0x980, s1;
	s20 =	sadd.s32 $0x9A0, s1;
	v4 =	vmov s19;
	v1 =	vmul.u32 $0x3E8, v5;
	[tilespmem:$0x1FFE0] =	vst v0;
	v0 =	vbroadcast v3, $0x0  }
0x102: {  	v3 =	vmov s18;
	v4 =	vmul.u32 $0x3E8, v4;
	v5 =	vmov s20  }
0x103: {  	s22 =	sadd.s32 $0x9C0, s1;
	v3 =	vmul.u32 $0x3E8, v3;
	v23 =	vadd.s32 v22, v2;
	v1 =	vbroadcast v1, $0x0  }
0x104: {  	v0 =	vadd.s32 v22, v0;
	v2 =	vbroadcast v4, $0x0;
	v4 =	vmov s22  }
0x105: {  	s23 =	sadd.s32 $0x9D0, s1;
	[tilespmem:$0x1FFF0] =	vst v0;
	v0 =	vmul.u32 $0x3E8, v5;
	v4 =	vmul.u32 $0x3E8, v4  }
0x106: {  	s21 =	sadd.s32 $0x9B0, s1;
	v5 =	vmov s23;
	v24 =	vadd.s32 v22, v1;
	v1 =	vbroadcast v3, $0x0  }
0x107: {  	s25 =	sadd.s32 $0x9F0, s1;
	v3 =	vmov s21;
	v26 =	vadd.s32 v22, v2;
	v0 =	vbroadcast v0, $0x0  }
0x108: {  	v3 =	vmul.u32 $0x3E8, v3;
	v2 =	vbroadcast v4, $0x0;
	v4 =	vmov s25  }
0x109: {  	s26 =	sadd.s32 $0xA00, s1;
	v25 =	vadd.s32 v22, v1;
	v1 =	vmul.u32 $0x3E8, v5;
	v4 =	vmul.u32 $0x3E8, v4  }
0x10a: {  	s24 =	sadd.s32 $0x9E0, s1;
	v5 =	vmov s26;
	v27 =	vadd.s32 v22, v0;
	v0 =	vbroadcast v3, $0x0  }
0x10b: {  	s4 =	sadd.s32 $0xA20, s1;
	v3 =	vmov s24;
	v29 =	vadd.s32 v22, v2;
	v1 =	vbroadcast v1, $0x0  }
0x10c: {  	v3 =	vmul.u32 $0x3E8, v3;
	v2 =	vbroadcast v4, $0x0;
	v4 =	vmov s4  }
0x10d: {  	s5 =	sadd.s32 $0xA30, s1;
	v28 =	vadd.s32 v22, v0;
	v0 =	vmul.u32 $0x3E8, v5;
	v4 =	vmul.u32 $0x3E8, v4  }
0x10e: {  	s3 =	sadd.s32 $0xA10, s1;
	v5 =	vmov s5;
	v30 =	vadd.s32 v22, v1;
	v1 =	vbroadcast v3, $0x0  }
0x10f: {  	s7 =	sadd.s32 $0xA50, s1;
	v3 =	vmov s3;
	v32 =	vadd.s32 v22, v2;
	v0 =	vbroadcast v0, $0x0  }
0x110: {  	v3 =	vmul.u32 $0x3E8, v3;
	v2 =	vbroadcast v4, $0x0;
	v4 =	vmov s7  }
0x111: {  	s8 =	sadd.s32 $0xA60, s1;
	v31 =	vadd.s32 v22, v1;
	v1 =	vmul.u32 $0x3E8, v5;
	v4 =	vmul.u32 $0x3E8, v4  }
0x112: {  	s6 =	sadd.s32 $0xA40, s1;
	v5 =	vmov s8;
	v33 =	vadd.s32 v22, v0;
	v0 =	vbroadcast v3, $0x0  }
0x113: {  	s10 =	sadd.s32 $0xA80, s1;
	v3 =	vmov s6;
	v35 =	vadd.s32 v22, v2;
	v1 =	vbroadcast v1, $0x0  }
0x114: {  	v3 =	vmul.u32 $0x3E8, v3;
	v2 =	vbroadcast v4, $0x0;
	v4 =	vmov s10  }
0x115: {  	s11 =	sadd.s32 $0xA90, s1;
	v34 =	vadd.s32 v22, v0;
	v0 =	vmul.u32 $0x3E8, v5;
	v4 =	vmul.u32 $0x3E8, v4  }
0x116: {  	s9 =	sadd.s32 $0xA70, s1;
	v5 =	vmov s11;
	v36 =	vadd.s32 v22, v1;
	v1 =	vbroadcast v3, $0x0  }
0x117: {  	s13 =	sadd.s32 $0xAB0, s1;
	v3 =	vmov s9;
	v38 =	vadd.s32 v22, v2;
	v0 =	vbroadcast v0, $0x0  }
0x118: {  	v3 =	vmul.u32 $0x3E8, v3;
	v2 =	vbroadcast v4, $0x0;
	v4 =	vmov s13  }
0x119: {  	s14 =	sadd.s32 $0xAC0, s1;
	v37 =	vadd.s32 v22, v1;
	v1 =	vmul.u32 $0x3E8, v5;
	v4 =	vmul.u32 $0x3E8, v4  }
0x11a: {  	s12 =	sadd.s32 $0xAA0, s1;
	v5 =	vmov s14;
	v39 =	vadd.s32 v22, v0;
	v0 =	vbroadcast v3, $0x0  }
0x11b: {  	s16 =	sadd.s32 $0xAE0, s1;
	v3 =	vmov s12;
	v41 =	vadd.s32 v22, v2;
	v1 =	vbroadcast v1, $0x0  }
0x11c: {  	v3 =	vmul.u32 $0x3E8, v3;
	v2 =	vbroadcast v4, $0x0;
	v4 =	vmov s16  }
0x11d: {  	s17 =	sadd.s32 $0xAF0, s1;
	v40 =	vadd.s32 v22, v0;
	v0 =	vmul.u32 $0x3E8, v5;
	v4 =	vmul.u32 $0x3E8, v4  }
0x11e: {  	s15 =	sadd.s32 $0xAD0, s1;
	v5 =	vmov s17;
	v42 =	vadd.s32 v22, v1;
	v1 =	vbroadcast v3, $0x0  }
0x11f: {  	s19 =	sadd.s32 $0xB10, s1;
	s9 =	rddreg [dreg:$0x0];
	s14 =	sshrl.u32 s1, $0x3;
	v3 =	vmov s15;
	v44 =	vadd.s32 v22, v2;
	v0 =	vbroadcast v0, $0x0  }
0x120: {  	s15 =	sadd.s32 s14, s9;
	s14 =	sadd.s32 $0xCD0, s1;
	v3 =	vmul.u32 $0x3E8, v3;
	v2 =	vbroadcast v4, $0x0;
	v4 =	vmov s19  }
0x121: {  	s20 =	sadd.s32 $0xB20, s1;
	s19 =	sadd.s32 $0xC70, s1;
	v14 =	vmov s14;
	v43 =	vadd.s32 v22, v1;
	v1 =	vmul.u32 $0x3E8, v5  }
0x122: {  	v4 =	vmul.u32 $0x3E8, v4;
	v5 =	vmov s20;
	v8 =	vmov s19  }
0x123: {  	s18 =	sadd.s32 $0xB00, s1;
	v14 =	vmul.u32 $0x3E8, v14;
	v45 =	vadd.s32 v22, v0;
	v0 =	vbroadcast v3, $0x0  }
0x124: {  	s20 =	sadd.s32 $0xC80, s1;
	v3 =	vmov s18;
	v47 =	vadd.s32 v22, v2;
	v8 =	vmul.u32 $0x3E8, v8  }
0x125: {  	s22 =	sadd.s32 $0xB40, s1;
	v9 =	vmov s20;
	v1 =	vbroadcast v1, $0x0;
	v3 =	vmul.u32 $0x3E8, v3  }
0x126: {  	v2 =	vbroadcast v4, $0x0;
	v4 =	vmov s22;
	v9 =	vmul.u32 $0x3E8, v9  }
0x127: {  	s23 =	sadd.s32 $0xB50, s1;
	v14 =	vbroadcast v14, $0x0;
	v46 =	vadd.s32 v22, v0;
	v0 =	vmul.u32 $0x3E8, v5  }
0x128: {  	s22 =	sadd.s32 $0xCA0, s1;
	v4 =	vmul.u32 $0x3E8, v4;
	v5 =	vmov s23;
	v8 =	vbroadcast v8, $0x0  }
0x129: {  	s21 =	sadd.s32 $0xB30, s1;
	v11 =	vmov s22;
	v48 =	vadd.s32 v22, v1;
	v1 =	vbroadcast v3, $0x0  }
0x12a: {  	v3 =	vmov s21;
	v50 =	vadd.s32 v22, v2;
	v11 =	vmul.u32 $0x3E8, v11  }
0x12b: {  	s25 =	sadd.s32 $0xB70, s1;
	v9 =	vbroadcast v9, $0x0;
	v14 =	vadd.s32 v22, v14;
	v0 =	vbroadcast v0, $0x0  }
0x12c: {  	s21 =	sadd.s32 $0xC90, s1;
	v3 =	vmul.u32 $0x3E8, v3;
	v2 =	vbroadcast v4, $0x0;
	v4 =	vmov s25  }
0x12d: {  	s26 =	sadd.s32 $0xB80, s1;
	v10 =	vmov s21;
	v8 =	vadd.s32 v22, v8;
	v49 =	vadd.s32 v22, v1  }
0x12e: {  	v1 =	vmul.u32 $0x3E8, v5;
	v4 =	vmul.u32 $0x3E8, v4;
	v5 =	vmov s26  }
0x12f: {  	s24 =	sadd.s32 $0xB60, s1;
	v10 =	vmul.u32 $0x3E8, v10;
	v11 =	vbroadcast v11, $0x0;
	v9 =	vadd.s32 v22, v9  }
0x130: {  	v51 =	vadd.s32 v22, v0;
	v0 =	vbroadcast v3, $0x0;
	v3 =	vmov s24  }
0x131: {  	s4 =	sadd.s32 $0xBA0, s1;
	v53 =	vadd.s32 v22, v2;
	v1 =	vbroadcast v1, $0x0;
	v3 =	vmul.u32 $0x3E8, v3  }
0x132: {  	v2 =	vbroadcast v4, $0x0;
	v4 =	vmov s4;
	v10 =	vbroadcast v10, $0x0  }
0x133: {  	s5 =	sadd.s32 $0xBB0, s1;
	v11 =	vadd.s32 v22, v11;
	v52 =	vadd.s32 v22, v0;
	v0 =	vmul.u32 $0x3E8, v5  }
0x134: {  	s3 =	sadd.s32 $0xB90, s1;
	v4 =	vmul.u32 $0x3E8, v4;
	v5 =	vmov s5;
	v54 =	vadd.s32 v22, v1  }
0x135: {  	s4 =	simm.s32 $0x0;
	s5 =	rddreg [dreg:$0x1];
	v1 =	vbroadcast v3, $0x0;
	v3 =	vmov s3;
	v56 =	vadd.s32 v22, v2  }
0x136: {  	s7 =	sadd.s32 $0xBD0, s1;
	s8 =	sadd.s32 $0xBE0, s1;
	[smem:$0x7FF] =	sst s4;
	v10 =	vadd.s32 v22, v10;
	v0 =	vbroadcast v0, $0x0;
	v3 =	vmul.u32 $0x3E8, v3  }
0x137: {  	s18 =	sadd.s32 $0xCB2E00, s15;
	[dreg:$0x3] =	wrdreg s5;
	v2 =	vbroadcast v4, $0x0;
	v4 =	vmov s7;
	s7 =	sadd.s32 $0xC40, s1;
	v55 =	vadd.s32 v22, v1  }
0x138: {  	_ =	strace $0x8000004A;
	[dreg:$0x4] =	wrdreg s18;
	s18 =	sadd.s32 $0xCF0, s1;
	v1 =	vmul.u32 $0x3E8, v5;
	v4 =	vmul.u32 $0x3E8, v4;
	v5 =	vmov s8  }
0x139: {  	s6 =	sadd.s32 $0xBC0, s1;
	v6 =	vmov s7;
	v16 =	vmov s18;
	v57 =	vadd.s32 v22, v0  }
0x13a: {  	s8 =	sadd.s32 $0xC60, s1;
	v0 =	vbroadcast v3, $0x0;
	v3 =	vmov s6;
	v59 =	vadd.s32 v22, v2  }
0x13b: {  	v6 =	vmul.u32 $0x3E8, v6;
	v7 =	vmov s8;
	v16 =	vmul.u32 $0x3E8, v16  }
0x13c: {  	s11 =	sadd.s32 $0xC00, s1;
	v1 =	vbroadcast v1, $0x0;
	v3 =	vmul.u32 $0x3E8, v3;
	v2 =	vbroadcast v4, $0x0  }
0x13d: {  	s6 =	sadd.s32 $0xC10, s1;
	v4 =	vmov s11;
	v7 =	vmul.u32 $0x3E8, v7;
	v58 =	vadd.s32 v22, v0  }
0x13e: {  	s11 =	sadd.s32 $0xCB0, s1;
	v0 =	vmul.u32 $0x3E8, v5;
	v4 =	vmul.u32 $0x3E8, v4;
	v5 =	vmov s6  }
0x13f: {  	s28 =	simm.s32 $0x1800;
	s29 =	simm.s32 $0x1880;
	s10 =	sadd.s32 $0xBF0, s1;
	v12 =	vmov s11;
	v16 =	vbroadcast v16, $0x0;
	v60 =	vadd.s32 v22, v1  }
0x140: {  	s30 =	simm.s32 $0x1900;
	s31 =	simm.s32 $0x1980;
	s16 =	ssub.s32 $0x2, s2;
	v1 =	vbroadcast v3, $0x0;
	v3 =	vmov s10;
	v62 =	vadd.s32 v22, v2  }
0x141: {  	s13 =	sadd.s32 $0xC30, s1;
	s12 =	sadd.s32 $0xC20, s1;
	s2 =	sshrl.u32 s16, $0x1;
	v7 =	vbroadcast v7, $0x0;
	v12 =	vmul.u32 $0x3E8, v12;
	v0 =	vbroadcast v0, $0x0  }
0x142: {  	s17 =	sadd.s32 $0xC50, s1;
	s0 =	ssub.s32 s16, s2;
	s2 =	simm.s32 $0x2;
	v3 =	vmul.u32 $0x3E8, v3;
	v61 =	vadd.s32 v22, v1;
	v1 =	vmul.u32 $0x3E8, v5  }
0x143: {  	s16 =	simm.s32 $0x1280;
	s14 =	simm.s32 $0x1180;
	s19 =	simm.s32 $0x1400;
	v2 =	vbroadcast v4, $0x0;
	v4 =	vmov s13;
	v63 =	vadd.s32 v22, v0  }
0x144: {  	s15 =	simm.s32 $0x1200;
	s20 =	simm.s32 $0x1480;
	s23 =	simm.s32 $0x1D80;
	v0 =	vbroadcast v3, $0x0;
	v3 =	vbroadcast v1, $0x0;
	v1 =	vmov s12  }
0x145: {  	s22 =	simm.s32 $0x1580;
	s25 =	simm.s32 $0xD80;
	v4 =	vmul.u32 $0x3E8, v4;
	v7 =	vadd.s32 v22, v7;
	s12 =	sadd.s32 $0xCC0, s1;
	v5 =	vmul.u32 $0x3E8, v1  }
0x146: {  	s21 =	simm.s32 $0x1500;
	s24 =	simm.s32 $0xD00;
	[dreg:$0x5] =	wrdreg s23;
	v1 =	vadd.s32 v22, v2;
	v13 =	vmov s12;
	v2 =	vadd.s32 v22, v3  }
0x147: {  	s26 =	simm.s32 $0xE00;
	[dreg:$0x6] =	wrdreg s24;
	v3 =	vbroadcast v5, $0x0;
	v5 =	vbroadcast v6, $0x0;
	v6 =	vmov s17;
	s17 =	sadd.s32 $0xCE0, s1  }
0x148: {  	s5 =	sadd.s32 $0xE00, s9;
	s9 =	simm.s32 $0xF00;
	[dreg:$0x7] =	wrdreg s25;
	v12 =	vbroadcast v12, $0x0;
	v13 =	vmul.u32 $0x3E8, v13;
	v15 =	vmov s17  }
0x149: {  	[dreg:$0x8] =	wrdreg s26;
	s23 =	simm.s32 $0x1600;
	s24 =	simm.s32 $0x1680;
	v4 =	vbroadcast v4, $0x0;
	v6 =	vmul.u32 $0x3E8, v6;
	v15 =	vmul.u32 $0x3E8, v15  }
0x14a: {  	s25 =	simm.s32 $0x1700;
	s26 =	simm.s32 $0x1780;
	s7 =	simm.s32 $0x1D00;
	v12 =	vadd.s32 v22, v12;
	v0 =	vadd.s32 v22, v0;
	v13 =	vbroadcast v13, $0x0  }
0x14b: {  	s18 =	simm.s32 $0x1380;
	s6 =	simm.s32 $0x80;
	s11 =	simm.s32 $0x1000;
	v4 =	vadd.s32 v22, v4;
	v6 =	vbroadcast v6, $0x0;
	v15 =	vbroadcast v15, $0x0  }
0x14c: {  	s10 =	simm.s32 $0xF80;
	s13 =	simm.s32 $0x1100;
	s12 =	simm.s32 $0x1080;
	v3 =	vadd.s32 v22, v3;
	v5 =	vadd.s32 v22, v5;
	v13 =	vadd.s32 v22, v13  }
0x14d: {  	s1 =	smax.u32 s0, $0x1;
	s0 =	simm.s32 $0x1;
	s17 =	simm.s32 $0x1300;
	v6 =	vadd.s32 v22, v6;
	v15 =	vadd.s32 v22, v15;
	v22 =	vadd.s32 v22, v16  }
.LBB2_1:
0x14e: {  	s3 =	rddreg [dreg:$0x4]  }
0x14f: {  	[tilespmem:s4], [sflag:$0x2] =	stream.linear.gather [hbm4b:s3+s4], $0xD00, $0x38;
	[tilespmem:$0x1E00] =	vst v63  }
0x150: {  	_ =	swait.ge [sflag:s2], $0xD00  }
0x151: {  	s3 =	rddreg [dreg:$0x3];
	[sflag:s2] =	ssyncset.done $0x0  }
0x152: {  	s8 =	rddreg [dreg:$0x5];
	[sflag:s2] =	ssyncadd.s32 $0xFFFFF300  }
0x153: {  	[tilespmem:s8], [sflag:$0x2] =	stream.linear.gather [hbm4b:s3+s4], $0x80, $0x38;
	[tilespmem:$0x1E00] =	vst v63  }
0x154: {  	_ =	swait.ge [sflag:s2], $0x80  }
0x155: {  	[sflag:s2] =	ssyncset.done $0x0  }
0x156: {  	[sflag:s2] =	ssyncadd.s32 $0xFFFFFF80  }
0x157: {  	v16 =	vld [tilespmem:$0x1D80];
	_ =	sdelay $0x4  }
0x158: {  	[tilespmem:$0x1D00] =	vst v16  }
0x159: {  	[tilespmem:$0x1D10] =	vst v16  }
0x15a: {  	[tilespmem:$0x1D20] =	vst v16  }
0x15b: {  	[tilespmem:$0x1D30] =	vst v16  }
0x15c: {  	[tilespmem:$0x1D40] =	vst v16  }
0x15d: {  	[tilespmem:$0x1D50] =	vst v16  }
0x15e: {  	v17 =	vld [tilespmem:$0x0];
	[tilespmem:$0x1D60] =	vst v16  }
0x15f: {  	[tilespmem:$0x1D70] =	vst v16;
	v16 =	vld [tilespmem:$0x1F6A0];
	_ =	sdelay $0x4  }
0x160: {  	v18 =	vld [tilespmem:$0x10];
	v16 =	vadd.s32 v17, v16  }
0x161: {  	[tilespmem:$0xD00] =	vst v16;
	v16 =	vld [tilespmem:$0x1F6B0];
	_ =	sdelay $0x4  }
0x162: {  	v19 =	vld [tilespmem:$0x20];
	v16 =	vadd.s32 v18, v16  }
0x163: {  	[tilespmem:$0xD10] =	vst v16;
	v16 =	vld [tilespmem:$0x1F6C0];
	_ =	sdelay $0x4  }
0x164: {  	v20 =	vld [tilespmem:$0x30];
	v16 =	vadd.s32 v19, v16  }
0x165: {  	[tilespmem:$0xD20] =	vst v16;
	v16 =	vld [tilespmem:$0x1F6D0];
	_ =	sdelay $0x4  }
0x166: {  	v21 =	vld [tilespmem:$0x40];
	v16 =	vadd.s32 v20, v16  }
0x167: {  	[tilespmem:$0xD30] =	vst v16;
	v16 =	vld [tilespmem:$0x1F6E0];
	_ =	sdelay $0x4  }
0x168: {  	v17 =	vld [tilespmem:$0x50];
	v16 =	vadd.s32 v21, v16  }
0x169: {  	[tilespmem:$0xD40] =	vst v16;
	v16 =	vld [tilespmem:$0x1F6F0];
	_ =	sdelay $0x4  }
0x16a: {  	v18 =	vld [tilespmem:$0x60];
	v16 =	vadd.s32 v17, v16  }
0x16b: {  	[tilespmem:$0xD50] =	vst v16;
	v16 =	vld [tilespmem:$0x1F700];
	_ =	sdelay $0x4  }
0x16c: {  	v19 =	vld [tilespmem:$0x70];
	v16 =	vadd.s32 v18, v16  }
0x16d: {  	[tilespmem:$0xD60] =	vst v16;
	v16 =	vld [tilespmem:$0x1F710];
	_ =	sdelay $0x4  }
0x16e: {  	v20 =	vld [tilespmem:$0x80];
	v16 =	vadd.s32 v19, v16  }
0x16f: {  	[tilespmem:$0xD70] =	vst v16;
	v16 =	vld [tilespmem:$0x1F720];
	_ =	sdelay $0x4  }
0x170: {  	v21 =	vld [tilespmem:$0x90];
	v16 =	vadd.s32 v20, v16  }
0x171: {  	[tilespmem:$0xD80] =	vst v16;
	v16 =	vld [tilespmem:$0x1F730];
	_ =	sdelay $0x4  }
0x172: {  	v17 =	vld [tilespmem:$0xA0];
	v16 =	vadd.s32 v21, v16  }
0x173: {  	[tilespmem:$0xD90] =	vst v16;
	v16 =	vld [tilespmem:$0x1F740];
	_ =	sdelay $0x4  }
0x174: {  	v18 =	vld [tilespmem:$0xB0];
	v16 =	vadd.s32 v17, v16  }
0x175: {  	[tilespmem:$0xDA0] =	vst v16;
	v16 =	vld [tilespmem:$0x1F750];
	_ =	sdelay $0x4  }
0x176: {  	v19 =	vld [tilespmem:$0xC0];
	v16 =	vadd.s32 v18, v16  }
0x177: {  	[tilespmem:$0xDB0] =	vst v16;
	v16 =	vld [tilespmem:$0x1F760];
	_ =	sdelay $0x4  }
0x178: {  	v20 =	vld [tilespmem:$0xD0];
	v16 =	vadd.s32 v19, v16  }
0x179: {  	[tilespmem:$0xDC0] =	vst v16;
	v16 =	vld [tilespmem:$0x1F770];
	_ =	sdelay $0x4  }
0x17a: {  	v21 =	vld [tilespmem:$0xE0];
	v16 =	vadd.s32 v20, v16  }
0x17b: {  	[tilespmem:$0xDD0] =	vst v16;
	v16 =	vld [tilespmem:$0x1F780];
	_ =	sdelay $0x4  }
0x17c: {  	v17 =	vld [tilespmem:$0xF0];
	v16 =	vadd.s32 v21, v16  }
0x17d: {  	[tilespmem:$0xDE0] =	vst v16;
	v16 =	vld [tilespmem:$0x1F790];
	_ =	sdelay $0x4  }
0x17e: {  	v18 =	vld [tilespmem:$0x100];
	v16 =	vadd.s32 v17, v16  }
0x17f: {  	[tilespmem:$0xDF0] =	vst v16;
	v16 =	vld [tilespmem:$0x1F7A0];
	_ =	sdelay $0x4  }
0x180: {  	v19 =	vld [tilespmem:$0x110];
	v16 =	vadd.s32 v18, v16  }
0x181: {  	[tilespmem:$0xE00] =	vst v16;
	v16 =	vld [tilespmem:$0x1F7B0];
	_ =	sdelay $0x4  }
0x182: {  	v20 =	vld [tilespmem:$0x120];
	v16 =	vadd.s32 v19, v16  }
0x183: {  	[tilespmem:$0xE10] =	vst v16;
	v16 =	vld [tilespmem:$0x1F7C0];
	_ =	sdelay $0x4  }
0x184: {  	v21 =	vld [tilespmem:$0x130];
	v16 =	vadd.s32 v20, v16  }
0x185: {  	[tilespmem:$0xE20] =	vst v16;
	v16 =	vld [tilespmem:$0x1F7D0];
	_ =	sdelay $0x4  }
0x186: {  	v17 =	vld [tilespmem:$0x140];
	v16 =	vadd.s32 v21, v16  }
0x187: {  	[tilespmem:$0xE30] =	vst v16;
	v16 =	vld [tilespmem:$0x1F7E0];
	_ =	sdelay $0x4  }
0x188: {  	v18 =	vld [tilespmem:$0x150];
	v16 =	vadd.s32 v17, v16  }
0x189: {  	[tilespmem:$0xE40] =	vst v16;
	v16 =	vld [tilespmem:$0x1F7F0];
	_ =	sdelay $0x4  }
0x18a: {  	v19 =	vld [tilespmem:$0x160];
	v16 =	vadd.s32 v18, v16  }
0x18b: {  	[tilespmem:$0xE50] =	vst v16;
	v16 =	vld [tilespmem:$0x1F800];
	_ =	sdelay $0x4  }
0x18c: {  	v20 =	vld [tilespmem:$0x170];
	v16 =	vadd.s32 v19, v16  }
0x18d: {  	[tilespmem:$0xE60] =	vst v16;
	v16 =	vld [tilespmem:$0x1F810];
	_ =	sdelay $0x4  }
0x18e: {  	v21 =	vld [tilespmem:$0x180];
	v16 =	vadd.s32 v20, v16  }
0x18f: {  	[tilespmem:$0xE70] =	vst v16;
	v16 =	vld [tilespmem:$0x1F820];
	_ =	sdelay $0x4  }
0x190: {  	v17 =	vld [tilespmem:$0x190];
	v16 =	vadd.s32 v21, v16  }
0x191: {  	[tilespmem:$0xE80] =	vst v16;
	v16 =	vld [tilespmem:$0x1F830];
	_ =	sdelay $0x4  }
0x192: {  	v18 =	vld [tilespmem:$0x1A0];
	v16 =	vadd.s32 v17, v16  }
0x193: {  	[tilespmem:$0xE90] =	vst v16;
	v16 =	vld [tilespmem:$0x1F840];
	_ =	sdelay $0x4  }
0x194: {  	v19 =	vld [tilespmem:$0x1B0];
	v16 =	vadd.s32 v18, v16  }
0x195: {  	[tilespmem:$0xEA0] =	vst v16;
	v16 =	vld [tilespmem:$0x1F850];
	_ =	sdelay $0x4  }
0x196: {  	v20 =	vld [tilespmem:$0x1C0];
	v16 =	vadd.s32 v19, v16  }
0x197: {  	[tilespmem:$0xEB0] =	vst v16;
	v16 =	vld [tilespmem:$0x1F860];
	_ =	sdelay $0x4  }
0x198: {  	v21 =	vld [tilespmem:$0x1D0];
	v16 =	vadd.s32 v20, v16  }
0x199: {  	[tilespmem:$0xEC0] =	vst v16;
	v16 =	vld [tilespmem:$0x1F870];
	_ =	sdelay $0x4  }
0x19a: {  	v17 =	vld [tilespmem:$0x1E0];
	v16 =	vadd.s32 v21, v16  }
0x19b: {  	[tilespmem:$0xED0] =	vst v16;
	v16 =	vld [tilespmem:$0x1F880];
	_ =	sdelay $0x4  }
0x19c: {  	v18 =	vld [tilespmem:$0x1F0];
	v16 =	vadd.s32 v17, v16  }
0x19d: {  	[tilespmem:$0xEE0] =	vst v16;
	v16 =	vld [tilespmem:$0x1F890];
	_ =	sdelay $0x4  }
0x19e: {  	v19 =	vld [tilespmem:$0x200];
	v16 =	vadd.s32 v18, v16  }
0x19f: {  	[tilespmem:$0xEF0] =	vst v16;
	v16 =	vld [tilespmem:$0x1F8A0];
	_ =	sdelay $0x4  }
0x1a0: {  	v20 =	vld [tilespmem:$0x210];
	v16 =	vadd.s32 v19, v16  }
0x1a1: {  	[tilespmem:$0xF00] =	vst v16;
	v16 =	vld [tilespmem:$0x1F8B0];
	_ =	sdelay $0x4  }
0x1a2: {  	v21 =	vld [tilespmem:$0x220];
	v16 =	vadd.s32 v20, v16  }
0x1a3: {  	[tilespmem:$0xF10] =	vst v16;
	v16 =	vld [tilespmem:$0x1F8C0];
	_ =	sdelay $0x4  }
0x1a4: {  	v17 =	vld [tilespmem:$0x230];
	v16 =	vadd.s32 v21, v16  }
0x1a5: {  	[tilespmem:$0xF20] =	vst v16;
	v16 =	vld [tilespmem:$0x1F8D0];
	_ =	sdelay $0x4  }
0x1a6: {  	v18 =	vld [tilespmem:$0x240];
	v16 =	vadd.s32 v17, v16  }
0x1a7: {  	[tilespmem:$0xF30] =	vst v16;
	v16 =	vld [tilespmem:$0x1F8E0];
	_ =	sdelay $0x4  }
0x1a8: {  	v19 =	vld [tilespmem:$0x250];
	v16 =	vadd.s32 v18, v16  }
0x1a9: {  	[tilespmem:$0xF40] =	vst v16;
	v16 =	vld [tilespmem:$0x1F8F0];
	_ =	sdelay $0x4  }
0x1aa: {  	v20 =	vld [tilespmem:$0x260];
	v16 =	vadd.s32 v19, v16  }
0x1ab: {  	[tilespmem:$0xF50] =	vst v16;
	v16 =	vld [tilespmem:$0x1F900];
	_ =	sdelay $0x4  }
0x1ac: {  	v21 =	vld [tilespmem:$0x270];
	v16 =	vadd.s32 v20, v16  }
0x1ad: {  	[tilespmem:$0xF60] =	vst v16;
	v16 =	vld [tilespmem:$0x1F910];
	_ =	sdelay $0x4  }
0x1ae: {  	v17 =	vld [tilespmem:$0x280];
	v16 =	vadd.s32 v21, v16  }
0x1af: {  	[tilespmem:$0xF70] =	vst v16;
	v16 =	vld [tilespmem:$0x1F920];
	_ =	sdelay $0x4  }
0x1b0: {  	v18 =	vld [tilespmem:$0x290];
	v16 =	vadd.s32 v17, v16  }
0x1b1: {  	[tilespmem:$0xF80] =	vst v16;
	v16 =	vld [tilespmem:$0x1F930];
	_ =	sdelay $0x4  }
0x1b2: {  	v19 =	vld [tilespmem:$0x2A0];
	v16 =	vadd.s32 v18, v16  }
0x1b3: {  	[tilespmem:$0xF90] =	vst v16;
	v16 =	vld [tilespmem:$0x1F940];
	_ =	sdelay $0x4  }
0x1b4: {  	v20 =	vld [tilespmem:$0x2B0];
	v16 =	vadd.s32 v19, v16  }
0x1b5: {  	[tilespmem:$0xFA0] =	vst v16;
	v16 =	vld [tilespmem:$0x1F950];
	_ =	sdelay $0x4  }
0x1b6: {  	v21 =	vld [tilespmem:$0x2C0];
	v16 =	vadd.s32 v20, v16  }
0x1b7: {  	[tilespmem:$0xFB0] =	vst v16;
	v16 =	vld [tilespmem:$0x1F960];
	_ =	sdelay $0x4  }
0x1b8: {  	v17 =	vld [tilespmem:$0x2D0];
	v16 =	vadd.s32 v21, v16  }
0x1b9: {  	[tilespmem:$0xFC0] =	vst v16;
	v16 =	vld [tilespmem:$0x1F970];
	_ =	sdelay $0x4  }
0x1ba: {  	v18 =	vld [tilespmem:$0x2E0];
	v16 =	vadd.s32 v17, v16  }
0x1bb: {  	[tilespmem:$0xFD0] =	vst v16;
	v16 =	vld [tilespmem:$0x1F980];
	_ =	sdelay $0x4  }
0x1bc: {  	v19 =	vld [tilespmem:$0x2F0];
	v16 =	vadd.s32 v18, v16  }
0x1bd: {  	[tilespmem:$0xFE0] =	vst v16;
	v16 =	vld [tilespmem:$0x1F990]  }
0x1be: {  	v20 =	vld [tilespmem:$0x300]  }
0x1bf: {  	v21 =	vld [tilespmem:$0x310]  }
0x1c0: {  	v17 =	vld [tilespmem:$0x320]  }
0x1c1: {  	v18 =	vld [tilespmem:$0x330]  }
0x1c2: {  	v16 =	vadd.s32 v19, v16;
	v19 =	vld [tilespmem:$0x340]  }
0x1c3: {  	[tilespmem:$0xFF0] =	vst v16;
	v16 =	vld [tilespmem:$0x1F9A0];
	_ =	sdelay $0x4  }
0x1c4: {  	v16 =	vadd.s32 v20, v16  }
0x1c5: {  	[tilespmem:$0x1000] =	vst v16;
	v16 =	vld [tilespmem:$0x1F9B0];
	_ =	sdelay $0x4  }
0x1c6: {  	v16 =	vadd.s32 v21, v16  }
0x1c7: {  	[tilespmem:$0x1010] =	vst v16;
	v16 =	vld [tilespmem:$0x1F9C0];
	_ =	sdelay $0x4  }
0x1c8: {  	v16 =	vadd.s32 v17, v16  }
0x1c9: {  	[tilespmem:$0x1020] =	vst v16;
	v16 =	vld [tilespmem:$0x1F9D0];
	_ =	sdelay $0x4  }
0x1ca: {  	v16 =	vadd.s32 v18, v16  }
0x1cb: {  	[tilespmem:$0x1030] =	vst v16;
	v16 =	vld [tilespmem:$0x1F9E0];
	_ =	sdelay $0x4  }
0x1cc: {  	v20 =	vld [tilespmem:$0x350];
	v16 =	vadd.s32 v19, v16  }
0x1cd: {  	[tilespmem:$0x1040] =	vst v16;
	v16 =	vld [tilespmem:$0x1F9F0];
	_ =	sdelay $0x4  }
0x1ce: {  	v21 =	vld [tilespmem:$0x360];
	v16 =	vadd.s32 v20, v16  }
0x1cf: {  	[tilespmem:$0x1050] =	vst v16;
	v16 =	vld [tilespmem:$0x1FA00];
	_ =	sdelay $0x4  }
0x1d0: {  	v17 =	vld [tilespmem:$0x370];
	v16 =	vadd.s32 v21, v16  }
0x1d1: {  	[tilespmem:$0x1060] =	vst v16;
	v16 =	vld [tilespmem:$0x1FA10];
	_ =	sdelay $0x4  }
0x1d2: {  	v18 =	vld [tilespmem:$0x380];
	v16 =	vadd.s32 v17, v16  }
0x1d3: {  	[tilespmem:$0x1070] =	vst v16;
	v16 =	vld [tilespmem:$0x1FA20];
	_ =	sdelay $0x4  }
0x1d4: {  	v19 =	vld [tilespmem:$0x390];
	v16 =	vadd.s32 v18, v16  }
0x1d5: {  	[tilespmem:$0x1080] =	vst v16;
	v16 =	vld [tilespmem:$0x1FA30];
	_ =	sdelay $0x4  }
0x1d6: {  	v20 =	vld [tilespmem:$0x3A0];
	v16 =	vadd.s32 v19, v16  }
0x1d7: {  	[tilespmem:$0x1090] =	vst v16;
	v16 =	vld [tilespmem:$0x1FA40];
	_ =	sdelay $0x4  }
0x1d8: {  	v21 =	vld [tilespmem:$0x3B0];
	v16 =	vadd.s32 v20, v16  }
0x1d9: {  	[tilespmem:$0x10A0] =	vst v16;
	v16 =	vld [tilespmem:$0x1FA50];
	_ =	sdelay $0x4  }
0x1da: {  	v17 =	vld [tilespmem:$0x3C0];
	v16 =	vadd.s32 v21, v16  }
0x1db: {  	[tilespmem:$0x10B0] =	vst v16;
	v16 =	vld [tilespmem:$0x1FA60];
	_ =	sdelay $0x4  }
0x1dc: {  	v18 =	vld [tilespmem:$0x3D0];
	v16 =	vadd.s32 v17, v16  }
0x1dd: {  	[tilespmem:$0x10C0] =	vst v16;
	v16 =	vld [tilespmem:$0x1FA70];
	_ =	sdelay $0x4  }
0x1de: {  	v19 =	vld [tilespmem:$0x3E0];
	v16 =	vadd.s32 v18, v16  }
0x1df: {  	[tilespmem:$0x10D0] =	vst v16;
	v16 =	vld [tilespmem:$0x1FA80];
	_ =	sdelay $0x4  }
0x1e0: {  	v20 =	vld [tilespmem:$0x3F0];
	v16 =	vadd.s32 v19, v16  }
0x1e1: {  	[tilespmem:$0x10E0] =	vst v16;
	v16 =	vld [tilespmem:$0x1FA90];
	_ =	sdelay $0x4  }
0x1e2: {  	v21 =	vld [tilespmem:$0x400];
	v16 =	vadd.s32 v20, v16  }
0x1e3: {  	[tilespmem:$0x10F0] =	vst v16;
	v16 =	vld [tilespmem:$0x1FAA0];
	_ =	sdelay $0x4  }
0x1e4: {  	v17 =	vld [tilespmem:$0x410];
	v16 =	vadd.s32 v21, v16  }
0x1e5: {  	[tilespmem:$0x1100] =	vst v16;
	v16 =	vld [tilespmem:$0x1FAB0];
	_ =	sdelay $0x4  }
0x1e6: {  	v18 =	vld [tilespmem:$0x420];
	v16 =	vadd.s32 v17, v16  }
0x1e7: {  	[tilespmem:$0x1110] =	vst v16;
	v16 =	vld [tilespmem:$0x1FAC0];
	_ =	sdelay $0x4  }
0x1e8: {  	v19 =	vld [tilespmem:$0x430];
	v16 =	vadd.s32 v18, v16  }
0x1e9: {  	[tilespmem:$0x1120] =	vst v16;
	v16 =	vld [tilespmem:$0x1FAD0];
	_ =	sdelay $0x4  }
0x1ea: {  	v20 =	vld [tilespmem:$0x440];
	v16 =	vadd.s32 v19, v16  }
0x1eb: {  	[tilespmem:$0x1130] =	vst v16;
	v16 =	vld [tilespmem:$0x1FAE0];
	_ =	sdelay $0x4  }
0x1ec: {  	v21 =	vld [tilespmem:$0x450];
	v16 =	vadd.s32 v20, v16  }
0x1ed: {  	[tilespmem:$0x1140] =	vst v16;
	v16 =	vld [tilespmem:$0x1FAF0];
	_ =	sdelay $0x4  }
0x1ee: {  	v17 =	vld [tilespmem:$0x460];
	v16 =	vadd.s32 v21, v16  }
0x1ef: {  	[tilespmem:$0x1150] =	vst v16;
	v16 =	vld [tilespmem:$0x1FB00];
	_ =	sdelay $0x4  }
0x1f0: {  	v18 =	vld [tilespmem:$0x470];
	v16 =	vadd.s32 v17, v16  }
0x1f1: {  	[tilespmem:$0x1160] =	vst v16;
	v16 =	vld [tilespmem:$0x1FB10];
	_ =	sdelay $0x4  }
0x1f2: {  	v19 =	vld [tilespmem:$0x480];
	v16 =	vadd.s32 v18, v16  }
0x1f3: {  	[tilespmem:$0x1170] =	vst v16;
	v16 =	vld [tilespmem:$0x1FB20];
	_ =	sdelay $0x4  }
0x1f4: {  	v20 =	vld [tilespmem:$0x490];
	v16 =	vadd.s32 v19, v16  }
0x1f5: {  	[tilespmem:$0x1180] =	vst v16;
	v16 =	vld [tilespmem:$0x1FB30];
	_ =	sdelay $0x4  }
0x1f6: {  	v21 =	vld [tilespmem:$0x4A0];
	v16 =	vadd.s32 v20, v16  }
0x1f7: {  	[tilespmem:$0x1190] =	vst v16;
	v16 =	vld [tilespmem:$0x1FB40];
	_ =	sdelay $0x4  }
0x1f8: {  	v17 =	vld [tilespmem:$0x4B0];
	v16 =	vadd.s32 v21, v16  }
0x1f9: {  	[tilespmem:$0x11A0] =	vst v16;
	v16 =	vld [tilespmem:$0x1FB50];
	_ =	sdelay $0x4  }
0x1fa: {  	v18 =	vld [tilespmem:$0x4C0];
	v16 =	vadd.s32 v17, v16  }
0x1fb: {  	[tilespmem:$0x11B0] =	vst v16;
	v16 =	vld [tilespmem:$0x1FB60];
	_ =	sdelay $0x4  }
0x1fc: {  	v19 =	vld [tilespmem:$0x4D0];
	v16 =	vadd.s32 v18, v16  }
0x1fd: {  	[tilespmem:$0x11C0] =	vst v16;
	v16 =	vld [tilespmem:$0x1FB70];
	_ =	sdelay $0x4  }
0x1fe: {  	v20 =	vld [tilespmem:$0x4E0];
	v16 =	vadd.s32 v19, v16  }
0x1ff: {  	[tilespmem:$0x11D0] =	vst v16;
	v16 =	vld [tilespmem:$0x1FB80];
	_ =	sdelay $0x4  }
0x200: {  	v21 =	vld [tilespmem:$0x4F0];
	v16 =	vadd.s32 v20, v16  }
0x201: {  	[tilespmem:$0x11E0] =	vst v16;
	v16 =	vld [tilespmem:$0x1FB90];
	_ =	sdelay $0x4  }
0x202: {  	v17 =	vld [tilespmem:$0x500];
	v16 =	vadd.s32 v21, v16  }
0x203: {  	[tilespmem:$0x11F0] =	vst v16;
	v16 =	vld [tilespmem:$0x1FBA0];
	_ =	sdelay $0x4  }
0x204: {  	v18 =	vld [tilespmem:$0x510];
	v16 =	vadd.s32 v17, v16  }
0x205: {  	[tilespmem:$0x1200] =	vst v16;
	v16 =	vld [tilespmem:$0x1FBB0];
	_ =	sdelay $0x4  }
0x206: {  	v19 =	vld [tilespmem:$0x520];
	v16 =	vadd.s32 v18, v16  }
0x207: {  	[tilespmem:$0x1210] =	vst v16;
	v16 =	vld [tilespmem:$0x1FBC0];
	_ =	sdelay $0x4  }
0x208: {  	v20 =	vld [tilespmem:$0x530];
	v16 =	vadd.s32 v19, v16  }
0x209: {  	[tilespmem:$0x1220] =	vst v16;
	v16 =	vld [tilespmem:$0x1FBD0];
	_ =	sdelay $0x4  }
0x20a: {  	v21 =	vld [tilespmem:$0x540];
	v16 =	vadd.s32 v20, v16  }
0x20b: {  	[tilespmem:$0x1230] =	vst v16;
	v16 =	vld [tilespmem:$0x1FBE0];
	_ =	sdelay $0x4  }
0x20c: {  	v17 =	vld [tilespmem:$0x550];
	v16 =	vadd.s32 v21, v16  }
0x20d: {  	[tilespmem:$0x1240] =	vst v16;
	v16 =	vld [tilespmem:$0x1FBF0];
	_ =	sdelay $0x4  }
0x20e: {  	v18 =	vld [tilespmem:$0x560];
	v16 =	vadd.s32 v17, v16  }
0x20f: {  	[tilespmem:$0x1250] =	vst v16;
	v16 =	vld [tilespmem:$0x1FC00];
	_ =	sdelay $0x4  }
0x210: {  	v19 =	vld [tilespmem:$0x570];
	v16 =	vadd.s32 v18, v16  }
0x211: {  	[tilespmem:$0x1260] =	vst v16;
	v16 =	vld [tilespmem:$0x1FC10];
	_ =	sdelay $0x4  }
0x212: {  	v20 =	vld [tilespmem:$0x580];
	v16 =	vadd.s32 v19, v16  }
0x213: {  	[tilespmem:$0x1270] =	vst v16;
	v16 =	vld [tilespmem:$0x1FC20];
	_ =	sdelay $0x4  }
0x214: {  	v21 =	vld [tilespmem:$0x590];
	v16 =	vadd.s32 v20, v16  }
0x215: {  	[tilespmem:$0x1280] =	vst v16;
	v16 =	vld [tilespmem:$0x1FC30];
	_ =	sdelay $0x4  }
0x216: {  	v17 =	vld [tilespmem:$0x5A0];
	v16 =	vadd.s32 v21, v16  }
0x217: {  	[tilespmem:$0x1290] =	vst v16;
	v16 =	vld [tilespmem:$0x1FC40];
	_ =	sdelay $0x4  }
0x218: {  	v18 =	vld [tilespmem:$0x5B0];
	v16 =	vadd.s32 v17, v16  }
0x219: {  	[tilespmem:$0x12A0] =	vst v16;
	v16 =	vld [tilespmem:$0x1FC50];
	_ =	sdelay $0x4  }
0x21a: {  	v19 =	vld [tilespmem:$0x5C0];
	v16 =	vadd.s32 v18, v16  }
0x21b: {  	[tilespmem:$0x12B0] =	vst v16;
	v16 =	vld [tilespmem:$0x1FC60];
	_ =	sdelay $0x4  }
0x21c: {  	v20 =	vld [tilespmem:$0x5D0];
	v16 =	vadd.s32 v19, v16  }
0x21d: {  	[tilespmem:$0x12C0] =	vst v16;
	v16 =	vld [tilespmem:$0x1FC70];
	_ =	sdelay $0x4  }
0x21e: {  	v21 =	vld [tilespmem:$0x5E0];
	v16 =	vadd.s32 v20, v16  }
0x21f: {  	[tilespmem:$0x12D0] =	vst v16;
	v16 =	vld [tilespmem:$0x1FC80];
	_ =	sdelay $0x4  }
0x220: {  	v17 =	vld [tilespmem:$0x5F0];
	v16 =	vadd.s32 v21, v16  }
0x221: {  	[tilespmem:$0x12E0] =	vst v16;
	v16 =	vld [tilespmem:$0x1FC90];
	_ =	sdelay $0x4  }
0x222: {  	v18 =	vld [tilespmem:$0x600];
	v16 =	vadd.s32 v17, v16  }
0x223: {  	[tilespmem:$0x12F0] =	vst v16;
	v16 =	vld [tilespmem:$0x1FCA0];
	_ =	sdelay $0x4  }
0x224: {  	v19 =	vld [tilespmem:$0x610];
	v16 =	vadd.s32 v18, v16  }
0x225: {  	[tilespmem:$0x1300] =	vst v16;
	v16 =	vld [tilespmem:$0x1FCB0];
	_ =	sdelay $0x4  }
0x226: {  	v20 =	vld [tilespmem:$0x620];
	v16 =	vadd.s32 v19, v16  }
0x227: {  	[tilespmem:$0x1310] =	vst v16;
	v16 =	vld [tilespmem:$0x1FCC0];
	_ =	sdelay $0x4  }
0x228: {  	v21 =	vld [tilespmem:$0x630];
	v16 =	vadd.s32 v20, v16  }
0x229: {  	[tilespmem:$0x1320] =	vst v16;
	v16 =	vld [tilespmem:$0x1FCD0];
	_ =	sdelay $0x4  }
0x22a: {  	v17 =	vld [tilespmem:$0x640];
	v16 =	vadd.s32 v21, v16  }
0x22b: {  	[tilespmem:$0x1330] =	vst v16;
	v16 =	vld [tilespmem:$0x1FCE0];
	_ =	sdelay $0x4  }
0x22c: {  	v18 =	vld [tilespmem:$0x650];
	v16 =	vadd.s32 v17, v16  }
0x22d: {  	[tilespmem:$0x1340] =	vst v16;
	v16 =	vld [tilespmem:$0x1FCF0];
	_ =	sdelay $0x4  }
0x22e: {  	v19 =	vld [tilespmem:$0x660];
	v16 =	vadd.s32 v18, v16  }
0x22f: {  	[tilespmem:$0x1350] =	vst v16;
	v16 =	vld [tilespmem:$0x1FD00];
	_ =	sdelay $0x4  }
0x230: {  	v20 =	vld [tilespmem:$0x670];
	v16 =	vadd.s32 v19, v16  }
0x231: {  	[tilespmem:$0x1360] =	vst v16;
	v16 =	vld [tilespmem:$0x1FD10];
	_ =	sdelay $0x4  }
0x232: {  	v21 =	vld [tilespmem:$0x680];
	v16 =	vadd.s32 v20, v16  }
0x233: {  	[tilespmem:$0x1370] =	vst v16;
	v16 =	vld [tilespmem:$0x1FD20];
	_ =	sdelay $0x4  }
0x234: {  	v17 =	vld [tilespmem:$0x690];
	v16 =	vadd.s32 v21, v16  }
0x235: {  	[tilespmem:$0x1380] =	vst v16;
	v16 =	vld [tilespmem:$0x1FD30];
	_ =	sdelay $0x4  }
0x236: {  	v18 =	vld [tilespmem:$0x6A0];
	v16 =	vadd.s32 v17, v16  }
0x237: {  	[tilespmem:$0x1390] =	vst v16;
	v16 =	vld [tilespmem:$0x1FD40];
	_ =	sdelay $0x4  }
0x238: {  	v19 =	vld [tilespmem:$0x6B0];
	v16 =	vadd.s32 v18, v16  }
0x239: {  	[tilespmem:$0x13A0] =	vst v16;
	v16 =	vld [tilespmem:$0x1FD50];
	_ =	sdelay $0x4  }
0x23a: {  	v20 =	vld [tilespmem:$0x6C0];
	v16 =	vadd.s32 v19, v16  }
0x23b: {  	[tilespmem:$0x13B0] =	vst v16;
	v16 =	vld [tilespmem:$0x1FD60];
	_ =	sdelay $0x4  }
0x23c: {  	v21 =	vld [tilespmem:$0x6D0];
	v16 =	vadd.s32 v20, v16  }
0x23d: {  	[tilespmem:$0x13C0] =	vst v16;
	v16 =	vld [tilespmem:$0x1FD70];
	_ =	sdelay $0x4  }
0x23e: {  	v17 =	vld [tilespmem:$0x6E0];
	v16 =	vadd.s32 v21, v16  }
0x23f: {  	[tilespmem:$0x13D0] =	vst v16;
	v16 =	vld [tilespmem:$0x1FD80];
	_ =	sdelay $0x4  }
0x240: {  	v18 =	vld [tilespmem:$0x6F0];
	v16 =	vadd.s32 v17, v16  }
0x241: {  	[tilespmem:$0x13E0] =	vst v16;
	v16 =	vld [tilespmem:$0x1FD90];
	_ =	sdelay $0x4  }
0x242: {  	v19 =	vld [tilespmem:$0x700];
	v16 =	vadd.s32 v18, v16  }
0x243: {  	[tilespmem:$0x13F0] =	vst v16;
	v16 =	vld [tilespmem:$0x1FDA0];
	_ =	sdelay $0x4  }
0x244: {  	v20 =	vld [tilespmem:$0x710];
	v16 =	vadd.s32 v19, v16  }
0x245: {  	[tilespmem:$0x1400] =	vst v16;
	v16 =	vld [tilespmem:$0x1FDB0];
	_ =	sdelay $0x4  }
0x246: {  	v21 =	vld [tilespmem:$0x720];
	v16 =	vadd.s32 v20, v16  }
0x247: {  	[tilespmem:$0x1410] =	vst v16;
	v16 =	vld [tilespmem:$0x1FDC0];
	_ =	sdelay $0x4  }
0x248: {  	v17 =	vld [tilespmem:$0x730];
	v16 =	vadd.s32 v21, v16  }
0x249: {  	[tilespmem:$0x1420] =	vst v16;
	v16 =	vld [tilespmem:$0x1FDD0];
	_ =	sdelay $0x4  }
0x24a: {  	v18 =	vld [tilespmem:$0x740];
	v16 =	vadd.s32 v17, v16  }
0x24b: {  	[tilespmem:$0x1430] =	vst v16;
	v16 =	vld [tilespmem:$0x1FDE0];
	_ =	sdelay $0x4  }
0x24c: {  	v19 =	vld [tilespmem:$0x750];
	v16 =	vadd.s32 v18, v16  }
0x24d: {  	[tilespmem:$0x1440] =	vst v16;
	v16 =	vld [tilespmem:$0x1FDF0];
	_ =	sdelay $0x4  }
0x24e: {  	v20 =	vld [tilespmem:$0x760];
	v16 =	vadd.s32 v19, v16  }
0x24f: {  	[tilespmem:$0x1450] =	vst v16;
	v16 =	vld [tilespmem:$0x1FE00];
	_ =	sdelay $0x4  }
0x250: {  	v21 =	vld [tilespmem:$0x770];
	v16 =	vadd.s32 v20, v16  }
0x251: {  	[tilespmem:$0x1460] =	vst v16;
	v16 =	vld [tilespmem:$0x1FE10];
	_ =	sdelay $0x4  }
0x252: {  	v17 =	vld [tilespmem:$0x780];
	v16 =	vadd.s32 v21, v16  }
0x253: {  	[tilespmem:$0x1470] =	vst v16;
	v16 =	vld [tilespmem:$0x1FE20];
	_ =	sdelay $0x4  }
0x254: {  	v18 =	vld [tilespmem:$0x790];
	v16 =	vadd.s32 v17, v16  }
0x255: {  	[tilespmem:$0x1480] =	vst v16;
	v16 =	vld [tilespmem:$0x1FE30];
	_ =	sdelay $0x4  }
0x256: {  	v19 =	vld [tilespmem:$0x7A0];
	v16 =	vadd.s32 v18, v16  }
0x257: {  	[tilespmem:$0x1490] =	vst v16;
	v16 =	vld [tilespmem:$0x1FE40];
	_ =	sdelay $0x4  }
0x258: {  	v20 =	vld [tilespmem:$0x7B0];
	v16 =	vadd.s32 v19, v16  }
0x259: {  	[tilespmem:$0x14A0] =	vst v16;
	v16 =	vld [tilespmem:$0x1FE50];
	_ =	sdelay $0x4  }
0x25a: {  	v21 =	vld [tilespmem:$0x7C0];
	v16 =	vadd.s32 v20, v16  }
0x25b: {  	[tilespmem:$0x14B0] =	vst v16;
	v16 =	vld [tilespmem:$0x1FE60];
	_ =	sdelay $0x4  }
0x25c: {  	v17 =	vld [tilespmem:$0x7D0];
	v16 =	vadd.s32 v21, v16  }
0x25d: {  	[tilespmem:$0x14C0] =	vst v16;
	v16 =	vld [tilespmem:$0x1FE70];
	_ =	sdelay $0x4  }
0x25e: {  	v18 =	vld [tilespmem:$0x7E0];
	v16 =	vadd.s32 v17, v16  }
0x25f: {  	[tilespmem:$0x14D0] =	vst v16;
	v16 =	vld [tilespmem:$0x1FE80];
	_ =	sdelay $0x4  }
0x260: {  	v19 =	vld [tilespmem:$0x7F0];
	v16 =	vadd.s32 v18, v16  }
0x261: {  	[tilespmem:$0x14E0] =	vst v16;
	v16 =	vld [tilespmem:$0x1FE90];
	_ =	sdelay $0x4  }
0x262: {  	v20 =	vld [tilespmem:$0x800];
	v16 =	vadd.s32 v19, v16  }
0x263: {  	[tilespmem:$0x14F0] =	vst v16;
	v16 =	vld [tilespmem:$0x1FEA0];
	_ =	sdelay $0x4  }
0x264: {  	v21 =	vld [tilespmem:$0x810];
	v16 =	vadd.s32 v20, v16  }
0x265: {  	[tilespmem:$0x1500] =	vst v16;
	v16 =	vld [tilespmem:$0x1FEB0];
	_ =	sdelay $0x4  }
0x266: {  	v17 =	vld [tilespmem:$0x820];
	v16 =	vadd.s32 v21, v16  }
0x267: {  	[tilespmem:$0x1510] =	vst v16;
	v16 =	vld [tilespmem:$0x1FEC0];
	_ =	sdelay $0x4  }
0x268: {  	v18 =	vld [tilespmem:$0x830];
	v16 =	vadd.s32 v17, v16  }
0x269: {  	[tilespmem:$0x1520] =	vst v16;
	v16 =	vld [tilespmem:$0x1FED0];
	_ =	sdelay $0x4  }
0x26a: {  	v19 =	vld [tilespmem:$0x840];
	v16 =	vadd.s32 v18, v16  }
0x26b: {  	[tilespmem:$0x1530] =	vst v16;
	v16 =	vld [tilespmem:$0x1FEE0];
	_ =	sdelay $0x4  }
0x26c: {  	v20 =	vld [tilespmem:$0x850];
	v16 =	vadd.s32 v19, v16  }
0x26d: {  	[tilespmem:$0x1540] =	vst v16;
	v16 =	vld [tilespmem:$0x1FEF0];
	_ =	sdelay $0x4  }
0x26e: {  	v21 =	vld [tilespmem:$0x860];
	v16 =	vadd.s32 v20, v16  }
0x26f: {  	[tilespmem:$0x1550] =	vst v16;
	v16 =	vld [tilespmem:$0x1FF00];
	_ =	sdelay $0x4  }
0x270: {  	v17 =	vld [tilespmem:$0x870];
	v16 =	vadd.s32 v21, v16  }
0x271: {  	[tilespmem:$0x1560] =	vst v16;
	v16 =	vld [tilespmem:$0x1FF10];
	_ =	sdelay $0x4  }
0x272: {  	v18 =	vld [tilespmem:$0x880];
	v16 =	vadd.s32 v17, v16  }
0x273: {  	[tilespmem:$0x1570] =	vst v16;
	v16 =	vld [tilespmem:$0x1FF20];
	_ =	sdelay $0x4  }
0x274: {  	v19 =	vld [tilespmem:$0x890];
	v16 =	vadd.s32 v18, v16  }
0x275: {  	[tilespmem:$0x1580] =	vst v16;
	v16 =	vld [tilespmem:$0x1FF30];
	_ =	sdelay $0x4  }
0x276: {  	v20 =	vld [tilespmem:$0x8A0];
	v16 =	vadd.s32 v19, v16  }
0x277: {  	[tilespmem:$0x1590] =	vst v16;
	v16 =	vld [tilespmem:$0x1FF40];
	_ =	sdelay $0x4  }
0x278: {  	v21 =	vld [tilespmem:$0x8B0];
	v16 =	vadd.s32 v20, v16  }
0x279: {  	[tilespmem:$0x15A0] =	vst v16;
	v16 =	vld [tilespmem:$0x1FF50];
	_ =	sdelay $0x4  }
0x27a: {  	v17 =	vld [tilespmem:$0x8C0];
	v16 =	vadd.s32 v21, v16  }
0x27b: {  	[tilespmem:$0x15B0] =	vst v16;
	v16 =	vld [tilespmem:$0x1FF60];
	_ =	sdelay $0x4  }
0x27c: {  	v18 =	vld [tilespmem:$0x8D0];
	v16 =	vadd.s32 v17, v16  }
0x27d: {  	[tilespmem:$0x15C0] =	vst v16;
	v16 =	vld [tilespmem:$0x1FF70];
	_ =	sdelay $0x4  }
0x27e: {  	v19 =	vld [tilespmem:$0x8E0];
	v16 =	vadd.s32 v18, v16  }
0x27f: {  	[tilespmem:$0x15D0] =	vst v16;
	v16 =	vld [tilespmem:$0x1FF80];
	_ =	sdelay $0x4  }
0x280: {  	v20 =	vld [tilespmem:$0x8F0];
	v16 =	vadd.s32 v19, v16  }
0x281: {  	[tilespmem:$0x15E0] =	vst v16;
	v16 =	vld [tilespmem:$0x1FF90];
	_ =	sdelay $0x4  }
0x282: {  	v21 =	vld [tilespmem:$0x900];
	v16 =	vadd.s32 v20, v16  }
0x283: {  	[tilespmem:$0x15F0] =	vst v16;
	v16 =	vld [tilespmem:$0x1FFA0];
	_ =	sdelay $0x4  }
0x284: {  	v17 =	vld [tilespmem:$0x910];
	v16 =	vadd.s32 v21, v16  }
0x285: {  	[tilespmem:$0x1600] =	vst v16;
	v16 =	vld [tilespmem:$0x1FFB0];
	_ =	sdelay $0x4  }
0x286: {  	v18 =	vld [tilespmem:$0x920];
	v16 =	vadd.s32 v17, v16  }
0x287: {  	[tilespmem:$0x1610] =	vst v16;
	v16 =	vld [tilespmem:$0x1FFC0];
	_ =	sdelay $0x4  }
0x288: {  	v19 =	vld [tilespmem:$0x930];
	v16 =	vadd.s32 v18, v16  }
0x289: {  	[tilespmem:$0x1620] =	vst v16;
	v16 =	vld [tilespmem:$0x1FFD0];
	_ =	sdelay $0x4  }
0x28a: {  	v20 =	vld [tilespmem:$0x940];
	v16 =	vadd.s32 v19, v16  }
0x28b: {  	[tilespmem:$0x1630] =	vst v16;
	v16 =	vld [tilespmem:$0x1FFE0];
	_ =	sdelay $0x4  }
0x28c: {  	v21 =	vld [tilespmem:$0x950];
	v16 =	vadd.s32 v20, v16  }
0x28d: {  	[tilespmem:$0x1640] =	vst v16;
	v16 =	vld [tilespmem:$0x1FFF0]  }
0x28e: {  	v17 =	vld [tilespmem:$0x960]  }
0x28f: {  	v18 =	vld [tilespmem:$0x970]  }
0x290: {  	v19 =	vld [tilespmem:$0x980]  }
0x291: {  	v20 =	vld [tilespmem:$0x990]  }
0x292: {  	v16 =	vadd.s32 v21, v16;
	v21 =	vld [tilespmem:$0x9A0]  }
0x293: {  	[tilespmem:$0x1650] =	vst v16;
	v16 =	vadd.s32 v17, v23;
	v17 =	vld [tilespmem:$0x9B0]  }
0x294: {  	[tilespmem:$0x1660] =	vst v16;
	v16 =	vadd.s32 v18, v24;
	v18 =	vld [tilespmem:$0x9C0]  }
0x295: {  	[tilespmem:$0x1670] =	vst v16;
	v16 =	vadd.s32 v19, v25;
	v19 =	vld [tilespmem:$0x9D0]  }
0x296: {  	[tilespmem:$0x1680] =	vst v16;
	v16 =	vadd.s32 v20, v26;
	v20 =	vld [tilespmem:$0x9E0]  }
0x297: {  	[tilespmem:$0x1690] =	vst v16;
	v16 =	vadd.s32 v21, v27;
	v21 =	vld [tilespmem:$0x9F0]  }
0x298: {  	[tilespmem:$0x16A0] =	vst v16;
	v16 =	vadd.s32 v17, v28;
	v17 =	vld [tilespmem:$0xA00]  }
0x299: {  	[tilespmem:$0x16B0] =	vst v16;
	v16 =	vadd.s32 v18, v29;
	v18 =	vld [tilespmem:$0xA10]  }
0x29a: {  	[tilespmem:$0x16C0] =	vst v16;
	v16 =	vadd.s32 v19, v30;
	v19 =	vld [tilespmem:$0xA20]  }
0x29b: {  	[tilespmem:$0x16D0] =	vst v16;
	v16 =	vadd.s32 v20, v31;
	v20 =	vld [tilespmem:$0xA30]  }
0x29c: {  	[tilespmem:$0x16E0] =	vst v16;
	v16 =	vadd.s32 v21, v32;
	v21 =	vld [tilespmem:$0xA40]  }
0x29d: {  	[tilespmem:$0x16F0] =	vst v16;
	v16 =	vadd.s32 v17, v33;
	v17 =	vld [tilespmem:$0xA50]  }
0x29e: {  	[tilespmem:$0x1700] =	vst v16;
	v16 =	vadd.s32 v18, v34;
	v18 =	vld [tilespmem:$0xA60]  }
0x29f: {  	[tilespmem:$0x1710] =	vst v16;
	v16 =	vadd.s32 v19, v35;
	v19 =	vld [tilespmem:$0xA70]  }
0x2a0: {  	[tilespmem:$0x1720] =	vst v16;
	v16 =	vadd.s32 v20, v36;
	v20 =	vld [tilespmem:$0xA80]  }
0x2a1: {  	[tilespmem:$0x1730] =	vst v16;
	v16 =	vadd.s32 v21, v37;
	v21 =	vld [tilespmem:$0xA90]  }
0x2a2: {  	[tilespmem:$0x1740] =	vst v16;
	v16 =	vadd.s32 v17, v38;
	v17 =	vld [tilespmem:$0xAA0]  }
0x2a3: {  	[tilespmem:$0x1750] =	vst v16;
	v16 =	vadd.s32 v18, v39;
	v18 =	vld [tilespmem:$0xAB0]  }
0x2a4: {  	[tilespmem:$0x1760] =	vst v16;
	v16 =	vadd.s32 v19, v40;
	v19 =	vld [tilespmem:$0xAC0]  }
0x2a5: {  	[tilespmem:$0x1770] =	vst v16;
	v16 =	vadd.s32 v20, v41;
	v20 =	vld [tilespmem:$0xAD0]  }
0x2a6: {  	[tilespmem:$0x1780] =	vst v16;
	v16 =	vadd.s32 v21, v42;
	v21 =	vld [tilespmem:$0xAE0]  }
0x2a7: {  	[tilespmem:$0x1790] =	vst v16;
	v16 =	vadd.s32 v17, v43;
	v17 =	vld [tilespmem:$0xAF0]  }
0x2a8: {  	[tilespmem:$0x17A0] =	vst v16;
	v16 =	vadd.s32 v18, v44;
	v18 =	vld [tilespmem:$0xB00]  }
0x2a9: {  	[tilespmem:$0x17B0] =	vst v16;
	v16 =	vadd.s32 v19, v45;
	v19 =	vld [tilespmem:$0xB10]  }
0x2aa: {  	[tilespmem:$0x17C0] =	vst v16;
	v16 =	vadd.s32 v20, v46;
	v20 =	vld [tilespmem:$0xB20]  }
0x2ab: {  	[tilespmem:$0x17D0] =	vst v16;
	v16 =	vadd.s32 v21, v47;
	v21 =	vld [tilespmem:$0xB30]  }
0x2ac: {  	[tilespmem:$0x17E0] =	vst v16;
	v16 =	vadd.s32 v17, v48;
	v17 =	vld [tilespmem:$0xB40]  }
0x2ad: {  	[tilespmem:$0x17F0] =	vst v16;
	v16 =	vadd.s32 v18, v49;
	v18 =	vld [tilespmem:$0xB50]  }
0x2ae: {  	[tilespmem:$0x1800] =	vst v16;
	v16 =	vadd.s32 v19, v50;
	v19 =	vld [tilespmem:$0xB60]  }
0x2af: {  	[tilespmem:$0x1810] =	vst v16;
	v16 =	vadd.s32 v20, v51;
	v20 =	vld [tilespmem:$0xB70]  }
0x2b0: {  	[tilespmem:$0x1820] =	vst v16;
	v16 =	vadd.s32 v21, v52;
	v21 =	vld [tilespmem:$0xB80]  }
0x2b1: {  	[tilespmem:$0x1830] =	vst v16;
	v16 =	vadd.s32 v17, v53;
	v17 =	vld [tilespmem:$0xB90]  }
0x2b2: {  	[tilespmem:$0x1840] =	vst v16;
	v16 =	vadd.s32 v18, v54;
	v18 =	vld [tilespmem:$0xBA0]  }
0x2b3: {  	[tilespmem:$0x1850] =	vst v16;
	v16 =	vadd.s32 v19, v55;
	v19 =	vld [tilespmem:$0xBB0]  }
0x2b4: {  	[tilespmem:$0x1860] =	vst v16;
	v16 =	vadd.s32 v20, v56;
	v20 =	vld [tilespmem:$0xBC0]  }
0x2b5: {  	[tilespmem:$0x1870] =	vst v16;
	v16 =	vadd.s32 v21, v57;
	v21 =	vld [tilespmem:$0xBD0]  }
0x2b6: {  	[tilespmem:$0x1880] =	vst v16;
	v16 =	vadd.s32 v17, v58;
	v17 =	vld [tilespmem:$0xBE0]  }
0x2b7: {  	[tilespmem:$0x1890] =	vst v16;
	v16 =	vadd.s32 v18, v59;
	v18 =	vld [tilespmem:$0xBF0]  }
0x2b8: {  	[tilespmem:$0x18A0] =	vst v16;
	v16 =	vadd.s32 v19, v60;
	v19 =	vld [tilespmem:$0xC00]  }
0x2b9: {  	[tilespmem:$0x18B0] =	vst v16;
	v16 =	vadd.s32 v20, v61;
	v20 =	vld [tilespmem:$0xC10]  }
0x2ba: {  	[tilespmem:$0x18C0] =	vst v16;
	v16 =	vadd.s32 v21, v62;
	v21 =	vld [tilespmem:$0xC20]  }
0x2bb: {  	[tilespmem:$0x18D0] =	vst v16;
	v16 =	vadd.s32 v17, v63;
	v17 =	vld [tilespmem:$0xC30]  }
0x2bc: {  	[tilespmem:$0x18E0] =	vst v16;
	v16 =	vadd.s32 v18, v0;
	v18 =	vld [tilespmem:$0xC40]  }
0x2bd: {  	[tilespmem:$0x18F0] =	vst v16;
	v16 =	vadd.s32 v19, v1;
	v19 =	vld [tilespmem:$0xC50]  }
0x2be: {  	[tilespmem:$0x1900] =	vst v16;
	v16 =	vadd.s32 v20, v2;
	v20 =	vld [tilespmem:$0xC60]  }
0x2bf: {  	[tilespmem:$0x1910] =	vst v16;
	v16 =	vadd.s32 v21, v3;
	v21 =	vld [tilespmem:$0xC70]  }
0x2c0: {  	[tilespmem:$0x1920] =	vst v16;
	v16 =	vadd.s32 v17, v4;
	v17 =	vld [tilespmem:$0xC80]  }
0x2c1: {  	[tilespmem:$0x1930] =	vst v16;
	v16 =	vadd.s32 v18, v5;
	v18 =	vld [tilespmem:$0xC90]  }
0x2c2: {  	[tilespmem:$0x1940] =	vst v16;
	v16 =	vadd.s32 v19, v6;
	v19 =	vld [tilespmem:$0xCA0]  }
0x2c3: {  	[tilespmem:$0x1950] =	vst v16;
	v16 =	vadd.s32 v20, v7;
	v20 =	vld [tilespmem:$0xCB0]  }
0x2c4: {  	[tilespmem:$0x1960] =	vst v16;
	v16 =	vadd.s32 v21, v8;
	v21 =	vld [tilespmem:$0xCC0]  }
0x2c5: {  	[tilespmem:$0x1970] =	vst v16;
	v16 =	vadd.s32 v17, v9;
	v17 =	vld [tilespmem:$0xCD0]  }
0x2c6: {  	[tilespmem:$0x1980] =	vst v16;
	v16 =	vadd.s32 v18, v10;
	v18 =	vld [tilespmem:$0xCE0]  }
0x2c7: {  	[tilespmem:$0x1990] =	vst v16;
	v16 =	vadd.s32 v19, v11;
	v19 =	vld [tilespmem:$0xCF0]  }
0x2c8: {  	[tilespmem:$0x19A0] =	vst v16;
	v16 =	vadd.s32 v20, v12  }
0x2c9: {  	[tilespmem:$0x19B0] =	vst v16;
	v16 =	vadd.s32 v21, v13  }
0x2ca: {  	[tilespmem:$0x19C0] =	vst v16;
	v16 =	vadd.s32 v17, v14  }
0x2cb: {  	[tilespmem:$0x19D0] =	vst v16;
	v16 =	vadd.s32 v18, v15  }
0x2cc: {  	[tilespmem:$0x19E0] =	vst v16;
	v16 =	vadd.s32 v19, v22  }
0x2cd: {  	s3 =	rddreg [dreg:$0x6];
	[tilespmem:$0x19F0] =	vst v16  }
0x2ce: {  	[hbm4b:s5+s6] =	stream.indirect.scatter [tilespmem:s7], [sflag:$0x1], $0x1, s3, s6, $0xb8;
	[tilespmem:$0x1E00] =	vst v63  }
0x2cf: {  	s8 =	rddreg [dreg:$0x7]  }
0x2d0: {  	[hbm4b:s5+s6] =	stream.indirect.scatter [tilespmem:s7], [sflag:$0x1], $0x1, s8, s6, $0xb8;
	[tilespmem:$0x1E00] =	vst v63  }
0x2d1: {  	s3 =	rddreg [dreg:$0x8]  }
0x2d2: {  	[hbm4b:s5+s6] =	stream.indirect.scatter [tilespmem:s7], [sflag:$0x1], $0x1, s3, s6, $0xb8;
	[tilespmem:$0x1E00] =	vst v63  }
0x2d3: {  	s8 =	simm.s32 $0xE80  }
0x2d4: {  	[hbm4b:s5+s6] =	stream.indirect.scatter [tilespmem:s7], [sflag:$0x1], $0x1, s8, s6, $0xb8;
	[tilespmem:$0x1E00] =	vst v63  }
0x2d5: {  	_ = 	snop  }
0x2d6: {  	[hbm4b:s5+s6] =	stream.indirect.scatter [tilespmem:s7], [sflag:$0x1], $0x1, s9, s6, $0xb8;
	[tilespmem:$0x1E00] =	vst v63  }
0x2d7: {  	_ = 	snop  }
0x2d8: {  	[hbm4b:s5+s6] =	stream.indirect.scatter [tilespmem:s7], [sflag:$0x1], $0x1, s10, s6, $0xb8;
	[tilespmem:$0x1E00] =	vst v63  }
0x2d9: {  	_ = 	snop  }
0x2da: {  	[hbm4b:s5+s6] =	stream.indirect.scatter [tilespmem:s7], [sflag:$0x1], $0x1, s11, s6, $0xb8;
	[tilespmem:$0x1E00] =	vst v63  }
0x2db: {  	_ = 	snop  }
0x2dc: {  	[hbm4b:s5+s6] =	stream.indirect.scatter [tilespmem:s7], [sflag:$0x1], $0x1, s12, s6, $0xb8;
	[tilespmem:$0x1E00] =	vst v63  }
0x2dd: {  	_ = 	snop  }
0x2de: {  	[hbm4b:s5+s6] =	stream.indirect.scatter [tilespmem:s7], [sflag:$0x1], $0x1, s13, s6, $0xb8;
	[tilespmem:$0x1E00] =	vst v63  }
0x2df: {  	_ = 	snop  }
0x2e0: {  	[hbm4b:s5+s6] =	stream.indirect.scatter [tilespmem:s7], [sflag:$0x1], $0x1, s14, s6, $0xb8;
	[tilespmem:$0x1E00] =	vst v63  }
0x2e1: {  	_ = 	snop  }
0x2e2: {  	[hbm4b:s5+s6] =	stream.indirect.scatter [tilespmem:s7], [sflag:$0x1], $0x1, s15, s6, $0xb8;
	[tilespmem:$0x1E00] =	vst v63  }
0x2e3: {  	_ = 	snop  }
0x2e4: {  	[hbm4b:s5+s6] =	stream.indirect.scatter [tilespmem:s7], [sflag:$0x1], $0x1, s16, s6, $0xb8;
	[tilespmem:$0x1E00] =	vst v63  }
0x2e5: {  	_ = 	snop  }
0x2e6: {  	[hbm4b:s5+s6] =	stream.indirect.scatter [tilespmem:s7], [sflag:$0x1], $0x1, s17, s6, $0xb8;
	[tilespmem:$0x1E00] =	vst v63  }
0x2e7: {  	_ = 	snop  }
0x2e8: {  	[hbm4b:s5+s6] =	stream.indirect.scatter [tilespmem:s7], [sflag:$0x1], $0x1, s18, s6, $0xb8;
	[tilespmem:$0x1E00] =	vst v63  }
0x2e9: {  	_ = 	snop  }
0x2ea: {  	[hbm4b:s5+s6] =	stream.indirect.scatter [tilespmem:s7], [sflag:$0x1], $0x1, s19, s6, $0xb8;
	[tilespmem:$0x1E00] =	vst v63  }
0x2eb: {  	_ = 	snop  }
0x2ec: {  	[hbm4b:s5+s6] =	stream.indirect.scatter [tilespmem:s7], [sflag:$0x1], $0x1, s20, s6, $0xb8;
	[tilespmem:$0x1E00] =	vst v63  }
0x2ed: {  	_ = 	snop  }
0x2ee: {  	[hbm4b:s5+s6] =	stream.indirect.scatter [tilespmem:s7], [sflag:$0x1], $0x1, s21, s6, $0xb8;
	[tilespmem:$0x1E00] =	vst v63  }
0x2ef: {  	_ = 	snop  }
0x2f0: {  	[hbm4b:s5+s6] =	stream.indirect.scatter [tilespmem:s7], [sflag:$0x1], $0x1, s22, s6, $0xb8;
	[tilespmem:$0x1E00] =	vst v63  }
0x2f1: {  	_ = 	snop  }
0x2f2: {  	[hbm4b:s5+s6] =	stream.indirect.scatter [tilespmem:s7], [sflag:$0x1], $0x1, s23, s6, $0xb8;
	[tilespmem:$0x1E00] =	vst v63  }
0x2f3: {  	_ = 	snop  }
0x2f4: {  	[hbm4b:s5+s6] =	stream.indirect.scatter [tilespmem:s7], [sflag:$0x1], $0x1, s24, s6, $0xb8;
	[tilespmem:$0x1E00] =	vst v63  }
0x2f5: {  	_ = 	snop  }
0x2f6: {  	[hbm4b:s5+s6] =	stream.indirect.scatter [tilespmem:s7], [sflag:$0x1], $0x1, s25, s6, $0xb8;
	[tilespmem:$0x1E00] =	vst v63  }
0x2f7: {  	_ = 	snop  }
0x2f8: {  	[hbm4b:s5+s6] =	stream.indirect.scatter [tilespmem:s7], [sflag:$0x1], $0x1, s26, s6, $0xb8;
	[tilespmem:$0x1E00] =	vst v63  }
0x2f9: {  	_ = 	snop  }
0x2fa: {  	[hbm4b:s5+s6] =	stream.indirect.scatter [tilespmem:s7], [sflag:$0x1], $0x1, s28, s6, $0xb8;
	[tilespmem:$0x1E00] =	vst v63  }
0x2fb: {  	_ = 	snop  }
0x2fc: {  	[hbm4b:s5+s6] =	stream.indirect.scatter [tilespmem:s7], [sflag:$0x1], $0x1, s29, s6, $0xb8;
	[tilespmem:$0x1E00] =	vst v63  }
0x2fd: {  	_ = 	snop  }
0x2fe: {  	[hbm4b:s5+s6] =	stream.indirect.scatter [tilespmem:s7], [sflag:$0x1], $0x1, s30, s6, $0xb8;
	[tilespmem:$0x1E00] =	vst v63  }
0x2ff: {  	_ = 	snop  }
0x300: {  	[hbm4b:s5+s6] =	stream.indirect.scatter [tilespmem:s7], [sflag:$0x1], $0x1, s31, s6, $0xb8;
	[tilespmem:$0x1E00] =	vst v63  }
0x301: {  	_ =	swait.ge [sflag:s0], $0x80  }
0x302: {  	[sflag:s0] =	ssyncset.done $0x0  }
0x303: {  	[sflag:s0] =	ssyncadd.s32 $0xFFFFFF80  }
0x304: {  	_ =	swait.ge [sflag:s0], $0x80  }
0x305: {  	[sflag:s0] =	ssyncset.done $0x0  }
0x306: {  	[sflag:s0] =	ssyncadd.s32 $0xFFFFFF80  }
0x307: {  	_ =	swait.ge [sflag:s0], $0x80  }
0x308: {  	[sflag:s0] =	ssyncset.done $0x0  }
0x309: {  	[sflag:s0] =	ssyncadd.s32 $0xFFFFFF80  }
0x30a: {  	_ =	swait.ge [sflag:s0], $0x80  }
0x30b: {  	[sflag:s0] =	ssyncset.done $0x0  }
0x30c: {  	[sflag:s0] =	ssyncadd.s32 $0xFFFFFF80  }
0x30d: {  	_ =	swait.ge [sflag:s0], $0x80  }
0x30e: {  	[sflag:s0] =	ssyncset.done $0x0  }
0x30f: {  	[sflag:s0] =	ssyncadd.s32 $0xFFFFFF80  }
0x310: {  	_ =	swait.ge [sflag:s0], $0x80  }
0x311: {  	[sflag:s0] =	ssyncset.done $0x0  }
0x312: {  	[sflag:s0] =	ssyncadd.s32 $0xFFFFFF80  }
0x313: {  	_ =	swait.ge [sflag:s0], $0x80  }
0x314: {  	[sflag:s0] =	ssyncset.done $0x0  }
0x315: {  	[sflag:s0] =	ssyncadd.s32 $0xFFFFFF80  }
0x316: {  	_ =	swait.ge [sflag:s0], $0x80  }
0x317: {  	[sflag:s0] =	ssyncset.done $0x0  }
0x318: {  	[sflag:s0] =	ssyncadd.s32 $0xFFFFFF80  }
0x319: {  	_ =	swait.ge [sflag:s0], $0x80  }
0x31a: {  	[sflag:s0] =	ssyncset.done $0x0  }
0x31b: {  	[sflag:s0] =	ssyncadd.s32 $0xFFFFFF80  }
0x31c: {  	_ =	swait.ge [sflag:s0], $0x80  }
0x31d: {  	[sflag:s0] =	ssyncset.done $0x0  }
0x31e: {  	[sflag:s0] =	ssyncadd.s32 $0xFFFFFF80  }
0x31f: {  	_ =	swait.ge [sflag:s0], $0x80  }
0x320: {  	[sflag:s0] =	ssyncset.done $0x0  }
0x321: {  	[sflag:s0] =	ssyncadd.s32 $0xFFFFFF80  }
0x322: {  	_ =	swait.ge [sflag:s0], $0x80  }
0x323: {  	[sflag:s0] =	ssyncset.done $0x0  }
0x324: {  	[sflag:s0] =	ssyncadd.s32 $0xFFFFFF80  }
0x325: {  	_ =	swait.ge [sflag:s0], $0x80  }
0x326: {  	[sflag:s0] =	ssyncset.done $0x0  }
0x327: {  	[sflag:s0] =	ssyncadd.s32 $0xFFFFFF80  }
0x328: {  	_ =	swait.ge [sflag:s0], $0x80  }
0x329: {  	[sflag:s0] =	ssyncset.done $0x0  }
0x32a: {  	[sflag:s0] =	ssyncadd.s32 $0xFFFFFF80  }
0x32b: {  	_ =	swait.ge [sflag:s0], $0x80  }
0x32c: {  	[sflag:s0] =	ssyncset.done $0x0  }
0x32d: {  	[sflag:s0] =	ssyncadd.s32 $0xFFFFFF80  }
0x32e: {  	_ =	swait.ge [sflag:s0], $0x80  }
0x32f: {  	[sflag:s0] =	ssyncset.done $0x0  }
0x330: {  	[sflag:s0] =	ssyncadd.s32 $0xFFFFFF80  }
0x331: {  	_ =	swait.ge [sflag:s0], $0x80  }
0x332: {  	[sflag:s0] =	ssyncset.done $0x0  }
0x333: {  	[sflag:s0] =	ssyncadd.s32 $0xFFFFFF80  }
0x334: {  	_ =	swait.ge [sflag:s0], $0x80  }
0x335: {  	[sflag:s0] =	ssyncset.done $0x0  }
0x336: {  	[sflag:s0] =	ssyncadd.s32 $0xFFFFFF80  }
0x337: {  	_ =	swait.ge [sflag:s0], $0x80  }
0x338: {  	[sflag:s0] =	ssyncset.done $0x0  }
0x339: {  	[sflag:s0] =	ssyncadd.s32 $0xFFFFFF80  }
0x33a: {  	_ =	swait.ge [sflag:s0], $0x80  }
0x33b: {  	[sflag:s0] =	ssyncset.done $0x0  }
0x33c: {  	[sflag:s0] =	ssyncadd.s32 $0xFFFFFF80  }
0x33d: {  	_ =	swait.ge [sflag:s0], $0x80  }
0x33e: {  	[sflag:s0] =	ssyncset.done $0x0  }
0x33f: {  	[sflag:s0] =	ssyncadd.s32 $0xFFFFFF80  }
0x340: {  	_ =	swait.ge [sflag:s0], $0x80  }
0x341: {  	[sflag:s0] =	ssyncset.done $0x0  }
0x342: {  	[sflag:s0] =	ssyncadd.s32 $0xFFFFFF80  }
0x343: {  	_ =	swait.ge [sflag:s0], $0x80  }
0x344: {  	[sflag:s0] =	ssyncset.done $0x0  }
0x345: {  	[sflag:s0] =	ssyncadd.s32 $0xFFFFFF80  }
0x346: {  	_ =	swait.ge [sflag:s0], $0x80  }
0x347: {  	[sflag:s0] =	ssyncset.done $0x0  }
0x348: {  	[sflag:s0] =	ssyncadd.s32 $0xFFFFFF80  }
0x349: {  	p0 =	sne.s32 s1, $0x1;
	_ =	swait.ge [sflag:s0], $0x80  }
.Ltmp0:
0x34a: {  	[sflag:s0] =	ssyncset.done $0x0;
	(pc) =	sbr.rel @p0 .LBB2_1-.Ltmp0, $4  }
0x34b: {  	[sflag:s0] =	ssyncadd.s32 $0xFFFFFF80  }
0x34c: {  	_ =	swait.ge [sflag:s0], $0x80  }
0x34d: {  	[sflag:s0] =	ssyncset.done $0x0  }
0x34e: {  	s1 =	sadd.s32 $0xFFFFFFFF, s1;
	[sflag:s0] =	ssyncadd.s32 $0xFFFFFF80  }
0x34f: {  	_ =	sfence.sel $0x180000  }
0x350: {  	[bflag:$0x0] =	sbarrier.arrive $0xFFFF  }
0x351: {  	_ =	strace $0x9000004A  }
0x352: {  	s0 =	stileid.u32;
	[bflag:$0x2] =	sbarrier.arrive $0xFFFF  }
0x353: {  	p0 =	sne.s32 s0, $0x0;
	s0 =	rddreg [dreg:$0x2]  }
0x354: {  	s0 =	sadd.s32 @!p0 $0x100000, s0  }
0x355: {  	[sflag:s0] =	ssyncadd.tile.s32 @!p0 $0x1;
	_ =	shalt  }
.Lfunc_end2:
_tile_overlayer_lowered:
.L_overlay_start_2:
0x356: {  	(tag) =	ssettag $0x2  }
0x357: {  	s0 =	rddreg [dreg:$0x0];
	s2 =	stileid.u32  }
0x358: {  	s1 =	rddreg [dreg:$0x1];
	p0 =	sne.s32 s2, $0x0  }
0x359: {  	s3 =	rddreg [dreg:$0x2];
	[bflag:$0x3] =	sbarrier.arrive $0xFFFF;
	s2 =	simm.s32 @!p0 $0x1C02  }
0x35a: {  	[timem:s3], [sflag:s2] =	dma.local @!p0 [hbm:s0], s1  }
0x35b: {  	s0 =	simm.s32 @!p0 $0x2  }
0x35c: {  	_ =	swait.ge @!p0 [sflag:s0], s1  }
0x35d: {  	s1 =	ssub.s32 @!p0 $0x0, s1;
	[sflag:s0] =	ssyncset.done @!p0 $0x0  }
0x35e: {  	[sflag:s0] =	ssyncadd.s32 @!p0 s1  }
0x35f: {  	[bflag:$0x3] =	sbarrier.arrive $0xFFFF  }
0x360: {  	_ =	shalt  }

// kernel: sparse-core-data-format-call.1.cloned.1.call-start
scs
called_computation.1_lowered:
.L_overlay_start_0:
0x0: {  	s2 =	sld [smem:$0x3FD9]  }
0x1: {  	s3 =	sld [smem:$0x3FFE];
	_ =	sdelay $0x1  }
0x2: {  	s1 =	srdreg.scid  }
0x3: {  	s0 =	sand.u32 $0x1, s1  }
0x4: {  	s18 =	sshll.u32 s0, $0xA;
	s2 =	sadd.s32 s3, s2  }
0x5: {  	s2 =	sadd.s32 s2, s18  }
0x6: {  	[smem:$0x3FC5] =	sst s2  }
0x7: {  	_ = 	snop  }
0x8: {  	s2 =	sld [smem:$0x3FD0];
	(tm) =	ssettm $0x1  }
0x9: {  	s19 =	sld [smem:$0x3FFB];
	_ =	sdelay $0x3  }
0xa: {  	_ =	strace s19  }
0xb: {  	s3 =	sld [smem:$0x3FFC];
	_ =	sdelay $0x3  }
0xc: {  	_ =	strace s3  }
0xd: {  	s3 =	sld [smem:$0x3FFD];
	_ =	sdelay $0x3  }
0xe: {  	_ =	strace s3  }
0xf: {  	_ =	strace $0x8FFFFFFF  }
0x10: {  	s20 =	sld [smem:$0x3FDB];
	_ =	sdelay $0x1  }
0x11: {  	s4 =	simm.s32 $_scs_section_size  }
0x12: {  	s5 =	simm.s32 $_size__tile_overlayer_lowered;
	s6 =	simm.s32 $_tile_overlayer_lowered  }
0x13: {  	s23 =	simm.s32 $0x1BFF;
	s22 =	sshll.u32 s6, $0x1;
	s3 =	sadd.s32 s4, s20  }
0x14: {  	s7 =	simm.s32 $0x0;
	s21 =	sshll.u32 s5, $0x1;
	s5 =	sadd.s32 s22, s3  }
0x15: {  	[timem:s7], [sflag:s23] =	dma.local [hbm:s5], s21  }
0x16: {  	_ =	swait.ge [sflag:s23], s21  }
0x17: {  	s4 =	ssub.s32 $0x0, s21;
	[sflag:s23] =	ssyncset.done $0x0  }
0x18: {  	[sflag:s23] =	ssyncadd.s32 s4;
	_ =	sdelay $0x1  }
0x19: {  	s24 =	simm.s32 $0x1B8B  }
0x1a: {  	_ =	swait.ge [sflag:s24], $0x1  }
0x1b: {  	[sflag:s24] =	ssyncset.done $0x0  }
0x1c: {  	s26 =	simm.s32 $0x1B8E;
	s25 =	sld [smem:$0x3FFE];
	[sflag:s24] =	ssyncadd.s32 $0xFFFFFFFF  }
0x1d: {  	s27 =	simm.s32 $execute0_lowered;
	[smem:$0x3FD2] =	sst s26  }
0x1e: {  	s5 =	sshll.u32 s27, $0x1;
	_ =	strace $0x80000046;
	[dreg:$0x1] =	wrdreg $0xFFFFFFFF  }
0x1f: {  	s28 =	simm.s32 $_size_execute0_lowered;
	s3 =	sadd.s32 s3, s5;
	[dreg:$0x0] =	wrdreg $0x0  }
0x20: {  	s5 =	sshll.u32 s28, $0x1;
	[dreg:$0x2] =	wrdreg s3  }
0x21: {  	[dreg:$0x3] =	wrdreg s5  }
0x22: {  	[dreg:$0x4] =	wrdreg $0xC0  }
0x23: {  	_ =	task [dreg:s7], $0x5FFFF  }
0x24: {  	[dreg:$0x1] =	wrdreg $0xFFFFFFFF  }
0x25: {  	[dreg:$0x0] =	wrdreg $0x60  }
0x26: {  	[dreg:$0x2] =	wrdreg s2  }
0x27: {  	[dreg:$0x3] =	wrdreg s25  }
0x28: {  	[dreg:$0x4] =	wrdreg $0x9  }
0x29: {  	_ =	task.clear_ibuf [dreg:s7], $0x5FFFF;
	_ =	strace $0x90000046  }
0x2a: {  	s29 =	simm.s32 $0x9;
	_ =	strace $0x80000048  }
0x2b: {  	_ =	swait.ge [sflag:s29], $0x1  }
0x2c: {  	[sflag:s29] =	ssyncadd.s32 $0xFFFFFFFF  }
0x2d: {  	_ =	strace $0x90000048  }
0x2e: {  	_ =	sfence  }
0x2f: {  	s30 =	sld [smem:$0x0];
	_ =	sdelay $0x2  }
0x30: {  	s31 =	sshll.u32 s1, $0xD;
	s1 =	sshrl.u32 s1, $0x2  }
0x31: {  	s3 =	sand.u32 $0x4000, s31;
	s1 =	sadd.s32 s1, s30  }
0x32: {  	s0 =	sor.u32 s3, s0;
	s1 =	sshll.u32 s1, $0x11  }
0x33: {  	s0 =	sor.u32 s1, s0  }
0x34: {  	s0 =	sadd.s32 $0x8F2B, s0  }
0x35: {  	[sflag:s0] =	ssyncadd.remote.s32 $0x1  }
0x36: {  	_ =	sfence.sel $0xFFFF  }
0x37: {  	[dreg:$0x0] =	wrdreg $0xFFFFFFFF;
	(pc) =	sbr.abs _section_cstart, $3  }
0x38: {  	[dreg:$0x1] =	wrdreg $0xFFFFFFFF  }
0x39: {  	_ =	task.clear_ibuf [dreg:s7], $0x2FFFF;
	_ =	strace $0x9FFFFFFF  }
0x3a: {  	(tm) =	ssettm $0x7FFFFFFF  }
0x3b: {  	_ =	shalt  }
tec
execute0_lowered:
.L_overlay_start_1:
0x0: {  	(tag) =	ssettag $0x1  }
0x1: {  	s0 =	srdreg.scid  }
0x2: {  	s1 =	sshll.u32 s0, $0x4  }
0x3: {  	s0 =	stileid.u32;
	s1 =	sand.u32 $0x10, s1  }
0x4: {  	s3 =	rddreg [dreg:$0x0];
	s1 =	sor.u32 s0, s1  }
0x5: {  	s6 =	rddreg [dreg:$0x1];
	s7 =	simm.s32 $0x2;
	s2 =	sshll.u32 s1, $0x3  }
0x6: {  	s14 =	simm.s32 $0x0;
	s8 =	simm.s32 $0x400;
	s1 =	ssub.s32 $0x3E8, s2  }
0x7: {  	s9 =	simm.s32 $0x1F400;
	s10 =	simm.s32 $0x0;
	s4 =	sand.u32 $0xF8, s1  }
0x8: {  	s15 =	simm.s32 $0x0;
	p0 =	sne.s32 s4, $0x0;
	s4 =	simm.s32 $0x1  }
.Ltmp0:
0x9: {  	s5 =	sshrl.u32 s1, $0x8;
	s4 =	simm.s32 @!p0 $0x0;
	(pc) =	sbr.rel .LBB1_1-.Ltmp0, $4  }
0xa: {  	s12 =	simm.s32 $0x0;
	s1 =	rddreg [dreg:$0x2];
	s5 =	sadd.s32 s4, s5  }
0xb: {  	_ =	strace $0x80000047;
	s4 =	simm.s32 $0x1;
	s5 =	smul.u32 $0x34, s5  }
0xc: {  	s13 =	simm.s32 $0x0;
	s6 =	sadd.s32 $0xE00, s6;
	[sflag:s4] =	ssyncpa.u1 $0x0  }
0xd: {  	s11 =	smov.u32 s2;
	[sflag:s7] =	ssyncpa.u1 $0x0;
	s7 =	sor.u32 $0x1, s5  }
.LBB1_9:
0xe: {  	s16 =	sadd.s32 $0x100, s11  }
0xf: {  	s14 =	sadd.s32 $0x2, s12;
	s18 =	smov.u32 s12;
	p1 =	sgt.s32 s16, $0x3E7  }
0x10: {  	s18 =	smov.u32 @p1 s14  }
0x11: {  	s16 =	smov.u32 @p1 s2;
	p1 =	sgt.s32 s18, $0x67  }
0x12: {  	s18 =	simm.s32 @p1 $0x0;
	p1 =	sne.s32 s13, s7  }
.Ltmp1:
0x13: {  	p0 =	slt.u32 s13, $0x2;
	(pc) =	sbr.rel @!p1 .LBB1_10-.Ltmp1, $4  }
0x14: {  	s17 =	simm.s32 @!p0 $0x2  }
0x15: {  	s15 =	smov.u32 s12;
	s10 =	sadd.s32 $0x4000, s10;
	_ =	swait.ge @!p0 [sflag:s17], $0x4000  }
0x16: {  	s14 =	smov.u32 s11;
	[sflag:s17] =	ssyncset.done @!p0 $0x0;
	s11 =	smov.u32 s16  }
0x17: {  	s13 =	sadd.s32 $0x1, s13;
	[sflag:s17] =	ssyncadd.s32 @!p0 $0xFFFFC000;
	s12 =	smov.u32 s18  }
.LBB1_1:
0x18: {  	p0 =	sge.u32 s13, s5  }
0x19: {  	s17 =	smul.u32 @!p0 $0x1F400, s12  }
0x1a: {  	s31 =	sadd.s32 $0xFFFFFFFF, s13;
	s16 =	sxor.u32 @!p0 $0xFFFFFFFF, s13;
	s18 =	sshll.u32 @!p0 s11, $0x7  }
0x1b: {  	s19 =	simm.s32 @!p0 $0xFA000;
	s16 =	sshll.u32 @!p0 s16, $0xE;
	s17 =	sadd.s32 @!p0 s3, s17  }
0x1c: {  	s16 =	sand.u32 @!p0 $0x4000, s16;
	s17 =	sadd.s32 @!p0 s18, s17;
	s18 =	simm.s32 @!p0 $0x2000  }
0x1d: {  	[tilespmem:s16], [sflag:$0x1] =	stream.strided.gather @!p0 [hbm4b:s17+s18], $0x4000, s19, s18, $0x38;
	[tilespmem:$0x10000] =	vst v63  }
0x1e: {  	p0 =	sge.u32 s31, s5  }
.Ltmp2:
0x1f: {  	_ = 	snop;
	(pc) =	sbr.rel @p0 .LBB1_9-.Ltmp2, $1  }
0x20: {  	_ =	sdelay $0x3  }
0x21: {  	s16 =	sshll.u32 s10, $0x2  }
0x22: {  	_ =	swait.ge [sflag:s4], $0x4000;
	s17 =	sshll.u32 s13, $0xE;
	s19 =	simm.s32 $0x0  }
0x23: {  	p1 =	por $0x1, $0x1;
	s16 =	sand.u32 $0x10000, s16;
	[sflag:s4] =	ssyncset.done $0x0  }
0x24: {  	s17 =	sand.u32 $0x4000, s17;
	s18 =	sshrl.u32 s16, $0x2;
	[sflag:s4] =	ssyncadd.s32 $0xFFFFC000  }
0x25: {  	s16 =	sor.u32 $0x8000, s17;
	s17 =	sadd.s32 $0x8040, s18;
	s18 =	sadd.s32 $0x40, s18  }
.LBB1_3:
0x26: {  	s19 =	sshll.u32 s19, $0x2  }
0x27: {  	p0 =	por p1, p1;
	s20 =	sshra.s32 s19, $0x2  }
0x28: {  	s21 =	simm.s32 $0x0;
	s19 =	sadd.s32 s20, s17;
	s20 =	sadd.s32 s20, s18  }
.LBB1_4:
0x29: {  	v0 =	vmov s20;
	_ =	sdelay $0x3  }
0x2a: {  	s23 =	simm.s32 $0x0  }
0x2b: {  	v6 =	vld.idx.msk [tilespmem:v0+s23+$0x30 ss:$0x1], $0xffff  }
0x2c: {  	v7 =	vld.idx.msk [tilespmem:v0+s23+$0xFFFFFFC0 ss:$0x1], $0xffff  }
0x2d: {  	v5 =	vld.idx.msk [tilespmem:v0+s23+$0xFFFFFFD0 ss:$0x1], $0xffff  }
0x2e: {  	v4 =	vld.idx.msk [tilespmem:v0+s23+$0xFFFFFFE0 ss:$0x1], $0xffff  }
0x2f: {  	v3 =	vld.idx.msk [tilespmem:v0+s23+$0xFFFFFFF0 ss:$0x1], $0xffff  }
0x30: {  	v1 =	vld.idx.msk [tilespmem:v0+s23+$0x0 ss:$0x1], $0xffff  }
0x31: {  	v2 =	vld.idx.msk [tilespmem:v0+s23+$0x10 ss:$0x1], $0xffff;
	[tilespmem:s19+$0x30] =	vst v6  }
0x32: {  	s22 =	simm.s32 $0x80;
	s24 =	simm.s32 $0x400;
	[tilespmem:s19+$0xFFFFFFC0] =	vst v7;
	v6 =	vld.idx.msk [tilespmem:v0+s23+$0x20 ss:$0x1], $0xffff;
	s23 =	smov.u32 s19  }
.LBB1_5:
0x33: {  	p1 =	sne.s32 s24, $0xE00;
	v7 =	vld.idx.msk [tilespmem:v0+s22+$0x30 ss:$0x1], $0xffff;
	[tilespmem:s23+$0xFFFFFFD0] =	vst v5  }
0x34: {  	v8 =	vld.idx.msk [tilespmem:v0+s22+$0xFFFFFFC0 ss:$0x1], $0xffff;
	[tilespmem:s23+$0xFFFFFFE0] =	vst v4  }
0x35: {  	v5 =	vld.idx.msk [tilespmem:v0+s22+$0xFFFFFFD0 ss:$0x1], $0xffff;
	[tilespmem:s23+$0xFFFFFFF0] =	vst v3  }
.Ltmp3:
0x36: {  	v4 =	vld.idx.msk [tilespmem:v0+s22+$0xFFFFFFE0 ss:$0x1], $0xffff;
	[tilespmem:s23+$0x0] =	vst v1;
	(pc) =	sbr.rel @p1 .LBB1_5-.Ltmp3, $4  }
0x37: {  	v3 =	vld.idx.msk [tilespmem:v0+s22+$0xFFFFFFF0 ss:$0x1], $0xffff;
	[tilespmem:s23+$0x10] =	vst v2  }
0x38: {  	v1 =	vld.idx.msk [tilespmem:v0+s22+$0x0 ss:$0x1], $0xffff;
	[tilespmem:s23+$0x20] =	vst v6;
	s23 =	sadd.s32 $0x400, s23  }
0x39: {  	v2 =	vld.idx.msk [tilespmem:v0+s22+$0x10 ss:$0x1], $0xffff;
	[tilespmem:s23+$0x30] =	vst v7  }
0x3a: {  	[tilespmem:s23+$0xFFFFFFC0] =	vst v8;
	v6 =	vld.idx.msk [tilespmem:v0+s22+$0x20 ss:$0x1], $0xffff;
	s22 =	sshra.s32 s24, $0x2;
	s24 =	sadd.s32 $0x200, s24  }
0x3b: {  	_ =	sdelay $0x2  }
0x3c: {  	[tilespmem:s23+$0xFFFFFFD0] =	vst v5  }
0x3d: {  	v56 =	vld.idx.msk [tilespmem:v0+s22+$0x30 ss:$0x1], $0xffff;
	[tilespmem:s23+$0xFFFFFFE0] =	vst v4  }
0x3e: {  	v57 =	vld.idx.msk [tilespmem:v0+s22+$0xFFFFFFC0 ss:$0x1], $0xffff;
	[tilespmem:s23+$0xFFFFFFF0] =	vst v3  }
0x3f: {  	v58 =	vld.idx.msk [tilespmem:v0+s22+$0xFFFFFFD0 ss:$0x1], $0xffff;
	[tilespmem:s23+$0x0] =	vst v1  }
0x40: {  	v59 =	vld.idx.msk [tilespmem:v0+s22+$0xFFFFFFE0 ss:$0x1], $0xffff;
	[tilespmem:s23+$0x10] =	vst v2  }
0x41: {  	v60 =	vld.idx.msk [tilespmem:v0+s22+$0xFFFFFFF0 ss:$0x1], $0xffff;
	s31 =	sadd.s32 $0x400, s23;
	[tilespmem:s23+$0x20] =	vst v6  }
0x42: {  	v61 =	vld.idx.msk [tilespmem:v0+s22+$0x0 ss:$0x1], $0xffff;
	[tilespmem:s31+$0x30] =	vst v56  }
0x43: {  	v62 =	vld.idx.msk [tilespmem:v0+s22+$0x10 ss:$0x1], $0xffff;
	s21 =	sadd.s32 $0x1, s21;
	[tilespmem:s31+$0xFFFFFFC0] =	vst v57  }
0x44: {  	v63 =	vld.idx.msk [tilespmem:v0+s22+$0x20 ss:$0x1], $0xffff;
	p1 =	sne.s32 s21, $0x8;
	[tilespmem:s31+$0xFFFFFFD0] =	vst v58  }
.Ltmp4:
0x45: {  	[tilespmem:s31+$0xFFFFFFE0] =	vst v59;
	(pc) =	sbr.rel @p1 .LBB1_4-.Ltmp4, $4  }
0x46: {  	[tilespmem:s31+$0xFFFFFFF0] =	vst v60  }
0x47: {  	[tilespmem:s31+$0x0] =	vst v61  }
0x48: {  	[tilespmem:s31+$0x10] =	vst v62  }
0x49: {  	s19 =	sadd.s32 $0x80, s19;
	s20 =	sadd.s32 $0x400, s20;
	[tilespmem:s31+$0x20] =	vst v63  }
.Ltmp5:
0x4a: {  	(pc) =	sbr.rel @p0 .LBB1_3-.Ltmp5, $2  }
0x4b: {  	_ =	sdelay $0x2  }
0x4c: {  	s19 =	simm.s32 $0x2000;
	p1 =	por $0x0, $0x0  }
0x4d: {  	s14 =	sand.u32 $0x1FFFFFF, s14  }
0x4e: {  	s17 =	smulhi.u32 $0x20C49BB, s14;
	_ =	sdelay $0x1  }
0x4f: {  	s15 =	smul.u32 $0x1F400, s15;
	s17 =	sshrl.u32 s17, $0x3  }
0x50: {  	s17 =	smul.u32 $0x3E8, s17  }
.Ltmp6:
0x51: {  	_ = 	snop;
	(pc) =	sbr.rel .LBB1_9-.Ltmp6, $4  }
0x52: {  	s14 =	ssub.s32 s14, s17  }
0x53: {  	s15 =	sadd.s32 s6, s15;
	s14 =	sshll.u32 s14, $0x4  }
0x54: {  	s14 =	sadd.s32 s14, s15  }
0x55: {  	[hbm4b:s14+s8] =	stream.strided.scatter [tilespmem:s16], [sflag:$0x2], $0x4000, s9, s8, $0x38;
	[tilespmem:$0x10000] =	vst v63  }
.LBB1_10:
0x56: {  	_ =	sfence.sel $0x180000  }
0x57: {  	s2 =	simm.s32 $0x1;
	[bflag:$0x0] =	sbarrier.arrive $0xFFFF  }
0x58: {  	s31 =	simm.s32 $0x2;
	[sflag:s2] =	ssyncpa.u1 $0x1  }
0x59: {  	[sflag:s31] =	ssyncpa.u1 $0x1  }
0x5a: {  	p0 =	sne.s32 s0, $0x0;
	_ =	strace $0x90000047  }
0x5b: {  	s0 =	sadd.s32 @!p0 $0x100000, s1;
	[bflag:$0x2] =	sbarrier.arrive $0xFFFF  }
0x5c: {  	[sflag:s0] =	ssyncadd.tile.s32 @!p0 $0x1;
	_ =	shalt  }
.Lfunc_end1:
_tile_overlayer_lowered:
.L_overlay_start_2:
0x5d: {  	(tag) =	ssettag $0x2  }
0x5e: {  	s0 =	rddreg [dreg:$0x0];
	s2 =	stileid.u32  }
0x5f: {  	s1 =	rddreg [dreg:$0x1];
	p0 =	sne.s32 s2, $0x0  }
0x60: {  	s3 =	rddreg [dreg:$0x2];
	[bflag:$0x3] =	sbarrier.arrive $0xFFFF;
	s2 =	simm.s32 @!p0 $0x1C01  }
0x61: {  	[timem:s3], [sflag:s2] =	dma.local @!p0 [hbm:s0], s1  }
0x62: {  	s0 =	simm.s32 @!p0 $0x1  }
0x63: {  	_ =	swait.ge @!p0 [sflag:s0], s1  }
0x64: {  	s1 =	ssub.s32 @!p0 $0x0, s1;
	[sflag:s0] =	ssyncset.done @!p0 $0x0  }
0x65: {  	[sflag:s0] =	ssyncadd.s32 @!p0 s1  }
0x66: {  	[bflag:$0x3] =	sbarrier.arrive $0xFFFF  }
0x67: {  	_ =	shalt  }

// kernel: sparse-core-data-format-call.cloned.1.call-start
scs
called_computation_lowered:
.L_overlay_start_0:
0x0: {  	s2 =	sld [smem:$0x3FD9]  }
0x1: {  	s3 =	sld [smem:$0x3FFE];
	_ =	sdelay $0x1  }
0x2: {  	s1 =	srdreg.scid  }
0x3: {  	s0 =	sand.u32 $0x1, s1  }
0x4: {  	s18 =	sshll.u32 s0, $0xA;
	s2 =	sadd.s32 s3, s2  }
0x5: {  	s2 =	sadd.s32 s2, s18  }
0x6: {  	[smem:$0x3FC5] =	sst s2  }
0x7: {  	_ = 	snop  }
0x8: {  	s2 =	sld [smem:$0x3FD0];
	(tm) =	ssettm $0x1  }
0x9: {  	s19 =	sld [smem:$0x3FFB];
	_ =	sdelay $0x3  }
0xa: {  	_ =	strace s19  }
0xb: {  	s3 =	sld [smem:$0x3FFC];
	_ =	sdelay $0x3  }
0xc: {  	_ =	strace s3  }
0xd: {  	s3 =	sld [smem:$0x3FFD];
	_ =	sdelay $0x3  }
0xe: {  	_ =	strace s3  }
0xf: {  	_ =	strace $0x8FFFFFFF  }
0x10: {  	s20 =	sld [smem:$0x3FDB];
	_ =	sdelay $0x1  }
0x11: {  	s4 =	simm.s32 $_scs_section_size  }
0x12: {  	s5 =	simm.s32 $_size__tile_overlayer_lowered;
	s6 =	simm.s32 $_tile_overlayer_lowered  }
0x13: {  	s23 =	simm.s32 $0x1BFF;
	s22 =	sshll.u32 s6, $0x1;
	s3 =	sadd.s32 s4, s20  }
0x14: {  	s7 =	simm.s32 $0x0;
	s21 =	sshll.u32 s5, $0x1;
	s5 =	sadd.s32 s22, s3  }
0x15: {  	[timem:s7], [sflag:s23] =	dma.local [hbm:s5], s21  }
0x16: {  	_ =	swait.ge [sflag:s23], s21  }
0x17: {  	s4 =	ssub.s32 $0x0, s21;
	[sflag:s23] =	ssyncset.done $0x0  }
0x18: {  	[sflag:s23] =	ssyncadd.s32 s4;
	_ =	sdelay $0x1  }
0x19: {  	s24 =	simm.s32 $0x1B8B  }
0x1a: {  	_ =	swait.ge [sflag:s24], $0x1  }
0x1b: {  	[sflag:s24] =	ssyncset.done $0x0  }
0x1c: {  	s26 =	simm.s32 $0x1B8E;
	s25 =	sld [smem:$0x3FFE];
	[sflag:s24] =	ssyncadd.s32 $0xFFFFFFFF  }
0x1d: {  	s27 =	simm.s32 $execute0_lowered;
	[smem:$0x3FD2] =	sst s26  }
0x1e: {  	s5 =	sshll.u32 s27, $0x1;
	_ =	strace $0x8000004C;
	[dreg:$0x1] =	wrdreg $0xFFFFFFFF  }
0x1f: {  	s28 =	simm.s32 $_size_execute0_lowered;
	s3 =	sadd.s32 s3, s5;
	[dreg:$0x0] =	wrdreg $0x0  }
0x20: {  	s5 =	sshll.u32 s28, $0x1;
	[dreg:$0x2] =	wrdreg s3  }
0x21: {  	[dreg:$0x3] =	wrdreg s5  }
0x22: {  	[dreg:$0x4] =	wrdreg $0xC0  }
0x23: {  	_ =	task [dreg:s7], $0x5FFFF  }
0x24: {  	[dreg:$0x1] =	wrdreg $0xFFFFFFFF  }
0x25: {  	[dreg:$0x0] =	wrdreg $0x60  }
0x26: {  	[dreg:$0x2] =	wrdreg s25  }
0x27: {  	[dreg:$0x3] =	wrdreg s2  }
0x28: {  	[dreg:$0x4] =	wrdreg $0x9  }
0x29: {  	_ =	task.clear_ibuf [dreg:s7], $0x5FFFF;
	_ =	strace $0x9000004C  }
0x2a: {  	s29 =	simm.s32 $0x9;
	_ =	strace $0x8000004E  }
0x2b: {  	_ =	swait.ge [sflag:s29], $0x1  }
0x2c: {  	[sflag:s29] =	ssyncadd.s32 $0xFFFFFFFF  }
0x2d: {  	_ =	strace $0x9000004E  }
0x2e: {  	_ =	sfence  }
0x2f: {  	s30 =	sld [smem:$0x0];
	_ =	sdelay $0x2  }
0x30: {  	s31 =	sshll.u32 s1, $0xD;
	s1 =	sshrl.u32 s1, $0x2  }
0x31: {  	s3 =	sand.u32 $0x4000, s31;
	s1 =	sadd.s32 s1, s30  }
0x32: {  	s0 =	sor.u32 s3, s0;
	s1 =	sshll.u32 s1, $0x11  }
0x33: {  	s0 =	sor.u32 s1, s0  }
0x34: {  	s0 =	sadd.s32 $0x8F2B, s0  }
0x35: {  	[sflag:s0] =	ssyncadd.remote.s32 $0x1  }
0x36: {  	_ =	sfence.sel $0xFFFF  }
0x37: {  	[dreg:$0x0] =	wrdreg $0xFFFFFFFF;
	(pc) =	sbr.abs _section_cstart, $3  }
0x38: {  	[dreg:$0x1] =	wrdreg $0xFFFFFFFF  }
0x39: {  	_ =	task.clear_ibuf [dreg:s7], $0x2FFFF;
	_ =	strace $0x9FFFFFFF  }
0x3a: {  	(tm) =	ssettm $0x7FFFFFFF  }
0x3b: {  	_ =	shalt  }
tec
execute0_lowered:
.L_overlay_start_1:
0x0: {  	(tag) =	ssettag $0x1  }
0x1: {  	s0 =	srdreg.scid;
	s6 =	rddreg [dreg:$0x0]  }
0x2: {  	s3 =	rddreg [dreg:$0x1];
	s1 =	sshll.u32 s0, $0x4  }
0x3: {  	s5 =	simm.s32 $0x1;
	s0 =	stileid.u32;
	s1 =	sand.u32 $0x10, s1  }
0x4: {  	s31 =	simm.s32 $0x2;
	s16 =	simm.s32 $0x0;
	s1 =	sor.u32 s0, s1  }
0x5: {  	s8 =	simm.s32 $0x8000;
	s18 =	simm.s32 $0x0;
	s2 =	sshll.u32 s1, $0x7  }
0x6: {  	s17 =	simm.s32 $0x0;
	s9 =	simm.s32 $0x0;
	s4 =	ssub.s32 $0x1000, s2  }
0x7: {  	s10 =	simm.s32 $0x0;
	s11 =	simm.s32 $0x0;
	s30 =	sand.u32 $0xF80, s4  }
0x8: {  	s12 =	simm.s32 $0x0;
	s13 =	simm.s32 $0x0;
	p0 =	sne.s32 s30, $0x0  }
.Ltmp0:
0x9: {  	s7 =	sshrl.u32 s4, $0xC;
	s5 =	simm.s32 @!p0 $0x0;
	(pc) =	sbr.rel .LBB1_1-.Ltmp0, $4  }
0xa: {  	s15 =	simm.s32 $0x0;
	s1 =	rddreg [dreg:$0x2];
	s5 =	sadd.s32 s5, s7  }
0xb: {  	_ =	strace $0x8000004D;
	s4 =	simm.s32 $0x1;
	s5 =	smul.u32 $0xD0, s5  }
0xc: {  	s6 =	sadd.s32 $0xCB2E00, s6;
	s14 =	smov.u32 s2;
	[sflag:s4] =	ssyncpa.u1 $0x0  }
0xd: {  	[sflag:s31] =	ssyncpa.u1 $0x0;
	p0 =	por $0x0, $0x0;
	s7 =	sor.u32 $0x1, s5  }
.LBB1_4:
0xe: {  	s23 =	sshra.s32 s23, $0x2;
	s30 =	sshll.u32 s9, $0xC  }
0xf: {  	p1 =	sgt.s32 s10, $0x19;
	s24 =	smov.u32 s10;
	s25 =	sshra.s32 s10, $0x1F  }
0x10: {  	s26 =	sshll.u32 s11, $0x3;
	s28 =	smov.u32 s11;
	s29 =	sshra.s32 s11, $0x1F  }
0x11: {  	s22 =	sadd.s32 s23, s22;
	s24 =	simm.s32 @!p1 $0x19;
	s25 =	sand.u32 s25, s10  }
0x12: {  	s23 =	sand.u32 $0xFFFF8000, s30;
	s27 =	sand.u32 $0xFFFFFC00, s26;
	p1 =	sgt.s32 s9, $0x368  }
0x13: {  	s31 =	sand.u32 s29, s11;
	s29 =	sshll.u32 s9, $0x7;
	s30 =	sshra.s32 s9, $0x1F  }
0x14: {  	[tilespmem:s21+$0x2040 ss:$0x81] =	vst.msk $0xffff, v4;
	s24 =	ssub.s32 s24, s25;
	s23 =	sadd.s32 s27, s23;
	s27 =	smov.u32 s9  }
0x15: {  	[tilespmem:s21+$0x2850 ss:$0x81] =	vst.msk $0xffff, v3;
	s29 =	sand.u32 $0x380, s29;
	s25 =	sadd.s32 $0xFFFFFFE7, s24;
	s27 =	simm.s32 @!p1 $0x368  }
0x16: {  	v5 =	vld [tilespmem:s20+$0xFFFFFFD0];
	[tilespmem:s21+$0x3060 ss:$0x81] =	vst.msk $0xffff, v2;
	p1 =	sgt.s32 s11, $0xF80;
	s23 =	sshrl.u32 s23, $0xC;
	s24 =	ssub.s32 $0x1A, s24  }
0x17: {  	v58 =	vld [tilespmem:s20+$0xFFFFFFE0];
	[tilespmem:s21+$0x0 ss:$0x81] =	vst.msk $0xffff, v1;
	s28 =	simm.s32 @!p1 $0xF80;
	p1 =	sgt.s32 s25, $0x0;
	s21 =	smulhi.u32 $0x418938, s23  }
0x18: {  	v59 =	vld [tilespmem:s20+$0xFFFFFFF0];
	s25 =	ssub.s32 s28, s31;
	s28 =	sand.u32 s30, s9;
	s24 =	simm.s32 @p1 $0x0  }
0x19: {  	v60 =	vld [tilespmem:s20+$0x0];
	s27 =	ssub.s32 s27, s28;
	s31 =	sadd.s32 $0xFFFFF080, s25;
	s25 =	ssub.s32 $0x1000, s25  }
0x1a: {  	v61 =	vld [tilespmem:s20+$0x10];
	[tilespmem:s22+$0x3870 ss:$0x81] =	vst.msk $0xffff, v0;
	s21 =	smul.u32 $0x3E8, s21;
	s28 =	sand.u32 $0x7, s11;
	p1 =	sgt.s32 s31, $0x7F  }
0x1b: {  	v62 =	vld [tilespmem:s20+$0x20];
	[tilespmem:s22+$0x810 ss:$0x81] =	vst.msk $0xffff, v5;
	s30 =	sadd.s32 $0xFFFFFC98, s27;
	s31 =	sand.u32 $0x78, s11;
	s25 =	simm.s32 @p1 $0x0  }
0x1c: {  	v63 =	vld [tilespmem:s20+$0xFFFFFFC0];
	[tilespmem:s22+$0x1020 ss:$0x81] =	vst.msk $0xffff, v58;
	p1 =	sgt.s32 s30, $0x7F;
	s30 =	sand.u32 $0xC00, s26;
	s24 =	smul.u32 s25, s24  }
0x1d: {  	[tilespmem:s22+$0x1830 ss:$0x81] =	vst.msk $0xffff, v59;
	s26 =	ssub.s32 $0x3E8, s27;
	s20 =	sor.u32 s31, s30;
	s31 =	smul.u32 $0x7D000, s10  }
0x1e: {  	[tilespmem:s22+$0x2040 ss:$0x81] =	vst.msk $0xffff, v60;
	s21 =	ssub.s32 s23, s21;
	s26 =	simm.s32 @p1 $0x0;
	s20 =	sor.u32 s29, s20  }
0x1f: {  	[tilespmem:s22+$0x2850 ss:$0x81] =	vst.msk $0xffff, v61;
	s26 =	smul.u32 s26, s24;
	s20 =	sshrl.u32 s20, $0x3;
	s27 =	sadd.s32 s3, s31  }
0x20: {  	[tilespmem:s22+$0x3060 ss:$0x81] =	vst.msk $0xffff, v62;
	s21 =	sshll.u32 s21, $0x9;
	s29 =	sshll.u32 s28, $0x12;
	s20 =	sadd.s32 s20, s27  }
0x21: {  	[tilespmem:s22+$0x0 ss:$0x81] =	vst.msk $0xffff, v63;
	s31 =	sor.u32 $0x400, s29;
	s30 =	sand.u32 $0x3FFFFFFF, s26;
	s20 =	sadd.s32 s21, s20  }
0x22: {  	[hbm4b:s20+s31] =	stream.strided.scatter [tilespmem:s19], [sflag:$0x2], s30, s8, s31, $0x20;
	[tilespmem:$0x10100] =	vst v63  }
.LBB1_5:
0x23: {  	p1 =	slt.u32 s15, $0x2  }
0x24: {  	p2 =	sgt.s32 @!p1 s18, $0x19  }
0x25: {  	s19 =	smov.u32 s18;
	s20 =	sshra.s32 @!p1 s18, $0x1F;
	p2 =	por !p2, p1  }
0x26: {  	s18 =	sand.u32 @!p1 s20, s18;
	s19 =	simm.s32 @p2 $0x19  }
0x27: {  	p3 =	sgt.s32 @!p1 s16, $0x368;
	s18 =	ssub.s32 @!p1 s19, s18  }
0x28: {  	p4 =	sgt.s32 @!p1 s17, $0xF80;
	s21 =	sshra.s32 @!p1 s17, $0x1F;
	s19 =	sadd.s32 @!p1 $0xFFFFFFE7, s18  }
0x29: {  	s20 =	smov.u32 s16;
	p2 =	sgt.s32 @!p1 s19, $0x0;
	s19 =	sshra.s32 @!p1 s16, $0x1F  }
0x2a: {  	p4 =	por !p4, p1;
	s16 =	sand.u32 @!p1 s19, s16;
	s19 =	smov.u32 s17  }
0x2b: {  	p3 =	por !p3, p1;
	s17 =	sand.u32 @!p1 s21, s17;
	s19 =	simm.s32 @p4 $0xF80  }
0x2c: {  	s20 =	simm.s32 @p3 $0x368;
	s18 =	ssub.s32 @!p1 $0x1A, s18;
	s17 =	ssub.s32 @!p1 s19, s17  }
0x2d: {  	p2 =	por !p2, p1;
	s16 =	ssub.s32 @!p1 s20, s16;
	s20 =	sadd.s32 @!p1 $0xFFFFF080, s17  }
0x2e: {  	s18 =	simm.s32 @!p2 $0x0;
	p3 =	sgt.s32 @!p1 s20, $0x7F  }
0x2f: {  	s19 =	sadd.s32 @!p1 $0xFFFFFC98, s16;
	s17 =	ssub.s32 @!p1 $0x1000, s17;
	p3 =	por !p3, p1  }
0x30: {  	p2 =	sgt.s32 @!p1 s19, $0x7F;
	s19 =	sadd.s32 $0x80, s12;
	s17 =	simm.s32 @!p3 $0x0  }
0x31: {  	p3 =	sgt.s32 s19, $0x3E7;
	s17 =	smul.u32 @!p1 s17, s18;
	s18 =	simm.s32 $0x1  }
0x32: {  	s16 =	ssub.s32 @!p1 $0x3E8, s16;
	p2 =	por !p2, p1;
	s18 =	simm.s32 @!p3 $0x0  }
0x33: {  	s21 =	smov.u32 s14;
	s16 =	simm.s32 @!p2 $0x0;
	s20 =	sadd.s32 s18, s13  }
0x34: {  	s16 =	smul.u32 @!p1 s16, s17;
	s17 =	sadd.s32 $0x1000, s14;
	p2 =	sgt.s32 s20, $0x19  }
0x35: {  	p0 =	por !p0, !p0;
	s22 =	simm.s32 @!p1 $0x2;
	s21 =	smov.u32 @p2 s17  }
0x36: {  	s19 =	simm.s32 @p3 $0x0;
	s20 =	simm.s32 @p2 $0x0;
	p2 =	sgt.s32 s21, $0xFFF  }
0x37: {  	s18 =	smov.u32 s10;
	s21 =	smov.u32 @p2 s2;
	p2 =	sne.s32 s15, s7  }
.Ltmp1:
0x38: {  	s10 =	smov.u32 s13;
	s16 =	sand.u32 @!p1 $0x3FFFFFFF, s16;
	(pc) =	sbr.rel @!p2 .LBB1_6-.Ltmp1, $4  }
0x39: {  	s17 =	smov.u32 s11;
	s11 =	smov.u32 s14;
	_ =	swait.ge @!p1 [sflag:s22], s16  }
0x3a: {  	s23 =	ssub.s32 @!p1 $0x0, s16;
	s16 =	smov.u32 s9;
	s9 =	smov.u32 s12  }
0x3b: {  	s12 =	smov.u32 s19;
	s13 =	smov.u32 s20;
	[sflag:s22] =	ssyncset.done @!p1 $0x0  }
0x3c: {  	s15 =	sadd.s32 $0x1, s15;
	[sflag:s22] =	ssyncadd.s32 @!p1 s23;
	s14 =	smov.u32 s21  }
.LBB1_1:
0x3d: {  	p1 =	sge.u32 s15, s5  }
0x3e: {  	s31 =	sadd.s32 $0xFFFFFFFF, s15;
	s19 =	sshll.u32 @!p1 s13, $0x7  }
0x3f: {  	s20 =	sxor.u32 @!p1 $0xFFFFFFFF, s15;
	s21 =	sand.u32 @!p1 $0x78, s12;
	s22 =	sand.u32 @!p1 $0x380, s19  }
0x40: {  	s20 =	sshll.u32 @!p1 s20, $0xE;
	s21 =	sor.u32 @!p1 s21, s22;
	s22 =	sshll.u32 @!p1 s14, $0xC  }
0x41: {  	s19 =	sand.u32 @!p1 $0xC00, s19;
	s21 =	sshrl.u32 @!p1 s21, $0x3;
	s22 =	sadd.s32 @!p1 s6, s22  }
0x42: {  	s19 =	sadd.s32 @!p1 s12, s19;
	s21 =	sadd.s32 @!p1 s21, s22;
	s22 =	sand.u32 @!p1 $0x7, s12  }
0x43: {  	s20 =	sand.u32 @!p1 $0x4000, s20;
	s19 =	sand.u32 @!p1 $0xF80, s19;
	s22 =	sshll.u32 @!p1 s22, $0x12  }
0x44: {  	s19 =	sadd.s32 @!p1 s19, s21;
	s21 =	sor.u32 @!p1 $0x80, s22;
	s22 =	simm.s32 @!p1 $0x8000  }
0x45: {  	[tilespmem:s20], [sflag:$0x1] =	stream.strided.gather @!p1 [hbm4b:s19+s21], $0x4000, s22, s21, $0x38;
	[tilespmem:$0x10100] =	vst v63  }
0x46: {  	p1 =	sge.u32 s31, s5  }
.Ltmp2:
0x47: {  	_ = 	snop;
	(pc) =	sbr.rel @p1 .LBB1_5-.Ltmp2, $1  }
0x48: {  	_ =	sdelay $0x3  }
0x49: {  	s19 =	simm.s32 $0x1  }
0x4a: {  	_ =	swait.ge [sflag:s4], $0x4000;
	s19 =	simm.s32 @!p0 $0x0  }
0x4b: {  	[sflag:s4] =	ssyncset.done $0x0;
	s20 =	sshll.u32 s19, $0xE  }
0x4c: {  	[sflag:s4] =	ssyncadd.s32 $0xFFFFC000;
	s20 =	sor.u32 $0x40, s20  }
0x4d: {  	s19 =	smul.u32 $0x10200, s19;
	v0 =	vld [tilespmem:s20+$0x30]  }
0x4e: {  	v1 =	vld [tilespmem:s20+$0xFFFFFFD0]  }
0x4f: {  	s19 =	sshrl.u32 s19, $0x2;
	v5 =	vld [tilespmem:s20+$0xFFFFFFE0]  }
0x50: {  	v6 =	vld [tilespmem:s20+$0xFFFFFFF0];
	s22 =	sor.u32 $0x8000, s19  }
0x51: {  	s31 =	sand.u32 $0x1, s15;
	v4 =	vld [tilespmem:s20+$0x0];
	s21 =	sadd.s32 $0x0, s22  }
0x52: {  	v3 =	vld [tilespmem:s20+$0x10];
	s19 =	smul.u32 $0x10200, s31;
	[tilespmem:s21+$0x3870 ss:$0x81] =	vst.msk $0xffff, v0  }
0x53: {  	v2 =	vld [tilespmem:s20+$0x20];
	[tilespmem:s21+$0x810 ss:$0x81] =	vst.msk $0xffff, v1  }
0x54: {  	s19 =	sshrl.u32 s19, $0x2;
	v1 =	vld [tilespmem:s20+$0xFFFFFFC0];
	[tilespmem:s21+$0x1020 ss:$0x81] =	vst.msk $0xffff, v5;
	s20 =	sadd.s32 $0x80, s20  }
0x55: {  	s23 =	simm.s32 $0x4;
	s24 =	simm.s32 $0x8;
	s19 =	sor.u32 $0x8000, s19;
	[tilespmem:s21+$0x1830 ss:$0x81] =	vst.msk $0xffff, v6;
	v0 =	vld [tilespmem:s20+$0x30]  }
.LBB1_3:
0x56: {  	p1 =	sne.s32 s24, $0x1FC;
	v5 =	vld [tilespmem:s20+$0xFFFFFFD0];
	[tilespmem:s21+$0x2040 ss:$0x81] =	vst.msk $0xffff, v4  }
0x57: {  	v6 =	vld [tilespmem:s20+$0xFFFFFFE0];
	[tilespmem:s21+$0x2850 ss:$0x81] =	vst.msk $0xffff, v3  }
0x58: {  	s25 =	sshra.s32 s23, $0x2;
	s23 =	smov.u32 s24;
	v7 =	vld [tilespmem:s20+$0xFFFFFFF0];
	[tilespmem:s21+$0x3060 ss:$0x81] =	vst.msk $0xffff, v2  }
.Ltmp3:
0x59: {  	v4 =	vld [tilespmem:s20+$0x0];
	[tilespmem:s21+$0x0 ss:$0x81] =	vst.msk $0xffff, v1;
	s21 =	sadd.s32 s25, s22;
	(pc) =	sbr.rel @p1 .LBB1_3-.Ltmp3, $4  }
0x5a: {  	v3 =	vld [tilespmem:s20+$0x10];
	[tilespmem:s21+$0x3870 ss:$0x81] =	vst.msk $0xffff, v0  }
0x5b: {  	[tilespmem:s21+$0x810 ss:$0x81] =	vst.msk $0xffff, v5;
	v2 =	vld [tilespmem:s20+$0x20]  }
0x5c: {  	v1 =	vld [tilespmem:s20+$0xFFFFFFC0];
	[tilespmem:s21+$0x1020 ss:$0x81] =	vst.msk $0xffff, v6;
	s20 =	sadd.s32 $0x80, s20  }
0x5d: {  	s24 =	sadd.s32 $0x4, s24;
	v0 =	vld [tilespmem:s20+$0x30];
	[tilespmem:s21+$0x1830 ss:$0x81] =	vst.msk $0xffff, v7  }
.Ltmp4:
0x5e: {  	_ = 	snop;
	(pc) =	sbr.rel .LBB1_4-.Ltmp4, $1  }
0x5f: {  	_ =	sdelay $0x3  }
.LBB1_6:
0x60: {  	_ =	sfence.sel $0x180000  }
0x61: {  	s2 =	simm.s32 $0x1;
	[bflag:$0x0] =	sbarrier.arrive $0xFFFF  }
0x62: {  	s31 =	simm.s32 $0x2;
	[sflag:s2] =	ssyncpa.u1 $0x1  }
0x63: {  	[sflag:s31] =	ssyncpa.u1 $0x1  }
0x64: {  	p0 =	sne.s32 s0, $0x0;
	_ =	strace $0x9000004D  }
0x65: {  	s0 =	sadd.s32 @!p0 $0x100000, s1;
	[bflag:$0x2] =	sbarrier.arrive $0xFFFF  }
0x66: {  	[sflag:s0] =	ssyncadd.tile.s32 @!p0 $0x1;
	_ =	shalt  }
.Lfunc_end1:
_tile_overlayer_lowered:
.L_overlay_start_2:
0x67: {  	(tag) =	ssettag $0x2  }
0x68: {  	s0 =	rddreg [dreg:$0x0];
	s2 =	stileid.u32  }
0x69: {  	s1 =	rddreg [dreg:$0x1];
	p0 =	sne.s32 s2, $0x0  }
0x6a: {  	s3 =	rddreg [dreg:$0x2];
	[bflag:$0x3] =	sbarrier.arrive $0xFFFF;
	s2 =	simm.s32 @!p0 $0x1C01  }
0x6b: {  	[timem:s3], [sflag:s2] =	dma.local @!p0 [hbm:s0], s1  }
0x6c: {  	s0 =	simm.s32 @!p0 $0x1  }
0x6d: {  	_ =	swait.ge @!p0 [sflag:s0], s1  }
0x6e: {  	s1 =	ssub.s32 @!p0 $0x0, s1;
	[sflag:s0] =	ssyncset.done @!p0 $0x0  }
0x6f: {  	[sflag:s0] =	ssyncadd.s32 @!p0 s1  }
0x70: {  	[bflag:$0x3] =	sbarrier.arrive $0xFFFF  }
0x71: {  	_ =	shalt  }

</sc_bundles>
